<compile_context>
chip_gen: v7x
topology: tpu7x:2x2x1
jax: 0.10.2.dev20260603
libtpu: 0.0.44.dev20260713+nightly
codegen_flags: <defaults>
</compile_context>

<pallas_src>
import functools

import jax
import jax.numpy as jnp
from jax import lax
from jax.experimental import pallas as pl
from jax.experimental.pallas import tpu as pltpu
from jax.experimental.pallas import tpu_sc as plsc

N = 10000
D_IN = 128
D_H = 64
K = 6

NC = 2
NS = 16
NW = NC * NS
CHUNK = 128
LANES = 16

ACC_ROWS = 10240
RPT = ACC_ROWS // NS
TRASH = N

_MESH = plsc.VectorSubcoreMesh(
    core_axis_name="c", subcore_axis_name="s", num_cores=NC, num_subcores=NS
)


def _tile_id():
    ci = lax.axis_index("c")
    sid = lax.axis_index("s")
    return ci, sid, sid * NC + ci


def _edge_prep(src2d, dst2d):
    rows = src2d.shape[0]
    blk = 256

    def body(s_ref, d_ref, se_ref, de_ref):
        s = s_ref[...]
        d = d_ref[...]
        m = s == d
        trash = TRASH + lax.broadcasted_iota(jnp.int32, (blk, CHUNK), 1)
        se_ref[...] = jnp.where(m, trash, s)
        de_ref[...] = jnp.where(m, trash, d)

    return pl.pallas_call(
        body,
        grid=(rows // blk,),
        in_specs=[pl.BlockSpec((blk, CHUNK), lambda i: (i, 0)),
                  pl.BlockSpec((blk, CHUNK), lambda i: (i, 0))],
        out_specs=[pl.BlockSpec((blk, CHUNK), lambda i: (i, 0)),
                   pl.BlockSpec((blk, CHUNK), lambda i: (i, 0))],
        out_shape=[jax.ShapeDtypeStruct((rows, CHUNK), jnp.int32),
                   jax.ShapeDtypeStruct((rows, CHUNK), jnp.int32)],
    )(src2d, dst2d)


def _make_matvec_kernel(nch, d):
    @functools.partial(
        pl.kernel,
        out_type=jax.ShapeDtypeStruct((NC, ACC_ROWS, d), jnp.float32),
        mesh=_MESH,
        scratch_types=[
            pltpu.VMEM_SHARED((ACC_ROWS, d), jnp.float32),
            pltpu.VMEM((nch, 1, CHUNK), jnp.int32),
            pltpu.VMEM((1, CHUNK), jnp.int32),
            pltpu.VMEM((1, CHUNK), jnp.int32),
            pltpu.VMEM((CHUNK, d), jnp.float32),
            pltpu.VMEM((CHUNK, d), jnp.float32),
            pltpu.SemaphoreType.DMA,
            pltpu.SemaphoreType.DMA,
            pltpu.SemaphoreType.DMA,
            pltpu.SemaphoreType.DMA,
        ],
    )
    def matvec_kernel(p_hbm, src_hbm, dst_hbm, zerosd_hbm, u_hbm,
                      acc, sbuf, dbi0, dbi1, rows0, rows1,
                      sem0, sem1, semd0, semd1):
        ci, sid, w = _tile_id()
        pltpu.sync_copy(zerosd_hbm.at[pl.ds(sid * RPT, RPT)],
                        acc.at[pl.ds(sid * RPT, RPT)])
        pltpu.sync_copy(src_hbm.at[pl.ds(w * nch, nch)], sbuf)
        plsc.subcore_barrier()

        def fire(c, dbi, rows, semg, semd):
            pltpu.async_copy(dst_hbm.at[w * nch + c], dbi, semd)
            pltpu.async_copy(p_hbm.at[sbuf.at[c, 0]], rows, semg)

        def wait_and_scatter(dbi, rows, semg, semd):
            pltpu.make_async_copy(p_hbm.at[sbuf.at[0, 0]], rows, semg).wait()
            pltpu.make_async_copy(dst_hbm.at[w * nch], dbi, semd).wait()
            pltpu.sync_copy(rows, acc.at[dbi.at[0]], add=True)

        npair = nch // 2
        fire(0, dbi0, rows0, sem0, semd0)

        @pl.loop(0, npair - 1)
        def _(pr):
            cA = pr * 2
            fire(cA + 1, dbi1, rows1, sem1, semd1)
            wait_and_scatter(dbi0, rows0, sem0, semd0)
            fire(cA + 2, dbi0, rows0, sem0, semd0)
            wait_and_scatter(dbi1, rows1, sem1, semd1)

        fire(nch - 1, dbi1, rows1, sem1, semd1)
        wait_and_scatter(dbi0, rows0, sem0, semd0)
        wait_and_scatter(dbi1, rows1, sem1, semd1)

        plsc.subcore_barrier()
        pltpu.sync_copy(acc.at[pl.ds(sid * RPT, RPT)],
                        u_hbm.at[ci, pl.ds(sid * RPT, RPT)])

    return matvec_kernel


def _make_deg_kernel(nch):
    @functools.partial(
        pl.kernel,
        out_type=jax.ShapeDtypeStruct((NC, ACC_ROWS, D_IN), jnp.float32),
        mesh=_MESH,
        scratch_types=[
            pltpu.VMEM_SHARED((ACC_ROWS, D_IN), jnp.float32),
            pltpu.VMEM((CHUNK, D_IN), jnp.float32),
            pltpu.VMEM((1, CHUNK), jnp.int32),
            pltpu.VMEM((1, CHUNK), jnp.int32),
            pltpu.SemaphoreType.DMA,
            pltpu.SemaphoreType.DMA,
        ],
    )
    def deg_kernel(idx_hbm, ones_hbm, zerosd_hbm, u_hbm,
                   acc, ones_v, dbi0, dbi1, semd0, semd1):
        ci, sid, w = _tile_id()
        pltpu.sync_copy(zerosd_hbm.at[pl.ds(sid * RPT, RPT)],
                        acc.at[pl.ds(sid * RPT, RPT)])
        pltpu.sync_copy(ones_hbm, ones_v)
        plsc.subcore_barrier()

        def fire(c, dbi, semd):
            pltpu.async_copy(idx_hbm.at[w * nch + c], dbi, semd)

        def wait_and_scatter(dbi, semd):
            pltpu.make_async_copy(idx_hbm.at[w * nch], dbi, semd).wait()
            pltpu.sync_copy(ones_v, acc.at[dbi.at[0]], add=True)

        npair = nch // 2
        fire(0, dbi0, semd0)

        @pl.loop(0, npair - 1)
        def _(pr):
            cA = pr * 2
            fire(cA + 1, dbi1, semd1)
            wait_and_scatter(dbi0, semd0)
            fire(cA + 2, dbi0, semd0)
            wait_and_scatter(dbi1, semd1)

        fire(nch - 1, dbi1, semd1)
        wait_and_scatter(dbi0, semd0)
        wait_and_scatter(dbi1, semd1)

        plsc.subcore_barrier()
        pltpu.sync_copy(acc.at[pl.ds(sid * RPT, RPT)],
                        u_hbm.at[ci, pl.ds(sid * RPT, RPT)])

    return deg_kernel


_RB = 1000
_GRID = (N // _RB,)


def _step0(x, degtab, w0):
    def body(x_ref, d0_ref, d1_ref, w_ref, g_ref, p_ref, o_ref):
        deg = d0_ref[0, :, 0:1] + d1_ref[0, :, 0:1]
        g = jnp.where(deg > 0.0, lax.rsqrt(jnp.maximum(deg, 1e-30)), 0.0)
        xb = x_ref[...]
        g_ref[...] = jnp.broadcast_to(g, (_RB, D_IN))
        p_ref[...] = g * xb
        o_ref[...] = jnp.dot(xb, w_ref[...], preferred_element_type=jnp.float32)

    return pl.pallas_call(
        body,
        grid=_GRID,
        in_specs=[
            pl.BlockSpec((_RB, D_IN), lambda i: (i, 0)),
            pl.BlockSpec((1, _RB, D_IN), lambda i: (0, i, 0)),
            pl.BlockSpec((1, _RB, D_IN), lambda i: (1, i, 0)),
            pl.BlockSpec((D_IN, D_H), lambda i: (0, 0)),
        ],
        out_specs=[
            pl.BlockSpec((_RB, D_IN), lambda i: (i, 0)),
            pl.BlockSpec((_RB, D_IN), lambda i: (i, 0)),
            pl.BlockSpec((_RB, D_H), lambda i: (i, 0)),
        ],
        out_shape=[
            jax.ShapeDtypeStruct((N, D_IN), jnp.float32),
            jax.ShapeDtypeStruct((N, D_IN), jnp.float32),
            jax.ShapeDtypeStruct((N, D_H), jnp.float32),
        ],
    )(x, degtab, degtab, w0)


def _step_k(u, g, tprev, wk, out_in, c, has_prev, is_last, bias=None):
    def body(*refs):
        if is_last:
            u0_ref, u1_ref, g_ref, tp_ref, w_ref, b_ref, oi_ref, o_ref = refs
        else:
            u0_ref, u1_ref, g_ref, tp_ref, w_ref, oi_ref, t_ref, p_ref, o_ref = refs
        ub = u0_ref[0] + u1_ref[0]
        t = (-float(c)) * g_ref[...] * ub
        if has_prev:
            t = t - tp_ref[...]
        acc = oi_ref[...] + jnp.dot(t, refs[4][...],
                                    preferred_element_type=jnp.float32)
        if is_last:
            o_ref[...] = jnp.maximum(acc + b_ref[...], 0.0)
        else:
            t_ref[...] = t
            p_ref[...] = g_ref[...] * t
            o_ref[...] = acc

    in_specs = [
        pl.BlockSpec((1, _RB, D_IN), lambda i: (0, i, 0)),
        pl.BlockSpec((1, _RB, D_IN), lambda i: (1, i, 0)),
        pl.BlockSpec((_RB, D_IN), lambda i: (i, 0)),
        pl.BlockSpec((_RB, D_IN), lambda i: (i, 0)),
        pl.BlockSpec((D_IN, D_H), lambda i: (0, 0)),
    ]
    args = [u, u, g, tprev, wk]
    if is_last:
        in_specs.append(pl.BlockSpec((1, D_H), lambda i: (0, 0)))
        args.append(bias)
    in_specs.append(pl.BlockSpec((_RB, D_H), lambda i: (i, 0)))
    args.append(out_in)

    out_specs = []
    out_shape = []
    if not is_last:
        out_specs += [pl.BlockSpec((_RB, D_IN), lambda i: (i, 0)),
                      pl.BlockSpec((_RB, D_IN), lambda i: (i, 0))]
        out_shape += [jax.ShapeDtypeStruct((N, D_IN), jnp.float32),
                      jax.ShapeDtypeStruct((N, D_IN), jnp.float32)]
    out_specs.append(pl.BlockSpec((_RB, D_H), lambda i: (i, 0)))
    out_shape.append(jax.ShapeDtypeStruct((N, D_H), jnp.float32))

    n_in = len(args)
    alias = {n_in - 1: len(out_shape) - 1}

    return pl.pallas_call(
        body,
        grid=_GRID,
        in_specs=in_specs,
        out_specs=out_specs,
        out_shape=out_shape,
        input_output_aliases=alias,
    )(*args)


def kernel(x, edge_index, W, b):
    E = edge_index.shape[1]
    per_tile = NW * CHUNK
    nch = -(-E // per_tile)
    nch = -(-nch // 8) * 8
    e_pad = nch * per_tile

    src = edge_index[0].astype(jnp.int32)
    dst = edge_index[1].astype(jnp.int32)
    pad = e_pad - E
    if pad:
        z = (jnp.arange(pad, dtype=jnp.int32) * 41) % N
        src = jnp.concatenate([src, z])
        dst = jnp.concatenate([dst, z])
    src2d = src.reshape(NW * nch, CHUNK)
    dst2d = dst.reshape(NW * nch, CHUNK)

    zerosd = jnp.zeros((ACC_ROWS, D_IN), jnp.float32)
    ones_blk = jnp.ones((CHUNK, D_IN), jnp.float32)

    seff2d, deff2d = _edge_prep(src2d, dst2d)
    seff3d = seff2d.reshape(NW * nch, 1, CHUNK)
    deff3d = deff2d.reshape(NW * nch, 1, CHUNK)
    src3d = src2d.reshape(NW * nch, 1, CHUNK)

    matvec = _make_matvec_kernel(nch, D_IN)
    degu = _make_deg_kernel(nch)(seff3d, ones_blk, zerosd)

    g, p, out = _step0(x, degu, W[0])
    tprev = x
    tcur = None
    for k in range(1, K):
        u = matvec(p, src3d, deff3d, zerosd)
        is_last = k == K - 1
        c = 1 if k == 1 else 2
        if is_last:
            (out,) = _step_k(u, g, tprev, W[k], out, c=c, has_prev=True,
                             is_last=True, bias=b.reshape(1, D_H))
        elif k == 1:
            tcur, p, out = _step_k(u, g, x, W[k], out, c=1, has_prev=False,
                                   is_last=False)
            tprev = x
        else:
            tnew, p, out = _step_k(u, g, tprev, W[k], out, c=2, has_prev=True,
                                   is_last=False)
            tprev = tcur
            tcur = tnew
    return out

# --- scband reference (transcript-rebuilt; emitter-appended) ---
"""Pipeline reference for scband-kipfblock-78039555768469 (READ-ONLY COPY).

The authoritative reference and input builder live on the scoring server;
editing this copy changes nothing except your own understanding.
"""

import jax, jax.numpy as jnp
import numpy as np

N = 10000
E = 320000
D_IN = 128
D_H = 64
K = 6


def setup_inputs(seed: int = 0) -> dict:
    key = jax.random.key(seed)
    k1, k2, k3 = jax.random.split(key, 3)
    x = jax.random.normal(k1, (N, D_IN), dtype=jnp.float32)
    edge_index = jax.random.randint(k2, (2, E), 0, N)
    # ChebConv has K independent Linear(n_input -> n_hidden, bias=False) weights + one bias
    W = jax.random.normal(k3, (K, D_IN, D_H), dtype=jnp.float32) * 0.05
    b = jnp.zeros((D_H,), dtype=jnp.float32)
    return {"x": x, "edge_index": edge_index, "W": W, "b": b}


def reference(x, edge_index, W, b):
    src = edge_index[0]
    dst = edge_index[1]
    lambda_max = 2.0  # PyG default for sym normalization when lambda_max=None

    # remove self loops (mask their weight to 0, equivalent under segment_sum)
    w = jnp.where(src != dst, 1.0, 0.0).astype(x.dtype)
    # get_laplacian(sym): deg from row, L = I - D^{-1/2} A D^{-1/2}
    deg = jax.ops.segment_sum(w, src, num_segments=N)
    dis = jnp.where(deg > 0, 1.0 / jnp.sqrt(deg), 0.0)  # inf -> 0 masking
    # off-diagonal weights of L, scaled by 2/lambda_max
    norm = (2.0 / lambda_max) * (-(dis[src] * w * dis[dst]))
    # diagonal: 1 (from I in L) scaled by 2/lambda_max, then add_self_loops fill=-1
    diag = jnp.full((N,), (2.0 / lambda_max) * 1.0 - 1.0, dtype=x.dtype)

    def lap_matvec(v):
        agg = jax.ops.segment_sum(norm[:, None] * v[src], dst, num_segments=N)
        return agg + diag[:, None] * v

    # Chebyshev recursion: out = sum_k T_k(L_hat) x @ W_k + b
    Tx0 = x
    out = Tx0 @ W[0]
    Tx1 = lap_matvec(Tx0)
    out = out + Tx1 @ W[1]
    for k in range(2, K):
        Tx2 = 2.0 * lap_matvec(Tx1) - Tx0
        out = out + Tx2 @ W[k]
        Tx0, Tx1 = Tx1, Tx2
    out = out + b
    # Kipfblock: F.relu(conv1(x, edge_index)), bn=False
    return jax.nn.relu(out)

if __name__ == "__main__":
    import jax
    _d = setup_inputs()
    print(jax.jit(kernel)(*tuple(_d.values())))

</pallas_src>

<mosaic_0001>
#map = affine_map<(d0, d1) -> (0, 0, 0)>
#map1 = affine_map<(d0, d1) -> (0, 0)>
module attributes {stable_mosaic.version = 14 : i64} {
  func.func @deg_kernel(%arg0: i32, %arg1: i32, %arg2: memref<2560x1x128xi32, #tpu.memory_space<hbm>>, %arg3: memref<128x128xf32, #tpu.memory_space<hbm>>, %arg4: memref<10240x128xf32, #tpu.memory_space<hbm>>, %arg5: memref<2x10240x128xf32, #tpu.memory_space<hbm>>, %arg6: memref<10240x128xf32, #tpu.memory_space<vmem_shared>>, %arg7: memref<128x128xf32, #tpu.memory_space<vmem>>, %arg8: memref<1x128xi32, #tpu.memory_space<vmem>>, %arg9: memref<1x128xi32, #tpu.memory_space<vmem>>, %arg10: memref<!tpu.dma_semaphore, #tpu.memory_space<semaphore_mem>>, %arg11: memref<!tpu.dma_semaphore, #tpu.memory_space<semaphore_mem>>) attributes {dimension_semantics = [#tpu.dimension_semantics<core_parallel>, #tpu.dimension_semantics<subcore_parallel>], iteration_bounds = array<i64: 2, 16>, scalar_prefetch = 0 : i64, scratch_operands = 6 : i64, tpu.core_type = #tpu.core_type<sc_vector_subcore>, window_params = [{transform_indices = #map}, {transform_indices = #map1}, {transform_indices = #map1}, {transform_indices = #map}]} {
    %mul3A = arith.constant 2 : i32
    %mul3A_0 = arith.muli %arg1, %mul3A : i32
    %add3A = arith.addi %mul3A_0, %arg0 : i32
    %mul3A_1 = arith.constant 640 : i32
    %mul3A_2 = arith.muli %arg1, %mul3A_1 : i32
    %mul3A_3 = arith.constant 640 : i32
    %mul3A_4 = arith.muli %arg1, %mul3A_3 : i32
    "tpu.region"() ({
      %run_scoped3A_57 = tpu.sem_alloc : memref<!tpu.dma_semaphore, #tpu.memory_space<semaphore_mem>>
      %dma_start3A_58 = arith.constant 0 : i32
      %dma_start3A_59 = tpu.memref_slice %arg6[%mul3A_4, %dma_start3A_58] : memref<10240x128xf32, #tpu.memory_space<vmem_shared>> -> memref<640x128xf32, #tpu.memory_space<vmem_shared>>
      %dma_start3A_60 = arith.constant 0 : i32
      %dma_start3A_61 = tpu.memref_slice %arg4[%mul3A_2, %dma_start3A_60] : memref<10240x128xf32, #tpu.memory_space<hbm>> -> memref<640x128xf32, #tpu.memory_space<hbm>>
      tpu.enqueue_dma source(%dma_start3A_61 : memref<640x128xf32, #tpu.memory_space<hbm>>) target(%dma_start3A_59 : memref<640x128xf32, #tpu.memory_space<vmem_shared>>) target_semaphore(%run_scoped3A_57 : memref<!tpu.dma_semaphore, #tpu.memory_space<semaphore_mem>>)
      %dma_wait3A_62 = arith.constant 0 : i32
      %dma_wait3A_63 = tpu.memref_slice %arg6[%mul3A_4, %dma_wait3A_62] : memref<10240x128xf32, #tpu.memory_space<vmem_shared>> -> memref<640x128xf32, #tpu.memory_space<vmem_shared>>
      %dma_wait3A_64 = arith.constant 0 : i32
      %dma_wait3A_65 = tpu.memref_slice %arg4[%mul3A_2, %dma_wait3A_64] : memref<10240x128xf32, #tpu.memory_space<hbm>> -> memref<640x128xf32, #tpu.memory_space<hbm>>
      tpu.wait_dma2 semaphore(%run_scoped3A_57 : memref<!tpu.dma_semaphore, #tpu.memory_space<semaphore_mem>>) src(%dma_wait3A_65 : memref<640x128xf32, #tpu.memory_space<hbm>>) dst(%dma_wait3A_63 : memref<640x128xf32, #tpu.memory_space<vmem_shared>>)
      tpu.yield
    }) : () -> ()
    "tpu.region"() ({
      %run_scoped3A_57 = tpu.sem_alloc : memref<!tpu.dma_semaphore, #tpu.memory_space<semaphore_mem>>
      tpu.enqueue_dma source(%arg3 : memref<128x128xf32, #tpu.memory_space<hbm>>) target(%arg7 : memref<128x128xf32, #tpu.memory_space<vmem>>) target_semaphore(%run_scoped3A_57 : memref<!tpu.dma_semaphore, #tpu.memory_space<semaphore_mem>>)
      tpu.wait_dma2 semaphore(%run_scoped3A_57 : memref<!tpu.dma_semaphore, #tpu.memory_space<semaphore_mem>>) src(%arg3 : memref<128x128xf32, #tpu.memory_space<hbm>>) dst(%arg7 : memref<128x128xf32, #tpu.memory_space<vmem>>)
      tpu.yield
    }) : () -> ()
    %barrier3A = arith.constant 0 : index
    tpu.barrier barrier_id(%barrier3A)
    %mul3A_5 = arith.constant 80 : i32
    %mul3A_6 = arith.muli %add3A, %mul3A_5 : i32
    %add3A_7 = arith.constant 0 : i32
    %add3A_8 = arith.addi %mul3A_6, %add3A_7 : i32
    %dma_start3A = arith.constant 0 : i32
    %dma_start3A_9 = arith.constant 0 : i32
    %dma_start3A_10 = tpu.memref_slice %arg2[%add3A_8, %dma_start3A, %dma_start3A_9] : memref<2560x1x128xi32, #tpu.memory_space<hbm>> -> memref<1x1x128xi32, #tpu.memory_space<hbm>>
    %dma_start3A_11 = tpu.memref_squeeze %dma_start3A_10 : memref<1x1x128xi32, #tpu.memory_space<hbm>> -> memref<1x128xi32, #tpu.memory_space<hbm>>
    %dma_start3A_12 = arith.constant 0 : i32
    %dma_start3A_13 = arith.constant 0 : i32
    %dma_start3A_14 = tpu.memref_slice %arg2[%add3A_8, %dma_start3A_12, %dma_start3A_13] : memref<2560x1x128xi32, #tpu.memory_space<hbm>> -> memref<1x1x128xi32, #tpu.memory_space<hbm>>
    %dma_start3A_15 = tpu.memref_squeeze %dma_start3A_14 : memref<1x1x128xi32, #tpu.memory_space<hbm>> -> memref<1x128xi32, #tpu.memory_space<hbm>>
    tpu.enqueue_dma source(%dma_start3A_15 : memref<1x128xi32, #tpu.memory_space<hbm>>) target(%arg8 : memref<1x128xi32, #tpu.memory_space<vmem>>) target_semaphore(%arg10 : memref<!tpu.dma_semaphore, #tpu.memory_space<semaphore_mem>>)
    %scan3A = arith.constant 0 : i32
    %scan3A_16 = arith.constant 39 : i32
    %scan3A_17 = arith.addi %scan3A, %scan3A_16 : i32
    %scan3A_18 = arith.constant 1 : i32
    scf.for %scan3A_57 = %scan3A to %scan3A_17 step %scan3A_18  : i32 {
      %mul3A_58 = arith.constant 1 : i32
      %mul3A_59 = arith.muli %scan3A_57, %mul3A_58 : i32
      %add3A_60 = arith.constant 0 : i32
      %add3A_61 = arith.addi %add3A_60, %mul3A_59 : i32
      %mul3A_62 = arith.constant 2 : i32
      %mul3A_63 = arith.muli %add3A_61, %mul3A_62 : i32
      %add3A_64 = arith.constant 1 : i32
      %add3A_65 = arith.addi %mul3A_63, %add3A_64 : i32
      %mul3A_66 = arith.constant 80 : i32
      %mul3A_67 = arith.muli %add3A, %mul3A_66 : i32
      %add3A_68 = arith.addi %mul3A_67, %add3A_65 : i32
      %dma_start3A_69 = arith.constant 0 : i32
      %dma_start3A_70 = arith.constant 0 : i32
      %dma_start3A_71 = tpu.memref_slice %arg2[%add3A_68, %dma_start3A_69, %dma_start3A_70] : memref<2560x1x128xi32, #tpu.memory_space<hbm>> -> memref<1x1x128xi32, #tpu.memory_space<hbm>>
      %dma_start3A_72 = tpu.memref_squeeze %dma_start3A_71 : memref<1x1x128xi32, #tpu.memory_space<hbm>> -> memref<1x128xi32, #tpu.memory_space<hbm>>
      %dma_start3A_73 = arith.constant 0 : i32
      %dma_start3A_74 = arith.constant 0 : i32
      %dma_start3A_75 = tpu.memref_slice %arg2[%add3A_68, %dma_start3A_73, %dma_start3A_74] : memref<2560x1x128xi32, #tpu.memory_space<hbm>> -> memref<1x1x128xi32, #tpu.memory_space<hbm>>
      %dma_start3A_76 = tpu.memref_squeeze %dma_start3A_75 : memref<1x1x128xi32, #tpu.memory_space<hbm>> -> memref<1x128xi32, #tpu.memory_space<hbm>>
      tpu.enqueue_dma source(%dma_start3A_76 : memref<1x128xi32, #tpu.memory_space<hbm>>) target(%arg9 : memref<1x128xi32, #tpu.memory_space<vmem>>) target_semaphore(%arg11 : memref<!tpu.dma_semaphore, #tpu.memory_space<semaphore_mem>>)
      %mul3A_77 = arith.constant 80 : i32
      %mul3A_78 = arith.muli %add3A, %mul3A_77 : i32
      %dma_wait3A_79 = arith.constant 0 : i32
      %dma_wait3A_80 = arith.constant 0 : i32
      %dma_wait3A_81 = tpu.memref_slice %arg2[%mul3A_78, %dma_wait3A_79, %dma_wait3A_80] : memref<2560x1x128xi32, #tpu.memory_space<hbm>> -> memref<1x1x128xi32, #tpu.memory_space<hbm>>
      %dma_wait3A_82 = tpu.memref_squeeze %dma_wait3A_81 : memref<1x1x128xi32, #tpu.memory_space<hbm>> -> memref<1x128xi32, #tpu.memory_space<hbm>>
      %dma_wait3A_83 = arith.constant 0 : i32
      %dma_wait3A_84 = arith.constant 0 : i32
      %dma_wait3A_85 = tpu.memref_slice %arg2[%mul3A_78, %dma_wait3A_83, %dma_wait3A_84] : memref<2560x1x128xi32, #tpu.memory_space<hbm>> -> memref<1x1x128xi32, #tpu.memory_space<hbm>>
      %dma_wait3A_86 = tpu.memref_squeeze %dma_wait3A_85 : memref<1x1x128xi32, #tpu.memory_space<hbm>> -> memref<1x128xi32, #tpu.memory_space<hbm>>
      tpu.wait_dma2 semaphore(%arg10 : memref<!tpu.dma_semaphore, #tpu.memory_space<semaphore_mem>>) src(%dma_wait3A_86 : memref<1x128xi32, #tpu.memory_space<hbm>>) dst(%arg8 : memref<1x128xi32, #tpu.memory_space<vmem>>)
      %run_scoped3A_87 = arith.constant 0 : i32
      "tpu.region"() ({
        %run_scoped3A_112 = tpu.sem_alloc : memref<!tpu.dma_semaphore, #tpu.memory_space<semaphore_mem>>
        %dma_start3A_113 = arith.constant 0 : i32
        %dma_start3A_114 = tpu.memref_slice %arg8[%run_scoped3A_87, %dma_start3A_113] : memref<1x128xi32, #tpu.memory_space<vmem>> -> memref<1x128xi32, #tpu.memory_space<vmem>>
        %dma_start3A_115 = tpu.memref_squeeze %dma_start3A_114 : memref<1x128xi32, #tpu.memory_space<vmem>> -> memref<128xi32, #tpu.memory_space<vmem>>
        %dma_start3A_116 = arith.constant 0 : i32
        %dma_start3A_117 = arith.constant 0 : i32
        %dma_start3A_118 = tpu.memref_slice %arg6[%dma_start3A_116, %dma_start3A_117] : memref<10240x128xf32, #tpu.memory_space<vmem_shared>> -> memref<10240x128xf32, #tpu.memory_space<vmem_shared>>
        tpu.enqueue_indirect_dma source(%arg7 : memref<128x128xf32, #tpu.memory_space<vmem>>) target(%dma_start3A_118 : memref<10240x128xf32, #tpu.memory_space<vmem_shared>>) offsets(%dma_start3A_115 : memref<128xi32, #tpu.memory_space<vmem>>) semaphore(%run_scoped3A_112 : memref<!tpu.dma_semaphore, #tpu.memory_space<semaphore_mem>>) {add = true}
        %dma_wait3A_119 = arith.constant 0 : i32
        %dma_wait3A_120 = tpu.memref_slice %arg8[%run_scoped3A_87, %dma_wait3A_119] : memref<1x128xi32, #tpu.memory_space<vmem>> -> memref<1x128xi32, #tpu.memory_space<vmem>>
        %dma_wait3A_121 = tpu.memref_squeeze %dma_wait3A_120 : memref<1x128xi32, #tpu.memory_space<vmem>> -> memref<128xi32, #tpu.memory_space<vmem>>
        %dma_wait3A_122 = arith.constant 0 : i32
        %dma_wait3A_123 = arith.constant 0 : i32
        %dma_wait3A_124 = tpu.memref_slice %arg6[%dma_wait3A_122, %dma_wait3A_123] : memref<10240x128xf32, #tpu.memory_space<vmem_shared>> -> memref<10240x128xf32, #tpu.memory_space<vmem_shared>>
        tpu.wait_indirect_dma semaphore(%run_scoped3A_112 : memref<!tpu.dma_semaphore, #tpu.memory_space<semaphore_mem>>) src(%arg7 : memref<128x128xf32, #tpu.memory_space<vmem>>) dst(%dma_wait3A_124 : memref<10240x128xf32, #tpu.memory_space<vmem_shared>>)
        tpu.yield
      }) : () -> ()
      %add3A_88 = arith.constant 2 : i32
      %add3A_89 = arith.addi %mul3A_63, %add3A_88 : i32
      %mul3A_90 = arith.constant 80 : i32
      %mul3A_91 = arith.muli %add3A, %mul3A_90 : i32
      %add3A_92 = arith.addi %mul3A_91, %add3A_89 : i32
      %dma_start3A_93 = arith.constant 0 : i32
      %dma_start3A_94 = arith.constant 0 : i32
      %dma_start3A_95 = tpu.memref_slice %arg2[%add3A_92, %dma_start3A_93, %dma_start3A_94] : memref<2560x1x128xi32, #tpu.memory_space<hbm>> -> memref<1x1x128xi32, #tpu.memory_space<hbm>>
      %dma_start3A_96 = tpu.memref_squeeze %dma_start3A_95 : memref<1x1x128xi32, #tpu.memory_space<hbm>> -> memref<1x128xi32, #tpu.memory_space<hbm>>
      %dma_start3A_97 = arith.constant 0 : i32
      %dma_start3A_98 = arith.constant 0 : i32
      %dma_start3A_99 = tpu.memref_slice %arg2[%add3A_92, %dma_start3A_97, %dma_start3A_98] : memref<2560x1x128xi32, #tpu.memory_space<hbm>> -> memref<1x1x128xi32, #tpu.memory_space<hbm>>
      %dma_start3A_100 = tpu.memref_squeeze %dma_start3A_99 : memref<1x1x128xi32, #tpu.memory_space<hbm>> -> memref<1x128xi32, #tpu.memory_space<hbm>>
      tpu.enqueue_dma source(%dma_start3A_100 : memref<1x128xi32, #tpu.memory_space<hbm>>) target(%arg8 : memref<1x128xi32, #tpu.memory_space<vmem>>) target_semaphore(%arg10 : memref<!tpu.dma_semaphore, #tpu.memory_space<semaphore_mem>>)
      %mul3A_101 = arith.constant 80 : i32
      %mul3A_102 = arith.muli %add3A, %mul3A_101 : i32
      %dma_wait3A_103 = arith.constant 0 : i32
      %dma_wait3A_104 = arith.constant 0 : i32
      %dma_wait3A_105 = tpu.memref_slice %arg2[%mul3A_102, %dma_wait3A_103, %dma_wait3A_104] : memref<2560x1x128xi32, #tpu.memory_space<hbm>> -> memref<1x1x128xi32, #tpu.memory_space<hbm>>
      %dma_wait3A_106 = tpu.memref_squeeze %dma_wait3A_105 : memref<1x1x128xi32, #tpu.memory_space<hbm>> -> memref<1x128xi32, #tpu.memory_space<hbm>>
      %dma_wait3A_107 = arith.constant 0 : i32
      %dma_wait3A_108 = arith.constant 0 : i32
      %dma_wait3A_109 = tpu.memref_slice %arg2[%mul3A_102, %dma_wait3A_107, %dma_wait3A_108] : memref<2560x1x128xi32, #tpu.memory_space<hbm>> -> memref<1x1x128xi32, #tpu.memory_space<hbm>>
      %dma_wait3A_110 = tpu.memref_squeeze %dma_wait3A_109 : memref<1x1x128xi32, #tpu.memory_space<hbm>> -> memref<1x128xi32, #tpu.memory_space<hbm>>
      tpu.wait_dma2 semaphore(%arg11 : memref<!tpu.dma_semaphore, #tpu.memory_space<semaphore_mem>>) src(%dma_wait3A_110 : memref<1x128xi32, #tpu.memory_space<hbm>>) dst(%arg9 : memref<1x128xi32, #tpu.memory_space<vmem>>)
      %run_scoped3A_111 = arith.constant 0 : i32
      "tpu.region"() ({
        %run_scoped3A_112 = tpu.sem_alloc : memref<!tpu.dma_semaphore, #tpu.memory_space<semaphore_mem>>
        %dma_start3A_113 = arith.constant 0 : i32
        %dma_start3A_114 = tpu.memref_slice %arg9[%run_scoped3A_111, %dma_start3A_113] : memref<1x128xi32, #tpu.memory_space<vmem>> -> memref<1x128xi32, #tpu.memory_space<vmem>>
        %dma_start3A_115 = tpu.memref_squeeze %dma_start3A_114 : memref<1x128xi32, #tpu.memory_space<vmem>> -> memref<128xi32, #tpu.memory_space<vmem>>
        %dma_start3A_116 = arith.constant 0 : i32
        %dma_start3A_117 = arith.constant 0 : i32
        %dma_start3A_118 = tpu.memref_slice %arg6[%dma_start3A_116, %dma_start3A_117] : memref<10240x128xf32, #tpu.memory_space<vmem_shared>> -> memref<10240x128xf32, #tpu.memory_space<vmem_shared>>
        tpu.enqueue_indirect_dma source(%arg7 : memref<128x128xf32, #tpu.memory_space<vmem>>) target(%dma_start3A_118 : memref<10240x128xf32, #tpu.memory_space<vmem_shared>>) offsets(%dma_start3A_115 : memref<128xi32, #tpu.memory_space<vmem>>) semaphore(%run_scoped3A_112 : memref<!tpu.dma_semaphore, #tpu.memory_space<semaphore_mem>>) {add = true}
        %dma_wait3A_119 = arith.constant 0 : i32
        %dma_wait3A_120 = tpu.memref_slice %arg9[%run_scoped3A_111, %dma_wait3A_119] : memref<1x128xi32, #tpu.memory_space<vmem>> -> memref<1x128xi32, #tpu.memory_space<vmem>>
        %dma_wait3A_121 = tpu.memref_squeeze %dma_wait3A_120 : memref<1x128xi32, #tpu.memory_space<vmem>> -> memref<128xi32, #tpu.memory_space<vmem>>
        %dma_wait3A_122 = arith.constant 0 : i32
        %dma_wait3A_123 = arith.constant 0 : i32
        %dma_wait3A_124 = tpu.memref_slice %arg6[%dma_wait3A_122, %dma_wait3A_123] : memref<10240x128xf32, #tpu.memory_space<vmem_shared>> -> memref<10240x128xf32, #tpu.memory_space<vmem_shared>>
        tpu.wait_indirect_dma semaphore(%run_scoped3A_112 : memref<!tpu.dma_semaphore, #tpu.memory_space<semaphore_mem>>) src(%arg7 : memref<128x128xf32, #tpu.memory_space<vmem>>) dst(%dma_wait3A_124 : memref<10240x128xf32, #tpu.memory_space<vmem_shared>>)
        tpu.yield
      }) : () -> ()
    }
    %scan3A_19 = arith.constant 39 : i32
    %mul3A_20 = arith.constant 80 : i32
    %mul3A_21 = arith.muli %add3A, %mul3A_20 : i32
    %add3A_22 = arith.constant 79 : i32
    %add3A_23 = arith.addi %mul3A_21, %add3A_22 : i32
    %dma_start3A_24 = arith.constant 0 : i32
    %dma_start3A_25 = arith.constant 0 : i32
    %dma_start3A_26 = tpu.memref_slice %arg2[%add3A_23, %dma_start3A_24, %dma_start3A_25] : memref<2560x1x128xi32, #tpu.memory_space<hbm>> -> memref<1x1x128xi32, #tpu.memory_space<hbm>>
    %dma_start3A_27 = tpu.memref_squeeze %dma_start3A_26 : memref<1x1x128xi32, #tpu.memory_space<hbm>> -> memref<1x128xi32, #tpu.memory_space<hbm>>
    %dma_start3A_28 = arith.constant 0 : i32
    %dma_start3A_29 = arith.constant 0 : i32
    %dma_start3A_30 = tpu.memref_slice %arg2[%add3A_23, %dma_start3A_28, %dma_start3A_29] : memref<2560x1x128xi32, #tpu.memory_space<hbm>> -> memref<1x1x128xi32, #tpu.memory_space<hbm>>
    %dma_start3A_31 = tpu.memref_squeeze %dma_start3A_30 : memref<1x1x128xi32, #tpu.memory_space<hbm>> -> memref<1x128xi32, #tpu.memory_space<hbm>>
    tpu.enqueue_dma source(%dma_start3A_31 : memref<1x128xi32, #tpu.memory_space<hbm>>) target(%arg9 : memref<1x128xi32, #tpu.memory_space<vmem>>) target_semaphore(%arg11 : memref<!tpu.dma_semaphore, #tpu.memory_space<semaphore_mem>>)
    %mul3A_32 = arith.constant 80 : i32
    %mul3A_33 = arith.muli %add3A, %mul3A_32 : i32
    %dma_wait3A = arith.constant 0 : i32
    %dma_wait3A_34 = arith.constant 0 : i32
    %dma_wait3A_35 = tpu.memref_slice %arg2[%mul3A_33, %dma_wait3A, %dma_wait3A_34] : memref<2560x1x128xi32, #tpu.memory_space<hbm>> -> memref<1x1x128xi32, #tpu.memory_space<hbm>>
    %dma_wait3A_36 = tpu.memref_squeeze %dma_wait3A_35 : memref<1x1x128xi32, #tpu.memory_space<hbm>> -> memref<1x128xi32, #tpu.memory_space<hbm>>
    %dma_wait3A_37 = arith.constant 0 : i32
    %dma_wait3A_38 = arith.constant 0 : i32
    %dma_wait3A_39 = tpu.memref_slice %arg2[%mul3A_33, %dma_wait3A_37, %dma_wait3A_38] : memref<2560x1x128xi32, #tpu.memory_space<hbm>> -> memref<1x1x128xi32, #tpu.memory_space<hbm>>
    %dma_wait3A_40 = tpu.memref_squeeze %dma_wait3A_39 : memref<1x1x128xi32, #tpu.memory_space<hbm>> -> memref<1x128xi32, #tpu.memory_space<hbm>>
    tpu.wait_dma2 semaphore(%arg10 : memref<!tpu.dma_semaphore, #tpu.memory_space<semaphore_mem>>) src(%dma_wait3A_40 : memref<1x128xi32, #tpu.memory_space<hbm>>) dst(%arg8 : memref<1x128xi32, #tpu.memory_space<vmem>>)
    %run_scoped3A = arith.constant 0 : i32
    "tpu.region"() ({
      %run_scoped3A_57 = tpu.sem_alloc : memref<!tpu.dma_semaphore, #tpu.memory_space<semaphore_mem>>
      %dma_start3A_58 = arith.constant 0 : i32
      %dma_start3A_59 = tpu.memref_slice %arg8[%run_scoped3A, %dma_start3A_58] : memref<1x128xi32, #tpu.memory_space<vmem>> -> memref<1x128xi32, #tpu.memory_space<vmem>>
      %dma_start3A_60 = tpu.memref_squeeze %dma_start3A_59 : memref<1x128xi32, #tpu.memory_space<vmem>> -> memref<128xi32, #tpu.memory_space<vmem>>
      %dma_start3A_61 = arith.constant 0 : i32
      %dma_start3A_62 = arith.constant 0 : i32
      %dma_start3A_63 = tpu.memref_slice %arg6[%dma_start3A_61, %dma_start3A_62] : memref<10240x128xf32, #tpu.memory_space<vmem_shared>> -> memref<10240x128xf32, #tpu.memory_space<vmem_shared>>
      tpu.enqueue_indirect_dma source(%arg7 : memref<128x128xf32, #tpu.memory_space<vmem>>) target(%dma_start3A_63 : memref<10240x128xf32, #tpu.memory_space<vmem_shared>>) offsets(%dma_start3A_60 : memref<128xi32, #tpu.memory_space<vmem>>) semaphore(%run_scoped3A_57 : memref<!tpu.dma_semaphore, #tpu.memory_space<semaphore_mem>>) {add = true}
      %dma_wait3A_64 = arith.constant 0 : i32
      %dma_wait3A_65 = tpu.memref_slice %arg8[%run_scoped3A, %dma_wait3A_64] : memref<1x128xi32, #tpu.memory_space<vmem>> -> memref<1x128xi32, #tpu.memory_space<vmem>>
      %dma_wait3A_66 = tpu.memref_squeeze %dma_wait3A_65 : memref<1x128xi32, #tpu.memory_space<vmem>> -> memref<128xi32, #tpu.memory_space<vmem>>
      %dma_wait3A_67 = arith.constant 0 : i32
      %dma_wait3A_68 = arith.constant 0 : i32
      %dma_wait3A_69 = tpu.memref_slice %arg6[%dma_wait3A_67, %dma_wait3A_68] : memref<10240x128xf32, #tpu.memory_space<vmem_shared>> -> memref<10240x128xf32, #tpu.memory_space<vmem_shared>>
      tpu.wait_indirect_dma semaphore(%run_scoped3A_57 : memref<!tpu.dma_semaphore, #tpu.memory_space<semaphore_mem>>) src(%arg7 : memref<128x128xf32, #tpu.memory_space<vmem>>) dst(%dma_wait3A_69 : memref<10240x128xf32, #tpu.memory_space<vmem_shared>>)
      tpu.yield
    }) : () -> ()
    %mul3A_41 = arith.constant 80 : i32
    %mul3A_42 = arith.muli %add3A, %mul3A_41 : i32
    %dma_wait3A_43 = arith.constant 0 : i32
    %dma_wait3A_44 = arith.constant 0 : i32
    %dma_wait3A_45 = tpu.memref_slice %arg2[%mul3A_42, %dma_wait3A_43, %dma_wait3A_44] : memref<2560x1x128xi32, #tpu.memory_space<hbm>> -> memref<1x1x128xi32, #tpu.memory_space<hbm>>
    %dma_wait3A_46 = tpu.memref_squeeze %dma_wait3A_45 : memref<1x1x128xi32, #tpu.memory_space<hbm>> -> memref<1x128xi32, #tpu.memory_space<hbm>>
    %dma_wait3A_47 = arith.constant 0 : i32
    %dma_wait3A_48 = arith.constant 0 : i32
    %dma_wait3A_49 = tpu.memref_slice %arg2[%mul3A_42, %dma_wait3A_47, %dma_wait3A_48] : memref<2560x1x128xi32, #tpu.memory_space<hbm>> -> memref<1x1x128xi32, #tpu.memory_space<hbm>>
    %dma_wait3A_50 = tpu.memref_squeeze %dma_wait3A_49 : memref<1x1x128xi32, #tpu.memory_space<hbm>> -> memref<1x128xi32, #tpu.memory_space<hbm>>
    tpu.wait_dma2 semaphore(%arg11 : memref<!tpu.dma_semaphore, #tpu.memory_space<semaphore_mem>>) src(%dma_wait3A_50 : memref<1x128xi32, #tpu.memory_space<hbm>>) dst(%arg9 : memref<1x128xi32, #tpu.memory_space<vmem>>)
    %run_scoped3A_51 = arith.constant 0 : i32
    "tpu.region"() ({
      %run_scoped3A_57 = tpu.sem_alloc : memref<!tpu.dma_semaphore, #tpu.memory_space<semaphore_mem>>
      %dma_start3A_58 = arith.constant 0 : i32
      %dma_start3A_59 = tpu.memref_slice %arg9[%run_scoped3A_51, %dma_start3A_58] : memref<1x128xi32, #tpu.memory_space<vmem>> -> memref<1x128xi32, #tpu.memory_space<vmem>>
      %dma_start3A_60 = tpu.memref_squeeze %dma_start3A_59 : memref<1x128xi32, #tpu.memory_space<vmem>> -> memref<128xi32, #tpu.memory_space<vmem>>
      %dma_start3A_61 = arith.constant 0 : i32
      %dma_start3A_62 = arith.constant 0 : i32
      %dma_start3A_63 = tpu.memref_slice %arg6[%dma_start3A_61, %dma_start3A_62] : memref<10240x128xf32, #tpu.memory_space<vmem_shared>> -> memref<10240x128xf32, #tpu.memory_space<vmem_shared>>
      tpu.enqueue_indirect_dma source(%arg7 : memref<128x128xf32, #tpu.memory_space<vmem>>) target(%dma_start3A_63 : memref<10240x128xf32, #tpu.memory_space<vmem_shared>>) offsets(%dma_start3A_60 : memref<128xi32, #tpu.memory_space<vmem>>) semaphore(%run_scoped3A_57 : memref<!tpu.dma_semaphore, #tpu.memory_space<semaphore_mem>>) {add = true}
      %dma_wait3A_64 = arith.constant 0 : i32
      %dma_wait3A_65 = tpu.memref_slice %arg9[%run_scoped3A_51, %dma_wait3A_64] : memref<1x128xi32, #tpu.memory_space<vmem>> -> memref<1x128xi32, #tpu.memory_space<vmem>>
      %dma_wait3A_66 = tpu.memref_squeeze %dma_wait3A_65 : memref<1x128xi32, #tpu.memory_space<vmem>> -> memref<128xi32, #tpu.memory_space<vmem>>
      %dma_wait3A_67 = arith.constant 0 : i32
      %dma_wait3A_68 = arith.constant 0 : i32
      %dma_wait3A_69 = tpu.memref_slice %arg6[%dma_wait3A_67, %dma_wait3A_68] : memref<10240x128xf32, #tpu.memory_space<vmem_shared>> -> memref<10240x128xf32, #tpu.memory_space<vmem_shared>>
      tpu.wait_indirect_dma semaphore(%run_scoped3A_57 : memref<!tpu.dma_semaphore, #tpu.memory_space<semaphore_mem>>) src(%arg7 : memref<128x128xf32, #tpu.memory_space<vmem>>) dst(%dma_wait3A_69 : memref<10240x128xf32, #tpu.memory_space<vmem_shared>>)
      tpu.yield
    }) : () -> ()
    %barrier3A_52 = arith.constant 0 : index
    tpu.barrier barrier_id(%barrier3A_52)
    %mul3A_53 = arith.constant 640 : i32
    %mul3A_54 = arith.muli %arg1, %mul3A_53 : i32
    %mul3A_55 = arith.constant 640 : i32
    %mul3A_56 = arith.muli %arg1, %mul3A_55 : i32
    "tpu.region"() ({
      %run_scoped3A_57 = tpu.sem_alloc : memref<!tpu.dma_semaphore, #tpu.memory_space<semaphore_mem>>
      %dma_start3A_58 = arith.constant 0 : i32
      %dma_start3A_59 = tpu.memref_slice %arg5[%arg0, %mul3A_56, %dma_start3A_58] : memref<2x10240x128xf32, #tpu.memory_space<hbm>> -> memref<1x640x128xf32, #tpu.memory_space<hbm>>
      %dma_start3A_60 = tpu.memref_squeeze %dma_start3A_59 : memref<1x640x128xf32, #tpu.memory_space<hbm>> -> memref<640x128xf32, #tpu.memory_space<hbm>>
      %dma_start3A_61 = arith.constant 0 : i32
      %dma_start3A_62 = tpu.memref_slice %arg6[%mul3A_54, %dma_start3A_61] : memref<10240x128xf32, #tpu.memory_space<vmem_shared>> -> memref<640x128xf32, #tpu.memory_space<vmem_shared>>
      tpu.enqueue_dma source(%dma_start3A_62 : memref<640x128xf32, #tpu.memory_space<vmem_shared>>) target(%dma_start3A_60 : memref<640x128xf32, #tpu.memory_space<hbm>>) target_semaphore(%run_scoped3A_57 : memref<!tpu.dma_semaphore, #tpu.memory_space<semaphore_mem>>)
      %dma_wait3A_63 = arith.constant 0 : i32
      %dma_wait3A_64 = tpu.memref_slice %arg5[%arg0, %mul3A_56, %dma_wait3A_63] : memref<2x10240x128xf32, #tpu.memory_space<hbm>> -> memref<1x640x128xf32, #tpu.memory_space<hbm>>
      %dma_wait3A_65 = tpu.memref_squeeze %dma_wait3A_64 : memref<1x640x128xf32, #tpu.memory_space<hbm>> -> memref<640x128xf32, #tpu.memory_space<hbm>>
      %dma_wait3A_66 = arith.constant 0 : i32
      %dma_wait3A_67 = tpu.memref_slice %arg6[%mul3A_54, %dma_wait3A_66] : memref<10240x128xf32, #tpu.memory_space<vmem_shared>> -> memref<640x128xf32, #tpu.memory_space<vmem_shared>>
      tpu.wait_dma2 semaphore(%run_scoped3A_57 : memref<!tpu.dma_semaphore, #tpu.memory_space<semaphore_mem>>) src(%dma_wait3A_67 : memref<640x128xf32, #tpu.memory_space<vmem_shared>>) dst(%dma_wait3A_65 : memref<640x128xf32, #tpu.memory_space<hbm>>)
      tpu.yield
    }) : () -> ()
    return
  }
}

#map = affine_map<(d0, d1) -> (0, 0)>
#map1 = affine_map<(d0, d1) -> (0, 0, 0)>
module attributes {stable_mosaic.version = 14 : i64} {
  func.func @matvec_kernel(%arg0: i32, %arg1: i32, %arg2: memref<10000x128xf32, #tpu.memory_space<hbm>>, %arg3: memref<2560x1x128xi32, #tpu.memory_space<hbm>>, %arg4: memref<2560x1x128xi32, #tpu.memory_space<hbm>>, %arg5: memref<10240x128xf32, #tpu.memory_space<hbm>>, %arg6: memref<2x10240x128xf32, #tpu.memory_space<hbm>>, %arg7: memref<10240x128xf32, #tpu.memory_space<vmem_shared>>, %arg8: memref<80x1x128xi32, #tpu.memory_space<vmem>>, %arg9: memref<1x128xi32, #tpu.memory_space<vmem>>, %arg10: memref<1x128xi32, #tpu.memory_space<vmem>>, %arg11: memref<128x128xf32, #tpu.memory_space<vmem>>, %arg12: memref<128x128xf32, #tpu.memory_space<vmem>>, %arg13: memref<!tpu.dma_semaphore, #tpu.memory_space<semaphore_mem>>, %arg14: memref<!tpu.dma_semaphore, #tpu.memory_space<semaphore_mem>>, %arg15: memref<!tpu.dma_semaphore, #tpu.memory_space<semaphore_mem>>, %arg16: memref<!tpu.dma_semaphore, #tpu.memory_space<semaphore_mem>>) attributes {dimension_semantics = [#tpu.dimension_semantics<core_parallel>, #tpu.dimension_semantics<subcore_parallel>], iteration_bounds = array<i64: 2, 16>, scalar_prefetch = 0 : i64, scratch_operands = 10 : i64, tpu.core_type = #tpu.core_type<sc_vector_subcore>, window_params = [{transform_indices = #map}, {transform_indices = #map1}, {transform_indices = #map1}, {transform_indices = #map}, {transform_indices = #map1}]} {
    %mul3A = arith.constant 2 : i32
    %mul3A_0 = arith.muli %arg1, %mul3A : i32
    %add3A = arith.addi %mul3A_0, %arg0 : i32
    %mul3A_1 = arith.constant 640 : i32
    %mul3A_2 = arith.muli %arg1, %mul3A_1 : i32
    %mul3A_3 = arith.constant 640 : i32
    %mul3A_4 = arith.muli %arg1, %mul3A_3 : i32
    "tpu.region"() ({
      %run_scoped3A_91 = tpu.sem_alloc : memref<!tpu.dma_semaphore, #tpu.memory_space<semaphore_mem>>
      %dma_start3A_92 = arith.constant 0 : i32
      %dma_start3A_93 = tpu.memref_slice %arg7[%mul3A_4, %dma_start3A_92] : memref<10240x128xf32, #tpu.memory_space<vmem_shared>> -> memref<640x128xf32, #tpu.memory_space<vmem_shared>>
      %dma_start3A_94 = arith.constant 0 : i32
      %dma_start3A_95 = tpu.memref_slice %arg5[%mul3A_2, %dma_start3A_94] : memref<10240x128xf32, #tpu.memory_space<hbm>> -> memref<640x128xf32, #tpu.memory_space<hbm>>
      tpu.enqueue_dma source(%dma_start3A_95 : memref<640x128xf32, #tpu.memory_space<hbm>>) target(%dma_start3A_93 : memref<640x128xf32, #tpu.memory_space<vmem_shared>>) target_semaphore(%run_scoped3A_91 : memref<!tpu.dma_semaphore, #tpu.memory_space<semaphore_mem>>)
      %dma_wait3A_96 = arith.constant 0 : i32
      %dma_wait3A_97 = tpu.memref_slice %arg7[%mul3A_4, %dma_wait3A_96] : memref<10240x128xf32, #tpu.memory_space<vmem_shared>> -> memref<640x128xf32, #tpu.memory_space<vmem_shared>>
      %dma_wait3A_98 = arith.constant 0 : i32
      %dma_wait3A_99 = tpu.memref_slice %arg5[%mul3A_2, %dma_wait3A_98] : memref<10240x128xf32, #tpu.memory_space<hbm>> -> memref<640x128xf32, #tpu.memory_space<hbm>>
      tpu.wait_dma2 semaphore(%run_scoped3A_91 : memref<!tpu.dma_semaphore, #tpu.memory_space<semaphore_mem>>) src(%dma_wait3A_99 : memref<640x128xf32, #tpu.memory_space<hbm>>) dst(%dma_wait3A_97 : memref<640x128xf32, #tpu.memory_space<vmem_shared>>)
      tpu.yield
    }) : () -> ()
    %mul3A_5 = arith.constant 80 : i32
    %mul3A_6 = arith.muli %add3A, %mul3A_5 : i32
    "tpu.region"() ({
      %run_scoped3A_91 = tpu.sem_alloc : memref<!tpu.dma_semaphore, #tpu.memory_space<semaphore_mem>>
      %dma_start3A_92 = arith.constant 0 : i32
      %dma_start3A_93 = arith.constant 0 : i32
      %dma_start3A_94 = tpu.memref_slice %arg3[%mul3A_6, %dma_start3A_92, %dma_start3A_93] : memref<2560x1x128xi32, #tpu.memory_space<hbm>> -> memref<80x1x128xi32, #tpu.memory_space<hbm>>
      %dma_start3A_95 = arith.constant 0 : i32
      %dma_start3A_96 = arith.constant 0 : i32
      %dma_start3A_97 = tpu.memref_slice %arg3[%mul3A_6, %dma_start3A_95, %dma_start3A_96] : memref<2560x1x128xi32, #tpu.memory_space<hbm>> -> memref<80x1x128xi32, #tpu.memory_space<hbm>>
      tpu.enqueue_dma source(%dma_start3A_97 : memref<80x1x128xi32, #tpu.memory_space<hbm>>) target(%arg8 : memref<80x1x128xi32, #tpu.memory_space<vmem>>) target_semaphore(%run_scoped3A_91 : memref<!tpu.dma_semaphore, #tpu.memory_space<semaphore_mem>>)
      %dma_wait3A_98 = arith.constant 0 : i32
      %dma_wait3A_99 = arith.constant 0 : i32
      %dma_wait3A_100 = tpu.memref_slice %arg3[%mul3A_6, %dma_wait3A_98, %dma_wait3A_99] : memref<2560x1x128xi32, #tpu.memory_space<hbm>> -> memref<80x1x128xi32, #tpu.memory_space<hbm>>
      %dma_wait3A_101 = arith.constant 0 : i32
      %dma_wait3A_102 = arith.constant 0 : i32
      %dma_wait3A_103 = tpu.memref_slice %arg3[%mul3A_6, %dma_wait3A_101, %dma_wait3A_102] : memref<2560x1x128xi32, #tpu.memory_space<hbm>> -> memref<80x1x128xi32, #tpu.memory_space<hbm>>
      tpu.wait_dma2 semaphore(%run_scoped3A_91 : memref<!tpu.dma_semaphore, #tpu.memory_space<semaphore_mem>>) src(%dma_wait3A_103 : memref<80x1x128xi32, #tpu.memory_space<hbm>>) dst(%arg8 : memref<80x1x128xi32, #tpu.memory_space<vmem>>)
      tpu.yield
    }) : () -> ()
    %barrier3A = arith.constant 0 : index
    tpu.barrier barrier_id(%barrier3A)
    %mul3A_7 = arith.constant 80 : i32
    %mul3A_8 = arith.muli %add3A, %mul3A_7 : i32
    %add3A_9 = arith.constant 0 : i32
    %add3A_10 = arith.addi %mul3A_8, %add3A_9 : i32
    %dma_start3A = arith.constant 0 : i32
    %dma_start3A_11 = arith.constant 0 : i32
    %dma_start3A_12 = tpu.memref_slice %arg4[%add3A_10, %dma_start3A, %dma_start3A_11] : memref<2560x1x128xi32, #tpu.memory_space<hbm>> -> memref<1x1x128xi32, #tpu.memory_space<hbm>>
    %dma_start3A_13 = tpu.memref_squeeze %dma_start3A_12 : memref<1x1x128xi32, #tpu.memory_space<hbm>> -> memref<1x128xi32, #tpu.memory_space<hbm>>
    %dma_start3A_14 = arith.constant 0 : i32
    %dma_start3A_15 = arith.constant 0 : i32
    %dma_start3A_16 = tpu.memref_slice %arg4[%add3A_10, %dma_start3A_14, %dma_start3A_15] : memref<2560x1x128xi32, #tpu.memory_space<hbm>> -> memref<1x1x128xi32, #tpu.memory_space<hbm>>
    %dma_start3A_17 = tpu.memref_squeeze %dma_start3A_16 : memref<1x1x128xi32, #tpu.memory_space<hbm>> -> memref<1x128xi32, #tpu.memory_space<hbm>>
    tpu.enqueue_dma source(%dma_start3A_17 : memref<1x128xi32, #tpu.memory_space<hbm>>) target(%arg9 : memref<1x128xi32, #tpu.memory_space<vmem>>) target_semaphore(%arg15 : memref<!tpu.dma_semaphore, #tpu.memory_space<semaphore_mem>>)
    %dma_start3A_18 = arith.constant 0 : i32
    %dma_start3A_19 = arith.constant 0 : i32
    %dma_start3A_20 = arith.constant 0 : i32
    %dma_start3A_21 = tpu.memref_slice %arg8[%dma_start3A_18, %dma_start3A_19, %dma_start3A_20] : memref<80x1x128xi32, #tpu.memory_space<vmem>> -> memref<1x1x128xi32, #tpu.memory_space<vmem>>
    %dma_start3A_22 = tpu.memref_squeeze %dma_start3A_21 : memref<1x1x128xi32, #tpu.memory_space<vmem>> -> memref<128xi32, #tpu.memory_space<vmem>>
    %dma_start3A_23 = arith.constant 0 : i32
    %dma_start3A_24 = arith.constant 0 : i32
    %dma_start3A_25 = tpu.memref_slice %arg2[%dma_start3A_23, %dma_start3A_24] : memref<10000x128xf32, #tpu.memory_space<hbm>> -> memref<10000x128xf32, #tpu.memory_space<hbm>>
    tpu.enqueue_indirect_dma source(%dma_start3A_25 : memref<10000x128xf32, #tpu.memory_space<hbm>>) target(%arg11 : memref<128x128xf32, #tpu.memory_space<vmem>>) offsets(%dma_start3A_22 : memref<128xi32, #tpu.memory_space<vmem>>) semaphore(%arg13 : memref<!tpu.dma_semaphore, #tpu.memory_space<semaphore_mem>>)
    %scan3A = arith.constant 0 : i32
    %scan3A_26 = arith.constant 39 : i32
    %scan3A_27 = arith.addi %scan3A, %scan3A_26 : i32
    %scan3A_28 = arith.constant 1 : i32
    scf.for %scan3A_91 = %scan3A to %scan3A_27 step %scan3A_28  : i32 {
      %mul3A_92 = arith.constant 1 : i32
      %mul3A_93 = arith.muli %scan3A_91, %mul3A_92 : i32
      %add3A_94 = arith.constant 0 : i32
      %add3A_95 = arith.addi %add3A_94, %mul3A_93 : i32
      %mul3A_96 = arith.constant 2 : i32
      %mul3A_97 = arith.muli %add3A_95, %mul3A_96 : i32
      %add3A_98 = arith.constant 1 : i32
      %add3A_99 = arith.addi %mul3A_97, %add3A_98 : i32
      %mul3A_100 = arith.constant 80 : i32
      %mul3A_101 = arith.muli %add3A, %mul3A_100 : i32
      %add3A_102 = arith.addi %mul3A_101, %add3A_99 : i32
      %dma_start3A_103 = arith.constant 0 : i32
      %dma_start3A_104 = arith.constant 0 : i32
      %dma_start3A_105 = tpu.memref_slice %arg4[%add3A_102, %dma_start3A_103, %dma_start3A_104] : memref<2560x1x128xi32, #tpu.memory_space<hbm>> -> memref<1x1x128xi32, #tpu.memory_space<hbm>>
      %dma_start3A_106 = tpu.memref_squeeze %dma_start3A_105 : memref<1x1x128xi32, #tpu.memory_space<hbm>> -> memref<1x128xi32, #tpu.memory_space<hbm>>
      %dma_start3A_107 = arith.constant 0 : i32
      %dma_start3A_108 = arith.constant 0 : i32
      %dma_start3A_109 = tpu.memref_slice %arg4[%add3A_102, %dma_start3A_107, %dma_start3A_108] : memref<2560x1x128xi32, #tpu.memory_space<hbm>> -> memref<1x1x128xi32, #tpu.memory_space<hbm>>
      %dma_start3A_110 = tpu.memref_squeeze %dma_start3A_109 : memref<1x1x128xi32, #tpu.memory_space<hbm>> -> memref<1x128xi32, #tpu.memory_space<hbm>>
      tpu.enqueue_dma source(%dma_start3A_110 : memref<1x128xi32, #tpu.memory_space<hbm>>) target(%arg10 : memref<1x128xi32, #tpu.memory_space<vmem>>) target_semaphore(%arg16 : memref<!tpu.dma_semaphore, #tpu.memory_space<semaphore_mem>>)
      %dma_start3A_111 = arith.constant 0 : i32
      %dma_start3A_112 = arith.constant 0 : i32
      %dma_start3A_113 = tpu.memref_slice %arg8[%add3A_99, %dma_start3A_111, %dma_start3A_112] : memref<80x1x128xi32, #tpu.memory_space<vmem>> -> memref<1x1x128xi32, #tpu.memory_space<vmem>>
      %dma_start3A_114 = tpu.memref_squeeze %dma_start3A_113 : memref<1x1x128xi32, #tpu.memory_space<vmem>> -> memref<128xi32, #tpu.memory_space<vmem>>
      %dma_start3A_115 = arith.constant 0 : i32
      %dma_start3A_116 = arith.constant 0 : i32
      %dma_start3A_117 = tpu.memref_slice %arg2[%dma_start3A_115, %dma_start3A_116] : memref<10000x128xf32, #tpu.memory_space<hbm>> -> memref<10000x128xf32, #tpu.memory_space<hbm>>
      tpu.enqueue_indirect_dma source(%dma_start3A_117 : memref<10000x128xf32, #tpu.memory_space<hbm>>) target(%arg12 : memref<128x128xf32, #tpu.memory_space<vmem>>) offsets(%dma_start3A_114 : memref<128xi32, #tpu.memory_space<vmem>>) semaphore(%arg14 : memref<!tpu.dma_semaphore, #tpu.memory_space<semaphore_mem>>)
      %dma_wait3A_118 = arith.constant 0 : i32
      %dma_wait3A_119 = arith.constant 0 : i32
      %dma_wait3A_120 = arith.constant 0 : i32
      %dma_wait3A_121 = tpu.memref_slice %arg8[%dma_wait3A_118, %dma_wait3A_119, %dma_wait3A_120] : memref<80x1x128xi32, #tpu.memory_space<vmem>> -> memref<1x1x128xi32, #tpu.memory_space<vmem>>
      %dma_wait3A_122 = tpu.memref_squeeze %dma_wait3A_121 : memref<1x1x128xi32, #tpu.memory_space<vmem>> -> memref<128xi32, #tpu.memory_space<vmem>>
      %dma_wait3A_123 = arith.constant 0 : i32
      %dma_wait3A_124 = arith.constant 0 : i32
      %dma_wait3A_125 = tpu.memref_slice %arg2[%dma_wait3A_123, %dma_wait3A_124] : memref<10000x128xf32, #tpu.memory_space<hbm>> -> memref<10000x128xf32, #tpu.memory_space<hbm>>
      tpu.wait_indirect_dma semaphore(%arg13 : memref<!tpu.dma_semaphore, #tpu.memory_space<semaphore_mem>>) src(%dma_wait3A_125 : memref<10000x128xf32, #tpu.memory_space<hbm>>) dst(%arg11 : memref<128x128xf32, #tpu.memory_space<vmem>>)
      %mul3A_126 = arith.constant 80 : i32
      %mul3A_127 = arith.muli %add3A, %mul3A_126 : i32
      %dma_wait3A_128 = arith.constant 0 : i32
      %dma_wait3A_129 = arith.constant 0 : i32
      %dma_wait3A_130 = tpu.memref_slice %arg4[%mul3A_127, %dma_wait3A_128, %dma_wait3A_129] : memref<2560x1x128xi32, #tpu.memory_space<hbm>> -> memref<1x1x128xi32, #tpu.memory_space<hbm>>
      %dma_wait3A_131 = tpu.memref_squeeze %dma_wait3A_130 : memref<1x1x128xi32, #tpu.memory_space<hbm>> -> memref<1x128xi32, #tpu.memory_space<hbm>>
      %dma_wait3A_132 = arith.constant 0 : i32
      %dma_wait3A_133 = arith.constant 0 : i32
      %dma_wait3A_134 = tpu.memref_slice %arg4[%mul3A_127, %dma_wait3A_132, %dma_wait3A_133] : memref<2560x1x128xi32, #tpu.memory_space<hbm>> -> memref<1x1x128xi32, #tpu.memory_space<hbm>>
      %dma_wait3A_135 = tpu.memref_squeeze %dma_wait3A_134 : memref<1x1x128xi32, #tpu.memory_space<hbm>> -> memref<1x128xi32, #tpu.memory_space<hbm>>
      tpu.wait_dma2 semaphore(%arg15 : memref<!tpu.dma_semaphore, #tpu.memory_space<semaphore_mem>>) src(%dma_wait3A_135 : memref<1x128xi32, #tpu.memory_space<hbm>>) dst(%arg9 : memref<1x128xi32, #tpu.memory_space<vmem>>)
      %run_scoped3A_136 = arith.constant 0 : i32
      "tpu.region"() ({
        %run_scoped3A_176 = tpu.sem_alloc : memref<!tpu.dma_semaphore, #tpu.memory_space<semaphore_mem>>
        %dma_start3A_177 = arith.constant 0 : i32
        %dma_start3A_178 = tpu.memref_slice %arg9[%run_scoped3A_136, %dma_start3A_177] : memref<1x128xi32, #tpu.memory_space<vmem>> -> memref<1x128xi32, #tpu.memory_space<vmem>>
        %dma_start3A_179 = tpu.memref_squeeze %dma_start3A_178 : memref<1x128xi32, #tpu.memory_space<vmem>> -> memref<128xi32, #tpu.memory_space<vmem>>
        %dma_start3A_180 = arith.constant 0 : i32
        %dma_start3A_181 = arith.constant 0 : i32
        %dma_start3A_182 = tpu.memref_slice %arg7[%dma_start3A_180, %dma_start3A_181] : memref<10240x128xf32, #tpu.memory_space<vmem_shared>> -> memref<10240x128xf32, #tpu.memory_space<vmem_shared>>
        tpu.enqueue_indirect_dma source(%arg11 : memref<128x128xf32, #tpu.memory_space<vmem>>) target(%dma_start3A_182 : memref<10240x128xf32, #tpu.memory_space<vmem_shared>>) offsets(%dma_start3A_179 : memref<128xi32, #tpu.memory_space<vmem>>) semaphore(%run_scoped3A_176 : memref<!tpu.dma_semaphore, #tpu.memory_space<semaphore_mem>>) {add = true}
        %dma_wait3A_183 = arith.constant 0 : i32
        %dma_wait3A_184 = tpu.memref_slice %arg9[%run_scoped3A_136, %dma_wait3A_183] : memref<1x128xi32, #tpu.memory_space<vmem>> -> memref<1x128xi32, #tpu.memory_space<vmem>>
        %dma_wait3A_185 = tpu.memref_squeeze %dma_wait3A_184 : memref<1x128xi32, #tpu.memory_space<vmem>> -> memref<128xi32, #tpu.memory_space<vmem>>
        %dma_wait3A_186 = arith.constant 0 : i32
        %dma_wait3A_187 = arith.constant 0 : i32
        %dma_wait3A_188 = tpu.memref_slice %arg7[%dma_wait3A_186, %dma_wait3A_187] : memref<10240x128xf32, #tpu.memory_space<vmem_shared>> -> memref<10240x128xf32, #tpu.memory_space<vmem_shared>>
        tpu.wait_indirect_dma semaphore(%run_scoped3A_176 : memref<!tpu.dma_semaphore, #tpu.memory_space<semaphore_mem>>) src(%arg11 : memref<128x128xf32, #tpu.memory_space<vmem>>) dst(%dma_wait3A_188 : memref<10240x128xf32, #tpu.memory_space<vmem_shared>>)
        tpu.yield
      }) : () -> ()
      %add3A_137 = arith.constant 2 : i32
      %add3A_138 = arith.addi %mul3A_97, %add3A_137 : i32
      %mul3A_139 = arith.constant 80 : i32
      %mul3A_140 = arith.muli %add3A, %mul3A_139 : i32
      %add3A_141 = arith.addi %mul3A_140, %add3A_138 : i32
      %dma_start3A_142 = arith.constant 0 : i32
      %dma_start3A_143 = arith.constant 0 : i32
      %dma_start3A_144 = tpu.memref_slice %arg4[%add3A_141, %dma_start3A_142, %dma_start3A_143] : memref<2560x1x128xi32, #tpu.memory_space<hbm>> -> memref<1x1x128xi32, #tpu.memory_space<hbm>>
      %dma_start3A_145 = tpu.memref_squeeze %dma_start3A_144 : memref<1x1x128xi32, #tpu.memory_space<hbm>> -> memref<1x128xi32, #tpu.memory_space<hbm>>
      %dma_start3A_146 = arith.constant 0 : i32
      %dma_start3A_147 = arith.constant 0 : i32
      %dma_start3A_148 = tpu.memref_slice %arg4[%add3A_141, %dma_start3A_146, %dma_start3A_147] : memref<2560x1x128xi32, #tpu.memory_space<hbm>> -> memref<1x1x128xi32, #tpu.memory_space<hbm>>
      %dma_start3A_149 = tpu.memref_squeeze %dma_start3A_148 : memref<1x1x128xi32, #tpu.memory_space<hbm>> -> memref<1x128xi32, #tpu.memory_space<hbm>>
      tpu.enqueue_dma source(%dma_start3A_149 : memref<1x128xi32, #tpu.memory_space<hbm>>) target(%arg9 : memref<1x128xi32, #tpu.memory_space<vmem>>) target_semaphore(%arg15 : memref<!tpu.dma_semaphore, #tpu.memory_space<semaphore_mem>>)
      %dma_start3A_150 = arith.constant 0 : i32
      %dma_start3A_151 = arith.constant 0 : i32
      %dma_start3A_152 = tpu.memref_slice %arg8[%add3A_138, %dma_start3A_150, %dma_start3A_151] : memref<80x1x128xi32, #tpu.memory_space<vmem>> -> memref<1x1x128xi32, #tpu.memory_space<vmem>>
      %dma_start3A_153 = tpu.memref_squeeze %dma_start3A_152 : memref<1x1x128xi32, #tpu.memory_space<vmem>> -> memref<128xi32, #tpu.memory_space<vmem>>
      %dma_start3A_154 = arith.constant 0 : i32
      %dma_start3A_155 = arith.constant 0 : i32
      %dma_start3A_156 = tpu.memref_slice %arg2[%dma_start3A_154, %dma_start3A_155] : memref<10000x128xf32, #tpu.memory_space<hbm>> -> memref<10000x128xf32, #tpu.memory_space<hbm>>
      tpu.enqueue_indirect_dma source(%dma_start3A_156 : memref<10000x128xf32, #tpu.memory_space<hbm>>) target(%arg11 : memref<128x128xf32, #tpu.memory_space<vmem>>) offsets(%dma_start3A_153 : memref<128xi32, #tpu.memory_space<vmem>>) semaphore(%arg13 : memref<!tpu.dma_semaphore, #tpu.memory_space<semaphore_mem>>)
      %dma_wait3A_157 = arith.constant 0 : i32
      %dma_wait3A_158 = arith.constant 0 : i32
      %dma_wait3A_159 = arith.constant 0 : i32
      %dma_wait3A_160 = tpu.memref_slice %arg8[%dma_wait3A_157, %dma_wait3A_158, %dma_wait3A_159] : memref<80x1x128xi32, #tpu.memory_space<vmem>> -> memref<1x1x128xi32, #tpu.memory_space<vmem>>
      %dma_wait3A_161 = tpu.memref_squeeze %dma_wait3A_160 : memref<1x1x128xi32, #tpu.memory_space<vmem>> -> memref<128xi32, #tpu.memory_space<vmem>>
      %dma_wait3A_162 = arith.constant 0 : i32
      %dma_wait3A_163 = arith.constant 0 : i32
      %dma_wait3A_164 = tpu.memref_slice %arg2[%dma_wait3A_162, %dma_wait3A_163] : memref<10000x128xf32, #tpu.memory_space<hbm>> -> memref<10000x128xf32, #tpu.memory_space<hbm>>
      tpu.wait_indirect_dma semaphore(%arg14 : memref<!tpu.dma_semaphore, #tpu.memory_space<semaphore_mem>>) src(%dma_wait3A_164 : memref<10000x128xf32, #tpu.memory_space<hbm>>) dst(%arg12 : memref<128x128xf32, #tpu.memory_space<vmem>>)
      %mul3A_165 = arith.constant 80 : i32
      %mul3A_166 = arith.muli %add3A, %mul3A_165 : i32
      %dma_wait3A_167 = arith.constant 0 : i32
      %dma_wait3A_168 = arith.constant 0 : i32
      %dma_wait3A_169 = tpu.memref_slice %arg4[%mul3A_166, %dma_wait3A_167, %dma_wait3A_168] : memref<2560x1x128xi32, #tpu.memory_space<hbm>> -> memref<1x1x128xi32, #tpu.memory_space<hbm>>
      %dma_wait3A_170 = tpu.memref_squeeze %dma_wait3A_169 : memref<1x1x128xi32, #tpu.memory_space<hbm>> -> memref<1x128xi32, #tpu.memory_space<hbm>>
      %dma_wait3A_171 = arith.constant 0 : i32
      %dma_wait3A_172 = arith.constant 0 : i32
      %dma_wait3A_173 = tpu.memref_slice %arg4[%mul3A_166, %dma_wait3A_171, %dma_wait3A_172] : memref<2560x1x128xi32, #tpu.memory_space<hbm>> -> memref<1x1x128xi32, #tpu.memory_space<hbm>>
      %dma_wait3A_174 = tpu.memref_squeeze %dma_wait3A_173 : memref<1x1x128xi32, #tpu.memory_space<hbm>> -> memref<1x128xi32, #tpu.memory_space<hbm>>
      tpu.wait_dma2 semaphore(%arg16 : memref<!tpu.dma_semaphore, #tpu.memory_space<semaphore_mem>>) src(%dma_wait3A_174 : memref<1x128xi32, #tpu.memory_space<hbm>>) dst(%arg10 : memref<1x128xi32, #tpu.memory_space<vmem>>)
      %run_scoped3A_175 = arith.constant 0 : i32
      "tpu.region"() ({
        %run_scoped3A_176 = tpu.sem_alloc : memref<!tpu.dma_semaphore, #tpu.memory_space<semaphore_mem>>
        %dma_start3A_177 = arith.constant 0 : i32
        %dma_start3A_178 = tpu.memref_slice %arg10[%run_scoped3A_175, %dma_start3A_177] : memref<1x128xi32, #tpu.memory_space<vmem>> -> memref<1x128xi32, #tpu.memory_space<vmem>>
        %dma_start3A_179 = tpu.memref_squeeze %dma_start3A_178 : memref<1x128xi32, #tpu.memory_space<vmem>> -> memref<128xi32, #tpu.memory_space<vmem>>
        %dma_start3A_180 = arith.constant 0 : i32
        %dma_start3A_181 = arith.constant 0 : i32
        %dma_start3A_182 = tpu.memref_slice %arg7[%dma_start3A_180, %dma_start3A_181] : memref<10240x128xf32, #tpu.memory_space<vmem_shared>> -> memref<10240x128xf32, #tpu.memory_space<vmem_shared>>
        tpu.enqueue_indirect_dma source(%arg12 : memref<128x128xf32, #tpu.memory_space<vmem>>) target(%dma_start3A_182 : memref<10240x128xf32, #tpu.memory_space<vmem_shared>>) offsets(%dma_start3A_179 : memref<128xi32, #tpu.memory_space<vmem>>) semaphore(%run_scoped3A_176 : memref<!tpu.dma_semaphore, #tpu.memory_space<semaphore_mem>>) {add = true}
        %dma_wait3A_183 = arith.constant 0 : i32
        %dma_wait3A_184 = tpu.memref_slice %arg10[%run_scoped3A_175, %dma_wait3A_183] : memref<1x128xi32, #tpu.memory_space<vmem>> -> memref<1x128xi32, #tpu.memory_space<vmem>>
        %dma_wait3A_185 = tpu.memref_squeeze %dma_wait3A_184 : memref<1x128xi32, #tpu.memory_space<vmem>> -> memref<128xi32, #tpu.memory_space<vmem>>
        %dma_wait3A_186 = arith.constant 0 : i32
        %dma_wait3A_187 = arith.constant 0 : i32
        %dma_wait3A_188 = tpu.memref_slice %arg7[%dma_wait3A_186, %dma_wait3A_187] : memref<10240x128xf32, #tpu.memory_space<vmem_shared>> -> memref<10240x128xf32, #tpu.memory_space<vmem_shared>>
        tpu.wait_indirect_dma semaphore(%run_scoped3A_176 : memref<!tpu.dma_semaphore, #tpu.memory_space<semaphore_mem>>) src(%arg12 : memref<128x128xf32, #tpu.memory_space<vmem>>) dst(%dma_wait3A_188 : memref<10240x128xf32, #tpu.memory_space<vmem_shared>>)
        tpu.yield
      }) : () -> ()
    }
    %scan3A_29 = arith.constant 39 : i32
    %mul3A_30 = arith.constant 80 : i32
    %mul3A_31 = arith.muli %add3A, %mul3A_30 : i32
    %add3A_32 = arith.constant 79 : i32
    %add3A_33 = arith.addi %mul3A_31, %add3A_32 : i32
    %dma_start3A_34 = arith.constant 0 : i32
    %dma_start3A_35 = arith.constant 0 : i32
    %dma_start3A_36 = tpu.memref_slice %arg4[%add3A_33, %dma_start3A_34, %dma_start3A_35] : memref<2560x1x128xi32, #tpu.memory_space<hbm>> -> memref<1x1x128xi32, #tpu.memory_space<hbm>>
    %dma_start3A_37 = tpu.memref_squeeze %dma_start3A_36 : memref<1x1x128xi32, #tpu.memory_space<hbm>> -> memref<1x128xi32, #tpu.memory_space<hbm>>
    %dma_start3A_38 = arith.constant 0 : i32
    %dma_start3A_39 = arith.constant 0 : i32
    %dma_start3A_40 = tpu.memref_slice %arg4[%add3A_33, %dma_start3A_38, %dma_start3A_39] : memref<2560x1x128xi32, #tpu.memory_space<hbm>> -> memref<1x1x128xi32, #tpu.memory_space<hbm>>
    %dma_start3A_41 = tpu.memref_squeeze %dma_start3A_40 : memref<1x1x128xi32, #tpu.memory_space<hbm>> -> memref<1x128xi32, #tpu.memory_space<hbm>>
    tpu.enqueue_dma source(%dma_start3A_41 : memref<1x128xi32, #tpu.memory_space<hbm>>) target(%arg10 : memref<1x128xi32, #tpu.memory_space<vmem>>) target_semaphore(%arg16 : memref<!tpu.dma_semaphore, #tpu.memory_space<semaphore_mem>>)
    %dma_start3A_42 = arith.constant 79 : i32
    %dma_start3A_43 = arith.constant 0 : i32
    %dma_start3A_44 = arith.constant 0 : i32
    %dma_start3A_45 = tpu.memref_slice %arg8[%dma_start3A_42, %dma_start3A_43, %dma_start3A_44] : memref<80x1x128xi32, #tpu.memory_space<vmem>> -> memref<1x1x128xi32, #tpu.memory_space<vmem>>
    %dma_start3A_46 = tpu.memref_squeeze %dma_start3A_45 : memref<1x1x128xi32, #tpu.memory_space<vmem>> -> memref<128xi32, #tpu.memory_space<vmem>>
    %dma_start3A_47 = arith.constant 0 : i32
    %dma_start3A_48 = arith.constant 0 : i32
    %dma_start3A_49 = tpu.memref_slice %arg2[%dma_start3A_47, %dma_start3A_48] : memref<10000x128xf32, #tpu.memory_space<hbm>> -> memref<10000x128xf32, #tpu.memory_space<hbm>>
    tpu.enqueue_indirect_dma source(%dma_start3A_49 : memref<10000x128xf32, #tpu.memory_space<hbm>>) target(%arg12 : memref<128x128xf32, #tpu.memory_space<vmem>>) offsets(%dma_start3A_46 : memref<128xi32, #tpu.memory_space<vmem>>) semaphore(%arg14 : memref<!tpu.dma_semaphore, #tpu.memory_space<semaphore_mem>>)
    %dma_wait3A = arith.constant 0 : i32
    %dma_wait3A_50 = arith.constant 0 : i32
    %dma_wait3A_51 = arith.constant 0 : i32
    %dma_wait3A_52 = tpu.memref_slice %arg8[%dma_wait3A, %dma_wait3A_50, %dma_wait3A_51] : memref<80x1x128xi32, #tpu.memory_space<vmem>> -> memref<1x1x128xi32, #tpu.memory_space<vmem>>
    %dma_wait3A_53 = tpu.memref_squeeze %dma_wait3A_52 : memref<1x1x128xi32, #tpu.memory_space<vmem>> -> memref<128xi32, #tpu.memory_space<vmem>>
    %dma_wait3A_54 = arith.constant 0 : i32
    %dma_wait3A_55 = arith.constant 0 : i32
    %dma_wait3A_56 = tpu.memref_slice %arg2[%dma_wait3A_54, %dma_wait3A_55] : memref<10000x128xf32, #tpu.memory_space<hbm>> -> memref<10000x128xf32, #tpu.memory_space<hbm>>
    tpu.wait_indirect_dma semaphore(%arg13 : memref<!tpu.dma_semaphore, #tpu.memory_space<semaphore_mem>>) src(%dma_wait3A_56 : memref<10000x128xf32, #tpu.memory_space<hbm>>) dst(%arg11 : memref<128x128xf32, #tpu.memory_space<vmem>>)
    %mul3A_57 = arith.constant 80 : i32
    %mul3A_58 = arith.muli %add3A, %mul3A_57 : i32
    %dma_wait3A_59 = arith.constant 0 : i32
    %dma_wait3A_60 = arith.constant 0 : i32
    %dma_wait3A_61 = tpu.memref_slice %arg4[%mul3A_58, %dma_wait3A_59, %dma_wait3A_60] : memref<2560x1x128xi32, #tpu.memory_space<hbm>> -> memref<1x1x128xi32, #tpu.memory_space<hbm>>
    %dma_wait3A_62 = tpu.memref_squeeze %dma_wait3A_61 : memref<1x1x128xi32, #tpu.memory_space<hbm>> -> memref<1x128xi32, #tpu.memory_space<hbm>>
    %dma_wait3A_63 = arith.constant 0 : i32
    %dma_wait3A_64 = arith.constant 0 : i32
    %dma_wait3A_65 = tpu.memref_slice %arg4[%mul3A_58, %dma_wait3A_63, %dma_wait3A_64] : memref<2560x1x128xi32, #tpu.memory_space<hbm>> -> memref<1x1x128xi32, #tpu.memory_space<hbm>>
    %dma_wait3A_66 = tpu.memref_squeeze %dma_wait3A_65 : memref<1x1x128xi32, #tpu.memory_space<hbm>> -> memref<1x128xi32, #tpu.memory_space<hbm>>
    tpu.wait_dma2 semaphore(%arg15 : memref<!tpu.dma_semaphore, #tpu.memory_space<semaphore_mem>>) src(%dma_wait3A_66 : memref<1x128xi32, #tpu.memory_space<hbm>>) dst(%arg9 : memref<1x128xi32, #tpu.memory_space<vmem>>)
    %run_scoped3A = arith.constant 0 : i32
    "tpu.region"() ({
      %run_scoped3A_91 = tpu.sem_alloc : memref<!tpu.dma_semaphore, #tpu.memory_space<semaphore_mem>>
      %dma_start3A_92 = arith.constant 0 : i32
      %dma_start3A_93 = tpu.memref_slice %arg9[%run_scoped3A, %dma_start3A_92] : memref<1x128xi32, #tpu.memory_space<vmem>> -> memref<1x128xi32, #tpu.memory_space<vmem>>
      %dma_start3A_94 = tpu.memref_squeeze %dma_start3A_93 : memref<1x128xi32, #tpu.memory_space<vmem>> -> memref<128xi32, #tpu.memory_space<vmem>>
      %dma_start3A_95 = arith.constant 0 : i32
      %dma_start3A_96 = arith.constant 0 : i32
      %dma_start3A_97 = tpu.memref_slice %arg7[%dma_start3A_95, %dma_start3A_96] : memref<10240x128xf32, #tpu.memory_space<vmem_shared>> -> memref<10240x128xf32, #tpu.memory_space<vmem_shared>>
      tpu.enqueue_indirect_dma source(%arg11 : memref<128x128xf32, #tpu.memory_space<vmem>>) target(%dma_start3A_97 : memref<10240x128xf32, #tpu.memory_space<vmem_shared>>) offsets(%dma_start3A_94 : memref<128xi32, #tpu.memory_space<vmem>>) semaphore(%run_scoped3A_91 : memref<!tpu.dma_semaphore, #tpu.memory_space<semaphore_mem>>) {add = true}
      %dma_wait3A_98 = arith.constant 0 : i32
      %dma_wait3A_99 = tpu.memref_slice %arg9[%run_scoped3A, %dma_wait3A_98] : memref<1x128xi32, #tpu.memory_space<vmem>> -> memref<1x128xi32, #tpu.memory_space<vmem>>
      %dma_wait3A_100 = tpu.memref_squeeze %dma_wait3A_99 : memref<1x128xi32, #tpu.memory_space<vmem>> -> memref<128xi32, #tpu.memory_space<vmem>>
      %dma_wait3A_101 = arith.constant 0 : i32
      %dma_wait3A_102 = arith.constant 0 : i32
      %dma_wait3A_103 = tpu.memref_slice %arg7[%dma_wait3A_101, %dma_wait3A_102] : memref<10240x128xf32, #tpu.memory_space<vmem_shared>> -> memref<10240x128xf32, #tpu.memory_space<vmem_shared>>
      tpu.wait_indirect_dma semaphore(%run_scoped3A_91 : memref<!tpu.dma_semaphore, #tpu.memory_space<semaphore_mem>>) src(%arg11 : memref<128x128xf32, #tpu.memory_space<vmem>>) dst(%dma_wait3A_103 : memref<10240x128xf32, #tpu.memory_space<vmem_shared>>)
      tpu.yield
    }) : () -> ()
    %dma_wait3A_67 = arith.constant 0 : i32
    %dma_wait3A_68 = arith.constant 0 : i32
    %dma_wait3A_69 = arith.constant 0 : i32
    %dma_wait3A_70 = tpu.memref_slice %arg8[%dma_wait3A_67, %dma_wait3A_68, %dma_wait3A_69] : memref<80x1x128xi32, #tpu.memory_space<vmem>> -> memref<1x1x128xi32, #tpu.memory_space<vmem>>
    %dma_wait3A_71 = tpu.memref_squeeze %dma_wait3A_70 : memref<1x1x128xi32, #tpu.memory_space<vmem>> -> memref<128xi32, #tpu.memory_space<vmem>>
    %dma_wait3A_72 = arith.constant 0 : i32
    %dma_wait3A_73 = arith.constant 0 : i32
    %dma_wait3A_74 = tpu.memref_slice %arg2[%dma_wait3A_72, %dma_wait3A_73] : memref<10000x128xf32, #tpu.memory_space<hbm>> -> memref<10000x128xf32, #tpu.memory_space<hbm>>
    tpu.wait_indirect_dma semaphore(%arg14 : memref<!tpu.dma_semaphore, #tpu.memory_space<semaphore_mem>>) src(%dma_wait3A_74 : memref<10000x128xf32, #tpu.memory_space<hbm>>) dst(%arg12 : memref<128x128xf32, #tpu.memory_space<vmem>>)
    %mul3A_75 = arith.constant 80 : i32
    %mul3A_76 = arith.muli %add3A, %mul3A_75 : i32
    %dma_wait3A_77 = arith.constant 0 : i32
    %dma_wait3A_78 = arith.constant 0 : i32
    %dma_wait3A_79 = tpu.memref_slice %arg4[%mul3A_76, %dma_wait3A_77, %dma_wait3A_78] : memref<2560x1x128xi32, #tpu.memory_space<hbm>> -> memref<1x1x128xi32, #tpu.memory_space<hbm>>
    %dma_wait3A_80 = tpu.memref_squeeze %dma_wait3A_79 : memref<1x1x128xi32, #tpu.memory_space<hbm>> -> memref<1x128xi32, #tpu.memory_space<hbm>>
    %dma_wait3A_81 = arith.constant 0 : i32
    %dma_wait3A_82 = arith.constant 0 : i32
    %dma_wait3A_83 = tpu.memref_slice %arg4[%mul3A_76, %dma_wait3A_81, %dma_wait3A_82] : memref<2560x1x128xi32, #tpu.memory_space<hbm>> -> memref<1x1x128xi32, #tpu.memory_space<hbm>>
    %dma_wait3A_84 = tpu.memref_squeeze %dma_wait3A_83 : memref<1x1x128xi32, #tpu.memory_space<hbm>> -> memref<1x128xi32, #tpu.memory_space<hbm>>
    tpu.wait_dma2 semaphore(%arg16 : memref<!tpu.dma_semaphore, #tpu.memory_space<semaphore_mem>>) src(%dma_wait3A_84 : memref<1x128xi32, #tpu.memory_space<hbm>>) dst(%arg10 : memref<1x128xi32, #tpu.memory_space<vmem>>)
    %run_scoped3A_85 = arith.constant 0 : i32
    "tpu.region"() ({
      %run_scoped3A_91 = tpu.sem_alloc : memref<!tpu.dma_semaphore, #tpu.memory_space<semaphore_mem>>
      %dma_start3A_92 = arith.constant 0 : i32
      %dma_start3A_93 = tpu.memref_slice %arg10[%run_scoped3A_85, %dma_start3A_92] : memref<1x128xi32, #tpu.memory_space<vmem>> -> memref<1x128xi32, #tpu.memory_space<vmem>>
      %dma_start3A_94 = tpu.memref_squeeze %dma_start3A_93 : memref<1x128xi32, #tpu.memory_space<vmem>> -> memref<128xi32, #tpu.memory_space<vmem>>
      %dma_start3A_95 = arith.constant 0 : i32
      %dma_start3A_96 = arith.constant 0 : i32
      %dma_start3A_97 = tpu.memref_slice %arg7[%dma_start3A_95, %dma_start3A_96] : memref<10240x128xf32, #tpu.memory_space<vmem_shared>> -> memref<10240x128xf32, #tpu.memory_space<vmem_shared>>
      tpu.enqueue_indirect_dma source(%arg12 : memref<128x128xf32, #tpu.memory_space<vmem>>) target(%dma_start3A_97 : memref<10240x128xf32, #tpu.memory_space<vmem_shared>>) offsets(%dma_start3A_94 : memref<128xi32, #tpu.memory_space<vmem>>) semaphore(%run_scoped3A_91 : memref<!tpu.dma_semaphore, #tpu.memory_space<semaphore_mem>>) {add = true}
      %dma_wait3A_98 = arith.constant 0 : i32
      %dma_wait3A_99 = tpu.memref_slice %arg10[%run_scoped3A_85, %dma_wait3A_98] : memref<1x128xi32, #tpu.memory_space<vmem>> -> memref<1x128xi32, #tpu.memory_space<vmem>>
      %dma_wait3A_100 = tpu.memref_squeeze %dma_wait3A_99 : memref<1x128xi32, #tpu.memory_space<vmem>> -> memref<128xi32, #tpu.memory_space<vmem>>
      %dma_wait3A_101 = arith.constant 0 : i32
      %dma_wait3A_102 = arith.constant 0 : i32
      %dma_wait3A_103 = tpu.memref_slice %arg7[%dma_wait3A_101, %dma_wait3A_102] : memref<10240x128xf32, #tpu.memory_space<vmem_shared>> -> memref<10240x128xf32, #tpu.memory_space<vmem_shared>>
      tpu.wait_indirect_dma semaphore(%run_scoped3A_91 : memref<!tpu.dma_semaphore, #tpu.memory_space<semaphore_mem>>) src(%arg12 : memref<128x128xf32, #tpu.memory_space<vmem>>) dst(%dma_wait3A_103 : memref<10240x128xf32, #tpu.memory_space<vmem_shared>>)
      tpu.yield
    }) : () -> ()
    %barrier3A_86 = arith.constant 0 : index
    tpu.barrier barrier_id(%barrier3A_86)
    %mul3A_87 = arith.constant 640 : i32
    %mul3A_88 = arith.muli %arg1, %mul3A_87 : i32
    %mul3A_89 = arith.constant 640 : i32
    %mul3A_90 = arith.muli %arg1, %mul3A_89 : i32
    "tpu.region"() ({
      %run_scoped3A_91 = tpu.sem_alloc : memref<!tpu.dma_semaphore, #tpu.memory_space<semaphore_mem>>
      %dma_start3A_92 = arith.constant 0 : i32
      %dma_start3A_93 = tpu.memref_slice %arg6[%arg0, %mul3A_90, %dma_start3A_92] : memref<2x10240x128xf32, #tpu.memory_space<hbm>> -> memref<1x640x128xf32, #tpu.memory_space<hbm>>
      %dma_start3A_94 = tpu.memref_squeeze %dma_start3A_93 : memref<1x640x128xf32, #tpu.memory_space<hbm>> -> memref<640x128xf32, #tpu.memory_space<hbm>>
      %dma_start3A_95 = arith.constant 0 : i32
      %dma_start3A_96 = tpu.memref_slice %arg7[%mul3A_88, %dma_start3A_95] : memref<10240x128xf32, #tpu.memory_space<vmem_shared>> -> memref<640x128xf32, #tpu.memory_space<vmem_shared>>
      tpu.enqueue_dma source(%dma_start3A_96 : memref<640x128xf32, #tpu.memory_space<vmem_shared>>) target(%dma_start3A_94 : memref<640x128xf32, #tpu.memory_space<hbm>>) target_semaphore(%run_scoped3A_91 : memref<!tpu.dma_semaphore, #tpu.memory_space<semaphore_mem>>)
      %dma_wait3A_97 = arith.constant 0 : i32
      %dma_wait3A_98 = tpu.memref_slice %arg6[%arg0, %mul3A_90, %dma_wait3A_97] : memref<2x10240x128xf32, #tpu.memory_space<hbm>> -> memref<1x640x128xf32, #tpu.memory_space<hbm>>
      %dma_wait3A_99 = tpu.memref_squeeze %dma_wait3A_98 : memref<1x640x128xf32, #tpu.memory_space<hbm>> -> memref<640x128xf32, #tpu.memory_space<hbm>>
      %dma_wait3A_100 = arith.constant 0 : i32
      %dma_wait3A_101 = tpu.memref_slice %arg7[%mul3A_88, %dma_wait3A_100] : memref<10240x128xf32, #tpu.memory_space<vmem_shared>> -> memref<640x128xf32, #tpu.memory_space<vmem_shared>>
      tpu.wait_dma2 semaphore(%run_scoped3A_91 : memref<!tpu.dma_semaphore, #tpu.memory_space<semaphore_mem>>) src(%dma_wait3A_101 : memref<640x128xf32, #tpu.memory_space<vmem_shared>>) dst(%dma_wait3A_99 : memref<640x128xf32, #tpu.memory_space<hbm>>)
      tpu.yield
    }) : () -> ()
    return
  }
}

#map = affine_map<(d0, d1) -> (0, 0)>
#map1 = affine_map<(d0, d1) -> (0, 0, 0)>
module attributes {stable_mosaic.version = 14 : i64} {
  func.func @matvec_kernel(%arg0: i32, %arg1: i32, %arg2: memref<10000x128xf32, #tpu.memory_space<hbm>>, %arg3: memref<2560x1x128xi32, #tpu.memory_space<hbm>>, %arg4: memref<2560x1x128xi32, #tpu.memory_space<hbm>>, %arg5: memref<10240x128xf32, #tpu.memory_space<hbm>>, %arg6: memref<2x10240x128xf32, #tpu.memory_space<hbm>>, %arg7: memref<10240x128xf32, #tpu.memory_space<vmem_shared>>, %arg8: memref<80x1x128xi32, #tpu.memory_space<vmem>>, %arg9: memref<1x128xi32, #tpu.memory_space<vmem>>, %arg10: memref<1x128xi32, #tpu.memory_space<vmem>>, %arg11: memref<128x128xf32, #tpu.memory_space<vmem>>, %arg12: memref<128x128xf32, #tpu.memory_space<vmem>>, %arg13: memref<!tpu.dma_semaphore, #tpu.memory_space<semaphore_mem>>, %arg14: memref<!tpu.dma_semaphore, #tpu.memory_space<semaphore_mem>>, %arg15: memref<!tpu.dma_semaphore, #tpu.memory_space<semaphore_mem>>, %arg16: memref<!tpu.dma_semaphore, #tpu.memory_space<semaphore_mem>>) attributes {dimension_semantics = [#tpu.dimension_semantics<core_parallel>, #tpu.dimension_semantics<subcore_parallel>], iteration_bounds = array<i64: 2, 16>, scalar_prefetch = 0 : i64, scratch_operands = 10 : i64, tpu.core_type = #tpu.core_type<sc_vector_subcore>, window_params = [{transform_indices = #map}, {transform_indices = #map1}, {transform_indices = #map1}, {transform_indices = #map}, {transform_indices = #map1}]} {
    %mul3A = arith.constant 2 : i32
    %mul3A_0 = arith.muli %arg1, %mul3A : i32
    %add3A = arith.addi %mul3A_0, %arg0 : i32
    %mul3A_1 = arith.constant 640 : i32
    %mul3A_2 = arith.muli %arg1, %mul3A_1 : i32
    %mul3A_3 = arith.constant 640 : i32
    %mul3A_4 = arith.muli %arg1, %mul3A_3 : i32
    "tpu.region"() ({
      %run_scoped3A_91 = tpu.sem_alloc : memref<!tpu.dma_semaphore, #tpu.memory_space<semaphore_mem>>
      %dma_start3A_92 = arith.constant 0 : i32
      %dma_start3A_93 = tpu.memref_slice %arg7[%mul3A_4, %dma_start3A_92] : memref<10240x128xf32, #tpu.memory_space<vmem_shared>> -> memref<640x128xf32, #tpu.memory_space<vmem_shared>>
      %dma_start3A_94 = arith.constant 0 : i32
      %dma_start3A_95 = tpu.memref_slice %arg5[%mul3A_2, %dma_start3A_94] : memref<10240x128xf32, #tpu.memory_space<hbm>> -> memref<640x128xf32, #tpu.memory_space<hbm>>
      tpu.enqueue_dma source(%dma_start3A_95 : memref<640x128xf32, #tpu.memory_space<hbm>>) target(%dma_start3A_93 : memref<640x128xf32, #tpu.memory_space<vmem_shared>>) target_semaphore(%run_scoped3A_91 : memref<!tpu.dma_semaphore, #tpu.memory_space<semaphore_mem>>)
      %dma_wait3A_96 = arith.constant 0 : i32
      %dma_wait3A_97 = tpu.memref_slice %arg7[%mul3A_4, %dma_wait3A_96] : memref<10240x128xf32, #tpu.memory_space<vmem_shared>> -> memref<640x128xf32, #tpu.memory_space<vmem_shared>>
      %dma_wait3A_98 = arith.constant 0 : i32
      %dma_wait3A_99 = tpu.memref_slice %arg5[%mul3A_2, %dma_wait3A_98] : memref<10240x128xf32, #tpu.memory_space<hbm>> -> memref<640x128xf32, #tpu.memory_space<hbm>>
      tpu.wait_dma2 semaphore(%run_scoped3A_91 : memref<!tpu.dma_semaphore, #tpu.memory_space<semaphore_mem>>) src(%dma_wait3A_99 : memref<640x128xf32, #tpu.memory_space<hbm>>) dst(%dma_wait3A_97 : memref<640x128xf32, #tpu.memory_space<vmem_shared>>)
      tpu.yield
    }) : () -> ()
    %mul3A_5 = arith.constant 80 : i32
    %mul3A_6 = arith.muli %add3A, %mul3A_5 : i32
    "tpu.region"() ({
      %run_scoped3A_91 = tpu.sem_alloc : memref<!tpu.dma_semaphore, #tpu.memory_space<semaphore_mem>>
      %dma_start3A_92 = arith.constant 0 : i32
      %dma_start3A_93 = arith.constant 0 : i32
      %dma_start3A_94 = tpu.memref_slice %arg3[%mul3A_6, %dma_start3A_92, %dma_start3A_93] : memref<2560x1x128xi32, #tpu.memory_space<hbm>> -> memref<80x1x128xi32, #tpu.memory_space<hbm>>
      %dma_start3A_95 = arith.constant 0 : i32
      %dma_start3A_96 = arith.constant 0 : i32
      %dma_start3A_97 = tpu.memref_slice %arg3[%mul3A_6, %dma_start3A_95, %dma_start3A_96] : memref<2560x1x128xi32, #tpu.memory_space<hbm>> -> memref<80x1x128xi32, #tpu.memory_space<hbm>>
      tpu.enqueue_dma source(%dma_start3A_97 : memref<80x1x128xi32, #tpu.memory_space<hbm>>) target(%arg8 : memref<80x1x128xi32, #tpu.memory_space<vmem>>) target_semaphore(%run_scoped3A_91 : memref<!tpu.dma_semaphore, #tpu.memory_space<semaphore_mem>>)
      %dma_wait3A_98 = arith.constant 0 : i32
      %dma_wait3A_99 = arith.constant 0 : i32
      %dma_wait3A_100 = tpu.memref_slice %arg3[%mul3A_6, %dma_wait3A_98, %dma_wait3A_99] : memref<2560x1x128xi32, #tpu.memory_space<hbm>> -> memref<80x1x128xi32, #tpu.memory_space<hbm>>
      %dma_wait3A_101 = arith.constant 0 : i32
      %dma_wait3A_102 = arith.constant 0 : i32
      %dma_wait3A_103 = tpu.memref_slice %arg3[%mul3A_6, %dma_wait3A_101, %dma_wait3A_102] : memref<2560x1x128xi32, #tpu.memory_space<hbm>> -> memref<80x1x128xi32, #tpu.memory_space<hbm>>
      tpu.wait_dma2 semaphore(%run_scoped3A_91 : memref<!tpu.dma_semaphore, #tpu.memory_space<semaphore_mem>>) src(%dma_wait3A_103 : memref<80x1x128xi32, #tpu.memory_space<hbm>>) dst(%arg8 : memref<80x1x128xi32, #tpu.memory_space<vmem>>)
      tpu.yield
    }) : () -> ()
    %barrier3A = arith.constant 0 : index
    tpu.barrier barrier_id(%barrier3A)
    %mul3A_7 = arith.constant 80 : i32
    %mul3A_8 = arith.muli %add3A, %mul3A_7 : i32
    %add3A_9 = arith.constant 0 : i32
    %add3A_10 = arith.addi %mul3A_8, %add3A_9 : i32
    %dma_start3A = arith.constant 0 : i32
    %dma_start3A_11 = arith.constant 0 : i32
    %dma_start3A_12 = tpu.memref_slice %arg4[%add3A_10, %dma_start3A, %dma_start3A_11] : memref<2560x1x128xi32, #tpu.memory_space<hbm>> -> memref<1x1x128xi32, #tpu.memory_space<hbm>>
    %dma_start3A_13 = tpu.memref_squeeze %dma_start3A_12 : memref<1x1x128xi32, #tpu.memory_space<hbm>> -> memref<1x128xi32, #tpu.memory_space<hbm>>
    %dma_start3A_14 = arith.constant 0 : i32
    %dma_start3A_15 = arith.constant 0 : i32
    %dma_start3A_16 = tpu.memref_slice %arg4[%add3A_10, %dma_start3A_14, %dma_start3A_15] : memref<2560x1x128xi32, #tpu.memory_space<hbm>> -> memref<1x1x128xi32, #tpu.memory_space<hbm>>
    %dma_start3A_17 = tpu.memref_squeeze %dma_start3A_16 : memref<1x1x128xi32, #tpu.memory_space<hbm>> -> memref<1x128xi32, #tpu.memory_space<hbm>>
    tpu.enqueue_dma source(%dma_start3A_17 : memref<1x128xi32, #tpu.memory_space<hbm>>) target(%arg9 : memref<1x128xi32, #tpu.memory_space<vmem>>) target_semaphore(%arg15 : memref<!tpu.dma_semaphore, #tpu.memory_space<semaphore_mem>>)
    %dma_start3A_18 = arith.constant 0 : i32
    %dma_start3A_19 = arith.constant 0 : i32
    %dma_start3A_20 = arith.constant 0 : i32
    %dma_start3A_21 = tpu.memref_slice %arg8[%dma_start3A_18, %dma_start3A_19, %dma_start3A_20] : memref<80x1x128xi32, #tpu.memory_space<vmem>> -> memref<1x1x128xi32, #tpu.memory_space<vmem>>
    %dma_start3A_22 = tpu.memref_squeeze %dma_start3A_21 : memref<1x1x128xi32, #tpu.memory_space<vmem>> -> memref<128xi32, #tpu.memory_space<vmem>>
    %dma_start3A_23 = arith.constant 0 : i32
    %dma_start3A_24 = arith.constant 0 : i32
    %dma_start3A_25 = tpu.memref_slice %arg2[%dma_start3A_23, %dma_start3A_24] : memref<10000x128xf32, #tpu.memory_space<hbm>> -> memref<10000x128xf32, #tpu.memory_space<hbm>>
    tpu.enqueue_indirect_dma source(%dma_start3A_25 : memref<10000x128xf32, #tpu.memory_space<hbm>>) target(%arg11 : memref<128x128xf32, #tpu.memory_space<vmem>>) offsets(%dma_start3A_22 : memref<128xi32, #tpu.memory_space<vmem>>) semaphore(%arg13 : memref<!tpu.dma_semaphore, #tpu.memory_space<semaphore_mem>>)
    %scan3A = arith.constant 0 : i32
    %scan3A_26 = arith.constant 39 : i32
    %scan3A_27 = arith.addi %scan3A, %scan3A_26 : i32
    %scan3A_28 = arith.constant 1 : i32
    scf.for %scan3A_91 = %scan3A to %scan3A_27 step %scan3A_28  : i32 {
      %mul3A_92 = arith.constant 1 : i32
      %mul3A_93 = arith.muli %scan3A_91, %mul3A_92 : i32
      %add3A_94 = arith.constant 0 : i32
      %add3A_95 = arith.addi %add3A_94, %mul3A_93 : i32
      %mul3A_96 = arith.constant 2 : i32
      %mul3A_97 = arith.muli %add3A_95, %mul3A_96 : i32
      %add3A_98 = arith.constant 1 : i32
      %add3A_99 = arith.addi %mul3A_97, %add3A_98 : i32
      %mul3A_100 = arith.constant 80 : i32
      %mul3A_101 = arith.muli %add3A, %mul3A_100 : i32
      %add3A_102 = arith.addi %mul3A_101, %add3A_99 : i32
      %dma_start3A_103 = arith.constant 0 : i32
      %dma_start3A_104 = arith.constant 0 : i32
      %dma_start3A_105 = tpu.memref_slice %arg4[%add3A_102, %dma_start3A_103, %dma_start3A_104] : memref<2560x1x128xi32, #tpu.memory_space<hbm>> -> memref<1x1x128xi32, #tpu.memory_space<hbm>>
      %dma_start3A_106 = tpu.memref_squeeze %dma_start3A_105 : memref<1x1x128xi32, #tpu.memory_space<hbm>> -> memref<1x128xi32, #tpu.memory_space<hbm>>
      %dma_start3A_107 = arith.constant 0 : i32
      %dma_start3A_108 = arith.constant 0 : i32
      %dma_start3A_109 = tpu.memref_slice %arg4[%add3A_102, %dma_start3A_107, %dma_start3A_108] : memref<2560x1x128xi32, #tpu.memory_space<hbm>> -> memref<1x1x128xi32, #tpu.memory_space<hbm>>
      %dma_start3A_110 = tpu.memref_squeeze %dma_start3A_109 : memref<1x1x128xi32, #tpu.memory_space<hbm>> -> memref<1x128xi32, #tpu.memory_space<hbm>>
      tpu.enqueue_dma source(%dma_start3A_110 : memref<1x128xi32, #tpu.memory_space<hbm>>) target(%arg10 : memref<1x128xi32, #tpu.memory_space<vmem>>) target_semaphore(%arg16 : memref<!tpu.dma_semaphore, #tpu.memory_space<semaphore_mem>>)
      %dma_start3A_111 = arith.constant 0 : i32
      %dma_start3A_112 = arith.constant 0 : i32
      %dma_start3A_113 = tpu.memref_slice %arg8[%add3A_99, %dma_start3A_111, %dma_start3A_112] : memref<80x1x128xi32, #tpu.memory_space<vmem>> -> memref<1x1x128xi32, #tpu.memory_space<vmem>>
      %dma_start3A_114 = tpu.memref_squeeze %dma_start3A_113 : memref<1x1x128xi32, #tpu.memory_space<vmem>> -> memref<128xi32, #tpu.memory_space<vmem>>
      %dma_start3A_115 = arith.constant 0 : i32
      %dma_start3A_116 = arith.constant 0 : i32
      %dma_start3A_117 = tpu.memref_slice %arg2[%dma_start3A_115, %dma_start3A_116] : memref<10000x128xf32, #tpu.memory_space<hbm>> -> memref<10000x128xf32, #tpu.memory_space<hbm>>
      tpu.enqueue_indirect_dma source(%dma_start3A_117 : memref<10000x128xf32, #tpu.memory_space<hbm>>) target(%arg12 : memref<128x128xf32, #tpu.memory_space<vmem>>) offsets(%dma_start3A_114 : memref<128xi32, #tpu.memory_space<vmem>>) semaphore(%arg14 : memref<!tpu.dma_semaphore, #tpu.memory_space<semaphore_mem>>)
      %dma_wait3A_118 = arith.constant 0 : i32
      %dma_wait3A_119 = arith.constant 0 : i32
      %dma_wait3A_120 = arith.constant 0 : i32
      %dma_wait3A_121 = tpu.memref_slice %arg8[%dma_wait3A_118, %dma_wait3A_119, %dma_wait3A_120] : memref<80x1x128xi32, #tpu.memory_space<vmem>> -> memref<1x1x128xi32, #tpu.memory_space<vmem>>
      %dma_wait3A_122 = tpu.memref_squeeze %dma_wait3A_121 : memref<1x1x128xi32, #tpu.memory_space<vmem>> -> memref<128xi32, #tpu.memory_space<vmem>>
      %dma_wait3A_123 = arith.constant 0 : i32
      %dma_wait3A_124 = arith.constant 0 : i32
      %dma_wait3A_125 = tpu.memref_slice %arg2[%dma_wait3A_123, %dma_wait3A_124] : memref<10000x128xf32, #tpu.memory_space<hbm>> -> memref<10000x128xf32, #tpu.memory_space<hbm>>
      tpu.wait_indirect_dma semaphore(%arg13 : memref<!tpu.dma_semaphore, #tpu.memory_space<semaphore_mem>>) src(%dma_wait3A_125 : memref<10000x128xf32, #tpu.memory_space<hbm>>) dst(%arg11 : memref<128x128xf32, #tpu.memory_space<vmem>>)
      %mul3A_126 = arith.constant 80 : i32
      %mul3A_127 = arith.muli %add3A, %mul3A_126 : i32
      %dma_wait3A_128 = arith.constant 0 : i32
      %dma_wait3A_129 = arith.constant 0 : i32
      %dma_wait3A_130 = tpu.memref_slice %arg4[%mul3A_127, %dma_wait3A_128, %dma_wait3A_129] : memref<2560x1x128xi32, #tpu.memory_space<hbm>> -> memref<1x1x128xi32, #tpu.memory_space<hbm>>
      %dma_wait3A_131 = tpu.memref_squeeze %dma_wait3A_130 : memref<1x1x128xi32, #tpu.memory_space<hbm>> -> memref<1x128xi32, #tpu.memory_space<hbm>>
      %dma_wait3A_132 = arith.constant 0 : i32
      %dma_wait3A_133 = arith.constant 0 : i32
      %dma_wait3A_134 = tpu.memref_slice %arg4[%mul3A_127, %dma_wait3A_132, %dma_wait3A_133] : memref<2560x1x128xi32, #tpu.memory_space<hbm>> -> memref<1x1x128xi32, #tpu.memory_space<hbm>>
      %dma_wait3A_135 = tpu.memref_squeeze %dma_wait3A_134 : memref<1x1x128xi32, #tpu.memory_space<hbm>> -> memref<1x128xi32, #tpu.memory_space<hbm>>
      tpu.wait_dma2 semaphore(%arg15 : memref<!tpu.dma_semaphore, #tpu.memory_space<semaphore_mem>>) src(%dma_wait3A_135 : memref<1x128xi32, #tpu.memory_space<hbm>>) dst(%arg9 : memref<1x128xi32, #tpu.memory_space<vmem>>)
      %run_scoped3A_136 = arith.constant 0 : i32
      "tpu.region"() ({
        %run_scoped3A_176 = tpu.sem_alloc : memref<!tpu.dma_semaphore, #tpu.memory_space<semaphore_mem>>
        %dma_start3A_177 = arith.constant 0 : i32
        %dma_start3A_178 = tpu.memref_slice %arg9[%run_scoped3A_136, %dma_start3A_177] : memref<1x128xi32, #tpu.memory_space<vmem>> -> memref<1x128xi32, #tpu.memory_space<vmem>>
        %dma_start3A_179 = tpu.memref_squeeze %dma_start3A_178 : memref<1x128xi32, #tpu.memory_space<vmem>> -> memref<128xi32, #tpu.memory_space<vmem>>
        %dma_start3A_180 = arith.constant 0 : i32
        %dma_start3A_181 = arith.constant 0 : i32
        %dma_start3A_182 = tpu.memref_slice %arg7[%dma_start3A_180, %dma_start3A_181] : memref<10240x128xf32, #tpu.memory_space<vmem_shared>> -> memref<10240x128xf32, #tpu.memory_space<vmem_shared>>
        tpu.enqueue_indirect_dma source(%arg11 : memref<128x128xf32, #tpu.memory_space<vmem>>) target(%dma_start3A_182 : memref<10240x128xf32, #tpu.memory_space<vmem_shared>>) offsets(%dma_start3A_179 : memref<128xi32, #tpu.memory_space<vmem>>) semaphore(%run_scoped3A_176 : memref<!tpu.dma_semaphore, #tpu.memory_space<semaphore_mem>>) {add = true}
        %dma_wait3A_183 = arith.constant 0 : i32
        %dma_wait3A_184 = tpu.memref_slice %arg9[%run_scoped3A_136, %dma_wait3A_183] : memref<1x128xi32, #tpu.memory_space<vmem>> -> memref<1x128xi32, #tpu.memory_space<vmem>>
        %dma_wait3A_185 = tpu.memref_squeeze %dma_wait3A_184 : memref<1x128xi32, #tpu.memory_space<vmem>> -> memref<128xi32, #tpu.memory_space<vmem>>
        %dma_wait3A_186 = arith.constant 0 : i32
        %dma_wait3A_187 = arith.constant 0 : i32
        %dma_wait3A_188 = tpu.memref_slice %arg7[%dma_wait3A_186, %dma_wait3A_187] : memref<10240x128xf32, #tpu.memory_space<vmem_shared>> -> memref<10240x128xf32, #tpu.memory_space<vmem_shared>>
        tpu.wait_indirect_dma semaphore(%run_scoped3A_176 : memref<!tpu.dma_semaphore, #tpu.memory_space<semaphore_mem>>) src(%arg11 : memref<128x128xf32, #tpu.memory_space<vmem>>) dst(%dma_wait3A_188 : memref<10240x128xf32, #tpu.memory_space<vmem_shared>>)
        tpu.yield
      }) : () -> ()
      %add3A_137 = arith.constant 2 : i32
      %add3A_138 = arith.addi %mul3A_97, %add3A_137 : i32
      %mul3A_139 = arith.constant 80 : i32
      %mul3A_140 = arith.muli %add3A, %mul3A_139 : i32
      %add3A_141 = arith.addi %mul3A_140, %add3A_138 : i32
      %dma_start3A_142 = arith.constant 0 : i32
      %dma_start3A_143 = arith.constant 0 : i32
      %dma_start3A_144 = tpu.memref_slice %arg4[%add3A_141, %dma_start3A_142, %dma_start3A_143] : memref<2560x1x128xi32, #tpu.memory_space<hbm>> -> memref<1x1x128xi32, #tpu.memory_space<hbm>>
      %dma_start3A_145 = tpu.memref_squeeze %dma_start3A_144 : memref<1x1x128xi32, #tpu.memory_space<hbm>> -> memref<1x128xi32, #tpu.memory_space<hbm>>
      %dma_start3A_146 = arith.constant 0 : i32
      %dma_start3A_147 = arith.constant 0 : i32
      %dma_start3A_148 = tpu.memref_slice %arg4[%add3A_141, %dma_start3A_146, %dma_start3A_147] : memref<2560x1x128xi32, #tpu.memory_space<hbm>> -> memref<1x1x128xi32, #tpu.memory_space<hbm>>
      %dma_start3A_149 = tpu.memref_squeeze %dma_start3A_148 : memref<1x1x128xi32, #tpu.memory_space<hbm>> -> memref<1x128xi32, #tpu.memory_space<hbm>>
      tpu.enqueue_dma source(%dma_start3A_149 : memref<1x128xi32, #tpu.memory_space<hbm>>) target(%arg9 : memref<1x128xi32, #tpu.memory_space<vmem>>) target_semaphore(%arg15 : memref<!tpu.dma_semaphore, #tpu.memory_space<semaphore_mem>>)
      %dma_start3A_150 = arith.constant 0 : i32
      %dma_start3A_151 = arith.constant 0 : i32
      %dma_start3A_152 = tpu.memref_slice %arg8[%add3A_138, %dma_start3A_150, %dma_start3A_151] : memref<80x1x128xi32, #tpu.memory_space<vmem>> -> memref<1x1x128xi32, #tpu.memory_space<vmem>>
      %dma_start3A_153 = tpu.memref_squeeze %dma_start3A_152 : memref<1x1x128xi32, #tpu.memory_space<vmem>> -> memref<128xi32, #tpu.memory_space<vmem>>
      %dma_start3A_154 = arith.constant 0 : i32
      %dma_start3A_155 = arith.constant 0 : i32
      %dma_start3A_156 = tpu.memref_slice %arg2[%dma_start3A_154, %dma_start3A_155] : memref<10000x128xf32, #tpu.memory_space<hbm>> -> memref<10000x128xf32, #tpu.memory_space<hbm>>
      tpu.enqueue_indirect_dma source(%dma_start3A_156 : memref<10000x128xf32, #tpu.memory_space<hbm>>) target(%arg11 : memref<128x128xf32, #tpu.memory_space<vmem>>) offsets(%dma_start3A_153 : memref<128xi32, #tpu.memory_space<vmem>>) semaphore(%arg13 : memref<!tpu.dma_semaphore, #tpu.memory_space<semaphore_mem>>)
      %dma_wait3A_157 = arith.constant 0 : i32
      %dma_wait3A_158 = arith.constant 0 : i32
      %dma_wait3A_159 = arith.constant 0 : i32
      %dma_wait3A_160 = tpu.memref_slice %arg8[%dma_wait3A_157, %dma_wait3A_158, %dma_wait3A_159] : memref<80x1x128xi32, #tpu.memory_space<vmem>> -> memref<1x1x128xi32, #tpu.memory_space<vmem>>
      %dma_wait3A_161 = tpu.memref_squeeze %dma_wait3A_160 : memref<1x1x128xi32, #tpu.memory_space<vmem>> -> memref<128xi32, #tpu.memory_space<vmem>>
      %dma_wait3A_162 = arith.constant 0 : i32
      %dma_wait3A_163 = arith.constant 0 : i32
      %dma_wait3A_164 = tpu.memref_slice %arg2[%dma_wait3A_162, %dma_wait3A_163] : memref<10000x128xf32, #tpu.memory_space<hbm>> -> memref<10000x128xf32, #tpu.memory_space<hbm>>
      tpu.wait_indirect_dma semaphore(%arg14 : memref<!tpu.dma_semaphore, #tpu.memory_space<semaphore_mem>>) src(%dma_wait3A_164 : memref<10000x128xf32, #tpu.memory_space<hbm>>) dst(%arg12 : memref<128x128xf32, #tpu.memory_space<vmem>>)
      %mul3A_165 = arith.constant 80 : i32
      %mul3A_166 = arith.muli %add3A, %mul3A_165 : i32
      %dma_wait3A_167 = arith.constant 0 : i32
      %dma_wait3A_168 = arith.constant 0 : i32
      %dma_wait3A_169 = tpu.memref_slice %arg4[%mul3A_166, %dma_wait3A_167, %dma_wait3A_168] : memref<2560x1x128xi32, #tpu.memory_space<hbm>> -> memref<1x1x128xi32, #tpu.memory_space<hbm>>
      %dma_wait3A_170 = tpu.memref_squeeze %dma_wait3A_169 : memref<1x1x128xi32, #tpu.memory_space<hbm>> -> memref<1x128xi32, #tpu.memory_space<hbm>>
      %dma_wait3A_171 = arith.constant 0 : i32
      %dma_wait3A_172 = arith.constant 0 : i32
      %dma_wait3A_173 = tpu.memref_slice %arg4[%mul3A_166, %dma_wait3A_171, %dma_wait3A_172] : memref<2560x1x128xi32, #tpu.memory_space<hbm>> -> memref<1x1x128xi32, #tpu.memory_space<hbm>>
      %dma_wait3A_174 = tpu.memref_squeeze %dma_wait3A_173 : memref<1x1x128xi32, #tpu.memory_space<hbm>> -> memref<1x128xi32, #tpu.memory_space<hbm>>
      tpu.wait_dma2 semaphore(%arg16 : memref<!tpu.dma_semaphore, #tpu.memory_space<semaphore_mem>>) src(%dma_wait3A_174 : memref<1x128xi32, #tpu.memory_space<hbm>>) dst(%arg10 : memref<1x128xi32, #tpu.memory_space<vmem>>)
      %run_scoped3A_175 = arith.constant 0 : i32
      "tpu.region"() ({
        %run_scoped3A_176 = tpu.sem_alloc : memref<!tpu.dma_semaphore, #tpu.memory_space<semaphore_mem>>
        %dma_start3A_177 = arith.constant 0 : i32
        %dma_start3A_178 = tpu.memref_slice %arg10[%run_scoped3A_175, %dma_start3A_177] : memref<1x128xi32, #tpu.memory_space<vmem>> -> memref<1x128xi32, #tpu.memory_space<vmem>>
        %dma_start3A_179 = tpu.memref_squeeze %dma_start3A_178 : memref<1x128xi32, #tpu.memory_space<vmem>> -> memref<128xi32, #tpu.memory_space<vmem>>
        %dma_start3A_180 = arith.constant 0 : i32
        %dma_start3A_181 = arith.constant 0 : i32
        %dma_start3A_182 = tpu.memref_slice %arg7[%dma_start3A_180, %dma_start3A_181] : memref<10240x128xf32, #tpu.memory_space<vmem_shared>> -> memref<10240x128xf32, #tpu.memory_space<vmem_shared>>
        tpu.enqueue_indirect_dma source(%arg12 : memref<128x128xf32, #tpu.memory_space<vmem>>) target(%dma_start3A_182 : memref<10240x128xf32, #tpu.memory_space<vmem_shared>>) offsets(%dma_start3A_179 : memref<128xi32, #tpu.memory_space<vmem>>) semaphore(%run_scoped3A_176 : memref<!tpu.dma_semaphore, #tpu.memory_space<semaphore_mem>>) {add = true}
        %dma_wait3A_183 = arith.constant 0 : i32
        %dma_wait3A_184 = tpu.memref_slice %arg10[%run_scoped3A_175, %dma_wait3A_183] : memref<1x128xi32, #tpu.memory_space<vmem>> -> memref<1x128xi32, #tpu.memory_space<vmem>>
        %dma_wait3A_185 = tpu.memref_squeeze %dma_wait3A_184 : memref<1x128xi32, #tpu.memory_space<vmem>> -> memref<128xi32, #tpu.memory_space<vmem>>
        %dma_wait3A_186 = arith.constant 0 : i32
        %dma_wait3A_187 = arith.constant 0 : i32
        %dma_wait3A_188 = tpu.memref_slice %arg7[%dma_wait3A_186, %dma_wait3A_187] : memref<10240x128xf32, #tpu.memory_space<vmem_shared>> -> memref<10240x128xf32, #tpu.memory_space<vmem_shared>>
        tpu.wait_indirect_dma semaphore(%run_scoped3A_176 : memref<!tpu.dma_semaphore, #tpu.memory_space<semaphore_mem>>) src(%arg12 : memref<128x128xf32, #tpu.memory_space<vmem>>) dst(%dma_wait3A_188 : memref<10240x128xf32, #tpu.memory_space<vmem_shared>>)
        tpu.yield
      }) : () -> ()
    }
    %scan3A_29 = arith.constant 39 : i32
    %mul3A_30 = arith.constant 80 : i32
    %mul3A_31 = arith.muli %add3A, %mul3A_30 : i32
    %add3A_32 = arith.constant 79 : i32
    %add3A_33 = arith.addi %mul3A_31, %add3A_32 : i32
    %dma_start3A_34 = arith.constant 0 : i32
    %dma_start3A_35 = arith.constant 0 : i32
    %dma_start3A_36 = tpu.memref_slice %arg4[%add3A_33, %dma_start3A_34, %dma_start3A_35] : memref<2560x1x128xi32, #tpu.memory_space<hbm>> -> memref<1x1x128xi32, #tpu.memory_space<hbm>>
    %dma_start3A_37 = tpu.memref_squeeze %dma_start3A_36 : memref<1x1x128xi32, #tpu.memory_space<hbm>> -> memref<1x128xi32, #tpu.memory_space<hbm>>
    %dma_start3A_38 = arith.constant 0 : i32
    %dma_start3A_39 = arith.constant 0 : i32
    %dma_start3A_40 = tpu.memref_slice %arg4[%add3A_33, %dma_start3A_38, %dma_start3A_39] : memref<2560x1x128xi32, #tpu.memory_space<hbm>> -> memref<1x1x128xi32, #tpu.memory_space<hbm>>
    %dma_start3A_41 = tpu.memref_squeeze %dma_start3A_40 : memref<1x1x128xi32, #tpu.memory_space<hbm>> -> memref<1x128xi32, #tpu.memory_space<hbm>>
    tpu.enqueue_dma source(%dma_start3A_41 : memref<1x128xi32, #tpu.memory_space<hbm>>) target(%arg10 : memref<1x128xi32, #tpu.memory_space<vmem>>) target_semaphore(%arg16 : memref<!tpu.dma_semaphore, #tpu.memory_space<semaphore_mem>>)
    %dma_start3A_42 = arith.constant 79 : i32
    %dma_start3A_43 = arith.constant 0 : i32
    %dma_start3A_44 = arith.constant 0 : i32
    %dma_start3A_45 = tpu.memref_slice %arg8[%dma_start3A_42, %dma_start3A_43, %dma_start3A_44] : memref<80x1x128xi32, #tpu.memory_space<vmem>> -> memref<1x1x128xi32, #tpu.memory_space<vmem>>
    %dma_start3A_46 = tpu.memref_squeeze %dma_start3A_45 : memref<1x1x128xi32, #tpu.memory_space<vmem>> -> memref<128xi32, #tpu.memory_space<vmem>>
    %dma_start3A_47 = arith.constant 0 : i32
    %dma_start3A_48 = arith.constant 0 : i32
    %dma_start3A_49 = tpu.memref_slice %arg2[%dma_start3A_47, %dma_start3A_48] : memref<10000x128xf32, #tpu.memory_space<hbm>> -> memref<10000x128xf32, #tpu.memory_space<hbm>>
    tpu.enqueue_indirect_dma source(%dma_start3A_49 : memref<10000x128xf32, #tpu.memory_space<hbm>>) target(%arg12 : memref<128x128xf32, #tpu.memory_space<vmem>>) offsets(%dma_start3A_46 : memref<128xi32, #tpu.memory_space<vmem>>) semaphore(%arg14 : memref<!tpu.dma_semaphore, #tpu.memory_space<semaphore_mem>>)
    %dma_wait3A = arith.constant 0 : i32
    %dma_wait3A_50 = arith.constant 0 : i32
    %dma_wait3A_51 = arith.constant 0 : i32
    %dma_wait3A_52 = tpu.memref_slice %arg8[%dma_wait3A, %dma_wait3A_50, %dma_wait3A_51] : memref<80x1x128xi32, #tpu.memory_space<vmem>> -> memref<1x1x128xi32, #tpu.memory_space<vmem>>
    %dma_wait3A_53 = tpu.memref_squeeze %dma_wait3A_52 : memref<1x1x128xi32, #tpu.memory_space<vmem>> -> memref<128xi32, #tpu.memory_space<vmem>>
    %dma_wait3A_54 = arith.constant 0 : i32
    %dma_wait3A_55 = arith.constant 0 : i32
    %dma_wait3A_56 = tpu.memref_slice %arg2[%dma_wait3A_54, %dma_wait3A_55] : memref<10000x128xf32, #tpu.memory_space<hbm>> -> memref<10000x128xf32, #tpu.memory_space<hbm>>
    tpu.wait_indirect_dma semaphore(%arg13 : memref<!tpu.dma_semaphore, #tpu.memory_space<semaphore_mem>>) src(%dma_wait3A_56 : memref<10000x128xf32, #tpu.memory_space<hbm>>) dst(%arg11 : memref<128x128xf32, #tpu.memory_space<vmem>>)
    %mul3A_57 = arith.constant 80 : i32
    %mul3A_58 = arith.muli %add3A, %mul3A_57 : i32
    %dma_wait3A_59 = arith.constant 0 : i32
    %dma_wait3A_60 = arith.constant 0 : i32
    %dma_wait3A_61 = tpu.memref_slice %arg4[%mul3A_58, %dma_wait3A_59, %dma_wait3A_60] : memref<2560x1x128xi32, #tpu.memory_space<hbm>> -> memref<1x1x128xi32, #tpu.memory_space<hbm>>
    %dma_wait3A_62 = tpu.memref_squeeze %dma_wait3A_61 : memref<1x1x128xi32, #tpu.memory_space<hbm>> -> memref<1x128xi32, #tpu.memory_space<hbm>>
    %dma_wait3A_63 = arith.constant 0 : i32
    %dma_wait3A_64 = arith.constant 0 : i32
    %dma_wait3A_65 = tpu.memref_slice %arg4[%mul3A_58, %dma_wait3A_63, %dma_wait3A_64] : memref<2560x1x128xi32, #tpu.memory_space<hbm>> -> memref<1x1x128xi32, #tpu.memory_space<hbm>>
    %dma_wait3A_66 = tpu.memref_squeeze %dma_wait3A_65 : memref<1x1x128xi32, #tpu.memory_space<hbm>> -> memref<1x128xi32, #tpu.memory_space<hbm>>
    tpu.wait_dma2 semaphore(%arg15 : memref<!tpu.dma_semaphore, #tpu.memory_space<semaphore_mem>>) src(%dma_wait3A_66 : memref<1x128xi32, #tpu.memory_space<hbm>>) dst(%arg9 : memref<1x128xi32, #tpu.memory_space<vmem>>)
    %run_scoped3A = arith.constant 0 : i32
    "tpu.region"() ({
      %run_scoped3A_91 = tpu.sem_alloc : memref<!tpu.dma_semaphore, #tpu.memory_space<semaphore_mem>>
      %dma_start3A_92 = arith.constant 0 : i32
      %dma_start3A_93 = tpu.memref_slice %arg9[%run_scoped3A, %dma_start3A_92] : memref<1x128xi32, #tpu.memory_space<vmem>> -> memref<1x128xi32, #tpu.memory_space<vmem>>
      %dma_start3A_94 = tpu.memref_squeeze %dma_start3A_93 : memref<1x128xi32, #tpu.memory_space<vmem>> -> memref<128xi32, #tpu.memory_space<vmem>>
      %dma_start3A_95 = arith.constant 0 : i32
      %dma_start3A_96 = arith.constant 0 : i32
      %dma_start3A_97 = tpu.memref_slice %arg7[%dma_start3A_95, %dma_start3A_96] : memref<10240x128xf32, #tpu.memory_space<vmem_shared>> -> memref<10240x128xf32, #tpu.memory_space<vmem_shared>>
      tpu.enqueue_indirect_dma source(%arg11 : memref<128x128xf32, #tpu.memory_space<vmem>>) target(%dma_start3A_97 : memref<10240x128xf32, #tpu.memory_space<vmem_shared>>) offsets(%dma_start3A_94 : memref<128xi32, #tpu.memory_space<vmem>>) semaphore(%run_scoped3A_91 : memref<!tpu.dma_semaphore, #tpu.memory_space<semaphore_mem>>) {add = true}
      %dma_wait3A_98 = arith.constant 0 : i32
      %dma_wait3A_99 = tpu.memref_slice %arg9[%run_scoped3A, %dma_wait3A_98] : memref<1x128xi32, #tpu.memory_space<vmem>> -> memref<1x128xi32, #tpu.memory_space<vmem>>
      %dma_wait3A_100 = tpu.memref_squeeze %dma_wait3A_99 : memref<1x128xi32, #tpu.memory_space<vmem>> -> memref<128xi32, #tpu.memory_space<vmem>>
      %dma_wait3A_101 = arith.constant 0 : i32
      %dma_wait3A_102 = arith.constant 0 : i32
      %dma_wait3A_103 = tpu.memref_slice %arg7[%dma_wait3A_101, %dma_wait3A_102] : memref<10240x128xf32, #tpu.memory_space<vmem_shared>> -> memref<10240x128xf32, #tpu.memory_space<vmem_shared>>
      tpu.wait_indirect_dma semaphore(%run_scoped3A_91 : memref<!tpu.dma_semaphore, #tpu.memory_space<semaphore_mem>>) src(%arg11 : memref<128x128xf32, #tpu.memory_space<vmem>>) dst(%dma_wait3A_103 : memref<10240x128xf32, #tpu.memory_space<vmem_shared>>)
      tpu.yield
    }) : () -> ()
    %dma_wait3A_67 = arith.constant 0 : i32
    %dma_wait3A_68 = arith.constant 0 : i32
    %dma_wait3A_69 = arith.constant 0 : i32
    %dma_wait3A_70 = tpu.memref_slice %arg8[%dma_wait3A_67, %dma_wait3A_68, %dma_wait3A_69] : memref<80x1x128xi32, #tpu.memory_space<vmem>> -> memref<1x1x128xi32, #tpu.memory_space<vmem>>
    %dma_wait3A_71 = tpu.memref_squeeze %dma_wait3A_70 : memref<1x1x128xi32, #tpu.memory_space<vmem>> -> memref<128xi32, #tpu.memory_space<vmem>>
    %dma_wait3A_72 = arith.constant 0 : i32
    %dma_wait3A_73 = arith.constant 0 : i32
    %dma_wait3A_74 = tpu.memref_slice %arg2[%dma_wait3A_72, %dma_wait3A_73] : memref<10000x128xf32, #tpu.memory_space<hbm>> -> memref<10000x128xf32, #tpu.memory_space<hbm>>
    tpu.wait_indirect_dma semaphore(%arg14 : memref<!tpu.dma_semaphore, #tpu.memory_space<semaphore_mem>>) src(%dma_wait3A_74 : memref<10000x128xf32, #tpu.memory_space<hbm>>) dst(%arg12 : memref<128x128xf32, #tpu.memory_space<vmem>>)
    %mul3A_75 = arith.constant 80 : i32
    %mul3A_76 = arith.muli %add3A, %mul3A_75 : i32
    %dma_wait3A_77 = arith.constant 0 : i32
    %dma_wait3A_78 = arith.constant 0 : i32
    %dma_wait3A_79 = tpu.memref_slice %arg4[%mul3A_76, %dma_wait3A_77, %dma_wait3A_78] : memref<2560x1x128xi32, #tpu.memory_space<hbm>> -> memref<1x1x128xi32, #tpu.memory_space<hbm>>
    %dma_wait3A_80 = tpu.memref_squeeze %dma_wait3A_79 : memref<1x1x128xi32, #tpu.memory_space<hbm>> -> memref<1x128xi32, #tpu.memory_space<hbm>>
    %dma_wait3A_81 = arith.constant 0 : i32
    %dma_wait3A_82 = arith.constant 0 : i32
    %dma_wait3A_83 = tpu.memref_slice %arg4[%mul3A_76, %dma_wait3A_81, %dma_wait3A_82] : memref<2560x1x128xi32, #tpu.memory_space<hbm>> -> memref<1x1x128xi32, #tpu.memory_space<hbm>>
    %dma_wait3A_84 = tpu.memref_squeeze %dma_wait3A_83 : memref<1x1x128xi32, #tpu.memory_space<hbm>> -> memref<1x128xi32, #tpu.memory_space<hbm>>
    tpu.wait_dma2 semaphore(%arg16 : memref<!tpu.dma_semaphore, #tpu.memory_space<semaphore_mem>>) src(%dma_wait3A_84 : memref<1x128xi32, #tpu.memory_space<hbm>>) dst(%arg10 : memref<1x128xi32, #tpu.memory_space<vmem>>)
    %run_scoped3A_85 = arith.constant 0 : i32
    "tpu.region"() ({
      %run_scoped3A_91 = tpu.sem_alloc : memref<!tpu.dma_semaphore, #tpu.memory_space<semaphore_mem>>
      %dma_start3A_92 = arith.constant 0 : i32
      %dma_start3A_93 = tpu.memref_slice %arg10[%run_scoped3A_85, %dma_start3A_92] : memref<1x128xi32, #tpu.memory_space<vmem>> -> memref<1x128xi32, #tpu.memory_space<vmem>>
      %dma_start3A_94 = tpu.memref_squeeze %dma_start3A_93 : memref<1x128xi32, #tpu.memory_space<vmem>> -> memref<128xi32, #tpu.memory_space<vmem>>
      %dma_start3A_95 = arith.constant 0 : i32
      %dma_start3A_96 = arith.constant 0 : i32
      %dma_start3A_97 = tpu.memref_slice %arg7[%dma_start3A_95, %dma_start3A_96] : memref<10240x128xf32, #tpu.memory_space<vmem_shared>> -> memref<10240x128xf32, #tpu.memory_space<vmem_shared>>
      tpu.enqueue_indirect_dma source(%arg12 : memref<128x128xf32, #tpu.memory_space<vmem>>) target(%dma_start3A_97 : memref<10240x128xf32, #tpu.memory_space<vmem_shared>>) offsets(%dma_start3A_94 : memref<128xi32, #tpu.memory_space<vmem>>) semaphore(%run_scoped3A_91 : memref<!tpu.dma_semaphore, #tpu.memory_space<semaphore_mem>>) {add = true}
      %dma_wait3A_98 = arith.constant 0 : i32
      %dma_wait3A_99 = tpu.memref_slice %arg10[%run_scoped3A_85, %dma_wait3A_98] : memref<1x128xi32, #tpu.memory_space<vmem>> -> memref<1x128xi32, #tpu.memory_space<vmem>>
      %dma_wait3A_100 = tpu.memref_squeeze %dma_wait3A_99 : memref<1x128xi32, #tpu.memory_space<vmem>> -> memref<128xi32, #tpu.memory_space<vmem>>
      %dma_wait3A_101 = arith.constant 0 : i32
      %dma_wait3A_102 = arith.constant 0 : i32
      %dma_wait3A_103 = tpu.memref_slice %arg7[%dma_wait3A_101, %dma_wait3A_102] : memref<10240x128xf32, #tpu.memory_space<vmem_shared>> -> memref<10240x128xf32, #tpu.memory_space<vmem_shared>>
      tpu.wait_indirect_dma semaphore(%run_scoped3A_91 : memref<!tpu.dma_semaphore, #tpu.memory_space<semaphore_mem>>) src(%arg12 : memref<128x128xf32, #tpu.memory_space<vmem>>) dst(%dma_wait3A_103 : memref<10240x128xf32, #tpu.memory_space<vmem_shared>>)
      tpu.yield
    }) : () -> ()
    %barrier3A_86 = arith.constant 0 : index
    tpu.barrier barrier_id(%barrier3A_86)
    %mul3A_87 = arith.constant 640 : i32
    %mul3A_88 = arith.muli %arg1, %mul3A_87 : i32
    %mul3A_89 = arith.constant 640 : i32
    %mul3A_90 = arith.muli %arg1, %mul3A_89 : i32
    "tpu.region"() ({
      %run_scoped3A_91 = tpu.sem_alloc : memref<!tpu.dma_semaphore, #tpu.memory_space<semaphore_mem>>
      %dma_start3A_92 = arith.constant 0 : i32
      %dma_start3A_93 = tpu.memref_slice %arg6[%arg0, %mul3A_90, %dma_start3A_92] : memref<2x10240x128xf32, #tpu.memory_space<hbm>> -> memref<1x640x128xf32, #tpu.memory_space<hbm>>
      %dma_start3A_94 = tpu.memref_squeeze %dma_start3A_93 : memref<1x640x128xf32, #tpu.memory_space<hbm>> -> memref<640x128xf32, #tpu.memory_space<hbm>>
      %dma_start3A_95 = arith.constant 0 : i32
      %dma_start3A_96 = tpu.memref_slice %arg7[%mul3A_88, %dma_start3A_95] : memref<10240x128xf32, #tpu.memory_space<vmem_shared>> -> memref<640x128xf32, #tpu.memory_space<vmem_shared>>
      tpu.enqueue_dma source(%dma_start3A_96 : memref<640x128xf32, #tpu.memory_space<vmem_shared>>) target(%dma_start3A_94 : memref<640x128xf32, #tpu.memory_space<hbm>>) target_semaphore(%run_scoped3A_91 : memref<!tpu.dma_semaphore, #tpu.memory_space<semaphore_mem>>)
      %dma_wait3A_97 = arith.constant 0 : i32
      %dma_wait3A_98 = tpu.memref_slice %arg6[%arg0, %mul3A_90, %dma_wait3A_97] : memref<2x10240x128xf32, #tpu.memory_space<hbm>> -> memref<1x640x128xf32, #tpu.memory_space<hbm>>
      %dma_wait3A_99 = tpu.memref_squeeze %dma_wait3A_98 : memref<1x640x128xf32, #tpu.memory_space<hbm>> -> memref<640x128xf32, #tpu.memory_space<hbm>>
      %dma_wait3A_100 = arith.constant 0 : i32
      %dma_wait3A_101 = tpu.memref_slice %arg7[%mul3A_88, %dma_wait3A_100] : memref<10240x128xf32, #tpu.memory_space<vmem_shared>> -> memref<640x128xf32, #tpu.memory_space<vmem_shared>>
      tpu.wait_dma2 semaphore(%run_scoped3A_91 : memref<!tpu.dma_semaphore, #tpu.memory_space<semaphore_mem>>) src(%dma_wait3A_101 : memref<640x128xf32, #tpu.memory_space<vmem_shared>>) dst(%dma_wait3A_99 : memref<640x128xf32, #tpu.memory_space<hbm>>)
      tpu.yield
    }) : () -> ()
    return
  }
}

#map = affine_map<(d0, d1) -> (0, 0)>
#map1 = affine_map<(d0, d1) -> (0, 0, 0)>
module attributes {stable_mosaic.version = 14 : i64} {
  func.func @matvec_kernel(%arg0: i32, %arg1: i32, %arg2: memref<10000x128xf32, #tpu.memory_space<hbm>>, %arg3: memref<2560x1x128xi32, #tpu.memory_space<hbm>>, %arg4: memref<2560x1x128xi32, #tpu.memory_space<hbm>>, %arg5: memref<10240x128xf32, #tpu.memory_space<hbm>>, %arg6: memref<2x10240x128xf32, #tpu.memory_space<hbm>>, %arg7: memref<10240x128xf32, #tpu.memory_space<vmem_shared>>, %arg8: memref<80x1x128xi32, #tpu.memory_space<vmem>>, %arg9: memref<1x128xi32, #tpu.memory_space<vmem>>, %arg10: memref<1x128xi32, #tpu.memory_space<vmem>>, %arg11: memref<128x128xf32, #tpu.memory_space<vmem>>, %arg12: memref<128x128xf32, #tpu.memory_space<vmem>>, %arg13: memref<!tpu.dma_semaphore, #tpu.memory_space<semaphore_mem>>, %arg14: memref<!tpu.dma_semaphore, #tpu.memory_space<semaphore_mem>>, %arg15: memref<!tpu.dma_semaphore, #tpu.memory_space<semaphore_mem>>, %arg16: memref<!tpu.dma_semaphore, #tpu.memory_space<semaphore_mem>>) attributes {dimension_semantics = [#tpu.dimension_semantics<core_parallel>, #tpu.dimension_semantics<subcore_parallel>], iteration_bounds = array<i64: 2, 16>, scalar_prefetch = 0 : i64, scratch_operands = 10 : i64, tpu.core_type = #tpu.core_type<sc_vector_subcore>, window_params = [{transform_indices = #map}, {transform_indices = #map1}, {transform_indices = #map1}, {transform_indices = #map}, {transform_indices = #map1}]} {
    %mul3A = arith.constant 2 : i32
    %mul3A_0 = arith.muli %arg1, %mul3A : i32
    %add3A = arith.addi %mul3A_0, %arg0 : i32
    %mul3A_1 = arith.constant 640 : i32
    %mul3A_2 = arith.muli %arg1, %mul3A_1 : i32
    %mul3A_3 = arith.constant 640 : i32
    %mul3A_4 = arith.muli %arg1, %mul3A_3 : i32
    "tpu.region"() ({
      %run_scoped3A_91 = tpu.sem_alloc : memref<!tpu.dma_semaphore, #tpu.memory_space<semaphore_mem>>
      %dma_start3A_92 = arith.constant 0 : i32
      %dma_start3A_93 = tpu.memref_slice %arg7[%mul3A_4, %dma_start3A_92] : memref<10240x128xf32, #tpu.memory_space<vmem_shared>> -> memref<640x128xf32, #tpu.memory_space<vmem_shared>>
      %dma_start3A_94 = arith.constant 0 : i32
      %dma_start3A_95 = tpu.memref_slice %arg5[%mul3A_2, %dma_start3A_94] : memref<10240x128xf32, #tpu.memory_space<hbm>> -> memref<640x128xf32, #tpu.memory_space<hbm>>
      tpu.enqueue_dma source(%dma_start3A_95 : memref<640x128xf32, #tpu.memory_space<hbm>>) target(%dma_start3A_93 : memref<640x128xf32, #tpu.memory_space<vmem_shared>>) target_semaphore(%run_scoped3A_91 : memref<!tpu.dma_semaphore, #tpu.memory_space<semaphore_mem>>)
      %dma_wait3A_96 = arith.constant 0 : i32
      %dma_wait3A_97 = tpu.memref_slice %arg7[%mul3A_4, %dma_wait3A_96] : memref<10240x128xf32, #tpu.memory_space<vmem_shared>> -> memref<640x128xf32, #tpu.memory_space<vmem_shared>>
      %dma_wait3A_98 = arith.constant 0 : i32
      %dma_wait3A_99 = tpu.memref_slice %arg5[%mul3A_2, %dma_wait3A_98] : memref<10240x128xf32, #tpu.memory_space<hbm>> -> memref<640x128xf32, #tpu.memory_space<hbm>>
      tpu.wait_dma2 semaphore(%run_scoped3A_91 : memref<!tpu.dma_semaphore, #tpu.memory_space<semaphore_mem>>) src(%dma_wait3A_99 : memref<640x128xf32, #tpu.memory_space<hbm>>) dst(%dma_wait3A_97 : memref<640x128xf32, #tpu.memory_space<vmem_shared>>)
      tpu.yield
    }) : () -> ()
    %mul3A_5 = arith.constant 80 : i32
    %mul3A_6 = arith.muli %add3A, %mul3A_5 : i32
    "tpu.region"() ({
      %run_scoped3A_91 = tpu.sem_alloc : memref<!tpu.dma_semaphore, #tpu.memory_space<semaphore_mem>>
      %dma_start3A_92 = arith.constant 0 : i32
      %dma_start3A_93 = arith.constant 0 : i32
      %dma_start3A_94 = tpu.memref_slice %arg3[%mul3A_6, %dma_start3A_92, %dma_start3A_93] : memref<2560x1x128xi32, #tpu.memory_space<hbm>> -> memref<80x1x128xi32, #tpu.memory_space<hbm>>
      %dma_start3A_95 = arith.constant 0 : i32
      %dma_start3A_96 = arith.constant 0 : i32
      %dma_start3A_97 = tpu.memref_slice %arg3[%mul3A_6, %dma_start3A_95, %dma_start3A_96] : memref<2560x1x128xi32, #tpu.memory_space<hbm>> -> memref<80x1x128xi32, #tpu.memory_space<hbm>>
      tpu.enqueue_dma source(%dma_start3A_97 : memref<80x1x128xi32, #tpu.memory_space<hbm>>) target(%arg8 : memref<80x1x128xi32, #tpu.memory_space<vmem>>) target_semaphore(%run_scoped3A_91 : memref<!tpu.dma_semaphore, #tpu.memory_space<semaphore_mem>>)
      %dma_wait3A_98 = arith.constant 0 : i32
      %dma_wait3A_99 = arith.constant 0 : i32
      %dma_wait3A_100 = tpu.memref_slice %arg3[%mul3A_6, %dma_wait3A_98, %dma_wait3A_99] : memref<2560x1x128xi32, #tpu.memory_space<hbm>> -> memref<80x1x128xi32, #tpu.memory_space<hbm>>
      %dma_wait3A_101 = arith.constant 0 : i32
      %dma_wait3A_102 = arith.constant 0 : i32
      %dma_wait3A_103 = tpu.memref_slice %arg3[%mul3A_6, %dma_wait3A_101, %dma_wait3A_102] : memref<2560x1x128xi32, #tpu.memory_space<hbm>> -> memref<80x1x128xi32, #tpu.memory_space<hbm>>
      tpu.wait_dma2 semaphore(%run_scoped3A_91 : memref<!tpu.dma_semaphore, #tpu.memory_space<semaphore_mem>>) src(%dma_wait3A_103 : memref<80x1x128xi32, #tpu.memory_space<hbm>>) dst(%arg8 : memref<80x1x128xi32, #tpu.memory_space<vmem>>)
      tpu.yield
    }) : () -> ()
    %barrier3A = arith.constant 0 : index
    tpu.barrier barrier_id(%barrier3A)
    %mul3A_7 = arith.constant 80 : i32
    %mul3A_8 = arith.muli %add3A, %mul3A_7 : i32
    %add3A_9 = arith.constant 0 : i32
    %add3A_10 = arith.addi %mul3A_8, %add3A_9 : i32
    %dma_start3A = arith.constant 0 : i32
    %dma_start3A_11 = arith.constant 0 : i32
    %dma_start3A_12 = tpu.memref_slice %arg4[%add3A_10, %dma_start3A, %dma_start3A_11] : memref<2560x1x128xi32, #tpu.memory_space<hbm>> -> memref<1x1x128xi32, #tpu.memory_space<hbm>>
    %dma_start3A_13 = tpu.memref_squeeze %dma_start3A_12 : memref<1x1x128xi32, #tpu.memory_space<hbm>> -> memref<1x128xi32, #tpu.memory_space<hbm>>
    %dma_start3A_14 = arith.constant 0 : i32
    %dma_start3A_15 = arith.constant 0 : i32
    %dma_start3A_16 = tpu.memref_slice %arg4[%add3A_10, %dma_start3A_14, %dma_start3A_15] : memref<2560x1x128xi32, #tpu.memory_space<hbm>> -> memref<1x1x128xi32, #tpu.memory_space<hbm>>
    %dma_start3A_17 = tpu.memref_squeeze %dma_start3A_16 : memref<1x1x128xi32, #tpu.memory_space<hbm>> -> memref<1x128xi32, #tpu.memory_space<hbm>>
    tpu.enqueue_dma source(%dma_start3A_17 : memref<1x128xi32, #tpu.memory_space<hbm>>) target(%arg9 : memref<1x128xi32, #tpu.memory_space<vmem>>) target_semaphore(%arg15 : memref<!tpu.dma_semaphore, #tpu.memory_space<semaphore_mem>>)
    %dma_start3A_18 = arith.constant 0 : i32
    %dma_start3A_19 = arith.constant 0 : i32
    %dma_start3A_20 = arith.constant 0 : i32
    %dma_start3A_21 = tpu.memref_slice %arg8[%dma_start3A_18, %dma_start3A_19, %dma_start3A_20] : memref<80x1x128xi32, #tpu.memory_space<vmem>> -> memref<1x1x128xi32, #tpu.memory_space<vmem>>
    %dma_start3A_22 = tpu.memref_squeeze %dma_start3A_21 : memref<1x1x128xi32, #tpu.memory_space<vmem>> -> memref<128xi32, #tpu.memory_space<vmem>>
    %dma_start3A_23 = arith.constant 0 : i32
    %dma_start3A_24 = arith.constant 0 : i32
    %dma_start3A_25 = tpu.memref_slice %arg2[%dma_start3A_23, %dma_start3A_24] : memref<10000x128xf32, #tpu.memory_space<hbm>> -> memref<10000x128xf32, #tpu.memory_space<hbm>>
    tpu.enqueue_indirect_dma source(%dma_start3A_25 : memref<10000x128xf32, #tpu.memory_space<hbm>>) target(%arg11 : memref<128x128xf32, #tpu.memory_space<vmem>>) offsets(%dma_start3A_22 : memref<128xi32, #tpu.memory_space<vmem>>) semaphore(%arg13 : memref<!tpu.dma_semaphore, #tpu.memory_space<semaphore_mem>>)
    %scan3A = arith.constant 0 : i32
    %scan3A_26 = arith.constant 39 : i32
    %scan3A_27 = arith.addi %scan3A, %scan3A_26 : i32
    %scan3A_28 = arith.constant 1 : i32
    scf.for %scan3A_91 = %scan3A to %scan3A_27 step %scan3A_28  : i32 {
      %mul3A_92 = arith.constant 1 : i32
      %mul3A_93 = arith.muli %scan3A_91, %mul3A_92 : i32
      %add3A_94 = arith.constant 0 : i32
      %add3A_95 = arith.addi %add3A_94, %mul3A_93 : i32
      %mul3A_96 = arith.constant 2 : i32
      %mul3A_97 = arith.muli %add3A_95, %mul3A_96 : i32
      %add3A_98 = arith.constant 1 : i32
      %add3A_99 = arith.addi %mul3A_97, %add3A_98 : i32
      %mul3A_100 = arith.constant 80 : i32
      %mul3A_101 = arith.muli %add3A, %mul3A_100 : i32
      %add3A_102 = arith.addi %mul3A_101, %add3A_99 : i32
      %dma_start3A_103 = arith.constant 0 : i32
      %dma_start3A_104 = arith.constant 0 : i32
      %dma_start3A_105 = tpu.memref_slice %arg4[%add3A_102, %dma_start3A_103, %dma_start3A_104] : memref<2560x1x128xi32, #tpu.memory_space<hbm>> -> memref<1x1x128xi32, #tpu.memory_space<hbm>>
      %dma_start3A_106 = tpu.memref_squeeze %dma_start3A_105 : memref<1x1x128xi32, #tpu.memory_space<hbm>> -> memref<1x128xi32, #tpu.memory_space<hbm>>
      %dma_start3A_107 = arith.constant 0 : i32
      %dma_start3A_108 = arith.constant 0 : i32
      %dma_start3A_109 = tpu.memref_slice %arg4[%add3A_102, %dma_start3A_107, %dma_start3A_108] : memref<2560x1x128xi32, #tpu.memory_space<hbm>> -> memref<1x1x128xi32, #tpu.memory_space<hbm>>
      %dma_start3A_110 = tpu.memref_squeeze %dma_start3A_109 : memref<1x1x128xi32, #tpu.memory_space<hbm>> -> memref<1x128xi32, #tpu.memory_space<hbm>>
      tpu.enqueue_dma source(%dma_start3A_110 : memref<1x128xi32, #tpu.memory_space<hbm>>) target(%arg10 : memref<1x128xi32, #tpu.memory_space<vmem>>) target_semaphore(%arg16 : memref<!tpu.dma_semaphore, #tpu.memory_space<semaphore_mem>>)
      %dma_start3A_111 = arith.constant 0 : i32
      %dma_start3A_112 = arith.constant 0 : i32
      %dma_start3A_113 = tpu.memref_slice %arg8[%add3A_99, %dma_start3A_111, %dma_start3A_112] : memref<80x1x128xi32, #tpu.memory_space<vmem>> -> memref<1x1x128xi32, #tpu.memory_space<vmem>>
      %dma_start3A_114 = tpu.memref_squeeze %dma_start3A_113 : memref<1x1x128xi32, #tpu.memory_space<vmem>> -> memref<128xi32, #tpu.memory_space<vmem>>
      %dma_start3A_115 = arith.constant 0 : i32
      %dma_start3A_116 = arith.constant 0 : i32
      %dma_start3A_117 = tpu.memref_slice %arg2[%dma_start3A_115, %dma_start3A_116] : memref<10000x128xf32, #tpu.memory_space<hbm>> -> memref<10000x128xf32, #tpu.memory_space<hbm>>
      tpu.enqueue_indirect_dma source(%dma_start3A_117 : memref<10000x128xf32, #tpu.memory_space<hbm>>) target(%arg12 : memref<128x128xf32, #tpu.memory_space<vmem>>) offsets(%dma_start3A_114 : memref<128xi32, #tpu.memory_space<vmem>>) semaphore(%arg14 : memref<!tpu.dma_semaphore, #tpu.memory_space<semaphore_mem>>)
      %dma_wait3A_118 = arith.constant 0 : i32
      %dma_wait3A_119 = arith.constant 0 : i32
      %dma_wait3A_120 = arith.constant 0 : i32
      %dma_wait3A_121 = tpu.memref_slice %arg8[%dma_wait3A_118, %dma_wait3A_119, %dma_wait3A_120] : memref<80x1x128xi32, #tpu.memory_space<vmem>> -> memref<1x1x128xi32, #tpu.memory_space<vmem>>
      %dma_wait3A_122 = tpu.memref_squeeze %dma_wait3A_121 : memref<1x1x128xi32, #tpu.memory_space<vmem>> -> memref<128xi32, #tpu.memory_space<vmem>>
      %dma_wait3A_123 = arith.constant 0 : i32
      %dma_wait3A_124 = arith.constant 0 : i32
      %dma_wait3A_125 = tpu.memref_slice %arg2[%dma_wait3A_123, %dma_wait3A_124] : memref<10000x128xf32, #tpu.memory_space<hbm>> -> memref<10000x128xf32, #tpu.memory_space<hbm>>
      tpu.wait_indirect_dma semaphore(%arg13 : memref<!tpu.dma_semaphore, #tpu.memory_space<semaphore_mem>>) src(%dma_wait3A_125 : memref<10000x128xf32, #tpu.memory_space<hbm>>) dst(%arg11 : memref<128x128xf32, #tpu.memory_space<vmem>>)
      %mul3A_126 = arith.constant 80 : i32
      %mul3A_127 = arith.muli %add3A, %mul3A_126 : i32
      %dma_wait3A_128 = arith.constant 0 : i32
      %dma_wait3A_129 = arith.constant 0 : i32
      %dma_wait3A_130 = tpu.memref_slice %arg4[%mul3A_127, %dma_wait3A_128, %dma_wait3A_129] : memref<2560x1x128xi32, #tpu.memory_space<hbm>> -> memref<1x1x128xi32, #tpu.memory_space<hbm>>
      %dma_wait3A_131 = tpu.memref_squeeze %dma_wait3A_130 : memref<1x1x128xi32, #tpu.memory_space<hbm>> -> memref<1x128xi32, #tpu.memory_space<hbm>>
      %dma_wait3A_132 = arith.constant 0 : i32
      %dma_wait3A_133 = arith.constant 0 : i32
      %dma_wait3A_134 = tpu.memref_slice %arg4[%mul3A_127, %dma_wait3A_132, %dma_wait3A_133] : memref<2560x1x128xi32, #tpu.memory_space<hbm>> -> memref<1x1x128xi32, #tpu.memory_space<hbm>>
      %dma_wait3A_135 = tpu.memref_squeeze %dma_wait3A_134 : memref<1x1x128xi32, #tpu.memory_space<hbm>> -> memref<1x128xi32, #tpu.memory_space<hbm>>
      tpu.wait_dma2 semaphore(%arg15 : memref<!tpu.dma_semaphore, #tpu.memory_space<semaphore_mem>>) src(%dma_wait3A_135 : memref<1x128xi32, #tpu.memory_space<hbm>>) dst(%arg9 : memref<1x128xi32, #tpu.memory_space<vmem>>)
      %run_scoped3A_136 = arith.constant 0 : i32
      "tpu.region"() ({
        %run_scoped3A_176 = tpu.sem_alloc : memref<!tpu.dma_semaphore, #tpu.memory_space<semaphore_mem>>
        %dma_start3A_177 = arith.constant 0 : i32
        %dma_start3A_178 = tpu.memref_slice %arg9[%run_scoped3A_136, %dma_start3A_177] : memref<1x128xi32, #tpu.memory_space<vmem>> -> memref<1x128xi32, #tpu.memory_space<vmem>>
        %dma_start3A_179 = tpu.memref_squeeze %dma_start3A_178 : memref<1x128xi32, #tpu.memory_space<vmem>> -> memref<128xi32, #tpu.memory_space<vmem>>
        %dma_start3A_180 = arith.constant 0 : i32
        %dma_start3A_181 = arith.constant 0 : i32
        %dma_start3A_182 = tpu.memref_slice %arg7[%dma_start3A_180, %dma_start3A_181] : memref<10240x128xf32, #tpu.memory_space<vmem_shared>> -> memref<10240x128xf32, #tpu.memory_space<vmem_shared>>
        tpu.enqueue_indirect_dma source(%arg11 : memref<128x128xf32, #tpu.memory_space<vmem>>) target(%dma_start3A_182 : memref<10240x128xf32, #tpu.memory_space<vmem_shared>>) offsets(%dma_start3A_179 : memref<128xi32, #tpu.memory_space<vmem>>) semaphore(%run_scoped3A_176 : memref<!tpu.dma_semaphore, #tpu.memory_space<semaphore_mem>>) {add = true}
        %dma_wait3A_183 = arith.constant 0 : i32
        %dma_wait3A_184 = tpu.memref_slice %arg9[%run_scoped3A_136, %dma_wait3A_183] : memref<1x128xi32, #tpu.memory_space<vmem>> -> memref<1x128xi32, #tpu.memory_space<vmem>>
        %dma_wait3A_185 = tpu.memref_squeeze %dma_wait3A_184 : memref<1x128xi32, #tpu.memory_space<vmem>> -> memref<128xi32, #tpu.memory_space<vmem>>
        %dma_wait3A_186 = arith.constant 0 : i32
        %dma_wait3A_187 = arith.constant 0 : i32
        %dma_wait3A_188 = tpu.memref_slice %arg7[%dma_wait3A_186, %dma_wait3A_187] : memref<10240x128xf32, #tpu.memory_space<vmem_shared>> -> memref<10240x128xf32, #tpu.memory_space<vmem_shared>>
        tpu.wait_indirect_dma semaphore(%run_scoped3A_176 : memref<!tpu.dma_semaphore, #tpu.memory_space<semaphore_mem>>) src(%arg11 : memref<128x128xf32, #tpu.memory_space<vmem>>) dst(%dma_wait3A_188 : memref<10240x128xf32, #tpu.memory_space<vmem_shared>>)
        tpu.yield
      }) : () -> ()
      %add3A_137 = arith.constant 2 : i32
      %add3A_138 = arith.addi %mul3A_97, %add3A_137 : i32
      %mul3A_139 = arith.constant 80 : i32
      %mul3A_140 = arith.muli %add3A, %mul3A_139 : i32
      %add3A_141 = arith.addi %mul3A_140, %add3A_138 : i32
      %dma_start3A_142 = arith.constant 0 : i32
      %dma_start3A_143 = arith.constant 0 : i32
      %dma_start3A_144 = tpu.memref_slice %arg4[%add3A_141, %dma_start3A_142, %dma_start3A_143] : memref<2560x1x128xi32, #tpu.memory_space<hbm>> -> memref<1x1x128xi32, #tpu.memory_space<hbm>>
      %dma_start3A_145 = tpu.memref_squeeze %dma_start3A_144 : memref<1x1x128xi32, #tpu.memory_space<hbm>> -> memref<1x128xi32, #tpu.memory_space<hbm>>
      %dma_start3A_146 = arith.constant 0 : i32
      %dma_start3A_147 = arith.constant 0 : i32
      %dma_start3A_148 = tpu.memref_slice %arg4[%add3A_141, %dma_start3A_146, %dma_start3A_147] : memref<2560x1x128xi32, #tpu.memory_space<hbm>> -> memref<1x1x128xi32, #tpu.memory_space<hbm>>
      %dma_start3A_149 = tpu.memref_squeeze %dma_start3A_148 : memref<1x1x128xi32, #tpu.memory_space<hbm>> -> memref<1x128xi32, #tpu.memory_space<hbm>>
      tpu.enqueue_dma source(%dma_start3A_149 : memref<1x128xi32, #tpu.memory_space<hbm>>) target(%arg9 : memref<1x128xi32, #tpu.memory_space<vmem>>) target_semaphore(%arg15 : memref<!tpu.dma_semaphore, #tpu.memory_space<semaphore_mem>>)
      %dma_start3A_150 = arith.constant 0 : i32
      %dma_start3A_151 = arith.constant 0 : i32
      %dma_start3A_152 = tpu.memref_slice %arg8[%add3A_138, %dma_start3A_150, %dma_start3A_151] : memref<80x1x128xi32, #tpu.memory_space<vmem>> -> memref<1x1x128xi32, #tpu.memory_space<vmem>>
      %dma_start3A_153 = tpu.memref_squeeze %dma_start3A_152 : memref<1x1x128xi32, #tpu.memory_space<vmem>> -> memref<128xi32, #tpu.memory_space<vmem>>
      %dma_start3A_154 = arith.constant 0 : i32
      %dma_start3A_155 = arith.constant 0 : i32
      %dma_start3A_156 = tpu.memref_slice %arg2[%dma_start3A_154, %dma_start3A_155] : memref<10000x128xf32, #tpu.memory_space<hbm>> -> memref<10000x128xf32, #tpu.memory_space<hbm>>
      tpu.enqueue_indirect_dma source(%dma_start3A_156 : memref<10000x128xf32, #tpu.memory_space<hbm>>) target(%arg11 : memref<128x128xf32, #tpu.memory_space<vmem>>) offsets(%dma_start3A_153 : memref<128xi32, #tpu.memory_space<vmem>>) semaphore(%arg13 : memref<!tpu.dma_semaphore, #tpu.memory_space<semaphore_mem>>)
      %dma_wait3A_157 = arith.constant 0 : i32
      %dma_wait3A_158 = arith.constant 0 : i32
      %dma_wait3A_159 = arith.constant 0 : i32
      %dma_wait3A_160 = tpu.memref_slice %arg8[%dma_wait3A_157, %dma_wait3A_158, %dma_wait3A_159] : memref<80x1x128xi32, #tpu.memory_space<vmem>> -> memref<1x1x128xi32, #tpu.memory_space<vmem>>
      %dma_wait3A_161 = tpu.memref_squeeze %dma_wait3A_160 : memref<1x1x128xi32, #tpu.memory_space<vmem>> -> memref<128xi32, #tpu.memory_space<vmem>>
      %dma_wait3A_162 = arith.constant 0 : i32
      %dma_wait3A_163 = arith.constant 0 : i32
      %dma_wait3A_164 = tpu.memref_slice %arg2[%dma_wait3A_162, %dma_wait3A_163] : memref<10000x128xf32, #tpu.memory_space<hbm>> -> memref<10000x128xf32, #tpu.memory_space<hbm>>
      tpu.wait_indirect_dma semaphore(%arg14 : memref<!tpu.dma_semaphore, #tpu.memory_space<semaphore_mem>>) src(%dma_wait3A_164 : memref<10000x128xf32, #tpu.memory_space<hbm>>) dst(%arg12 : memref<128x128xf32, #tpu.memory_space<vmem>>)
      %mul3A_165 = arith.constant 80 : i32
      %mul3A_166 = arith.muli %add3A, %mul3A_165 : i32
      %dma_wait3A_167 = arith.constant 0 : i32
      %dma_wait3A_168 = arith.constant 0 : i32
      %dma_wait3A_169 = tpu.memref_slice %arg4[%mul3A_166, %dma_wait3A_167, %dma_wait3A_168] : memref<2560x1x128xi32, #tpu.memory_space<hbm>> -> memref<1x1x128xi32, #tpu.memory_space<hbm>>
      %dma_wait3A_170 = tpu.memref_squeeze %dma_wait3A_169 : memref<1x1x128xi32, #tpu.memory_space<hbm>> -> memref<1x128xi32, #tpu.memory_space<hbm>>
      %dma_wait3A_171 = arith.constant 0 : i32
      %dma_wait3A_172 = arith.constant 0 : i32
      %dma_wait3A_173 = tpu.memref_slice %arg4[%mul3A_166, %dma_wait3A_171, %dma_wait3A_172] : memref<2560x1x128xi32, #tpu.memory_space<hbm>> -> memref<1x1x128xi32, #tpu.memory_space<hbm>>
      %dma_wait3A_174 = tpu.memref_squeeze %dma_wait3A_173 : memref<1x1x128xi32, #tpu.memory_space<hbm>> -> memref<1x128xi32, #tpu.memory_space<hbm>>
      tpu.wait_dma2 semaphore(%arg16 : memref<!tpu.dma_semaphore, #tpu.memory_space<semaphore_mem>>) src(%dma_wait3A_174 : memref<1x128xi32, #tpu.memory_space<hbm>>) dst(%arg10 : memref<1x128xi32, #tpu.memory_space<vmem>>)
      %run_scoped3A_175 = arith.constant 0 : i32
      "tpu.region"() ({
        %run_scoped3A_176 = tpu.sem_alloc : memref<!tpu.dma_semaphore, #tpu.memory_space<semaphore_mem>>
        %dma_start3A_177 = arith.constant 0 : i32
        %dma_start3A_178 = tpu.memref_slice %arg10[%run_scoped3A_175, %dma_start3A_177] : memref<1x128xi32, #tpu.memory_space<vmem>> -> memref<1x128xi32, #tpu.memory_space<vmem>>
        %dma_start3A_179 = tpu.memref_squeeze %dma_start3A_178 : memref<1x128xi32, #tpu.memory_space<vmem>> -> memref<128xi32, #tpu.memory_space<vmem>>
        %dma_start3A_180 = arith.constant 0 : i32
        %dma_start3A_181 = arith.constant 0 : i32
        %dma_start3A_182 = tpu.memref_slice %arg7[%dma_start3A_180, %dma_start3A_181] : memref<10240x128xf32, #tpu.memory_space<vmem_shared>> -> memref<10240x128xf32, #tpu.memory_space<vmem_shared>>
        tpu.enqueue_indirect_dma source(%arg12 : memref<128x128xf32, #tpu.memory_space<vmem>>) target(%dma_start3A_182 : memref<10240x128xf32, #tpu.memory_space<vmem_shared>>) offsets(%dma_start3A_179 : memref<128xi32, #tpu.memory_space<vmem>>) semaphore(%run_scoped3A_176 : memref<!tpu.dma_semaphore, #tpu.memory_space<semaphore_mem>>) {add = true}
        %dma_wait3A_183 = arith.constant 0 : i32
        %dma_wait3A_184 = tpu.memref_slice %arg10[%run_scoped3A_175, %dma_wait3A_183] : memref<1x128xi32, #tpu.memory_space<vmem>> -> memref<1x128xi32, #tpu.memory_space<vmem>>
        %dma_wait3A_185 = tpu.memref_squeeze %dma_wait3A_184 : memref<1x128xi32, #tpu.memory_space<vmem>> -> memref<128xi32, #tpu.memory_space<vmem>>
        %dma_wait3A_186 = arith.constant 0 : i32
        %dma_wait3A_187 = arith.constant 0 : i32
        %dma_wait3A_188 = tpu.memref_slice %arg7[%dma_wait3A_186, %dma_wait3A_187] : memref<10240x128xf32, #tpu.memory_space<vmem_shared>> -> memref<10240x128xf32, #tpu.memory_space<vmem_shared>>
        tpu.wait_indirect_dma semaphore(%run_scoped3A_176 : memref<!tpu.dma_semaphore, #tpu.memory_space<semaphore_mem>>) src(%arg12 : memref<128x128xf32, #tpu.memory_space<vmem>>) dst(%dma_wait3A_188 : memref<10240x128xf32, #tpu.memory_space<vmem_shared>>)
        tpu.yield
      }) : () -> ()
    }
    %scan3A_29 = arith.constant 39 : i32
    %mul3A_30 = arith.constant 80 : i32
    %mul3A_31 = arith.muli %add3A, %mul3A_30 : i32
    %add3A_32 = arith.constant 79 : i32
    %add3A_33 = arith.addi %mul3A_31, %add3A_32 : i32
    %dma_start3A_34 = arith.constant 0 : i32
    %dma_start3A_35 = arith.constant 0 : i32
    %dma_start3A_36 = tpu.memref_slice %arg4[%add3A_33, %dma_start3A_34, %dma_start3A_35] : memref<2560x1x128xi32, #tpu.memory_space<hbm>> -> memref<1x1x128xi32, #tpu.memory_space<hbm>>
    %dma_start3A_37 = tpu.memref_squeeze %dma_start3A_36 : memref<1x1x128xi32, #tpu.memory_space<hbm>> -> memref<1x128xi32, #tpu.memory_space<hbm>>
    %dma_start3A_38 = arith.constant 0 : i32
    %dma_start3A_39 = arith.constant 0 : i32
    %dma_start3A_40 = tpu.memref_slice %arg4[%add3A_33, %dma_start3A_38, %dma_start3A_39] : memref<2560x1x128xi32, #tpu.memory_space<hbm>> -> memref<1x1x128xi32, #tpu.memory_space<hbm>>
    %dma_start3A_41 = tpu.memref_squeeze %dma_start3A_40 : memref<1x1x128xi32, #tpu.memory_space<hbm>> -> memref<1x128xi32, #tpu.memory_space<hbm>>
    tpu.enqueue_dma source(%dma_start3A_41 : memref<1x128xi32, #tpu.memory_space<hbm>>) target(%arg10 : memref<1x128xi32, #tpu.memory_space<vmem>>) target_semaphore(%arg16 : memref<!tpu.dma_semaphore, #tpu.memory_space<semaphore_mem>>)
    %dma_start3A_42 = arith.constant 79 : i32
    %dma_start3A_43 = arith.constant 0 : i32
    %dma_start3A_44 = arith.constant 0 : i32
    %dma_start3A_45 = tpu.memref_slice %arg8[%dma_start3A_42, %dma_start3A_43, %dma_start3A_44] : memref<80x1x128xi32, #tpu.memory_space<vmem>> -> memref<1x1x128xi32, #tpu.memory_space<vmem>>
    %dma_start3A_46 = tpu.memref_squeeze %dma_start3A_45 : memref<1x1x128xi32, #tpu.memory_space<vmem>> -> memref<128xi32, #tpu.memory_space<vmem>>
    %dma_start3A_47 = arith.constant 0 : i32
    %dma_start3A_48 = arith.constant 0 : i32
    %dma_start3A_49 = tpu.memref_slice %arg2[%dma_start3A_47, %dma_start3A_48] : memref<10000x128xf32, #tpu.memory_space<hbm>> -> memref<10000x128xf32, #tpu.memory_space<hbm>>
    tpu.enqueue_indirect_dma source(%dma_start3A_49 : memref<10000x128xf32, #tpu.memory_space<hbm>>) target(%arg12 : memref<128x128xf32, #tpu.memory_space<vmem>>) offsets(%dma_start3A_46 : memref<128xi32, #tpu.memory_space<vmem>>) semaphore(%arg14 : memref<!tpu.dma_semaphore, #tpu.memory_space<semaphore_mem>>)
    %dma_wait3A = arith.constant 0 : i32
    %dma_wait3A_50 = arith.constant 0 : i32
    %dma_wait3A_51 = arith.constant 0 : i32
    %dma_wait3A_52 = tpu.memref_slice %arg8[%dma_wait3A, %dma_wait3A_50, %dma_wait3A_51] : memref<80x1x128xi32, #tpu.memory_space<vmem>> -> memref<1x1x128xi32, #tpu.memory_space<vmem>>
    %dma_wait3A_53 = tpu.memref_squeeze %dma_wait3A_52 : memref<1x1x128xi32, #tpu.memory_space<vmem>> -> memref<128xi32, #tpu.memory_space<vmem>>
    %dma_wait3A_54 = arith.constant 0 : i32
    %dma_wait3A_55 = arith.constant 0 : i32
    %dma_wait3A_56 = tpu.memref_slice %arg2[%dma_wait3A_54, %dma_wait3A_55] : memref<10000x128xf32, #tpu.memory_space<hbm>> -> memref<10000x128xf32, #tpu.memory_space<hbm>>
    tpu.wait_indirect_dma semaphore(%arg13 : memref<!tpu.dma_semaphore, #tpu.memory_space<semaphore_mem>>) src(%dma_wait3A_56 : memref<10000x128xf32, #tpu.memory_space<hbm>>) dst(%arg11 : memref<128x128xf32, #tpu.memory_space<vmem>>)
    %mul3A_57 = arith.constant 80 : i32
    %mul3A_58 = arith.muli %add3A, %mul3A_57 : i32
    %dma_wait3A_59 = arith.constant 0 : i32
    %dma_wait3A_60 = arith.constant 0 : i32
    %dma_wait3A_61 = tpu.memref_slice %arg4[%mul3A_58, %dma_wait3A_59, %dma_wait3A_60] : memref<2560x1x128xi32, #tpu.memory_space<hbm>> -> memref<1x1x128xi32, #tpu.memory_space<hbm>>
    %dma_wait3A_62 = tpu.memref_squeeze %dma_wait3A_61 : memref<1x1x128xi32, #tpu.memory_space<hbm>> -> memref<1x128xi32, #tpu.memory_space<hbm>>
    %dma_wait3A_63 = arith.constant 0 : i32
    %dma_wait3A_64 = arith.constant 0 : i32
    %dma_wait3A_65 = tpu.memref_slice %arg4[%mul3A_58, %dma_wait3A_63, %dma_wait3A_64] : memref<2560x1x128xi32, #tpu.memory_space<hbm>> -> memref<1x1x128xi32, #tpu.memory_space<hbm>>
    %dma_wait3A_66 = tpu.memref_squeeze %dma_wait3A_65 : memref<1x1x128xi32, #tpu.memory_space<hbm>> -> memref<1x128xi32, #tpu.memory_space<hbm>>
    tpu.wait_dma2 semaphore(%arg15 : memref<!tpu.dma_semaphore, #tpu.memory_space<semaphore_mem>>) src(%dma_wait3A_66 : memref<1x128xi32, #tpu.memory_space<hbm>>) dst(%arg9 : memref<1x128xi32, #tpu.memory_space<vmem>>)
    %run_scoped3A = arith.constant 0 : i32
    "tpu.region"() ({
      %run_scoped3A_91 = tpu.sem_alloc : memref<!tpu.dma_semaphore, #tpu.memory_space<semaphore_mem>>
      %dma_start3A_92 = arith.constant 0 : i32
      %dma_start3A_93 = tpu.memref_slice %arg9[%run_scoped3A, %dma_start3A_92] : memref<1x128xi32, #tpu.memory_space<vmem>> -> memref<1x128xi32, #tpu.memory_space<vmem>>
      %dma_start3A_94 = tpu.memref_squeeze %dma_start3A_93 : memref<1x128xi32, #tpu.memory_space<vmem>> -> memref<128xi32, #tpu.memory_space<vmem>>
      %dma_start3A_95 = arith.constant 0 : i32
      %dma_start3A_96 = arith.constant 0 : i32
      %dma_start3A_97 = tpu.memref_slice %arg7[%dma_start3A_95, %dma_start3A_96] : memref<10240x128xf32, #tpu.memory_space<vmem_shared>> -> memref<10240x128xf32, #tpu.memory_space<vmem_shared>>
      tpu.enqueue_indirect_dma source(%arg11 : memref<128x128xf32, #tpu.memory_space<vmem>>) target(%dma_start3A_97 : memref<10240x128xf32, #tpu.memory_space<vmem_shared>>) offsets(%dma_start3A_94 : memref<128xi32, #tpu.memory_space<vmem>>) semaphore(%run_scoped3A_91 : memref<!tpu.dma_semaphore, #tpu.memory_space<semaphore_mem>>) {add = true}
      %dma_wait3A_98 = arith.constant 0 : i32
      %dma_wait3A_99 = tpu.memref_slice %arg9[%run_scoped3A, %dma_wait3A_98] : memref<1x128xi32, #tpu.memory_space<vmem>> -> memref<1x128xi32, #tpu.memory_space<vmem>>
      %dma_wait3A_100 = tpu.memref_squeeze %dma_wait3A_99 : memref<1x128xi32, #tpu.memory_space<vmem>> -> memref<128xi32, #tpu.memory_space<vmem>>
      %dma_wait3A_101 = arith.constant 0 : i32
      %dma_wait3A_102 = arith.constant 0 : i32
      %dma_wait3A_103 = tpu.memref_slice %arg7[%dma_wait3A_101, %dma_wait3A_102] : memref<10240x128xf32, #tpu.memory_space<vmem_shared>> -> memref<10240x128xf32, #tpu.memory_space<vmem_shared>>
      tpu.wait_indirect_dma semaphore(%run_scoped3A_91 : memref<!tpu.dma_semaphore, #tpu.memory_space<semaphore_mem>>) src(%arg11 : memref<128x128xf32, #tpu.memory_space<vmem>>) dst(%dma_wait3A_103 : memref<10240x128xf32, #tpu.memory_space<vmem_shared>>)
      tpu.yield
    }) : () -> ()
    %dma_wait3A_67 = arith.constant 0 : i32
    %dma_wait3A_68 = arith.constant 0 : i32
    %dma_wait3A_69 = arith.constant 0 : i32
    %dma_wait3A_70 = tpu.memref_slice %arg8[%dma_wait3A_67, %dma_wait3A_68, %dma_wait3A_69] : memref<80x1x128xi32, #tpu.memory_space<vmem>> -> memref<1x1x128xi32, #tpu.memory_space<vmem>>
    %dma_wait3A_71 = tpu.memref_squeeze %dma_wait3A_70 : memref<1x1x128xi32, #tpu.memory_space<vmem>> -> memref<128xi32, #tpu.memory_space<vmem>>
    %dma_wait3A_72 = arith.constant 0 : i32
    %dma_wait3A_73 = arith.constant 0 : i32
    %dma_wait3A_74 = tpu.memref_slice %arg2[%dma_wait3A_72, %dma_wait3A_73] : memref<10000x128xf32, #tpu.memory_space<hbm>> -> memref<10000x128xf32, #tpu.memory_space<hbm>>
    tpu.wait_indirect_dma semaphore(%arg14 : memref<!tpu.dma_semaphore, #tpu.memory_space<semaphore_mem>>) src(%dma_wait3A_74 : memref<10000x128xf32, #tpu.memory_space<hbm>>) dst(%arg12 : memref<128x128xf32, #tpu.memory_space<vmem>>)
    %mul3A_75 = arith.constant 80 : i32
    %mul3A_76 = arith.muli %add3A, %mul3A_75 : i32
    %dma_wait3A_77 = arith.constant 0 : i32
    %dma_wait3A_78 = arith.constant 0 : i32
    %dma_wait3A_79 = tpu.memref_slice %arg4[%mul3A_76, %dma_wait3A_77, %dma_wait3A_78] : memref<2560x1x128xi32, #tpu.memory_space<hbm>> -> memref<1x1x128xi32, #tpu.memory_space<hbm>>
    %dma_wait3A_80 = tpu.memref_squeeze %dma_wait3A_79 : memref<1x1x128xi32, #tpu.memory_space<hbm>> -> memref<1x128xi32, #tpu.memory_space<hbm>>
    %dma_wait3A_81 = arith.constant 0 : i32
    %dma_wait3A_82 = arith.constant 0 : i32
    %dma_wait3A_83 = tpu.memref_slice %arg4[%mul3A_76, %dma_wait3A_81, %dma_wait3A_82] : memref<2560x1x128xi32, #tpu.memory_space<hbm>> -> memref<1x1x128xi32, #tpu.memory_space<hbm>>
    %dma_wait3A_84 = tpu.memref_squeeze %dma_wait3A_83 : memref<1x1x128xi32, #tpu.memory_space<hbm>> -> memref<1x128xi32, #tpu.memory_space<hbm>>
    tpu.wait_dma2 semaphore(%arg16 : memref<!tpu.dma_semaphore, #tpu.memory_space<semaphore_mem>>) src(%dma_wait3A_84 : memref<1x128xi32, #tpu.memory_space<hbm>>) dst(%arg10 : memref<1x128xi32, #tpu.memory_space<vmem>>)
    %run_scoped3A_85 = arith.constant 0 : i32
    "tpu.region"() ({
      %run_scoped3A_91 = tpu.sem_alloc : memref<!tpu.dma_semaphore, #tpu.memory_space<semaphore_mem>>
      %dma_start3A_92 = arith.constant 0 : i32
      %dma_start3A_93 = tpu.memref_slice %arg10[%run_scoped3A_85, %dma_start3A_92] : memref<1x128xi32, #tpu.memory_space<vmem>> -> memref<1x128xi32, #tpu.memory_space<vmem>>
      %dma_start3A_94 = tpu.memref_squeeze %dma_start3A_93 : memref<1x128xi32, #tpu.memory_space<vmem>> -> memref<128xi32, #tpu.memory_space<vmem>>
      %dma_start3A_95 = arith.constant 0 : i32
      %dma_start3A_96 = arith.constant 0 : i32
      %dma_start3A_97 = tpu.memref_slice %arg7[%dma_start3A_95, %dma_start3A_96] : memref<10240x128xf32, #tpu.memory_space<vmem_shared>> -> memref<10240x128xf32, #tpu.memory_space<vmem_shared>>
      tpu.enqueue_indirect_dma source(%arg12 : memref<128x128xf32, #tpu.memory_space<vmem>>) target(%dma_start3A_97 : memref<10240x128xf32, #tpu.memory_space<vmem_shared>>) offsets(%dma_start3A_94 : memref<128xi32, #tpu.memory_space<vmem>>) semaphore(%run_scoped3A_91 : memref<!tpu.dma_semaphore, #tpu.memory_space<semaphore_mem>>) {add = true}
      %dma_wait3A_98 = arith.constant 0 : i32
      %dma_wait3A_99 = tpu.memref_slice %arg10[%run_scoped3A_85, %dma_wait3A_98] : memref<1x128xi32, #tpu.memory_space<vmem>> -> memref<1x128xi32, #tpu.memory_space<vmem>>
      %dma_wait3A_100 = tpu.memref_squeeze %dma_wait3A_99 : memref<1x128xi32, #tpu.memory_space<vmem>> -> memref<128xi32, #tpu.memory_space<vmem>>
      %dma_wait3A_101 = arith.constant 0 : i32
      %dma_wait3A_102 = arith.constant 0 : i32
      %dma_wait3A_103 = tpu.memref_slice %arg7[%dma_wait3A_101, %dma_wait3A_102] : memref<10240x128xf32, #tpu.memory_space<vmem_shared>> -> memref<10240x128xf32, #tpu.memory_space<vmem_shared>>
      tpu.wait_indirect_dma semaphore(%run_scoped3A_91 : memref<!tpu.dma_semaphore, #tpu.memory_space<semaphore_mem>>) src(%arg12 : memref<128x128xf32, #tpu.memory_space<vmem>>) dst(%dma_wait3A_103 : memref<10240x128xf32, #tpu.memory_space<vmem_shared>>)
      tpu.yield
    }) : () -> ()
    %barrier3A_86 = arith.constant 0 : index
    tpu.barrier barrier_id(%barrier3A_86)
    %mul3A_87 = arith.constant 640 : i32
    %mul3A_88 = arith.muli %arg1, %mul3A_87 : i32
    %mul3A_89 = arith.constant 640 : i32
    %mul3A_90 = arith.muli %arg1, %mul3A_89 : i32
    "tpu.region"() ({
      %run_scoped3A_91 = tpu.sem_alloc : memref<!tpu.dma_semaphore, #tpu.memory_space<semaphore_mem>>
      %dma_start3A_92 = arith.constant 0 : i32
      %dma_start3A_93 = tpu.memref_slice %arg6[%arg0, %mul3A_90, %dma_start3A_92] : memref<2x10240x128xf32, #tpu.memory_space<hbm>> -> memref<1x640x128xf32, #tpu.memory_space<hbm>>
      %dma_start3A_94 = tpu.memref_squeeze %dma_start3A_93 : memref<1x640x128xf32, #tpu.memory_space<hbm>> -> memref<640x128xf32, #tpu.memory_space<hbm>>
      %dma_start3A_95 = arith.constant 0 : i32
      %dma_start3A_96 = tpu.memref_slice %arg7[%mul3A_88, %dma_start3A_95] : memref<10240x128xf32, #tpu.memory_space<vmem_shared>> -> memref<640x128xf32, #tpu.memory_space<vmem_shared>>
      tpu.enqueue_dma source(%dma_start3A_96 : memref<640x128xf32, #tpu.memory_space<vmem_shared>>) target(%dma_start3A_94 : memref<640x128xf32, #tpu.memory_space<hbm>>) target_semaphore(%run_scoped3A_91 : memref<!tpu.dma_semaphore, #tpu.memory_space<semaphore_mem>>)
      %dma_wait3A_97 = arith.constant 0 : i32
      %dma_wait3A_98 = tpu.memref_slice %arg6[%arg0, %mul3A_90, %dma_wait3A_97] : memref<2x10240x128xf32, #tpu.memory_space<hbm>> -> memref<1x640x128xf32, #tpu.memory_space<hbm>>
      %dma_wait3A_99 = tpu.memref_squeeze %dma_wait3A_98 : memref<1x640x128xf32, #tpu.memory_space<hbm>> -> memref<640x128xf32, #tpu.memory_space<hbm>>
      %dma_wait3A_100 = arith.constant 0 : i32
      %dma_wait3A_101 = tpu.memref_slice %arg7[%mul3A_88, %dma_wait3A_100] : memref<10240x128xf32, #tpu.memory_space<vmem_shared>> -> memref<640x128xf32, #tpu.memory_space<vmem_shared>>
      tpu.wait_dma2 semaphore(%run_scoped3A_91 : memref<!tpu.dma_semaphore, #tpu.memory_space<semaphore_mem>>) src(%dma_wait3A_101 : memref<640x128xf32, #tpu.memory_space<vmem_shared>>) dst(%dma_wait3A_99 : memref<640x128xf32, #tpu.memory_space<hbm>>)
      tpu.yield
    }) : () -> ()
    return
  }
}

#map = affine_map<(d0, d1) -> (0, 0)>
#map1 = affine_map<(d0, d1) -> (0, 0, 0)>
module attributes {stable_mosaic.version = 14 : i64} {
  func.func @matvec_kernel(%arg0: i32, %arg1: i32, %arg2: memref<10000x128xf32, #tpu.memory_space<hbm>>, %arg3: memref<2560x1x128xi32, #tpu.memory_space<hbm>>, %arg4: memref<2560x1x128xi32, #tpu.memory_space<hbm>>, %arg5: memref<10240x128xf32, #tpu.memory_space<hbm>>, %arg6: memref<2x10240x128xf32, #tpu.memory_space<hbm>>, %arg7: memref<10240x128xf32, #tpu.memory_space<vmem_shared>>, %arg8: memref<80x1x128xi32, #tpu.memory_space<vmem>>, %arg9: memref<1x128xi32, #tpu.memory_space<vmem>>, %arg10: memref<1x128xi32, #tpu.memory_space<vmem>>, %arg11: memref<128x128xf32, #tpu.memory_space<vmem>>, %arg12: memref<128x128xf32, #tpu.memory_space<vmem>>, %arg13: memref<!tpu.dma_semaphore, #tpu.memory_space<semaphore_mem>>, %arg14: memref<!tpu.dma_semaphore, #tpu.memory_space<semaphore_mem>>, %arg15: memref<!tpu.dma_semaphore, #tpu.memory_space<semaphore_mem>>, %arg16: memref<!tpu.dma_semaphore, #tpu.memory_space<semaphore_mem>>) attributes {dimension_semantics = [#tpu.dimension_semantics<core_parallel>, #tpu.dimension_semantics<subcore_parallel>], iteration_bounds = array<i64: 2, 16>, scalar_prefetch = 0 : i64, scratch_operands = 10 : i64, tpu.core_type = #tpu.core_type<sc_vector_subcore>, window_params = [{transform_indices = #map}, {transform_indices = #map1}, {transform_indices = #map1}, {transform_indices = #map}, {transform_indices = #map1}]} {
    %mul3A = arith.constant 2 : i32
    %mul3A_0 = arith.muli %arg1, %mul3A : i32
    %add3A = arith.addi %mul3A_0, %arg0 : i32
    %mul3A_1 = arith.constant 640 : i32
    %mul3A_2 = arith.muli %arg1, %mul3A_1 : i32
    %mul3A_3 = arith.constant 640 : i32
    %mul3A_4 = arith.muli %arg1, %mul3A_3 : i32
    "tpu.region"() ({
      %run_scoped3A_91 = tpu.sem_alloc : memref<!tpu.dma_semaphore, #tpu.memory_space<semaphore_mem>>
      %dma_start3A_92 = arith.constant 0 : i32
      %dma_start3A_93 = tpu.memref_slice %arg7[%mul3A_4, %dma_start3A_92] : memref<10240x128xf32, #tpu.memory_space<vmem_shared>> -> memref<640x128xf32, #tpu.memory_space<vmem_shared>>
      %dma_start3A_94 = arith.constant 0 : i32
      %dma_start3A_95 = tpu.memref_slice %arg5[%mul3A_2, %dma_start3A_94] : memref<10240x128xf32, #tpu.memory_space<hbm>> -> memref<640x128xf32, #tpu.memory_space<hbm>>
      tpu.enqueue_dma source(%dma_start3A_95 : memref<640x128xf32, #tpu.memory_space<hbm>>) target(%dma_start3A_93 : memref<640x128xf32, #tpu.memory_space<vmem_shared>>) target_semaphore(%run_scoped3A_91 : memref<!tpu.dma_semaphore, #tpu.memory_space<semaphore_mem>>)
      %dma_wait3A_96 = arith.constant 0 : i32
      %dma_wait3A_97 = tpu.memref_slice %arg7[%mul3A_4, %dma_wait3A_96] : memref<10240x128xf32, #tpu.memory_space<vmem_shared>> -> memref<640x128xf32, #tpu.memory_space<vmem_shared>>
      %dma_wait3A_98 = arith.constant 0 : i32
      %dma_wait3A_99 = tpu.memref_slice %arg5[%mul3A_2, %dma_wait3A_98] : memref<10240x128xf32, #tpu.memory_space<hbm>> -> memref<640x128xf32, #tpu.memory_space<hbm>>
      tpu.wait_dma2 semaphore(%run_scoped3A_91 : memref<!tpu.dma_semaphore, #tpu.memory_space<semaphore_mem>>) src(%dma_wait3A_99 : memref<640x128xf32, #tpu.memory_space<hbm>>) dst(%dma_wait3A_97 : memref<640x128xf32, #tpu.memory_space<vmem_shared>>)
      tpu.yield
    }) : () -> ()
    %mul3A_5 = arith.constant 80 : i32
    %mul3A_6 = arith.muli %add3A, %mul3A_5 : i32
    "tpu.region"() ({
      %run_scoped3A_91 = tpu.sem_alloc : memref<!tpu.dma_semaphore, #tpu.memory_space<semaphore_mem>>
      %dma_start3A_92 = arith.constant 0 : i32
      %dma_start3A_93 = arith.constant 0 : i32
      %dma_start3A_94 = tpu.memref_slice %arg3[%mul3A_6, %dma_start3A_92, %dma_start3A_93] : memref<2560x1x128xi32, #tpu.memory_space<hbm>> -> memref<80x1x128xi32, #tpu.memory_space<hbm>>
      %dma_start3A_95 = arith.constant 0 : i32
      %dma_start3A_96 = arith.constant 0 : i32
      %dma_start3A_97 = tpu.memref_slice %arg3[%mul3A_6, %dma_start3A_95, %dma_start3A_96] : memref<2560x1x128xi32, #tpu.memory_space<hbm>> -> memref<80x1x128xi32, #tpu.memory_space<hbm>>
      tpu.enqueue_dma source(%dma_start3A_97 : memref<80x1x128xi32, #tpu.memory_space<hbm>>) target(%arg8 : memref<80x1x128xi32, #tpu.memory_space<vmem>>) target_semaphore(%run_scoped3A_91 : memref<!tpu.dma_semaphore, #tpu.memory_space<semaphore_mem>>)
      %dma_wait3A_98 = arith.constant 0 : i32
      %dma_wait3A_99 = arith.constant 0 : i32
      %dma_wait3A_100 = tpu.memref_slice %arg3[%mul3A_6, %dma_wait3A_98, %dma_wait3A_99] : memref<2560x1x128xi32, #tpu.memory_space<hbm>> -> memref<80x1x128xi32, #tpu.memory_space<hbm>>
      %dma_wait3A_101 = arith.constant 0 : i32
      %dma_wait3A_102 = arith.constant 0 : i32
      %dma_wait3A_103 = tpu.memref_slice %arg3[%mul3A_6, %dma_wait3A_101, %dma_wait3A_102] : memref<2560x1x128xi32, #tpu.memory_space<hbm>> -> memref<80x1x128xi32, #tpu.memory_space<hbm>>
      tpu.wait_dma2 semaphore(%run_scoped3A_91 : memref<!tpu.dma_semaphore, #tpu.memory_space<semaphore_mem>>) src(%dma_wait3A_103 : memref<80x1x128xi32, #tpu.memory_space<hbm>>) dst(%arg8 : memref<80x1x128xi32, #tpu.memory_space<vmem>>)
      tpu.yield
    }) : () -> ()
    %barrier3A = arith.constant 0 : index
    tpu.barrier barrier_id(%barrier3A)
    %mul3A_7 = arith.constant 80 : i32
    %mul3A_8 = arith.muli %add3A, %mul3A_7 : i32
    %add3A_9 = arith.constant 0 : i32
    %add3A_10 = arith.addi %mul3A_8, %add3A_9 : i32
    %dma_start3A = arith.constant 0 : i32
    %dma_start3A_11 = arith.constant 0 : i32
    %dma_start3A_12 = tpu.memref_slice %arg4[%add3A_10, %dma_start3A, %dma_start3A_11] : memref<2560x1x128xi32, #tpu.memory_space<hbm>> -> memref<1x1x128xi32, #tpu.memory_space<hbm>>
    %dma_start3A_13 = tpu.memref_squeeze %dma_start3A_12 : memref<1x1x128xi32, #tpu.memory_space<hbm>> -> memref<1x128xi32, #tpu.memory_space<hbm>>
    %dma_start3A_14 = arith.constant 0 : i32
    %dma_start3A_15 = arith.constant 0 : i32
    %dma_start3A_16 = tpu.memref_slice %arg4[%add3A_10, %dma_start3A_14, %dma_start3A_15] : memref<2560x1x128xi32, #tpu.memory_space<hbm>> -> memref<1x1x128xi32, #tpu.memory_space<hbm>>
    %dma_start3A_17 = tpu.memref_squeeze %dma_start3A_16 : memref<1x1x128xi32, #tpu.memory_space<hbm>> -> memref<1x128xi32, #tpu.memory_space<hbm>>
    tpu.enqueue_dma source(%dma_start3A_17 : memref<1x128xi32, #tpu.memory_space<hbm>>) target(%arg9 : memref<1x128xi32, #tpu.memory_space<vmem>>) target_semaphore(%arg15 : memref<!tpu.dma_semaphore, #tpu.memory_space<semaphore_mem>>)
    %dma_start3A_18 = arith.constant 0 : i32
    %dma_start3A_19 = arith.constant 0 : i32
    %dma_start3A_20 = arith.constant 0 : i32
    %dma_start3A_21 = tpu.memref_slice %arg8[%dma_start3A_18, %dma_start3A_19, %dma_start3A_20] : memref<80x1x128xi32, #tpu.memory_space<vmem>> -> memref<1x1x128xi32, #tpu.memory_space<vmem>>
    %dma_start3A_22 = tpu.memref_squeeze %dma_start3A_21 : memref<1x1x128xi32, #tpu.memory_space<vmem>> -> memref<128xi32, #tpu.memory_space<vmem>>
    %dma_start3A_23 = arith.constant 0 : i32
    %dma_start3A_24 = arith.constant 0 : i32
    %dma_start3A_25 = tpu.memref_slice %arg2[%dma_start3A_23, %dma_start3A_24] : memref<10000x128xf32, #tpu.memory_space<hbm>> -> memref<10000x128xf32, #tpu.memory_space<hbm>>
    tpu.enqueue_indirect_dma source(%dma_start3A_25 : memref<10000x128xf32, #tpu.memory_space<hbm>>) target(%arg11 : memref<128x128xf32, #tpu.memory_space<vmem>>) offsets(%dma_start3A_22 : memref<128xi32, #tpu.memory_space<vmem>>) semaphore(%arg13 : memref<!tpu.dma_semaphore, #tpu.memory_space<semaphore_mem>>)
    %scan3A = arith.constant 0 : i32
    %scan3A_26 = arith.constant 39 : i32
    %scan3A_27 = arith.addi %scan3A, %scan3A_26 : i32
    %scan3A_28 = arith.constant 1 : i32
    scf.for %scan3A_91 = %scan3A to %scan3A_27 step %scan3A_28  : i32 {
      %mul3A_92 = arith.constant 1 : i32
      %mul3A_93 = arith.muli %scan3A_91, %mul3A_92 : i32
      %add3A_94 = arith.constant 0 : i32
      %add3A_95 = arith.addi %add3A_94, %mul3A_93 : i32
      %mul3A_96 = arith.constant 2 : i32
      %mul3A_97 = arith.muli %add3A_95, %mul3A_96 : i32
      %add3A_98 = arith.constant 1 : i32
      %add3A_99 = arith.addi %mul3A_97, %add3A_98 : i32
      %mul3A_100 = arith.constant 80 : i32
      %mul3A_101 = arith.muli %add3A, %mul3A_100 : i32
      %add3A_102 = arith.addi %mul3A_101, %add3A_99 : i32
      %dma_start3A_103 = arith.constant 0 : i32
      %dma_start3A_104 = arith.constant 0 : i32
      %dma_start3A_105 = tpu.memref_slice %arg4[%add3A_102, %dma_start3A_103, %dma_start3A_104] : memref<2560x1x128xi32, #tpu.memory_space<hbm>> -> memref<1x1x128xi32, #tpu.memory_space<hbm>>
      %dma_start3A_106 = tpu.memref_squeeze %dma_start3A_105 : memref<1x1x128xi32, #tpu.memory_space<hbm>> -> memref<1x128xi32, #tpu.memory_space<hbm>>
      %dma_start3A_107 = arith.constant 0 : i32
      %dma_start3A_108 = arith.constant 0 : i32
      %dma_start3A_109 = tpu.memref_slice %arg4[%add3A_102, %dma_start3A_107, %dma_start3A_108] : memref<2560x1x128xi32, #tpu.memory_space<hbm>> -> memref<1x1x128xi32, #tpu.memory_space<hbm>>
      %dma_start3A_110 = tpu.memref_squeeze %dma_start3A_109 : memref<1x1x128xi32, #tpu.memory_space<hbm>> -> memref<1x128xi32, #tpu.memory_space<hbm>>
      tpu.enqueue_dma source(%dma_start3A_110 : memref<1x128xi32, #tpu.memory_space<hbm>>) target(%arg10 : memref<1x128xi32, #tpu.memory_space<vmem>>) target_semaphore(%arg16 : memref<!tpu.dma_semaphore, #tpu.memory_space<semaphore_mem>>)
      %dma_start3A_111 = arith.constant 0 : i32
      %dma_start3A_112 = arith.constant 0 : i32
      %dma_start3A_113 = tpu.memref_slice %arg8[%add3A_99, %dma_start3A_111, %dma_start3A_112] : memref<80x1x128xi32, #tpu.memory_space<vmem>> -> memref<1x1x128xi32, #tpu.memory_space<vmem>>
      %dma_start3A_114 = tpu.memref_squeeze %dma_start3A_113 : memref<1x1x128xi32, #tpu.memory_space<vmem>> -> memref<128xi32, #tpu.memory_space<vmem>>
      %dma_start3A_115 = arith.constant 0 : i32
      %dma_start3A_116 = arith.constant 0 : i32
      %dma_start3A_117 = tpu.memref_slice %arg2[%dma_start3A_115, %dma_start3A_116] : memref<10000x128xf32, #tpu.memory_space<hbm>> -> memref<10000x128xf32, #tpu.memory_space<hbm>>
      tpu.enqueue_indirect_dma source(%dma_start3A_117 : memref<10000x128xf32, #tpu.memory_space<hbm>>) target(%arg12 : memref<128x128xf32, #tpu.memory_space<vmem>>) offsets(%dma_start3A_114 : memref<128xi32, #tpu.memory_space<vmem>>) semaphore(%arg14 : memref<!tpu.dma_semaphore, #tpu.memory_space<semaphore_mem>>)
      %dma_wait3A_118 = arith.constant 0 : i32
      %dma_wait3A_119 = arith.constant 0 : i32
      %dma_wait3A_120 = arith.constant 0 : i32
      %dma_wait3A_121 = tpu.memref_slice %arg8[%dma_wait3A_118, %dma_wait3A_119, %dma_wait3A_120] : memref<80x1x128xi32, #tpu.memory_space<vmem>> -> memref<1x1x128xi32, #tpu.memory_space<vmem>>
      %dma_wait3A_122 = tpu.memref_squeeze %dma_wait3A_121 : memref<1x1x128xi32, #tpu.memory_space<vmem>> -> memref<128xi32, #tpu.memory_space<vmem>>
      %dma_wait3A_123 = arith.constant 0 : i32
      %dma_wait3A_124 = arith.constant 0 : i32
      %dma_wait3A_125 = tpu.memref_slice %arg2[%dma_wait3A_123, %dma_wait3A_124] : memref<10000x128xf32, #tpu.memory_space<hbm>> -> memref<10000x128xf32, #tpu.memory_space<hbm>>
      tpu.wait_indirect_dma semaphore(%arg13 : memref<!tpu.dma_semaphore, #tpu.memory_space<semaphore_mem>>) src(%dma_wait3A_125 : memref<10000x128xf32, #tpu.memory_space<hbm>>) dst(%arg11 : memref<128x128xf32, #tpu.memory_space<vmem>>)
      %mul3A_126 = arith.constant 80 : i32
      %mul3A_127 = arith.muli %add3A, %mul3A_126 : i32
      %dma_wait3A_128 = arith.constant 0 : i32
      %dma_wait3A_129 = arith.constant 0 : i32
      %dma_wait3A_130 = tpu.memref_slice %arg4[%mul3A_127, %dma_wait3A_128, %dma_wait3A_129] : memref<2560x1x128xi32, #tpu.memory_space<hbm>> -> memref<1x1x128xi32, #tpu.memory_space<hbm>>
      %dma_wait3A_131 = tpu.memref_squeeze %dma_wait3A_130 : memref<1x1x128xi32, #tpu.memory_space<hbm>> -> memref<1x128xi32, #tpu.memory_space<hbm>>
      %dma_wait3A_132 = arith.constant 0 : i32
      %dma_wait3A_133 = arith.constant 0 : i32
      %dma_wait3A_134 = tpu.memref_slice %arg4[%mul3A_127, %dma_wait3A_132, %dma_wait3A_133] : memref<2560x1x128xi32, #tpu.memory_space<hbm>> -> memref<1x1x128xi32, #tpu.memory_space<hbm>>
      %dma_wait3A_135 = tpu.memref_squeeze %dma_wait3A_134 : memref<1x1x128xi32, #tpu.memory_space<hbm>> -> memref<1x128xi32, #tpu.memory_space<hbm>>
      tpu.wait_dma2 semaphore(%arg15 : memref<!tpu.dma_semaphore, #tpu.memory_space<semaphore_mem>>) src(%dma_wait3A_135 : memref<1x128xi32, #tpu.memory_space<hbm>>) dst(%arg9 : memref<1x128xi32, #tpu.memory_space<vmem>>)
      %run_scoped3A_136 = arith.constant 0 : i32
      "tpu.region"() ({
        %run_scoped3A_176 = tpu.sem_alloc : memref<!tpu.dma_semaphore, #tpu.memory_space<semaphore_mem>>
        %dma_start3A_177 = arith.constant 0 : i32
        %dma_start3A_178 = tpu.memref_slice %arg9[%run_scoped3A_136, %dma_start3A_177] : memref<1x128xi32, #tpu.memory_space<vmem>> -> memref<1x128xi32, #tpu.memory_space<vmem>>
        %dma_start3A_179 = tpu.memref_squeeze %dma_start3A_178 : memref<1x128xi32, #tpu.memory_space<vmem>> -> memref<128xi32, #tpu.memory_space<vmem>>
        %dma_start3A_180 = arith.constant 0 : i32
        %dma_start3A_181 = arith.constant 0 : i32
        %dma_start3A_182 = tpu.memref_slice %arg7[%dma_start3A_180, %dma_start3A_181] : memref<10240x128xf32, #tpu.memory_space<vmem_shared>> -> memref<10240x128xf32, #tpu.memory_space<vmem_shared>>
        tpu.enqueue_indirect_dma source(%arg11 : memref<128x128xf32, #tpu.memory_space<vmem>>) target(%dma_start3A_182 : memref<10240x128xf32, #tpu.memory_space<vmem_shared>>) offsets(%dma_start3A_179 : memref<128xi32, #tpu.memory_space<vmem>>) semaphore(%run_scoped3A_176 : memref<!tpu.dma_semaphore, #tpu.memory_space<semaphore_mem>>) {add = true}
        %dma_wait3A_183 = arith.constant 0 : i32
        %dma_wait3A_184 = tpu.memref_slice %arg9[%run_scoped3A_136, %dma_wait3A_183] : memref<1x128xi32, #tpu.memory_space<vmem>> -> memref<1x128xi32, #tpu.memory_space<vmem>>
        %dma_wait3A_185 = tpu.memref_squeeze %dma_wait3A_184 : memref<1x128xi32, #tpu.memory_space<vmem>> -> memref<128xi32, #tpu.memory_space<vmem>>
        %dma_wait3A_186 = arith.constant 0 : i32
        %dma_wait3A_187 = arith.constant 0 : i32
        %dma_wait3A_188 = tpu.memref_slice %arg7[%dma_wait3A_186, %dma_wait3A_187] : memref<10240x128xf32, #tpu.memory_space<vmem_shared>> -> memref<10240x128xf32, #tpu.memory_space<vmem_shared>>
        tpu.wait_indirect_dma semaphore(%run_scoped3A_176 : memref<!tpu.dma_semaphore, #tpu.memory_space<semaphore_mem>>) src(%arg11 : memref<128x128xf32, #tpu.memory_space<vmem>>) dst(%dma_wait3A_188 : memref<10240x128xf32, #tpu.memory_space<vmem_shared>>)
        tpu.yield
      }) : () -> ()
      %add3A_137 = arith.constant 2 : i32
      %add3A_138 = arith.addi %mul3A_97, %add3A_137 : i32
      %mul3A_139 = arith.constant 80 : i32
      %mul3A_140 = arith.muli %add3A, %mul3A_139 : i32
      %add3A_141 = arith.addi %mul3A_140, %add3A_138 : i32
      %dma_start3A_142 = arith.constant 0 : i32
      %dma_start3A_143 = arith.constant 0 : i32
      %dma_start3A_144 = tpu.memref_slice %arg4[%add3A_141, %dma_start3A_142, %dma_start3A_143] : memref<2560x1x128xi32, #tpu.memory_space<hbm>> -> memref<1x1x128xi32, #tpu.memory_space<hbm>>
      %dma_start3A_145 = tpu.memref_squeeze %dma_start3A_144 : memref<1x1x128xi32, #tpu.memory_space<hbm>> -> memref<1x128xi32, #tpu.memory_space<hbm>>
      %dma_start3A_146 = arith.constant 0 : i32
      %dma_start3A_147 = arith.constant 0 : i32
      %dma_start3A_148 = tpu.memref_slice %arg4[%add3A_141, %dma_start3A_146, %dma_start3A_147] : memref<2560x1x128xi32, #tpu.memory_space<hbm>> -> memref<1x1x128xi32, #tpu.memory_space<hbm>>
      %dma_start3A_149 = tpu.memref_squeeze %dma_start3A_148 : memref<1x1x128xi32, #tpu.memory_space<hbm>> -> memref<1x128xi32, #tpu.memory_space<hbm>>
      tpu.enqueue_dma source(%dma_start3A_149 : memref<1x128xi32, #tpu.memory_space<hbm>>) target(%arg9 : memref<1x128xi32, #tpu.memory_space<vmem>>) target_semaphore(%arg15 : memref<!tpu.dma_semaphore, #tpu.memory_space<semaphore_mem>>)
      %dma_start3A_150 = arith.constant 0 : i32
      %dma_start3A_151 = arith.constant 0 : i32
      %dma_start3A_152 = tpu.memref_slice %arg8[%add3A_138, %dma_start3A_150, %dma_start3A_151] : memref<80x1x128xi32, #tpu.memory_space<vmem>> -> memref<1x1x128xi32, #tpu.memory_space<vmem>>
      %dma_start3A_153 = tpu.memref_squeeze %dma_start3A_152 : memref<1x1x128xi32, #tpu.memory_space<vmem>> -> memref<128xi32, #tpu.memory_space<vmem>>
      %dma_start3A_154 = arith.constant 0 : i32
      %dma_start3A_155 = arith.constant 0 : i32
      %dma_start3A_156 = tpu.memref_slice %arg2[%dma_start3A_154, %dma_start3A_155] : memref<10000x128xf32, #tpu.memory_space<hbm>> -> memref<10000x128xf32, #tpu.memory_space<hbm>>
      tpu.enqueue_indirect_dma source(%dma_start3A_156 : memref<10000x128xf32, #tpu.memory_space<hbm>>) target(%arg11 : memref<128x128xf32, #tpu.memory_space<vmem>>) offsets(%dma_start3A_153 : memref<128xi32, #tpu.memory_space<vmem>>) semaphore(%arg13 : memref<!tpu.dma_semaphore, #tpu.memory_space<semaphore_mem>>)
      %dma_wait3A_157 = arith.constant 0 : i32
      %dma_wait3A_158 = arith.constant 0 : i32
      %dma_wait3A_159 = arith.constant 0 : i32
      %dma_wait3A_160 = tpu.memref_slice %arg8[%dma_wait3A_157, %dma_wait3A_158, %dma_wait3A_159] : memref<80x1x128xi32, #tpu.memory_space<vmem>> -> memref<1x1x128xi32, #tpu.memory_space<vmem>>
      %dma_wait3A_161 = tpu.memref_squeeze %dma_wait3A_160 : memref<1x1x128xi32, #tpu.memory_space<vmem>> -> memref<128xi32, #tpu.memory_space<vmem>>
      %dma_wait3A_162 = arith.constant 0 : i32
      %dma_wait3A_163 = arith.constant 0 : i32
      %dma_wait3A_164 = tpu.memref_slice %arg2[%dma_wait3A_162, %dma_wait3A_163] : memref<10000x128xf32, #tpu.memory_space<hbm>> -> memref<10000x128xf32, #tpu.memory_space<hbm>>
      tpu.wait_indirect_dma semaphore(%arg14 : memref<!tpu.dma_semaphore, #tpu.memory_space<semaphore_mem>>) src(%dma_wait3A_164 : memref<10000x128xf32, #tpu.memory_space<hbm>>) dst(%arg12 : memref<128x128xf32, #tpu.memory_space<vmem>>)
      %mul3A_165 = arith.constant 80 : i32
      %mul3A_166 = arith.muli %add3A, %mul3A_165 : i32
      %dma_wait3A_167 = arith.constant 0 : i32
      %dma_wait3A_168 = arith.constant 0 : i32
      %dma_wait3A_169 = tpu.memref_slice %arg4[%mul3A_166, %dma_wait3A_167, %dma_wait3A_168] : memref<2560x1x128xi32, #tpu.memory_space<hbm>> -> memref<1x1x128xi32, #tpu.memory_space<hbm>>
      %dma_wait3A_170 = tpu.memref_squeeze %dma_wait3A_169 : memref<1x1x128xi32, #tpu.memory_space<hbm>> -> memref<1x128xi32, #tpu.memory_space<hbm>>
      %dma_wait3A_171 = arith.constant 0 : i32
      %dma_wait3A_172 = arith.constant 0 : i32
      %dma_wait3A_173 = tpu.memref_slice %arg4[%mul3A_166, %dma_wait3A_171, %dma_wait3A_172] : memref<2560x1x128xi32, #tpu.memory_space<hbm>> -> memref<1x1x128xi32, #tpu.memory_space<hbm>>
      %dma_wait3A_174 = tpu.memref_squeeze %dma_wait3A_173 : memref<1x1x128xi32, #tpu.memory_space<hbm>> -> memref<1x128xi32, #tpu.memory_space<hbm>>
      tpu.wait_dma2 semaphore(%arg16 : memref<!tpu.dma_semaphore, #tpu.memory_space<semaphore_mem>>) src(%dma_wait3A_174 : memref<1x128xi32, #tpu.memory_space<hbm>>) dst(%arg10 : memref<1x128xi32, #tpu.memory_space<vmem>>)
      %run_scoped3A_175 = arith.constant 0 : i32
      "tpu.region"() ({
        %run_scoped3A_176 = tpu.sem_alloc : memref<!tpu.dma_semaphore, #tpu.memory_space<semaphore_mem>>
        %dma_start3A_177 = arith.constant 0 : i32
        %dma_start3A_178 = tpu.memref_slice %arg10[%run_scoped3A_175, %dma_start3A_177] : memref<1x128xi32, #tpu.memory_space<vmem>> -> memref<1x128xi32, #tpu.memory_space<vmem>>
        %dma_start3A_179 = tpu.memref_squeeze %dma_start3A_178 : memref<1x128xi32, #tpu.memory_space<vmem>> -> memref<128xi32, #tpu.memory_space<vmem>>
        %dma_start3A_180 = arith.constant 0 : i32
        %dma_start3A_181 = arith.constant 0 : i32
        %dma_start3A_182 = tpu.memref_slice %arg7[%dma_start3A_180, %dma_start3A_181] : memref<10240x128xf32, #tpu.memory_space<vmem_shared>> -> memref<10240x128xf32, #tpu.memory_space<vmem_shared>>
        tpu.enqueue_indirect_dma source(%arg12 : memref<128x128xf32, #tpu.memory_space<vmem>>) target(%dma_start3A_182 : memref<10240x128xf32, #tpu.memory_space<vmem_shared>>) offsets(%dma_start3A_179 : memref<128xi32, #tpu.memory_space<vmem>>) semaphore(%run_scoped3A_176 : memref<!tpu.dma_semaphore, #tpu.memory_space<semaphore_mem>>) {add = true}
        %dma_wait3A_183 = arith.constant 0 : i32
        %dma_wait3A_184 = tpu.memref_slice %arg10[%run_scoped3A_175, %dma_wait3A_183] : memref<1x128xi32, #tpu.memory_space<vmem>> -> memref<1x128xi32, #tpu.memory_space<vmem>>
        %dma_wait3A_185 = tpu.memref_squeeze %dma_wait3A_184 : memref<1x128xi32, #tpu.memory_space<vmem>> -> memref<128xi32, #tpu.memory_space<vmem>>
        %dma_wait3A_186 = arith.constant 0 : i32
        %dma_wait3A_187 = arith.constant 0 : i32
        %dma_wait3A_188 = tpu.memref_slice %arg7[%dma_wait3A_186, %dma_wait3A_187] : memref<10240x128xf32, #tpu.memory_space<vmem_shared>> -> memref<10240x128xf32, #tpu.memory_space<vmem_shared>>
        tpu.wait_indirect_dma semaphore(%run_scoped3A_176 : memref<!tpu.dma_semaphore, #tpu.memory_space<semaphore_mem>>) src(%arg12 : memref<128x128xf32, #tpu.memory_space<vmem>>) dst(%dma_wait3A_188 : memref<10240x128xf32, #tpu.memory_space<vmem_shared>>)
        tpu.yield
      }) : () -> ()
    }
    %scan3A_29 = arith.constant 39 : i32
    %mul3A_30 = arith.constant 80 : i32
    %mul3A_31 = arith.muli %add3A, %mul3A_30 : i32
    %add3A_32 = arith.constant 79 : i32
    %add3A_33 = arith.addi %mul3A_31, %add3A_32 : i32
    %dma_start3A_34 = arith.constant 0 : i32
    %dma_start3A_35 = arith.constant 0 : i32
    %dma_start3A_36 = tpu.memref_slice %arg4[%add3A_33, %dma_start3A_34, %dma_start3A_35] : memref<2560x1x128xi32, #tpu.memory_space<hbm>> -> memref<1x1x128xi32, #tpu.memory_space<hbm>>
    %dma_start3A_37 = tpu.memref_squeeze %dma_start3A_36 : memref<1x1x128xi32, #tpu.memory_space<hbm>> -> memref<1x128xi32, #tpu.memory_space<hbm>>
    %dma_start3A_38 = arith.constant 0 : i32
    %dma_start3A_39 = arith.constant 0 : i32
    %dma_start3A_40 = tpu.memref_slice %arg4[%add3A_33, %dma_start3A_38, %dma_start3A_39] : memref<2560x1x128xi32, #tpu.memory_space<hbm>> -> memref<1x1x128xi32, #tpu.memory_space<hbm>>
    %dma_start3A_41 = tpu.memref_squeeze %dma_start3A_40 : memref<1x1x128xi32, #tpu.memory_space<hbm>> -> memref<1x128xi32, #tpu.memory_space<hbm>>
    tpu.enqueue_dma source(%dma_start3A_41 : memref<1x128xi32, #tpu.memory_space<hbm>>) target(%arg10 : memref<1x128xi32, #tpu.memory_space<vmem>>) target_semaphore(%arg16 : memref<!tpu.dma_semaphore, #tpu.memory_space<semaphore_mem>>)
    %dma_start3A_42 = arith.constant 79 : i32
    %dma_start3A_43 = arith.constant 0 : i32
    %dma_start3A_44 = arith.constant 0 : i32
    %dma_start3A_45 = tpu.memref_slice %arg8[%dma_start3A_42, %dma_start3A_43, %dma_start3A_44] : memref<80x1x128xi32, #tpu.memory_space<vmem>> -> memref<1x1x128xi32, #tpu.memory_space<vmem>>
    %dma_start3A_46 = tpu.memref_squeeze %dma_start3A_45 : memref<1x1x128xi32, #tpu.memory_space<vmem>> -> memref<128xi32, #tpu.memory_space<vmem>>
    %dma_start3A_47 = arith.constant 0 : i32
    %dma_start3A_48 = arith.constant 0 : i32
    %dma_start3A_49 = tpu.memref_slice %arg2[%dma_start3A_47, %dma_start3A_48] : memref<10000x128xf32, #tpu.memory_space<hbm>> -> memref<10000x128xf32, #tpu.memory_space<hbm>>
    tpu.enqueue_indirect_dma source(%dma_start3A_49 : memref<10000x128xf32, #tpu.memory_space<hbm>>) target(%arg12 : memref<128x128xf32, #tpu.memory_space<vmem>>) offsets(%dma_start3A_46 : memref<128xi32, #tpu.memory_space<vmem>>) semaphore(%arg14 : memref<!tpu.dma_semaphore, #tpu.memory_space<semaphore_mem>>)
    %dma_wait3A = arith.constant 0 : i32
    %dma_wait3A_50 = arith.constant 0 : i32
    %dma_wait3A_51 = arith.constant 0 : i32
    %dma_wait3A_52 = tpu.memref_slice %arg8[%dma_wait3A, %dma_wait3A_50, %dma_wait3A_51] : memref<80x1x128xi32, #tpu.memory_space<vmem>> -> memref<1x1x128xi32, #tpu.memory_space<vmem>>
    %dma_wait3A_53 = tpu.memref_squeeze %dma_wait3A_52 : memref<1x1x128xi32, #tpu.memory_space<vmem>> -> memref<128xi32, #tpu.memory_space<vmem>>
    %dma_wait3A_54 = arith.constant 0 : i32
    %dma_wait3A_55 = arith.constant 0 : i32
    %dma_wait3A_56 = tpu.memref_slice %arg2[%dma_wait3A_54, %dma_wait3A_55] : memref<10000x128xf32, #tpu.memory_space<hbm>> -> memref<10000x128xf32, #tpu.memory_space<hbm>>
    tpu.wait_indirect_dma semaphore(%arg13 : memref<!tpu.dma_semaphore, #tpu.memory_space<semaphore_mem>>) src(%dma_wait3A_56 : memref<10000x128xf32, #tpu.memory_space<hbm>>) dst(%arg11 : memref<128x128xf32, #tpu.memory_space<vmem>>)
    %mul3A_57 = arith.constant 80 : i32
    %mul3A_58 = arith.muli %add3A, %mul3A_57 : i32
    %dma_wait3A_59 = arith.constant 0 : i32
    %dma_wait3A_60 = arith.constant 0 : i32
    %dma_wait3A_61 = tpu.memref_slice %arg4[%mul3A_58, %dma_wait3A_59, %dma_wait3A_60] : memref<2560x1x128xi32, #tpu.memory_space<hbm>> -> memref<1x1x128xi32, #tpu.memory_space<hbm>>
    %dma_wait3A_62 = tpu.memref_squeeze %dma_wait3A_61 : memref<1x1x128xi32, #tpu.memory_space<hbm>> -> memref<1x128xi32, #tpu.memory_space<hbm>>
    %dma_wait3A_63 = arith.constant 0 : i32
    %dma_wait3A_64 = arith.constant 0 : i32
    %dma_wait3A_65 = tpu.memref_slice %arg4[%mul3A_58, %dma_wait3A_63, %dma_wait3A_64] : memref<2560x1x128xi32, #tpu.memory_space<hbm>> -> memref<1x1x128xi32, #tpu.memory_space<hbm>>
    %dma_wait3A_66 = tpu.memref_squeeze %dma_wait3A_65 : memref<1x1x128xi32, #tpu.memory_space<hbm>> -> memref<1x128xi32, #tpu.memory_space<hbm>>
    tpu.wait_dma2 semaphore(%arg15 : memref<!tpu.dma_semaphore, #tpu.memory_space<semaphore_mem>>) src(%dma_wait3A_66 : memref<1x128xi32, #tpu.memory_space<hbm>>) dst(%arg9 : memref<1x128xi32, #tpu.memory_space<vmem>>)
    %run_scoped3A = arith.constant 0 : i32
    "tpu.region"() ({
      %run_scoped3A_91 = tpu.sem_alloc : memref<!tpu.dma_semaphore, #tpu.memory_space<semaphore_mem>>
      %dma_start3A_92 = arith.constant 0 : i32
      %dma_start3A_93 = tpu.memref_slice %arg9[%run_scoped3A, %dma_start3A_92] : memref<1x128xi32, #tpu.memory_space<vmem>> -> memref<1x128xi32, #tpu.memory_space<vmem>>
      %dma_start3A_94 = tpu.memref_squeeze %dma_start3A_93 : memref<1x128xi32, #tpu.memory_space<vmem>> -> memref<128xi32, #tpu.memory_space<vmem>>
      %dma_start3A_95 = arith.constant 0 : i32
      %dma_start3A_96 = arith.constant 0 : i32
      %dma_start3A_97 = tpu.memref_slice %arg7[%dma_start3A_95, %dma_start3A_96] : memref<10240x128xf32, #tpu.memory_space<vmem_shared>> -> memref<10240x128xf32, #tpu.memory_space<vmem_shared>>
      tpu.enqueue_indirect_dma source(%arg11 : memref<128x128xf32, #tpu.memory_space<vmem>>) target(%dma_start3A_97 : memref<10240x128xf32, #tpu.memory_space<vmem_shared>>) offsets(%dma_start3A_94 : memref<128xi32, #tpu.memory_space<vmem>>) semaphore(%run_scoped3A_91 : memref<!tpu.dma_semaphore, #tpu.memory_space<semaphore_mem>>) {add = true}
      %dma_wait3A_98 = arith.constant 0 : i32
      %dma_wait3A_99 = tpu.memref_slice %arg9[%run_scoped3A, %dma_wait3A_98] : memref<1x128xi32, #tpu.memory_space<vmem>> -> memref<1x128xi32, #tpu.memory_space<vmem>>
      %dma_wait3A_100 = tpu.memref_squeeze %dma_wait3A_99 : memref<1x128xi32, #tpu.memory_space<vmem>> -> memref<128xi32, #tpu.memory_space<vmem>>
      %dma_wait3A_101 = arith.constant 0 : i32
      %dma_wait3A_102 = arith.constant 0 : i32
      %dma_wait3A_103 = tpu.memref_slice %arg7[%dma_wait3A_101, %dma_wait3A_102] : memref<10240x128xf32, #tpu.memory_space<vmem_shared>> -> memref<10240x128xf32, #tpu.memory_space<vmem_shared>>
      tpu.wait_indirect_dma semaphore(%run_scoped3A_91 : memref<!tpu.dma_semaphore, #tpu.memory_space<semaphore_mem>>) src(%arg11 : memref<128x128xf32, #tpu.memory_space<vmem>>) dst(%dma_wait3A_103 : memref<10240x128xf32, #tpu.memory_space<vmem_shared>>)
      tpu.yield
    }) : () -> ()
    %dma_wait3A_67 = arith.constant 0 : i32
    %dma_wait3A_68 = arith.constant 0 : i32
    %dma_wait3A_69 = arith.constant 0 : i32
    %dma_wait3A_70 = tpu.memref_slice %arg8[%dma_wait3A_67, %dma_wait3A_68, %dma_wait3A_69] : memref<80x1x128xi32, #tpu.memory_space<vmem>> -> memref<1x1x128xi32, #tpu.memory_space<vmem>>
    %dma_wait3A_71 = tpu.memref_squeeze %dma_wait3A_70 : memref<1x1x128xi32, #tpu.memory_space<vmem>> -> memref<128xi32, #tpu.memory_space<vmem>>
    %dma_wait3A_72 = arith.constant 0 : i32
    %dma_wait3A_73 = arith.constant 0 : i32
    %dma_wait3A_74 = tpu.memref_slice %arg2[%dma_wait3A_72, %dma_wait3A_73] : memref<10000x128xf32, #tpu.memory_space<hbm>> -> memref<10000x128xf32, #tpu.memory_space<hbm>>
    tpu.wait_indirect_dma semaphore(%arg14 : memref<!tpu.dma_semaphore, #tpu.memory_space<semaphore_mem>>) src(%dma_wait3A_74 : memref<10000x128xf32, #tpu.memory_space<hbm>>) dst(%arg12 : memref<128x128xf32, #tpu.memory_space<vmem>>)
    %mul3A_75 = arith.constant 80 : i32
    %mul3A_76 = arith.muli %add3A, %mul3A_75 : i32
    %dma_wait3A_77 = arith.constant 0 : i32
    %dma_wait3A_78 = arith.constant 0 : i32
    %dma_wait3A_79 = tpu.memref_slice %arg4[%mul3A_76, %dma_wait3A_77, %dma_wait3A_78] : memref<2560x1x128xi32, #tpu.memory_space<hbm>> -> memref<1x1x128xi32, #tpu.memory_space<hbm>>
    %dma_wait3A_80 = tpu.memref_squeeze %dma_wait3A_79 : memref<1x1x128xi32, #tpu.memory_space<hbm>> -> memref<1x128xi32, #tpu.memory_space<hbm>>
    %dma_wait3A_81 = arith.constant 0 : i32
    %dma_wait3A_82 = arith.constant 0 : i32
    %dma_wait3A_83 = tpu.memref_slice %arg4[%mul3A_76, %dma_wait3A_81, %dma_wait3A_82] : memref<2560x1x128xi32, #tpu.memory_space<hbm>> -> memref<1x1x128xi32, #tpu.memory_space<hbm>>
    %dma_wait3A_84 = tpu.memref_squeeze %dma_wait3A_83 : memref<1x1x128xi32, #tpu.memory_space<hbm>> -> memref<1x128xi32, #tpu.memory_space<hbm>>
    tpu.wait_dma2 semaphore(%arg16 : memref<!tpu.dma_semaphore, #tpu.memory_space<semaphore_mem>>) src(%dma_wait3A_84 : memref<1x128xi32, #tpu.memory_space<hbm>>) dst(%arg10 : memref<1x128xi32, #tpu.memory_space<vmem>>)
    %run_scoped3A_85 = arith.constant 0 : i32
    "tpu.region"() ({
      %run_scoped3A_91 = tpu.sem_alloc : memref<!tpu.dma_semaphore, #tpu.memory_space<semaphore_mem>>
      %dma_start3A_92 = arith.constant 0 : i32
      %dma_start3A_93 = tpu.memref_slice %arg10[%run_scoped3A_85, %dma_start3A_92] : memref<1x128xi32, #tpu.memory_space<vmem>> -> memref<1x128xi32, #tpu.memory_space<vmem>>
      %dma_start3A_94 = tpu.memref_squeeze %dma_start3A_93 : memref<1x128xi32, #tpu.memory_space<vmem>> -> memref<128xi32, #tpu.memory_space<vmem>>
      %dma_start3A_95 = arith.constant 0 : i32
      %dma_start3A_96 = arith.constant 0 : i32
      %dma_start3A_97 = tpu.memref_slice %arg7[%dma_start3A_95, %dma_start3A_96] : memref<10240x128xf32, #tpu.memory_space<vmem_shared>> -> memref<10240x128xf32, #tpu.memory_space<vmem_shared>>
      tpu.enqueue_indirect_dma source(%arg12 : memref<128x128xf32, #tpu.memory_space<vmem>>) target(%dma_start3A_97 : memref<10240x128xf32, #tpu.memory_space<vmem_shared>>) offsets(%dma_start3A_94 : memref<128xi32, #tpu.memory_space<vmem>>) semaphore(%run_scoped3A_91 : memref<!tpu.dma_semaphore, #tpu.memory_space<semaphore_mem>>) {add = true}
      %dma_wait3A_98 = arith.constant 0 : i32
      %dma_wait3A_99 = tpu.memref_slice %arg10[%run_scoped3A_85, %dma_wait3A_98] : memref<1x128xi32, #tpu.memory_space<vmem>> -> memref<1x128xi32, #tpu.memory_space<vmem>>
      %dma_wait3A_100 = tpu.memref_squeeze %dma_wait3A_99 : memref<1x128xi32, #tpu.memory_space<vmem>> -> memref<128xi32, #tpu.memory_space<vmem>>
      %dma_wait3A_101 = arith.constant 0 : i32
      %dma_wait3A_102 = arith.constant 0 : i32
      %dma_wait3A_103 = tpu.memref_slice %arg7[%dma_wait3A_101, %dma_wait3A_102] : memref<10240x128xf32, #tpu.memory_space<vmem_shared>> -> memref<10240x128xf32, #tpu.memory_space<vmem_shared>>
      tpu.wait_indirect_dma semaphore(%run_scoped3A_91 : memref<!tpu.dma_semaphore, #tpu.memory_space<semaphore_mem>>) src(%arg12 : memref<128x128xf32, #tpu.memory_space<vmem>>) dst(%dma_wait3A_103 : memref<10240x128xf32, #tpu.memory_space<vmem_shared>>)
      tpu.yield
    }) : () -> ()
    %barrier3A_86 = arith.constant 0 : index
    tpu.barrier barrier_id(%barrier3A_86)
    %mul3A_87 = arith.constant 640 : i32
    %mul3A_88 = arith.muli %arg1, %mul3A_87 : i32
    %mul3A_89 = arith.constant 640 : i32
    %mul3A_90 = arith.muli %arg1, %mul3A_89 : i32
    "tpu.region"() ({
      %run_scoped3A_91 = tpu.sem_alloc : memref<!tpu.dma_semaphore, #tpu.memory_space<semaphore_mem>>
      %dma_start3A_92 = arith.constant 0 : i32
      %dma_start3A_93 = tpu.memref_slice %arg6[%arg0, %mul3A_90, %dma_start3A_92] : memref<2x10240x128xf32, #tpu.memory_space<hbm>> -> memref<1x640x128xf32, #tpu.memory_space<hbm>>
      %dma_start3A_94 = tpu.memref_squeeze %dma_start3A_93 : memref<1x640x128xf32, #tpu.memory_space<hbm>> -> memref<640x128xf32, #tpu.memory_space<hbm>>
      %dma_start3A_95 = arith.constant 0 : i32
      %dma_start3A_96 = tpu.memref_slice %arg7[%mul3A_88, %dma_start3A_95] : memref<10240x128xf32, #tpu.memory_space<vmem_shared>> -> memref<640x128xf32, #tpu.memory_space<vmem_shared>>
      tpu.enqueue_dma source(%dma_start3A_96 : memref<640x128xf32, #tpu.memory_space<vmem_shared>>) target(%dma_start3A_94 : memref<640x128xf32, #tpu.memory_space<hbm>>) target_semaphore(%run_scoped3A_91 : memref<!tpu.dma_semaphore, #tpu.memory_space<semaphore_mem>>)
      %dma_wait3A_97 = arith.constant 0 : i32
      %dma_wait3A_98 = tpu.memref_slice %arg6[%arg0, %mul3A_90, %dma_wait3A_97] : memref<2x10240x128xf32, #tpu.memory_space<hbm>> -> memref<1x640x128xf32, #tpu.memory_space<hbm>>
      %dma_wait3A_99 = tpu.memref_squeeze %dma_wait3A_98 : memref<1x640x128xf32, #tpu.memory_space<hbm>> -> memref<640x128xf32, #tpu.memory_space<hbm>>
      %dma_wait3A_100 = arith.constant 0 : i32
      %dma_wait3A_101 = tpu.memref_slice %arg7[%mul3A_88, %dma_wait3A_100] : memref<10240x128xf32, #tpu.memory_space<vmem_shared>> -> memref<640x128xf32, #tpu.memory_space<vmem_shared>>
      tpu.wait_dma2 semaphore(%run_scoped3A_91 : memref<!tpu.dma_semaphore, #tpu.memory_space<semaphore_mem>>) src(%dma_wait3A_101 : memref<640x128xf32, #tpu.memory_space<vmem_shared>>) dst(%dma_wait3A_99 : memref<640x128xf32, #tpu.memory_space<hbm>>)
      tpu.yield
    }) : () -> ()
    return
  }
}

#map = affine_map<(d0, d1) -> (0, 0)>
#map1 = affine_map<(d0, d1) -> (0, 0, 0)>
module attributes {stable_mosaic.version = 14 : i64} {
  func.func @matvec_kernel(%arg0: i32, %arg1: i32, %arg2: memref<10000x128xf32, #tpu.memory_space<hbm>>, %arg3: memref<2560x1x128xi32, #tpu.memory_space<hbm>>, %arg4: memref<2560x1x128xi32, #tpu.memory_space<hbm>>, %arg5: memref<10240x128xf32, #tpu.memory_space<hbm>>, %arg6: memref<2x10240x128xf32, #tpu.memory_space<hbm>>, %arg7: memref<10240x128xf32, #tpu.memory_space<vmem_shared>>, %arg8: memref<80x1x128xi32, #tpu.memory_space<vmem>>, %arg9: memref<1x128xi32, #tpu.memory_space<vmem>>, %arg10: memref<1x128xi32, #tpu.memory_space<vmem>>, %arg11: memref<128x128xf32, #tpu.memory_space<vmem>>, %arg12: memref<128x128xf32, #tpu.memory_space<vmem>>, %arg13: memref<!tpu.dma_semaphore, #tpu.memory_space<semaphore_mem>>, %arg14: memref<!tpu.dma_semaphore, #tpu.memory_space<semaphore_mem>>, %arg15: memref<!tpu.dma_semaphore, #tpu.memory_space<semaphore_mem>>, %arg16: memref<!tpu.dma_semaphore, #tpu.memory_space<semaphore_mem>>) attributes {dimension_semantics = [#tpu.dimension_semantics<core_parallel>, #tpu.dimension_semantics<subcore_parallel>], iteration_bounds = array<i64: 2, 16>, scalar_prefetch = 0 : i64, scratch_operands = 10 : i64, tpu.core_type = #tpu.core_type<sc_vector_subcore>, window_params = [{transform_indices = #map}, {transform_indices = #map1}, {transform_indices = #map1}, {transform_indices = #map}, {transform_indices = #map1}]} {
    %mul3A = arith.constant 2 : i32
    %mul3A_0 = arith.muli %arg1, %mul3A : i32
    %add3A = arith.addi %mul3A_0, %arg0 : i32
    %mul3A_1 = arith.constant 640 : i32
    %mul3A_2 = arith.muli %arg1, %mul3A_1 : i32
    %mul3A_3 = arith.constant 640 : i32
    %mul3A_4 = arith.muli %arg1, %mul3A_3 : i32
    "tpu.region"() ({
      %run_scoped3A_91 = tpu.sem_alloc : memref<!tpu.dma_semaphore, #tpu.memory_space<semaphore_mem>>
      %dma_start3A_92 = arith.constant 0 : i32
      %dma_start3A_93 = tpu.memref_slice %arg7[%mul3A_4, %dma_start3A_92] : memref<10240x128xf32, #tpu.memory_space<vmem_shared>> -> memref<640x128xf32, #tpu.memory_space<vmem_shared>>
      %dma_start3A_94 = arith.constant 0 : i32
      %dma_start3A_95 = tpu.memref_slice %arg5[%mul3A_2, %dma_start3A_94] : memref<10240x128xf32, #tpu.memory_space<hbm>> -> memref<640x128xf32, #tpu.memory_space<hbm>>
      tpu.enqueue_dma source(%dma_start3A_95 : memref<640x128xf32, #tpu.memory_space<hbm>>) target(%dma_start3A_93 : memref<640x128xf32, #tpu.memory_space<vmem_shared>>) target_semaphore(%run_scoped3A_91 : memref<!tpu.dma_semaphore, #tpu.memory_space<semaphore_mem>>)
      %dma_wait3A_96 = arith.constant 0 : i32
      %dma_wait3A_97 = tpu.memref_slice %arg7[%mul3A_4, %dma_wait3A_96] : memref<10240x128xf32, #tpu.memory_space<vmem_shared>> -> memref<640x128xf32, #tpu.memory_space<vmem_shared>>
      %dma_wait3A_98 = arith.constant 0 : i32
      %dma_wait3A_99 = tpu.memref_slice %arg5[%mul3A_2, %dma_wait3A_98] : memref<10240x128xf32, #tpu.memory_space<hbm>> -> memref<640x128xf32, #tpu.memory_space<hbm>>
      tpu.wait_dma2 semaphore(%run_scoped3A_91 : memref<!tpu.dma_semaphore, #tpu.memory_space<semaphore_mem>>) src(%dma_wait3A_99 : memref<640x128xf32, #tpu.memory_space<hbm>>) dst(%dma_wait3A_97 : memref<640x128xf32, #tpu.memory_space<vmem_shared>>)
      tpu.yield
    }) : () -> ()
    %mul3A_5 = arith.constant 80 : i32
    %mul3A_6 = arith.muli %add3A, %mul3A_5 : i32
    "tpu.region"() ({
      %run_scoped3A_91 = tpu.sem_alloc : memref<!tpu.dma_semaphore, #tpu.memory_space<semaphore_mem>>
      %dma_start3A_92 = arith.constant 0 : i32
      %dma_start3A_93 = arith.constant 0 : i32
      %dma_start3A_94 = tpu.memref_slice %arg3[%mul3A_6, %dma_start3A_92, %dma_start3A_93] : memref<2560x1x128xi32, #tpu.memory_space<hbm>> -> memref<80x1x128xi32, #tpu.memory_space<hbm>>
      %dma_start3A_95 = arith.constant 0 : i32
      %dma_start3A_96 = arith.constant 0 : i32
      %dma_start3A_97 = tpu.memref_slice %arg3[%mul3A_6, %dma_start3A_95, %dma_start3A_96] : memref<2560x1x128xi32, #tpu.memory_space<hbm>> -> memref<80x1x128xi32, #tpu.memory_space<hbm>>
      tpu.enqueue_dma source(%dma_start3A_97 : memref<80x1x128xi32, #tpu.memory_space<hbm>>) target(%arg8 : memref<80x1x128xi32, #tpu.memory_space<vmem>>) target_semaphore(%run_scoped3A_91 : memref<!tpu.dma_semaphore, #tpu.memory_space<semaphore_mem>>)
      %dma_wait3A_98 = arith.constant 0 : i32
      %dma_wait3A_99 = arith.constant 0 : i32
      %dma_wait3A_100 = tpu.memref_slice %arg3[%mul3A_6, %dma_wait3A_98, %dma_wait3A_99] : memref<2560x1x128xi32, #tpu.memory_space<hbm>> -> memref<80x1x128xi32, #tpu.memory_space<hbm>>
      %dma_wait3A_101 = arith.constant 0 : i32
      %dma_wait3A_102 = arith.constant 0 : i32
      %dma_wait3A_103 = tpu.memref_slice %arg3[%mul3A_6, %dma_wait3A_101, %dma_wait3A_102] : memref<2560x1x128xi32, #tpu.memory_space<hbm>> -> memref<80x1x128xi32, #tpu.memory_space<hbm>>
      tpu.wait_dma2 semaphore(%run_scoped3A_91 : memref<!tpu.dma_semaphore, #tpu.memory_space<semaphore_mem>>) src(%dma_wait3A_103 : memref<80x1x128xi32, #tpu.memory_space<hbm>>) dst(%arg8 : memref<80x1x128xi32, #tpu.memory_space<vmem>>)
      tpu.yield
    }) : () -> ()
    %barrier3A = arith.constant 0 : index
    tpu.barrier barrier_id(%barrier3A)
    %mul3A_7 = arith.constant 80 : i32
    %mul3A_8 = arith.muli %add3A, %mul3A_7 : i32
    %add3A_9 = arith.constant 0 : i32
    %add3A_10 = arith.addi %mul3A_8, %add3A_9 : i32
    %dma_start3A = arith.constant 0 : i32
    %dma_start3A_11 = arith.constant 0 : i32
    %dma_start3A_12 = tpu.memref_slice %arg4[%add3A_10, %dma_start3A, %dma_start3A_11] : memref<2560x1x128xi32, #tpu.memory_space<hbm>> -> memref<1x1x128xi32, #tpu.memory_space<hbm>>
    %dma_start3A_13 = tpu.memref_squeeze %dma_start3A_12 : memref<1x1x128xi32, #tpu.memory_space<hbm>> -> memref<1x128xi32, #tpu.memory_space<hbm>>
    %dma_start3A_14 = arith.constant 0 : i32
    %dma_start3A_15 = arith.constant 0 : i32
    %dma_start3A_16 = tpu.memref_slice %arg4[%add3A_10, %dma_start3A_14, %dma_start3A_15] : memref<2560x1x128xi32, #tpu.memory_space<hbm>> -> memref<1x1x128xi32, #tpu.memory_space<hbm>>
    %dma_start3A_17 = tpu.memref_squeeze %dma_start3A_16 : memref<1x1x128xi32, #tpu.memory_space<hbm>> -> memref<1x128xi32, #tpu.memory_space<hbm>>
    tpu.enqueue_dma source(%dma_start3A_17 : memref<1x128xi32, #tpu.memory_space<hbm>>) target(%arg9 : memref<1x128xi32, #tpu.memory_space<vmem>>) target_semaphore(%arg15 : memref<!tpu.dma_semaphore, #tpu.memory_space<semaphore_mem>>)
    %dma_start3A_18 = arith.constant 0 : i32
    %dma_start3A_19 = arith.constant 0 : i32
    %dma_start3A_20 = arith.constant 0 : i32
    %dma_start3A_21 = tpu.memref_slice %arg8[%dma_start3A_18, %dma_start3A_19, %dma_start3A_20] : memref<80x1x128xi32, #tpu.memory_space<vmem>> -> memref<1x1x128xi32, #tpu.memory_space<vmem>>
    %dma_start3A_22 = tpu.memref_squeeze %dma_start3A_21 : memref<1x1x128xi32, #tpu.memory_space<vmem>> -> memref<128xi32, #tpu.memory_space<vmem>>
    %dma_start3A_23 = arith.constant 0 : i32
    %dma_start3A_24 = arith.constant 0 : i32
    %dma_start3A_25 = tpu.memref_slice %arg2[%dma_start3A_23, %dma_start3A_24] : memref<10000x128xf32, #tpu.memory_space<hbm>> -> memref<10000x128xf32, #tpu.memory_space<hbm>>
    tpu.enqueue_indirect_dma source(%dma_start3A_25 : memref<10000x128xf32, #tpu.memory_space<hbm>>) target(%arg11 : memref<128x128xf32, #tpu.memory_space<vmem>>) offsets(%dma_start3A_22 : memref<128xi32, #tpu.memory_space<vmem>>) semaphore(%arg13 : memref<!tpu.dma_semaphore, #tpu.memory_space<semaphore_mem>>)
    %scan3A = arith.constant 0 : i32
    %scan3A_26 = arith.constant 39 : i32
    %scan3A_27 = arith.addi %scan3A, %scan3A_26 : i32
    %scan3A_28 = arith.constant 1 : i32
    scf.for %scan3A_91 = %scan3A to %scan3A_27 step %scan3A_28  : i32 {
      %mul3A_92 = arith.constant 1 : i32
      %mul3A_93 = arith.muli %scan3A_91, %mul3A_92 : i32
      %add3A_94 = arith.constant 0 : i32
      %add3A_95 = arith.addi %add3A_94, %mul3A_93 : i32
      %mul3A_96 = arith.constant 2 : i32
      %mul3A_97 = arith.muli %add3A_95, %mul3A_96 : i32
      %add3A_98 = arith.constant 1 : i32
      %add3A_99 = arith.addi %mul3A_97, %add3A_98 : i32
      %mul3A_100 = arith.constant 80 : i32
      %mul3A_101 = arith.muli %add3A, %mul3A_100 : i32
      %add3A_102 = arith.addi %mul3A_101, %add3A_99 : i32
      %dma_start3A_103 = arith.constant 0 : i32
      %dma_start3A_104 = arith.constant 0 : i32
      %dma_start3A_105 = tpu.memref_slice %arg4[%add3A_102, %dma_start3A_103, %dma_start3A_104] : memref<2560x1x128xi32, #tpu.memory_space<hbm>> -> memref<1x1x128xi32, #tpu.memory_space<hbm>>
      %dma_start3A_106 = tpu.memref_squeeze %dma_start3A_105 : memref<1x1x128xi32, #tpu.memory_space<hbm>> -> memref<1x128xi32, #tpu.memory_space<hbm>>
      %dma_start3A_107 = arith.constant 0 : i32
      %dma_start3A_108 = arith.constant 0 : i32
      %dma_start3A_109 = tpu.memref_slice %arg4[%add3A_102, %dma_start3A_107, %dma_start3A_108] : memref<2560x1x128xi32, #tpu.memory_space<hbm>> -> memref<1x1x128xi32, #tpu.memory_space<hbm>>
      %dma_start3A_110 = tpu.memref_squeeze %dma_start3A_109 : memref<1x1x128xi32, #tpu.memory_space<hbm>> -> memref<1x128xi32, #tpu.memory_space<hbm>>
      tpu.enqueue_dma source(%dma_start3A_110 : memref<1x128xi32, #tpu.memory_space<hbm>>) target(%arg10 : memref<1x128xi32, #tpu.memory_space<vmem>>) target_semaphore(%arg16 : memref<!tpu.dma_semaphore, #tpu.memory_space<semaphore_mem>>)
      %dma_start3A_111 = arith.constant 0 : i32
      %dma_start3A_112 = arith.constant 0 : i32
      %dma_start3A_113 = tpu.memref_slice %arg8[%add3A_99, %dma_start3A_111, %dma_start3A_112] : memref<80x1x128xi32, #tpu.memory_space<vmem>> -> memref<1x1x128xi32, #tpu.memory_space<vmem>>
      %dma_start3A_114 = tpu.memref_squeeze %dma_start3A_113 : memref<1x1x128xi32, #tpu.memory_space<vmem>> -> memref<128xi32, #tpu.memory_space<vmem>>
      %dma_start3A_115 = arith.constant 0 : i32
      %dma_start3A_116 = arith.constant 0 : i32
      %dma_start3A_117 = tpu.memref_slice %arg2[%dma_start3A_115, %dma_start3A_116] : memref<10000x128xf32, #tpu.memory_space<hbm>> -> memref<10000x128xf32, #tpu.memory_space<hbm>>
      tpu.enqueue_indirect_dma source(%dma_start3A_117 : memref<10000x128xf32, #tpu.memory_space<hbm>>) target(%arg12 : memref<128x128xf32, #tpu.memory_space<vmem>>) offsets(%dma_start3A_114 : memref<128xi32, #tpu.memory_space<vmem>>) semaphore(%arg14 : memref<!tpu.dma_semaphore, #tpu.memory_space<semaphore_mem>>)
      %dma_wait3A_118 = arith.constant 0 : i32
      %dma_wait3A_119 = arith.constant 0 : i32
      %dma_wait3A_120 = arith.constant 0 : i32
      %dma_wait3A_121 = tpu.memref_slice %arg8[%dma_wait3A_118, %dma_wait3A_119, %dma_wait3A_120] : memref<80x1x128xi32, #tpu.memory_space<vmem>> -> memref<1x1x128xi32, #tpu.memory_space<vmem>>
      %dma_wait3A_122 = tpu.memref_squeeze %dma_wait3A_121 : memref<1x1x128xi32, #tpu.memory_space<vmem>> -> memref<128xi32, #tpu.memory_space<vmem>>
      %dma_wait3A_123 = arith.constant 0 : i32
      %dma_wait3A_124 = arith.constant 0 : i32
      %dma_wait3A_125 = tpu.memref_slice %arg2[%dma_wait3A_123, %dma_wait3A_124] : memref<10000x128xf32, #tpu.memory_space<hbm>> -> memref<10000x128xf32, #tpu.memory_space<hbm>>
      tpu.wait_indirect_dma semaphore(%arg13 : memref<!tpu.dma_semaphore, #tpu.memory_space<semaphore_mem>>) src(%dma_wait3A_125 : memref<10000x128xf32, #tpu.memory_space<hbm>>) dst(%arg11 : memref<128x128xf32, #tpu.memory_space<vmem>>)
      %mul3A_126 = arith.constant 80 : i32
      %mul3A_127 = arith.muli %add3A, %mul3A_126 : i32
      %dma_wait3A_128 = arith.constant 0 : i32
      %dma_wait3A_129 = arith.constant 0 : i32
      %dma_wait3A_130 = tpu.memref_slice %arg4[%mul3A_127, %dma_wait3A_128, %dma_wait3A_129] : memref<2560x1x128xi32, #tpu.memory_space<hbm>> -> memref<1x1x128xi32, #tpu.memory_space<hbm>>
      %dma_wait3A_131 = tpu.memref_squeeze %dma_wait3A_130 : memref<1x1x128xi32, #tpu.memory_space<hbm>> -> memref<1x128xi32, #tpu.memory_space<hbm>>
      %dma_wait3A_132 = arith.constant 0 : i32
      %dma_wait3A_133 = arith.constant 0 : i32
      %dma_wait3A_134 = tpu.memref_slice %arg4[%mul3A_127, %dma_wait3A_132, %dma_wait3A_133] : memref<2560x1x128xi32, #tpu.memory_space<hbm>> -> memref<1x1x128xi32, #tpu.memory_space<hbm>>
      %dma_wait3A_135 = tpu.memref_squeeze %dma_wait3A_134 : memref<1x1x128xi32, #tpu.memory_space<hbm>> -> memref<1x128xi32, #tpu.memory_space<hbm>>
      tpu.wait_dma2 semaphore(%arg15 : memref<!tpu.dma_semaphore, #tpu.memory_space<semaphore_mem>>) src(%dma_wait3A_135 : memref<1x128xi32, #tpu.memory_space<hbm>>) dst(%arg9 : memref<1x128xi32, #tpu.memory_space<vmem>>)
      %run_scoped3A_136 = arith.constant 0 : i32
      "tpu.region"() ({
        %run_scoped3A_176 = tpu.sem_alloc : memref<!tpu.dma_semaphore, #tpu.memory_space<semaphore_mem>>
        %dma_start3A_177 = arith.constant 0 : i32
        %dma_start3A_178 = tpu.memref_slice %arg9[%run_scoped3A_136, %dma_start3A_177] : memref<1x128xi32, #tpu.memory_space<vmem>> -> memref<1x128xi32, #tpu.memory_space<vmem>>
        %dma_start3A_179 = tpu.memref_squeeze %dma_start3A_178 : memref<1x128xi32, #tpu.memory_space<vmem>> -> memref<128xi32, #tpu.memory_space<vmem>>
        %dma_start3A_180 = arith.constant 0 : i32
        %dma_start3A_181 = arith.constant 0 : i32
        %dma_start3A_182 = tpu.memref_slice %arg7[%dma_start3A_180, %dma_start3A_181] : memref<10240x128xf32, #tpu.memory_space<vmem_shared>> -> memref<10240x128xf32, #tpu.memory_space<vmem_shared>>
        tpu.enqueue_indirect_dma source(%arg11 : memref<128x128xf32, #tpu.memory_space<vmem>>) target(%dma_start3A_182 : memref<10240x128xf32, #tpu.memory_space<vmem_shared>>) offsets(%dma_start3A_179 : memref<128xi32, #tpu.memory_space<vmem>>) semaphore(%run_scoped3A_176 : memref<!tpu.dma_semaphore, #tpu.memory_space<semaphore_mem>>) {add = true}
        %dma_wait3A_183 = arith.constant 0 : i32
        %dma_wait3A_184 = tpu.memref_slice %arg9[%run_scoped3A_136, %dma_wait3A_183] : memref<1x128xi32, #tpu.memory_space<vmem>> -> memref<1x128xi32, #tpu.memory_space<vmem>>
        %dma_wait3A_185 = tpu.memref_squeeze %dma_wait3A_184 : memref<1x128xi32, #tpu.memory_space<vmem>> -> memref<128xi32, #tpu.memory_space<vmem>>
        %dma_wait3A_186 = arith.constant 0 : i32
        %dma_wait3A_187 = arith.constant 0 : i32
        %dma_wait3A_188 = tpu.memref_slice %arg7[%dma_wait3A_186, %dma_wait3A_187] : memref<10240x128xf32, #tpu.memory_space<vmem_shared>> -> memref<10240x128xf32, #tpu.memory_space<vmem_shared>>
        tpu.wait_indirect_dma semaphore(%run_scoped3A_176 : memref<!tpu.dma_semaphore, #tpu.memory_space<semaphore_mem>>) src(%arg11 : memref<128x128xf32, #tpu.memory_space<vmem>>) dst(%dma_wait3A_188 : memref<10240x128xf32, #tpu.memory_space<vmem_shared>>)
        tpu.yield
      }) : () -> ()
      %add3A_137 = arith.constant 2 : i32
      %add3A_138 = arith.addi %mul3A_97, %add3A_137 : i32
      %mul3A_139 = arith.constant 80 : i32
      %mul3A_140 = arith.muli %add3A, %mul3A_139 : i32
      %add3A_141 = arith.addi %mul3A_140, %add3A_138 : i32
      %dma_start3A_142 = arith.constant 0 : i32
      %dma_start3A_143 = arith.constant 0 : i32
      %dma_start3A_144 = tpu.memref_slice %arg4[%add3A_141, %dma_start3A_142, %dma_start3A_143] : memref<2560x1x128xi32, #tpu.memory_space<hbm>> -> memref<1x1x128xi32, #tpu.memory_space<hbm>>
      %dma_start3A_145 = tpu.memref_squeeze %dma_start3A_144 : memref<1x1x128xi32, #tpu.memory_space<hbm>> -> memref<1x128xi32, #tpu.memory_space<hbm>>
      %dma_start3A_146 = arith.constant 0 : i32
      %dma_start3A_147 = arith.constant 0 : i32
      %dma_start3A_148 = tpu.memref_slice %arg4[%add3A_141, %dma_start3A_146, %dma_start3A_147] : memref<2560x1x128xi32, #tpu.memory_space<hbm>> -> memref<1x1x128xi32, #tpu.memory_space<hbm>>
      %dma_start3A_149 = tpu.memref_squeeze %dma_start3A_148 : memref<1x1x128xi32, #tpu.memory_space<hbm>> -> memref<1x128xi32, #tpu.memory_space<hbm>>
      tpu.enqueue_dma source(%dma_start3A_149 : memref<1x128xi32, #tpu.memory_space<hbm>>) target(%arg9 : memref<1x128xi32, #tpu.memory_space<vmem>>) target_semaphore(%arg15 : memref<!tpu.dma_semaphore, #tpu.memory_space<semaphore_mem>>)
      %dma_start3A_150 = arith.constant 0 : i32
      %dma_start3A_151 = arith.constant 0 : i32
      %dma_start3A_152 = tpu.memref_slice %arg8[%add3A_138, %dma_start3A_150, %dma_start3A_151] : memref<80x1x128xi32, #tpu.memory_space<vmem>> -> memref<1x1x128xi32, #tpu.memory_space<vmem>>
      %dma_start3A_153 = tpu.memref_squeeze %dma_start3A_152 : memref<1x1x128xi32, #tpu.memory_space<vmem>> -> memref<128xi32, #tpu.memory_space<vmem>>
      %dma_start3A_154 = arith.constant 0 : i32
      %dma_start3A_155 = arith.constant 0 : i32
      %dma_start3A_156 = tpu.memref_slice %arg2[%dma_start3A_154, %dma_start3A_155] : memref<10000x128xf32, #tpu.memory_space<hbm>> -> memref<10000x128xf32, #tpu.memory_space<hbm>>
      tpu.enqueue_indirect_dma source(%dma_start3A_156 : memref<10000x128xf32, #tpu.memory_space<hbm>>) target(%arg11 : memref<128x128xf32, #tpu.memory_space<vmem>>) offsets(%dma_start3A_153 : memref<128xi32, #tpu.memory_space<vmem>>) semaphore(%arg13 : memref<!tpu.dma_semaphore, #tpu.memory_space<semaphore_mem>>)
      %dma_wait3A_157 = arith.constant 0 : i32
      %dma_wait3A_158 = arith.constant 0 : i32
      %dma_wait3A_159 = arith.constant 0 : i32
      %dma_wait3A_160 = tpu.memref_slice %arg8[%dma_wait3A_157, %dma_wait3A_158, %dma_wait3A_159] : memref<80x1x128xi32, #tpu.memory_space<vmem>> -> memref<1x1x128xi32, #tpu.memory_space<vmem>>
      %dma_wait3A_161 = tpu.memref_squeeze %dma_wait3A_160 : memref<1x1x128xi32, #tpu.memory_space<vmem>> -> memref<128xi32, #tpu.memory_space<vmem>>
      %dma_wait3A_162 = arith.constant 0 : i32
      %dma_wait3A_163 = arith.constant 0 : i32
      %dma_wait3A_164 = tpu.memref_slice %arg2[%dma_wait3A_162, %dma_wait3A_163] : memref<10000x128xf32, #tpu.memory_space<hbm>> -> memref<10000x128xf32, #tpu.memory_space<hbm>>
      tpu.wait_indirect_dma semaphore(%arg14 : memref<!tpu.dma_semaphore, #tpu.memory_space<semaphore_mem>>) src(%dma_wait3A_164 : memref<10000x128xf32, #tpu.memory_space<hbm>>) dst(%arg12 : memref<128x128xf32, #tpu.memory_space<vmem>>)
      %mul3A_165 = arith.constant 80 : i32
      %mul3A_166 = arith.muli %add3A, %mul3A_165 : i32
      %dma_wait3A_167 = arith.constant 0 : i32
      %dma_wait3A_168 = arith.constant 0 : i32
      %dma_wait3A_169 = tpu.memref_slice %arg4[%mul3A_166, %dma_wait3A_167, %dma_wait3A_168] : memref<2560x1x128xi32, #tpu.memory_space<hbm>> -> memref<1x1x128xi32, #tpu.memory_space<hbm>>
      %dma_wait3A_170 = tpu.memref_squeeze %dma_wait3A_169 : memref<1x1x128xi32, #tpu.memory_space<hbm>> -> memref<1x128xi32, #tpu.memory_space<hbm>>
      %dma_wait3A_171 = arith.constant 0 : i32
      %dma_wait3A_172 = arith.constant 0 : i32
      %dma_wait3A_173 = tpu.memref_slice %arg4[%mul3A_166, %dma_wait3A_171, %dma_wait3A_172] : memref<2560x1x128xi32, #tpu.memory_space<hbm>> -> memref<1x1x128xi32, #tpu.memory_space<hbm>>
      %dma_wait3A_174 = tpu.memref_squeeze %dma_wait3A_173 : memref<1x1x128xi32, #tpu.memory_space<hbm>> -> memref<1x128xi32, #tpu.memory_space<hbm>>
      tpu.wait_dma2 semaphore(%arg16 : memref<!tpu.dma_semaphore, #tpu.memory_space<semaphore_mem>>) src(%dma_wait3A_174 : memref<1x128xi32, #tpu.memory_space<hbm>>) dst(%arg10 : memref<1x128xi32, #tpu.memory_space<vmem>>)
      %run_scoped3A_175 = arith.constant 0 : i32
      "tpu.region"() ({
        %run_scoped3A_176 = tpu.sem_alloc : memref<!tpu.dma_semaphore, #tpu.memory_space<semaphore_mem>>
        %dma_start3A_177 = arith.constant 0 : i32
        %dma_start3A_178 = tpu.memref_slice %arg10[%run_scoped3A_175, %dma_start3A_177] : memref<1x128xi32, #tpu.memory_space<vmem>> -> memref<1x128xi32, #tpu.memory_space<vmem>>
        %dma_start3A_179 = tpu.memref_squeeze %dma_start3A_178 : memref<1x128xi32, #tpu.memory_space<vmem>> -> memref<128xi32, #tpu.memory_space<vmem>>
        %dma_start3A_180 = arith.constant 0 : i32
        %dma_start3A_181 = arith.constant 0 : i32
        %dma_start3A_182 = tpu.memref_slice %arg7[%dma_start3A_180, %dma_start3A_181] : memref<10240x128xf32, #tpu.memory_space<vmem_shared>> -> memref<10240x128xf32, #tpu.memory_space<vmem_shared>>
        tpu.enqueue_indirect_dma source(%arg12 : memref<128x128xf32, #tpu.memory_space<vmem>>) target(%dma_start3A_182 : memref<10240x128xf32, #tpu.memory_space<vmem_shared>>) offsets(%dma_start3A_179 : memref<128xi32, #tpu.memory_space<vmem>>) semaphore(%run_scoped3A_176 : memref<!tpu.dma_semaphore, #tpu.memory_space<semaphore_mem>>) {add = true}
        %dma_wait3A_183 = arith.constant 0 : i32
        %dma_wait3A_184 = tpu.memref_slice %arg10[%run_scoped3A_175, %dma_wait3A_183] : memref<1x128xi32, #tpu.memory_space<vmem>> -> memref<1x128xi32, #tpu.memory_space<vmem>>
        %dma_wait3A_185 = tpu.memref_squeeze %dma_wait3A_184 : memref<1x128xi32, #tpu.memory_space<vmem>> -> memref<128xi32, #tpu.memory_space<vmem>>
        %dma_wait3A_186 = arith.constant 0 : i32
        %dma_wait3A_187 = arith.constant 0 : i32
        %dma_wait3A_188 = tpu.memref_slice %arg7[%dma_wait3A_186, %dma_wait3A_187] : memref<10240x128xf32, #tpu.memory_space<vmem_shared>> -> memref<10240x128xf32, #tpu.memory_space<vmem_shared>>
        tpu.wait_indirect_dma semaphore(%run_scoped3A_176 : memref<!tpu.dma_semaphore, #tpu.memory_space<semaphore_mem>>) src(%arg12 : memref<128x128xf32, #tpu.memory_space<vmem>>) dst(%dma_wait3A_188 : memref<10240x128xf32, #tpu.memory_space<vmem_shared>>)
        tpu.yield
      }) : () -> ()
    }
    %scan3A_29 = arith.constant 39 : i32
    %mul3A_30 = arith.constant 80 : i32
    %mul3A_31 = arith.muli %add3A, %mul3A_30 : i32
    %add3A_32 = arith.constant 79 : i32
    %add3A_33 = arith.addi %mul3A_31, %add3A_32 : i32
    %dma_start3A_34 = arith.constant 0 : i32
    %dma_start3A_35 = arith.constant 0 : i32
    %dma_start3A_36 = tpu.memref_slice %arg4[%add3A_33, %dma_start3A_34, %dma_start3A_35] : memref<2560x1x128xi32, #tpu.memory_space<hbm>> -> memref<1x1x128xi32, #tpu.memory_space<hbm>>
    %dma_start3A_37 = tpu.memref_squeeze %dma_start3A_36 : memref<1x1x128xi32, #tpu.memory_space<hbm>> -> memref<1x128xi32, #tpu.memory_space<hbm>>
    %dma_start3A_38 = arith.constant 0 : i32
    %dma_start3A_39 = arith.constant 0 : i32
    %dma_start3A_40 = tpu.memref_slice %arg4[%add3A_33, %dma_start3A_38, %dma_start3A_39] : memref<2560x1x128xi32, #tpu.memory_space<hbm>> -> memref<1x1x128xi32, #tpu.memory_space<hbm>>
    %dma_start3A_41 = tpu.memref_squeeze %dma_start3A_40 : memref<1x1x128xi32, #tpu.memory_space<hbm>> -> memref<1x128xi32, #tpu.memory_space<hbm>>
    tpu.enqueue_dma source(%dma_start3A_41 : memref<1x128xi32, #tpu.memory_space<hbm>>) target(%arg10 : memref<1x128xi32, #tpu.memory_space<vmem>>) target_semaphore(%arg16 : memref<!tpu.dma_semaphore, #tpu.memory_space<semaphore_mem>>)
    %dma_start3A_42 = arith.constant 79 : i32
    %dma_start3A_43 = arith.constant 0 : i32
    %dma_start3A_44 = arith.constant 0 : i32
    %dma_start3A_45 = tpu.memref_slice %arg8[%dma_start3A_42, %dma_start3A_43, %dma_start3A_44] : memref<80x1x128xi32, #tpu.memory_space<vmem>> -> memref<1x1x128xi32, #tpu.memory_space<vmem>>
    %dma_start3A_46 = tpu.memref_squeeze %dma_start3A_45 : memref<1x1x128xi32, #tpu.memory_space<vmem>> -> memref<128xi32, #tpu.memory_space<vmem>>
    %dma_start3A_47 = arith.constant 0 : i32
    %dma_start3A_48 = arith.constant 0 : i32
    %dma_start3A_49 = tpu.memref_slice %arg2[%dma_start3A_47, %dma_start3A_48] : memref<10000x128xf32, #tpu.memory_space<hbm>> -> memref<10000x128xf32, #tpu.memory_space<hbm>>
    tpu.enqueue_indirect_dma source(%dma_start3A_49 : memref<10000x128xf32, #tpu.memory_space<hbm>>) target(%arg12 : memref<128x128xf32, #tpu.memory_space<vmem>>) offsets(%dma_start3A_46 : memref<128xi32, #tpu.memory_space<vmem>>) semaphore(%arg14 : memref<!tpu.dma_semaphore, #tpu.memory_space<semaphore_mem>>)
    %dma_wait3A = arith.constant 0 : i32
    %dma_wait3A_50 = arith.constant 0 : i32
    %dma_wait3A_51 = arith.constant 0 : i32
    %dma_wait3A_52 = tpu.memref_slice %arg8[%dma_wait3A, %dma_wait3A_50, %dma_wait3A_51] : memref<80x1x128xi32, #tpu.memory_space<vmem>> -> memref<1x1x128xi32, #tpu.memory_space<vmem>>
    %dma_wait3A_53 = tpu.memref_squeeze %dma_wait3A_52 : memref<1x1x128xi32, #tpu.memory_space<vmem>> -> memref<128xi32, #tpu.memory_space<vmem>>
    %dma_wait3A_54 = arith.constant 0 : i32
    %dma_wait3A_55 = arith.constant 0 : i32
    %dma_wait3A_56 = tpu.memref_slice %arg2[%dma_wait3A_54, %dma_wait3A_55] : memref<10000x128xf32, #tpu.memory_space<hbm>> -> memref<10000x128xf32, #tpu.memory_space<hbm>>
    tpu.wait_indirect_dma semaphore(%arg13 : memref<!tpu.dma_semaphore, #tpu.memory_space<semaphore_mem>>) src(%dma_wait3A_56 : memref<10000x128xf32, #tpu.memory_space<hbm>>) dst(%arg11 : memref<128x128xf32, #tpu.memory_space<vmem>>)
    %mul3A_57 = arith.constant 80 : i32
    %mul3A_58 = arith.muli %add3A, %mul3A_57 : i32
    %dma_wait3A_59 = arith.constant 0 : i32
    %dma_wait3A_60 = arith.constant 0 : i32
    %dma_wait3A_61 = tpu.memref_slice %arg4[%mul3A_58, %dma_wait3A_59, %dma_wait3A_60] : memref<2560x1x128xi32, #tpu.memory_space<hbm>> -> memref<1x1x128xi32, #tpu.memory_space<hbm>>
    %dma_wait3A_62 = tpu.memref_squeeze %dma_wait3A_61 : memref<1x1x128xi32, #tpu.memory_space<hbm>> -> memref<1x128xi32, #tpu.memory_space<hbm>>
    %dma_wait3A_63 = arith.constant 0 : i32
    %dma_wait3A_64 = arith.constant 0 : i32
    %dma_wait3A_65 = tpu.memref_slice %arg4[%mul3A_58, %dma_wait3A_63, %dma_wait3A_64] : memref<2560x1x128xi32, #tpu.memory_space<hbm>> -> memref<1x1x128xi32, #tpu.memory_space<hbm>>
    %dma_wait3A_66 = tpu.memref_squeeze %dma_wait3A_65 : memref<1x1x128xi32, #tpu.memory_space<hbm>> -> memref<1x128xi32, #tpu.memory_space<hbm>>
    tpu.wait_dma2 semaphore(%arg15 : memref<!tpu.dma_semaphore, #tpu.memory_space<semaphore_mem>>) src(%dma_wait3A_66 : memref<1x128xi32, #tpu.memory_space<hbm>>) dst(%arg9 : memref<1x128xi32, #tpu.memory_space<vmem>>)
    %run_scoped3A = arith.constant 0 : i32
    "tpu.region"() ({
      %run_scoped3A_91 = tpu.sem_alloc : memref<!tpu.dma_semaphore, #tpu.memory_space<semaphore_mem>>
      %dma_start3A_92 = arith.constant 0 : i32
      %dma_start3A_93 = tpu.memref_slice %arg9[%run_scoped3A, %dma_start3A_92] : memref<1x128xi32, #tpu.memory_space<vmem>> -> memref<1x128xi32, #tpu.memory_space<vmem>>
      %dma_start3A_94 = tpu.memref_squeeze %dma_start3A_93 : memref<1x128xi32, #tpu.memory_space<vmem>> -> memref<128xi32, #tpu.memory_space<vmem>>
      %dma_start3A_95 = arith.constant 0 : i32
      %dma_start3A_96 = arith.constant 0 : i32
      %dma_start3A_97 = tpu.memref_slice %arg7[%dma_start3A_95, %dma_start3A_96] : memref<10240x128xf32, #tpu.memory_space<vmem_shared>> -> memref<10240x128xf32, #tpu.memory_space<vmem_shared>>
      tpu.enqueue_indirect_dma source(%arg11 : memref<128x128xf32, #tpu.memory_space<vmem>>) target(%dma_start3A_97 : memref<10240x128xf32, #tpu.memory_space<vmem_shared>>) offsets(%dma_start3A_94 : memref<128xi32, #tpu.memory_space<vmem>>) semaphore(%run_scoped3A_91 : memref<!tpu.dma_semaphore, #tpu.memory_space<semaphore_mem>>) {add = true}
      %dma_wait3A_98 = arith.constant 0 : i32
      %dma_wait3A_99 = tpu.memref_slice %arg9[%run_scoped3A, %dma_wait3A_98] : memref<1x128xi32, #tpu.memory_space<vmem>> -> memref<1x128xi32, #tpu.memory_space<vmem>>
      %dma_wait3A_100 = tpu.memref_squeeze %dma_wait3A_99 : memref<1x128xi32, #tpu.memory_space<vmem>> -> memref<128xi32, #tpu.memory_space<vmem>>
      %dma_wait3A_101 = arith.constant 0 : i32
      %dma_wait3A_102 = arith.constant 0 : i32
      %dma_wait3A_103 = tpu.memref_slice %arg7[%dma_wait3A_101, %dma_wait3A_102] : memref<10240x128xf32, #tpu.memory_space<vmem_shared>> -> memref<10240x128xf32, #tpu.memory_space<vmem_shared>>
      tpu.wait_indirect_dma semaphore(%run_scoped3A_91 : memref<!tpu.dma_semaphore, #tpu.memory_space<semaphore_mem>>) src(%arg11 : memref<128x128xf32, #tpu.memory_space<vmem>>) dst(%dma_wait3A_103 : memref<10240x128xf32, #tpu.memory_space<vmem_shared>>)
      tpu.yield
    }) : () -> ()
    %dma_wait3A_67 = arith.constant 0 : i32
    %dma_wait3A_68 = arith.constant 0 : i32
    %dma_wait3A_69 = arith.constant 0 : i32
    %dma_wait3A_70 = tpu.memref_slice %arg8[%dma_wait3A_67, %dma_wait3A_68, %dma_wait3A_69] : memref<80x1x128xi32, #tpu.memory_space<vmem>> -> memref<1x1x128xi32, #tpu.memory_space<vmem>>
    %dma_wait3A_71 = tpu.memref_squeeze %dma_wait3A_70 : memref<1x1x128xi32, #tpu.memory_space<vmem>> -> memref<128xi32, #tpu.memory_space<vmem>>
    %dma_wait3A_72 = arith.constant 0 : i32
    %dma_wait3A_73 = arith.constant 0 : i32
    %dma_wait3A_74 = tpu.memref_slice %arg2[%dma_wait3A_72, %dma_wait3A_73] : memref<10000x128xf32, #tpu.memory_space<hbm>> -> memref<10000x128xf32, #tpu.memory_space<hbm>>
    tpu.wait_indirect_dma semaphore(%arg14 : memref<!tpu.dma_semaphore, #tpu.memory_space<semaphore_mem>>) src(%dma_wait3A_74 : memref<10000x128xf32, #tpu.memory_space<hbm>>) dst(%arg12 : memref<128x128xf32, #tpu.memory_space<vmem>>)
    %mul3A_75 = arith.constant 80 : i32
    %mul3A_76 = arith.muli %add3A, %mul3A_75 : i32
    %dma_wait3A_77 = arith.constant 0 : i32
    %dma_wait3A_78 = arith.constant 0 : i32
    %dma_wait3A_79 = tpu.memref_slice %arg4[%mul3A_76, %dma_wait3A_77, %dma_wait3A_78] : memref<2560x1x128xi32, #tpu.memory_space<hbm>> -> memref<1x1x128xi32, #tpu.memory_space<hbm>>
    %dma_wait3A_80 = tpu.memref_squeeze %dma_wait3A_79 : memref<1x1x128xi32, #tpu.memory_space<hbm>> -> memref<1x128xi32, #tpu.memory_space<hbm>>
    %dma_wait3A_81 = arith.constant 0 : i32
    %dma_wait3A_82 = arith.constant 0 : i32
    %dma_wait3A_83 = tpu.memref_slice %arg4[%mul3A_76, %dma_wait3A_81, %dma_wait3A_82] : memref<2560x1x128xi32, #tpu.memory_space<hbm>> -> memref<1x1x128xi32, #tpu.memory_space<hbm>>
    %dma_wait3A_84 = tpu.memref_squeeze %dma_wait3A_83 : memref<1x1x128xi32, #tpu.memory_space<hbm>> -> memref<1x128xi32, #tpu.memory_space<hbm>>
    tpu.wait_dma2 semaphore(%arg16 : memref<!tpu.dma_semaphore, #tpu.memory_space<semaphore_mem>>) src(%dma_wait3A_84 : memref<1x128xi32, #tpu.memory_space<hbm>>) dst(%arg10 : memref<1x128xi32, #tpu.memory_space<vmem>>)
    %run_scoped3A_85 = arith.constant 0 : i32
    "tpu.region"() ({
      %run_scoped3A_91 = tpu.sem_alloc : memref<!tpu.dma_semaphore, #tpu.memory_space<semaphore_mem>>
      %dma_start3A_92 = arith.constant 0 : i32
      %dma_start3A_93 = tpu.memref_slice %arg10[%run_scoped3A_85, %dma_start3A_92] : memref<1x128xi32, #tpu.memory_space<vmem>> -> memref<1x128xi32, #tpu.memory_space<vmem>>
      %dma_start3A_94 = tpu.memref_squeeze %dma_start3A_93 : memref<1x128xi32, #tpu.memory_space<vmem>> -> memref<128xi32, #tpu.memory_space<vmem>>
      %dma_start3A_95 = arith.constant 0 : i32
      %dma_start3A_96 = arith.constant 0 : i32
      %dma_start3A_97 = tpu.memref_slice %arg7[%dma_start3A_95, %dma_start3A_96] : memref<10240x128xf32, #tpu.memory_space<vmem_shared>> -> memref<10240x128xf32, #tpu.memory_space<vmem_shared>>
      tpu.enqueue_indirect_dma source(%arg12 : memref<128x128xf32, #tpu.memory_space<vmem>>) target(%dma_start3A_97 : memref<10240x128xf32, #tpu.memory_space<vmem_shared>>) offsets(%dma_start3A_94 : memref<128xi32, #tpu.memory_space<vmem>>) semaphore(%run_scoped3A_91 : memref<!tpu.dma_semaphore, #tpu.memory_space<semaphore_mem>>) {add = true}
      %dma_wait3A_98 = arith.constant 0 : i32
      %dma_wait3A_99 = tpu.memref_slice %arg10[%run_scoped3A_85, %dma_wait3A_98] : memref<1x128xi32, #tpu.memory_space<vmem>> -> memref<1x128xi32, #tpu.memory_space<vmem>>
      %dma_wait3A_100 = tpu.memref_squeeze %dma_wait3A_99 : memref<1x128xi32, #tpu.memory_space<vmem>> -> memref<128xi32, #tpu.memory_space<vmem>>
      %dma_wait3A_101 = arith.constant 0 : i32
      %dma_wait3A_102 = arith.constant 0 : i32
      %dma_wait3A_103 = tpu.memref_slice %arg7[%dma_wait3A_101, %dma_wait3A_102] : memref<10240x128xf32, #tpu.memory_space<vmem_shared>> -> memref<10240x128xf32, #tpu.memory_space<vmem_shared>>
      tpu.wait_indirect_dma semaphore(%run_scoped3A_91 : memref<!tpu.dma_semaphore, #tpu.memory_space<semaphore_mem>>) src(%arg12 : memref<128x128xf32, #tpu.memory_space<vmem>>) dst(%dma_wait3A_103 : memref<10240x128xf32, #tpu.memory_space<vmem_shared>>)
      tpu.yield
    }) : () -> ()
    %barrier3A_86 = arith.constant 0 : index
    tpu.barrier barrier_id(%barrier3A_86)
    %mul3A_87 = arith.constant 640 : i32
    %mul3A_88 = arith.muli %arg1, %mul3A_87 : i32
    %mul3A_89 = arith.constant 640 : i32
    %mul3A_90 = arith.muli %arg1, %mul3A_89 : i32
    "tpu.region"() ({
      %run_scoped3A_91 = tpu.sem_alloc : memref<!tpu.dma_semaphore, #tpu.memory_space<semaphore_mem>>
      %dma_start3A_92 = arith.constant 0 : i32
      %dma_start3A_93 = tpu.memref_slice %arg6[%arg0, %mul3A_90, %dma_start3A_92] : memref<2x10240x128xf32, #tpu.memory_space<hbm>> -> memref<1x640x128xf32, #tpu.memory_space<hbm>>
      %dma_start3A_94 = tpu.memref_squeeze %dma_start3A_93 : memref<1x640x128xf32, #tpu.memory_space<hbm>> -> memref<640x128xf32, #tpu.memory_space<hbm>>
      %dma_start3A_95 = arith.constant 0 : i32
      %dma_start3A_96 = tpu.memref_slice %arg7[%mul3A_88, %dma_start3A_95] : memref<10240x128xf32, #tpu.memory_space<vmem_shared>> -> memref<640x128xf32, #tpu.memory_space<vmem_shared>>
      tpu.enqueue_dma source(%dma_start3A_96 : memref<640x128xf32, #tpu.memory_space<vmem_shared>>) target(%dma_start3A_94 : memref<640x128xf32, #tpu.memory_space<hbm>>) target_semaphore(%run_scoped3A_91 : memref<!tpu.dma_semaphore, #tpu.memory_space<semaphore_mem>>)
      %dma_wait3A_97 = arith.constant 0 : i32
      %dma_wait3A_98 = tpu.memref_slice %arg6[%arg0, %mul3A_90, %dma_wait3A_97] : memref<2x10240x128xf32, #tpu.memory_space<hbm>> -> memref<1x640x128xf32, #tpu.memory_space<hbm>>
      %dma_wait3A_99 = tpu.memref_squeeze %dma_wait3A_98 : memref<1x640x128xf32, #tpu.memory_space<hbm>> -> memref<640x128xf32, #tpu.memory_space<hbm>>
      %dma_wait3A_100 = arith.constant 0 : i32
      %dma_wait3A_101 = tpu.memref_slice %arg7[%mul3A_88, %dma_wait3A_100] : memref<10240x128xf32, #tpu.memory_space<vmem_shared>> -> memref<640x128xf32, #tpu.memory_space<vmem_shared>>
      tpu.wait_dma2 semaphore(%run_scoped3A_91 : memref<!tpu.dma_semaphore, #tpu.memory_space<semaphore_mem>>) src(%dma_wait3A_101 : memref<640x128xf32, #tpu.memory_space<vmem_shared>>) dst(%dma_wait3A_99 : memref<640x128xf32, #tpu.memory_space<hbm>>)
      tpu.yield
    }) : () -> ()
    return
  }
}

module attributes {stable_mosaic.version = 14 : i64} {
  func.func @body(%arg0: i32, %arg1: memref<256x128xi32, #tpu.memory_space<vmem>>, %arg2: memref<256x128xi32, #tpu.memory_space<vmem>>, %arg3: memref<256x128xi32, #tpu.memory_space<vmem>>, %arg4: memref<256x128xi32, #tpu.memory_space<vmem>>) attributes {dimension_semantics = [#tpu.dimension_semantics<arbitrary>], iteration_bounds = array<i64: 10>, scalar_prefetch = 0 : i64, scratch_operands = 0 : i64, tpu.core_type = #tpu.core_type<tc>, window_params = [{transform_indices = @transform_0, window_bounds = array<i64: 256, 128>}, {transform_indices = @transform_1, window_bounds = array<i64: 256, 128>}, {transform_indices = @transform_2, window_bounds = array<i64: 256, 128>}, {transform_indices = @transform_3, window_bounds = array<i64: 256, 128>}]} {
    %get3A = arith.constant 0 : index
    %get3A_0 = arith.constant 0 : index
    %get3A_1 = vector.load %arg1[%get3A, %get3A_0] : memref<256x128xi32, #tpu.memory_space<vmem>>, vector<256x128xi32>
    %get3A_2 = arith.constant 0 : index
    %get3A_3 = arith.constant 0 : index
    %get3A_4 = vector.load %arg2[%get3A_2, %get3A_3] : memref<256x128xi32, #tpu.memory_space<vmem>>, vector<256x128xi32>
    %eq3A = arith.cmpi eq, %get3A_1, %get3A_4 : vector<256x128xi32>
    %iota3A = tpu.iota {dimensions = array<i32: 1>} : vector<256x128xi32>
    %add3A = arith.constant 10000 : i32
    %add3A_5 = vector.broadcast %add3A : i32 to vector<256x128xi32>
    %add3A_6 = arith.addi %add3A_5, %iota3A : vector<256x128xi32>
    %select_n3A = arith.select %eq3A, %add3A_6, %get3A_1 : vector<256x128xi1>, vector<256x128xi32>
    %swap3A = arith.constant 0 : index
    %swap3A_7 = arith.constant 0 : index
    %swap3A_8 = vector.load %arg3[%swap3A, %swap3A_7] : memref<256x128xi32, #tpu.memory_space<vmem>>, vector<256x128xi32>
    tpu.vector_store %arg3[%swap3A, %swap3A_7], %select_n3A {strides = array<i32>} : memref<256x128xi32, #tpu.memory_space<vmem>>, vector<256x128xi32>,
    %select_n3A_9 = arith.select %eq3A, %add3A_6, %get3A_4 : vector<256x128xi1>, vector<256x128xi32>
    %swap3A_10 = arith.constant 0 : index
    %swap3A_11 = arith.constant 0 : index
    %swap3A_12 = vector.load %arg4[%swap3A_10, %swap3A_11] : memref<256x128xi32, #tpu.memory_space<vmem>>, vector<256x128xi32>
    tpu.vector_store %arg4[%swap3A_10, %swap3A_11], %select_n3A_9 {strides = array<i32>} : memref<256x128xi32, #tpu.memory_space<vmem>>, vector<256x128xi32>,
    return
  }
  func.func @transform_0(%arg0: i32) -> (i32, i32) {
    %c0_i32 = arith.constant 0 : i32
    %c0_i32_0 = arith.constant 0 : i32
    return %arg0, %c0_i32 : i32, i32
  }
  func.func @transform_1(%arg0: i32) -> (i32, i32) {
    %c0_i32 = arith.constant 0 : i32
    %c0_i32_0 = arith.constant 0 : i32
    return %arg0, %c0_i32 : i32, i32
  }
  func.func @transform_2(%arg0: i32) -> (i32, i32) {
    %c0_i32 = arith.constant 0 : i32
    %c0_i32_0 = arith.constant 0 : i32
    return %arg0, %c0_i32 : i32, i32
  }
  func.func @transform_3(%arg0: i32) -> (i32, i32) {
    %c0_i32 = arith.constant 0 : i32
    %c0_i32_0 = arith.constant 0 : i32
    return %arg0, %c0_i32 : i32, i32
  }
}

module attributes {stable_mosaic.version = 14 : i64} {
  func.func @body(%arg0: i32, %arg1: memref<1x1000x128xf32, #tpu.memory_space<vmem>>, %arg2: memref<1x1000x128xf32, #tpu.memory_space<vmem>>, %arg3: memref<1000x128xf32, #tpu.memory_space<vmem>>, %arg4: memref<1000x128xf32, #tpu.memory_space<vmem>>, %arg5: memref<128x64xf32, #tpu.memory_space<vmem>>, %arg6: memref<1000x64xf32, #tpu.memory_space<vmem>>, %arg7: memref<1000x128xf32, #tpu.memory_space<vmem>>, %arg8: memref<1000x128xf32, #tpu.memory_space<vmem>>, %arg9: memref<1000x64xf32, #tpu.memory_space<vmem>>) attributes {dimension_semantics = [#tpu.dimension_semantics<arbitrary>], iteration_bounds = array<i64: 10>, scalar_prefetch = 0 : i64, scratch_operands = 0 : i64, tpu.core_type = #tpu.core_type<tc>, window_params = [{transform_indices = @transform_0, window_bounds = array<i64: 1, 1000, 128>}, {transform_indices = @transform_1, window_bounds = array<i64: 1, 1000, 128>}, {transform_indices = @transform_2, window_bounds = array<i64: 1000, 128>}, {transform_indices = @transform_3, window_bounds = array<i64: 1000, 128>}, {pipeline_mode = #tpu.pipeline_mode<synchronous>, transform_indices = @transform_4, window_bounds = array<i64: 128, 64>}, {transform_indices = @transform_5, window_bounds = array<i64: 1000, 64>}, {transform_indices = @transform_6, window_bounds = array<i64: 1000, 128>}, {transform_indices = @transform_7, window_bounds = array<i64: 1000, 128>}, {transform_indices = @transform_8, window_bounds = array<i64: 1000, 64>}]} {
    %get3A = arith.constant 0 : index
    %get3A_0 = arith.constant 0 : index
    %get3A_1 = arith.constant 0 : index
    %get3A_2 = vector.load %arg1[%get3A, %get3A_0, %get3A_1] : memref<1x1000x128xf32, #tpu.memory_space<vmem>>, vector<1x1000x128xf32>
    %get3A_3 = vector.shape_cast %get3A_2 : vector<1x1000x128xf32> to vector<1000x128xf32>
    %get3A_4 = arith.constant 0 : index
    %get3A_5 = arith.constant 0 : index
    %get3A_6 = arith.constant 0 : index
    %get3A_7 = vector.load %arg2[%get3A_4, %get3A_5, %get3A_6] : memref<1x1000x128xf32, #tpu.memory_space<vmem>>, vector<1x1000x128xf32>
    %get3A_8 = vector.shape_cast %get3A_7 : vector<1x1000x128xf32> to vector<1000x128xf32>
    %add3A = arith.addf %get3A_3, %get3A_8 : vector<1000x128xf32>
    %get3A_9 = arith.constant 0 : index
    %get3A_10 = arith.constant 0 : index
    %get3A_11 = vector.load %arg3[%get3A_9, %get3A_10] : memref<1000x128xf32, #tpu.memory_space<vmem>>, vector<1000x128xf32>
    %mul3A = arith.constant -1.000000e+00 : f32
    %mul3A_12 = vector.broadcast %mul3A : f32 to vector<1000x128xf32>
    %mul3A_13 = arith.mulf %mul3A_12, %get3A_11 : vector<1000x128xf32>
    %mul3A_14 = arith.mulf %mul3A_13, %add3A : vector<1000x128xf32>
    %get3A_15 = arith.constant 0 : index
    %get3A_16 = arith.constant 0 : index
    %get3A_17 = vector.load %arg6[%get3A_15, %get3A_16] : memref<1000x64xf32, #tpu.memory_space<vmem>>, vector<1000x64xf32>
    %get3A_18 = arith.constant 0 : index
    %get3A_19 = arith.constant 0 : index
    %get3A_20 = vector.load %arg5[%get3A_18, %get3A_19] : memref<128x64xf32, #tpu.memory_space<vmem>>, vector<128x64xf32>
    %dot_general3A = arith.constant dense<0.000000e+00> : vector<1000x64xf32>
    %dot_general3A_21 = tpu.matmul %mul3A_14, %get3A_20, %dot_general3A {dimension_numbers = #tpu.dot_dimension_numbers<[1], [0], [0], [1], [0, 0, 1, 1], [], []>, transpose_lhs_hint = false} : vector<1000x128xf32>, vector<128x64xf32>, vector<1000x64xf32> -> vector<1000x64xf32>
    %add3A_22 = arith.addf %get3A_17, %dot_general3A_21 : vector<1000x64xf32>
    %swap3A = arith.constant 0 : index
    %swap3A_23 = arith.constant 0 : index
    %swap3A_24 = vector.load %arg7[%swap3A, %swap3A_23] : memref<1000x128xf32, #tpu.memory_space<vmem>>, vector<1000x128xf32>
    tpu.vector_store %arg7[%swap3A, %swap3A_23], %mul3A_14 {strides = array<i32>} : memref<1000x128xf32, #tpu.memory_space<vmem>>, vector<1000x128xf32>,
    %get3A_25 = arith.constant 0 : index
    %get3A_26 = arith.constant 0 : index
    %get3A_27 = vector.load %arg3[%get3A_25, %get3A_26] : memref<1000x128xf32, #tpu.memory_space<vmem>>, vector<1000x128xf32>
    %mul3A_28 = arith.mulf %get3A_27, %mul3A_14 : vector<1000x128xf32>
    %swap3A_29 = arith.constant 0 : index
    %swap3A_30 = arith.constant 0 : index
    %swap3A_31 = vector.load %arg8[%swap3A_29, %swap3A_30] : memref<1000x128xf32, #tpu.memory_space<vmem>>, vector<1000x128xf32>
    tpu.vector_store %arg8[%swap3A_29, %swap3A_30], %mul3A_28 {strides = array<i32>} : memref<1000x128xf32, #tpu.memory_space<vmem>>, vector<1000x128xf32>,
    %swap3A_32 = arith.constant 0 : index
    %swap3A_33 = arith.constant 0 : index
    %swap3A_34 = vector.load %arg9[%swap3A_32, %swap3A_33] : memref<1000x64xf32, #tpu.memory_space<vmem>>, vector<1000x64xf32>
    tpu.vector_store %arg9[%swap3A_32, %swap3A_33], %add3A_22 {strides = array<i32>} : memref<1000x64xf32, #tpu.memory_space<vmem>>, vector<1000x64xf32>,
    return
  }
  func.func @transform_0(%arg0: i32) -> (i32, i32, i32) {
    %c0_i32 = arith.constant 0 : i32
    %c0_i32_0 = arith.constant 0 : i32
    %c0_i32_1 = arith.constant 0 : i32
    return %c0_i32, %arg0, %c0_i32_0 : i32, i32, i32
  }
  func.func @transform_1(%arg0: i32) -> (i32, i32, i32) {
    %c1_i32 = arith.constant 1 : i32
    %c0_i32 = arith.constant 0 : i32
    %c0_i32_0 = arith.constant 0 : i32
    return %c1_i32, %arg0, %c0_i32 : i32, i32, i32
  }
  func.func @transform_2(%arg0: i32) -> (i32, i32) {
    %c0_i32 = arith.constant 0 : i32
    %c0_i32_0 = arith.constant 0 : i32
    return %arg0, %c0_i32 : i32, i32
  }
  func.func @transform_3(%arg0: i32) -> (i32, i32) {
    %c0_i32 = arith.constant 0 : i32
    %c0_i32_0 = arith.constant 0 : i32
    return %arg0, %c0_i32 : i32, i32
  }
  func.func @transform_4(%arg0: i32) -> (i32, i32) {
    %c0_i32 = arith.constant 0 : i32
    %c0_i32_0 = arith.constant 0 : i32
    %c0_i32_1 = arith.constant 0 : i32
    return %c0_i32, %c0_i32_0 : i32, i32
  }
  func.func @transform_5(%arg0: i32) -> (i32, i32) {
    %c0_i32 = arith.constant 0 : i32
    %c0_i32_0 = arith.constant 0 : i32
    return %arg0, %c0_i32 : i32, i32
  }
  func.func @transform_6(%arg0: i32) -> (i32, i32) {
    %c0_i32 = arith.constant 0 : i32
    %c0_i32_0 = arith.constant 0 : i32
    return %arg0, %c0_i32 : i32, i32
  }
  func.func @transform_7(%arg0: i32) -> (i32, i32) {
    %c0_i32 = arith.constant 0 : i32
    %c0_i32_0 = arith.constant 0 : i32
    return %arg0, %c0_i32 : i32, i32
  }
  func.func @transform_8(%arg0: i32) -> (i32, i32) {
    %c0_i32 = arith.constant 0 : i32
    %c0_i32_0 = arith.constant 0 : i32
    return %arg0, %c0_i32 : i32, i32
  }
}

module attributes {stable_mosaic.version = 14 : i64} {
  func.func @body(%arg0: i32, %arg1: memref<1000x128xf32, #tpu.memory_space<vmem>>, %arg2: memref<1x1000x128xf32, #tpu.memory_space<vmem>>, %arg3: memref<1x1000x128xf32, #tpu.memory_space<vmem>>, %arg4: memref<128x64xf32, #tpu.memory_space<vmem>>, %arg5: memref<1000x128xf32, #tpu.memory_space<vmem>>, %arg6: memref<1000x128xf32, #tpu.memory_space<vmem>>, %arg7: memref<1000x64xf32, #tpu.memory_space<vmem>>) attributes {dimension_semantics = [#tpu.dimension_semantics<arbitrary>], iteration_bounds = array<i64: 10>, scalar_prefetch = 0 : i64, scratch_operands = 0 : i64, tpu.core_type = #tpu.core_type<tc>, window_params = [{transform_indices = @transform_0, window_bounds = array<i64: 1000, 128>}, {transform_indices = @transform_1, window_bounds = array<i64: 1, 1000, 128>}, {transform_indices = @transform_2, window_bounds = array<i64: 1, 1000, 128>}, {pipeline_mode = #tpu.pipeline_mode<synchronous>, transform_indices = @transform_3, window_bounds = array<i64: 128, 64>}, {transform_indices = @transform_4, window_bounds = array<i64: 1000, 128>}, {transform_indices = @transform_5, window_bounds = array<i64: 1000, 128>}, {transform_indices = @transform_6, window_bounds = array<i64: 1000, 64>}]} {
    %get3A = arith.constant 0 : index
    %get3A_0 = arith.constant 0 : index
    %get3A_1 = arith.constant 0 : index
    %get3A_2 = vector.load %arg2[%get3A, %get3A_0, %get3A_1] : memref<1x1000x128xf32, #tpu.memory_space<vmem>>, vector<1x1000x1xf32>
    %get3A_3 = vector.shape_cast %get3A_2 : vector<1x1000x1xf32> to vector<1000x1xf32>
    %get3A_4 = arith.constant 0 : index
    %get3A_5 = arith.constant 0 : index
    %get3A_6 = arith.constant 0 : index
    %get3A_7 = vector.load %arg3[%get3A_4, %get3A_5, %get3A_6] : memref<1x1000x128xf32, #tpu.memory_space<vmem>>, vector<1x1000x1xf32>
    %get3A_8 = vector.shape_cast %get3A_7 : vector<1x1000x1xf32> to vector<1000x1xf32>
    %add3A = arith.addf %get3A_3, %get3A_8 : vector<1000x1xf32>
    %gt3A = arith.constant 0.000000e+00 : f32
    %gt3A_9 = vector.broadcast %gt3A : f32 to vector<1000x1xf32>
    %gt3A_10 = arith.cmpf ogt, %add3A, %gt3A_9 : vector<1000x1xf32>
    %max3A = arith.constant 1.000000e-30 : f32
    %max3A_11 = vector.broadcast %max3A : f32 to vector<1000x1xf32>
    %max3A_12 = arith.maximumf %add3A, %max3A_11 : vector<1000x1xf32>
    %rsqrt3A = math.rsqrt %max3A_12 : vector<1000x1xf32>
    %jit3A = arith.constant 0.000000e+00 : f32
    %broadcast_in_dim3A = vector.broadcast %jit3A : f32 to vector<1000x1xf32>
    %select_n3A = arith.select %gt3A_10, %rsqrt3A, %broadcast_in_dim3A : vector<1000x1xi1>, vector<1000x1xf32>
    %get3A_13 = arith.constant 0 : index
    %get3A_14 = arith.constant 0 : index
    %get3A_15 = vector.load %arg1[%get3A_13, %get3A_14] : memref<1000x128xf32, #tpu.memory_space<vmem>>, vector<1000x128xf32>
    %broadcast_in_dim3A_16 = vector.shape_cast %select_n3A : vector<1000x1xf32> to vector<1000x1xf32>
    %broadcast_in_dim3A_17 = vector.broadcast %broadcast_in_dim3A_16 : vector<1000x1xf32> to vector<1000x128xf32>
    %swap3A = arith.constant 0 : index
    %swap3A_18 = arith.constant 0 : index
    %swap3A_19 = vector.load %arg5[%swap3A, %swap3A_18] : memref<1000x128xf32, #tpu.memory_space<vmem>>, vector<1000x128xf32>
    tpu.vector_store %arg5[%swap3A, %swap3A_18], %broadcast_in_dim3A_17 {strides = array<i32>} : memref<1000x128xf32, #tpu.memory_space<vmem>>, vector<1000x128xf32>,
    %mul3A = vector.broadcast %select_n3A : vector<1000x1xf32> to vector<1000x128xf32>
    %mul3A_20 = arith.mulf %mul3A, %get3A_15 : vector<1000x128xf32>
    %swap3A_21 = arith.constant 0 : index
    %swap3A_22 = arith.constant 0 : index
    %swap3A_23 = vector.load %arg6[%swap3A_21, %swap3A_22] : memref<1000x128xf32, #tpu.memory_space<vmem>>, vector<1000x128xf32>
    tpu.vector_store %arg6[%swap3A_21, %swap3A_22], %mul3A_20 {strides = array<i32>} : memref<1000x128xf32, #tpu.memory_space<vmem>>, vector<1000x128xf32>,
    %get3A_24 = arith.constant 0 : index
    %get3A_25 = arith.constant 0 : index
    %get3A_26 = vector.load %arg4[%get3A_24, %get3A_25] : memref<128x64xf32, #tpu.memory_space<vmem>>, vector<128x64xf32>
    %dot_general3A = arith.constant dense<0.000000e+00> : vector<1000x64xf32>
    %dot_general3A_27 = tpu.matmul %get3A_15, %get3A_26, %dot_general3A {dimension_numbers = #tpu.dot_dimension_numbers<[1], [0], [0], [1], [0, 0, 1, 1], [], []>, transpose_lhs_hint = false} : vector<1000x128xf32>, vector<128x64xf32>, vector<1000x64xf32> -> vector<1000x64xf32>
    %swap3A_28 = arith.constant 0 : index
    %swap3A_29 = arith.constant 0 : index
    %swap3A_30 = vector.load %arg7[%swap3A_28, %swap3A_29] : memref<1000x64xf32, #tpu.memory_space<vmem>>, vector<1000x64xf32>
    tpu.vector_store %arg7[%swap3A_28, %swap3A_29], %dot_general3A_27 {strides = array<i32>} : memref<1000x64xf32, #tpu.memory_space<vmem>>, vector<1000x64xf32>,
    return
  }
  func.func @transform_0(%arg0: i32) -> (i32, i32) {
    %c0_i32 = arith.constant 0 : i32
    %c0_i32_0 = arith.constant 0 : i32
    return %arg0, %c0_i32 : i32, i32
  }
  func.func @transform_1(%arg0: i32) -> (i32, i32, i32) {
    %c0_i32 = arith.constant 0 : i32
    %c0_i32_0 = arith.constant 0 : i32
    %c0_i32_1 = arith.constant 0 : i32
    return %c0_i32, %arg0, %c0_i32_0 : i32, i32, i32
  }
  func.func @transform_2(%arg0: i32) -> (i32, i32, i32) {
    %c1_i32 = arith.constant 1 : i32
    %c0_i32 = arith.constant 0 : i32
    %c0_i32_0 = arith.constant 0 : i32
    return %c1_i32, %arg0, %c0_i32 : i32, i32, i32
  }
  func.func @transform_3(%arg0: i32) -> (i32, i32) {
    %c0_i32 = arith.constant 0 : i32
    %c0_i32_0 = arith.constant 0 : i32
    %c0_i32_1 = arith.constant 0 : i32
    return %c0_i32, %c0_i32_0 : i32, i32
  }
  func.func @transform_4(%arg0: i32) -> (i32, i32) {
    %c0_i32 = arith.constant 0 : i32
    %c0_i32_0 = arith.constant 0 : i32
    return %arg0, %c0_i32 : i32, i32
  }
  func.func @transform_5(%arg0: i32) -> (i32, i32) {
    %c0_i32 = arith.constant 0 : i32
    %c0_i32_0 = arith.constant 0 : i32
    return %arg0, %c0_i32 : i32, i32
  }
  func.func @transform_6(%arg0: i32) -> (i32, i32) {
    %c0_i32 = arith.constant 0 : i32
    %c0_i32_0 = arith.constant 0 : i32
    return %arg0, %c0_i32 : i32, i32
  }
}

module attributes {stable_mosaic.version = 14 : i64} {
  func.func @body(%arg0: i32, %arg1: memref<1x1000x128xf32, #tpu.memory_space<vmem>>, %arg2: memref<1x1000x128xf32, #tpu.memory_space<vmem>>, %arg3: memref<1000x128xf32, #tpu.memory_space<vmem>>, %arg4: memref<1000x128xf32, #tpu.memory_space<vmem>>, %arg5: memref<128x64xf32, #tpu.memory_space<vmem>>, %arg6: memref<1000x64xf32, #tpu.memory_space<vmem>>, %arg7: memref<1000x128xf32, #tpu.memory_space<vmem>>, %arg8: memref<1000x128xf32, #tpu.memory_space<vmem>>, %arg9: memref<1000x64xf32, #tpu.memory_space<vmem>>) attributes {dimension_semantics = [#tpu.dimension_semantics<arbitrary>], iteration_bounds = array<i64: 10>, scalar_prefetch = 0 : i64, scratch_operands = 0 : i64, tpu.core_type = #tpu.core_type<tc>, window_params = [{transform_indices = @transform_0, window_bounds = array<i64: 1, 1000, 128>}, {transform_indices = @transform_1, window_bounds = array<i64: 1, 1000, 128>}, {transform_indices = @transform_2, window_bounds = array<i64: 1000, 128>}, {transform_indices = @transform_3, window_bounds = array<i64: 1000, 128>}, {pipeline_mode = #tpu.pipeline_mode<synchronous>, transform_indices = @transform_4, window_bounds = array<i64: 128, 64>}, {transform_indices = @transform_5, window_bounds = array<i64: 1000, 64>}, {transform_indices = @transform_6, window_bounds = array<i64: 1000, 128>}, {transform_indices = @transform_7, window_bounds = array<i64: 1000, 128>}, {transform_indices = @transform_8, window_bounds = array<i64: 1000, 64>}]} {
    %get3A = arith.constant 0 : index
    %get3A_0 = arith.constant 0 : index
    %get3A_1 = arith.constant 0 : index
    %get3A_2 = vector.load %arg1[%get3A, %get3A_0, %get3A_1] : memref<1x1000x128xf32, #tpu.memory_space<vmem>>, vector<1x1000x128xf32>
    %get3A_3 = vector.shape_cast %get3A_2 : vector<1x1000x128xf32> to vector<1000x128xf32>
    %get3A_4 = arith.constant 0 : index
    %get3A_5 = arith.constant 0 : index
    %get3A_6 = arith.constant 0 : index
    %get3A_7 = vector.load %arg2[%get3A_4, %get3A_5, %get3A_6] : memref<1x1000x128xf32, #tpu.memory_space<vmem>>, vector<1x1000x128xf32>
    %get3A_8 = vector.shape_cast %get3A_7 : vector<1x1000x128xf32> to vector<1000x128xf32>
    %add3A = arith.addf %get3A_3, %get3A_8 : vector<1000x128xf32>
    %get3A_9 = arith.constant 0 : index
    %get3A_10 = arith.constant 0 : index
    %get3A_11 = vector.load %arg3[%get3A_9, %get3A_10] : memref<1000x128xf32, #tpu.memory_space<vmem>>, vector<1000x128xf32>
    %mul3A = arith.constant -2.000000e+00 : f32
    %mul3A_12 = vector.broadcast %mul3A : f32 to vector<1000x128xf32>
    %mul3A_13 = arith.mulf %mul3A_12, %get3A_11 : vector<1000x128xf32>
    %mul3A_14 = arith.mulf %mul3A_13, %add3A : vector<1000x128xf32>
    %get3A_15 = arith.constant 0 : index
    %get3A_16 = arith.constant 0 : index
    %get3A_17 = vector.load %arg4[%get3A_15, %get3A_16] : memref<1000x128xf32, #tpu.memory_space<vmem>>, vector<1000x128xf32>
    %sub3A = arith.subf %mul3A_14, %get3A_17 : vector<1000x128xf32>
    %get3A_18 = arith.constant 0 : index
    %get3A_19 = arith.constant 0 : index
    %get3A_20 = vector.load %arg6[%get3A_18, %get3A_19] : memref<1000x64xf32, #tpu.memory_space<vmem>>, vector<1000x64xf32>
    %get3A_21 = arith.constant 0 : index
    %get3A_22 = arith.constant 0 : index
    %get3A_23 = vector.load %arg5[%get3A_21, %get3A_22] : memref<128x64xf32, #tpu.memory_space<vmem>>, vector<128x64xf32>
    %dot_general3A = arith.constant dense<0.000000e+00> : vector<1000x64xf32>
    %dot_general3A_24 = tpu.matmul %sub3A, %get3A_23, %dot_general3A {dimension_numbers = #tpu.dot_dimension_numbers<[1], [0], [0], [1], [0, 0, 1, 1], [], []>, transpose_lhs_hint = false} : vector<1000x128xf32>, vector<128x64xf32>, vector<1000x64xf32> -> vector<1000x64xf32>
    %add3A_25 = arith.addf %get3A_20, %dot_general3A_24 : vector<1000x64xf32>
    %swap3A = arith.constant 0 : index
    %swap3A_26 = arith.constant 0 : index
    %swap3A_27 = vector.load %arg7[%swap3A, %swap3A_26] : memref<1000x128xf32, #tpu.memory_space<vmem>>, vector<1000x128xf32>
    tpu.vector_store %arg7[%swap3A, %swap3A_26], %sub3A {strides = array<i32>} : memref<1000x128xf32, #tpu.memory_space<vmem>>, vector<1000x128xf32>,
    %get3A_28 = arith.constant 0 : index
    %get3A_29 = arith.constant 0 : index
    %get3A_30 = vector.load %arg3[%get3A_28, %get3A_29] : memref<1000x128xf32, #tpu.memory_space<vmem>>, vector<1000x128xf32>
    %mul3A_31 = arith.mulf %get3A_30, %sub3A : vector<1000x128xf32>
    %swap3A_32 = arith.constant 0 : index
    %swap3A_33 = arith.constant 0 : index
    %swap3A_34 = vector.load %arg8[%swap3A_32, %swap3A_33] : memref<1000x128xf32, #tpu.memory_space<vmem>>, vector<1000x128xf32>
    tpu.vector_store %arg8[%swap3A_32, %swap3A_33], %mul3A_31 {strides = array<i32>} : memref<1000x128xf32, #tpu.memory_space<vmem>>, vector<1000x128xf32>,
    %swap3A_35 = arith.constant 0 : index
    %swap3A_36 = arith.constant 0 : index
    %swap3A_37 = vector.load %arg9[%swap3A_35, %swap3A_36] : memref<1000x64xf32, #tpu.memory_space<vmem>>, vector<1000x64xf32>
    tpu.vector_store %arg9[%swap3A_35, %swap3A_36], %add3A_25 {strides = array<i32>} : memref<1000x64xf32, #tpu.memory_space<vmem>>, vector<1000x64xf32>,
    return
  }
  func.func @transform_0(%arg0: i32) -> (i32, i32, i32) {
    %c0_i32 = arith.constant 0 : i32
    %c0_i32_0 = arith.constant 0 : i32
    %c0_i32_1 = arith.constant 0 : i32
    return %c0_i32, %arg0, %c0_i32_0 : i32, i32, i32
  }
  func.func @transform_1(%arg0: i32) -> (i32, i32, i32) {
    %c1_i32 = arith.constant 1 : i32
    %c0_i32 = arith.constant 0 : i32
    %c0_i32_0 = arith.constant 0 : i32
    return %c1_i32, %arg0, %c0_i32 : i32, i32, i32
  }
  func.func @transform_2(%arg0: i32) -> (i32, i32) {
    %c0_i32 = arith.constant 0 : i32
    %c0_i32_0 = arith.constant 0 : i32
    return %arg0, %c0_i32 : i32, i32
  }
  func.func @transform_3(%arg0: i32) -> (i32, i32) {
    %c0_i32 = arith.constant 0 : i32
    %c0_i32_0 = arith.constant 0 : i32
    return %arg0, %c0_i32 : i32, i32
  }
  func.func @transform_4(%arg0: i32) -> (i32, i32) {
    %c0_i32 = arith.constant 0 : i32
    %c0_i32_0 = arith.constant 0 : i32
    %c0_i32_1 = arith.constant 0 : i32
    return %c0_i32, %c0_i32_0 : i32, i32
  }
  func.func @transform_5(%arg0: i32) -> (i32, i32) {
    %c0_i32 = arith.constant 0 : i32
    %c0_i32_0 = arith.constant 0 : i32
    return %arg0, %c0_i32 : i32, i32
  }
  func.func @transform_6(%arg0: i32) -> (i32, i32) {
    %c0_i32 = arith.constant 0 : i32
    %c0_i32_0 = arith.constant 0 : i32
    return %arg0, %c0_i32 : i32, i32
  }
  func.func @transform_7(%arg0: i32) -> (i32, i32) {
    %c0_i32 = arith.constant 0 : i32
    %c0_i32_0 = arith.constant 0 : i32
    return %arg0, %c0_i32 : i32, i32
  }
  func.func @transform_8(%arg0: i32) -> (i32, i32) {
    %c0_i32 = arith.constant 0 : i32
    %c0_i32_0 = arith.constant 0 : i32
    return %arg0, %c0_i32 : i32, i32
  }
}

module attributes {stable_mosaic.version = 14 : i64} {
  func.func @body(%arg0: i32, %arg1: memref<1x1000x128xf32, #tpu.memory_space<vmem>>, %arg2: memref<1x1000x128xf32, #tpu.memory_space<vmem>>, %arg3: memref<1000x128xf32, #tpu.memory_space<vmem>>, %arg4: memref<1000x128xf32, #tpu.memory_space<vmem>>, %arg5: memref<128x64xf32, #tpu.memory_space<vmem>>, %arg6: memref<1000x64xf32, #tpu.memory_space<vmem>>, %arg7: memref<1000x128xf32, #tpu.memory_space<vmem>>, %arg8: memref<1000x128xf32, #tpu.memory_space<vmem>>, %arg9: memref<1000x64xf32, #tpu.memory_space<vmem>>) attributes {dimension_semantics = [#tpu.dimension_semantics<arbitrary>], iteration_bounds = array<i64: 10>, scalar_prefetch = 0 : i64, scratch_operands = 0 : i64, tpu.core_type = #tpu.core_type<tc>, window_params = [{transform_indices = @transform_0, window_bounds = array<i64: 1, 1000, 128>}, {transform_indices = @transform_1, window_bounds = array<i64: 1, 1000, 128>}, {transform_indices = @transform_2, window_bounds = array<i64: 1000, 128>}, {transform_indices = @transform_3, window_bounds = array<i64: 1000, 128>}, {pipeline_mode = #tpu.pipeline_mode<synchronous>, transform_indices = @transform_4, window_bounds = array<i64: 128, 64>}, {transform_indices = @transform_5, window_bounds = array<i64: 1000, 64>}, {transform_indices = @transform_6, window_bounds = array<i64: 1000, 128>}, {transform_indices = @transform_7, window_bounds = array<i64: 1000, 128>}, {transform_indices = @transform_8, window_bounds = array<i64: 1000, 64>}]} {
    %get3A = arith.constant 0 : index
    %get3A_0 = arith.constant 0 : index
    %get3A_1 = arith.constant 0 : index
    %get3A_2 = vector.load %arg1[%get3A, %get3A_0, %get3A_1] : memref<1x1000x128xf32, #tpu.memory_space<vmem>>, vector<1x1000x128xf32>
    %get3A_3 = vector.shape_cast %get3A_2 : vector<1x1000x128xf32> to vector<1000x128xf32>
    %get3A_4 = arith.constant 0 : index
    %get3A_5 = arith.constant 0 : index
    %get3A_6 = arith.constant 0 : index
    %get3A_7 = vector.load %arg2[%get3A_4, %get3A_5, %get3A_6] : memref<1x1000x128xf32, #tpu.memory_space<vmem>>, vector<1x1000x128xf32>
    %get3A_8 = vector.shape_cast %get3A_7 : vector<1x1000x128xf32> to vector<1000x128xf32>
    %add3A = arith.addf %get3A_3, %get3A_8 : vector<1000x128xf32>
    %get3A_9 = arith.constant 0 : index
    %get3A_10 = arith.constant 0 : index
    %get3A_11 = vector.load %arg3[%get3A_9, %get3A_10] : memref<1000x128xf32, #tpu.memory_space<vmem>>, vector<1000x128xf32>
    %mul3A = arith.constant -2.000000e+00 : f32
    %mul3A_12 = vector.broadcast %mul3A : f32 to vector<1000x128xf32>
    %mul3A_13 = arith.mulf %mul3A_12, %get3A_11 : vector<1000x128xf32>
    %mul3A_14 = arith.mulf %mul3A_13, %add3A : vector<1000x128xf32>
    %get3A_15 = arith.constant 0 : index
    %get3A_16 = arith.constant 0 : index
    %get3A_17 = vector.load %arg4[%get3A_15, %get3A_16] : memref<1000x128xf32, #tpu.memory_space<vmem>>, vector<1000x128xf32>
    %sub3A = arith.subf %mul3A_14, %get3A_17 : vector<1000x128xf32>
    %get3A_18 = arith.constant 0 : index
    %get3A_19 = arith.constant 0 : index
    %get3A_20 = vector.load %arg6[%get3A_18, %get3A_19] : memref<1000x64xf32, #tpu.memory_space<vmem>>, vector<1000x64xf32>
    %get3A_21 = arith.constant 0 : index
    %get3A_22 = arith.constant 0 : index
    %get3A_23 = vector.load %arg5[%get3A_21, %get3A_22] : memref<128x64xf32, #tpu.memory_space<vmem>>, vector<128x64xf32>
    %dot_general3A = arith.constant dense<0.000000e+00> : vector<1000x64xf32>
    %dot_general3A_24 = tpu.matmul %sub3A, %get3A_23, %dot_general3A {dimension_numbers = #tpu.dot_dimension_numbers<[1], [0], [0], [1], [0, 0, 1, 1], [], []>, transpose_lhs_hint = false} : vector<1000x128xf32>, vector<128x64xf32>, vector<1000x64xf32> -> vector<1000x64xf32>
    %add3A_25 = arith.addf %get3A_20, %dot_general3A_24 : vector<1000x64xf32>
    %swap3A = arith.constant 0 : index
    %swap3A_26 = arith.constant 0 : index
    %swap3A_27 = vector.load %arg7[%swap3A, %swap3A_26] : memref<1000x128xf32, #tpu.memory_space<vmem>>, vector<1000x128xf32>
    tpu.vector_store %arg7[%swap3A, %swap3A_26], %sub3A {strides = array<i32>} : memref<1000x128xf32, #tpu.memory_space<vmem>>, vector<1000x128xf32>,
    %get3A_28 = arith.constant 0 : index
    %get3A_29 = arith.constant 0 : index
    %get3A_30 = vector.load %arg3[%get3A_28, %get3A_29] : memref<1000x128xf32, #tpu.memory_space<vmem>>, vector<1000x128xf32>
    %mul3A_31 = arith.mulf %get3A_30, %sub3A : vector<1000x128xf32>
    %swap3A_32 = arith.constant 0 : index
    %swap3A_33 = arith.constant 0 : index
    %swap3A_34 = vector.load %arg8[%swap3A_32, %swap3A_33] : memref<1000x128xf32, #tpu.memory_space<vmem>>, vector<1000x128xf32>
    tpu.vector_store %arg8[%swap3A_32, %swap3A_33], %mul3A_31 {strides = array<i32>} : memref<1000x128xf32, #tpu.memory_space<vmem>>, vector<1000x128xf32>,
    %swap3A_35 = arith.constant 0 : index
    %swap3A_36 = arith.constant 0 : index
    %swap3A_37 = vector.load %arg9[%swap3A_35, %swap3A_36] : memref<1000x64xf32, #tpu.memory_space<vmem>>, vector<1000x64xf32>
    tpu.vector_store %arg9[%swap3A_35, %swap3A_36], %add3A_25 {strides = array<i32>} : memref<1000x64xf32, #tpu.memory_space<vmem>>, vector<1000x64xf32>,
    return
  }
  func.func @transform_0(%arg0: i32) -> (i32, i32, i32) {
    %c0_i32 = arith.constant 0 : i32
    %c0_i32_0 = arith.constant 0 : i32
    %c0_i32_1 = arith.constant 0 : i32
    return %c0_i32, %arg0, %c0_i32_0 : i32, i32, i32
  }
  func.func @transform_1(%arg0: i32) -> (i32, i32, i32) {
    %c1_i32 = arith.constant 1 : i32
    %c0_i32 = arith.constant 0 : i32
    %c0_i32_0 = arith.constant 0 : i32
    return %c1_i32, %arg0, %c0_i32 : i32, i32, i32
  }
  func.func @transform_2(%arg0: i32) -> (i32, i32) {
    %c0_i32 = arith.constant 0 : i32
    %c0_i32_0 = arith.constant 0 : i32
    return %arg0, %c0_i32 : i32, i32
  }
  func.func @transform_3(%arg0: i32) -> (i32, i32) {
    %c0_i32 = arith.constant 0 : i32
    %c0_i32_0 = arith.constant 0 : i32
    return %arg0, %c0_i32 : i32, i32
  }
  func.func @transform_4(%arg0: i32) -> (i32, i32) {
    %c0_i32 = arith.constant 0 : i32
    %c0_i32_0 = arith.constant 0 : i32
    %c0_i32_1 = arith.constant 0 : i32
    return %c0_i32, %c0_i32_0 : i32, i32
  }
  func.func @transform_5(%arg0: i32) -> (i32, i32) {
    %c0_i32 = arith.constant 0 : i32
    %c0_i32_0 = arith.constant 0 : i32
    return %arg0, %c0_i32 : i32, i32
  }
  func.func @transform_6(%arg0: i32) -> (i32, i32) {
    %c0_i32 = arith.constant 0 : i32
    %c0_i32_0 = arith.constant 0 : i32
    return %arg0, %c0_i32 : i32, i32
  }
  func.func @transform_7(%arg0: i32) -> (i32, i32) {
    %c0_i32 = arith.constant 0 : i32
    %c0_i32_0 = arith.constant 0 : i32
    return %arg0, %c0_i32 : i32, i32
  }
  func.func @transform_8(%arg0: i32) -> (i32, i32) {
    %c0_i32 = arith.constant 0 : i32
    %c0_i32_0 = arith.constant 0 : i32
    return %arg0, %c0_i32 : i32, i32
  }
}

module attributes {stable_mosaic.version = 14 : i64} {
  func.func @body(%arg0: i32, %arg1: memref<1x1000x128xf32, #tpu.memory_space<vmem>>, %arg2: memref<1x1000x128xf32, #tpu.memory_space<vmem>>, %arg3: memref<1000x128xf32, #tpu.memory_space<vmem>>, %arg4: memref<1000x128xf32, #tpu.memory_space<vmem>>, %arg5: memref<128x64xf32, #tpu.memory_space<vmem>>, %arg6: memref<1x64xf32, #tpu.memory_space<vmem>>, %arg7: memref<1000x64xf32, #tpu.memory_space<vmem>>, %arg8: memref<1000x64xf32, #tpu.memory_space<vmem>>) attributes {dimension_semantics = [#tpu.dimension_semantics<arbitrary>], iteration_bounds = array<i64: 10>, scalar_prefetch = 0 : i64, scratch_operands = 0 : i64, tpu.core_type = #tpu.core_type<tc>, window_params = [{transform_indices = @transform_0, window_bounds = array<i64: 1, 1000, 128>}, {transform_indices = @transform_1, window_bounds = array<i64: 1, 1000, 128>}, {transform_indices = @transform_2, window_bounds = array<i64: 1000, 128>}, {transform_indices = @transform_3, window_bounds = array<i64: 1000, 128>}, {pipeline_mode = #tpu.pipeline_mode<synchronous>, transform_indices = @transform_4, window_bounds = array<i64: 128, 64>}, {pipeline_mode = #tpu.pipeline_mode<synchronous>, transform_indices = @transform_5, window_bounds = array<i64: 1, 64>}, {transform_indices = @transform_6, window_bounds = array<i64: 1000, 64>}, {transform_indices = @transform_7, window_bounds = array<i64: 1000, 64>}]} {
    %get3A = arith.constant 0 : index
    %get3A_0 = arith.constant 0 : index
    %get3A_1 = arith.constant 0 : index
    %get3A_2 = vector.load %arg1[%get3A, %get3A_0, %get3A_1] : memref<1x1000x128xf32, #tpu.memory_space<vmem>>, vector<1x1000x128xf32>
    %get3A_3 = vector.shape_cast %get3A_2 : vector<1x1000x128xf32> to vector<1000x128xf32>
    %get3A_4 = arith.constant 0 : index
    %get3A_5 = arith.constant 0 : index
    %get3A_6 = arith.constant 0 : index
    %get3A_7 = vector.load %arg2[%get3A_4, %get3A_5, %get3A_6] : memref<1x1000x128xf32, #tpu.memory_space<vmem>>, vector<1x1000x128xf32>
    %get3A_8 = vector.shape_cast %get3A_7 : vector<1x1000x128xf32> to vector<1000x128xf32>
    %add3A = arith.addf %get3A_3, %get3A_8 : vector<1000x128xf32>
    %get3A_9 = arith.constant 0 : index
    %get3A_10 = arith.constant 0 : index
    %get3A_11 = vector.load %arg3[%get3A_9, %get3A_10] : memref<1000x128xf32, #tpu.memory_space<vmem>>, vector<1000x128xf32>
    %mul3A = arith.constant -2.000000e+00 : f32
    %mul3A_12 = vector.broadcast %mul3A : f32 to vector<1000x128xf32>
    %mul3A_13 = arith.mulf %mul3A_12, %get3A_11 : vector<1000x128xf32>
    %mul3A_14 = arith.mulf %mul3A_13, %add3A : vector<1000x128xf32>
    %get3A_15 = arith.constant 0 : index
    %get3A_16 = arith.constant 0 : index
    %get3A_17 = vector.load %arg4[%get3A_15, %get3A_16] : memref<1000x128xf32, #tpu.memory_space<vmem>>, vector<1000x128xf32>
    %sub3A = arith.subf %mul3A_14, %get3A_17 : vector<1000x128xf32>
    %get3A_18 = arith.constant 0 : index
    %get3A_19 = arith.constant 0 : index
    %get3A_20 = vector.load %arg7[%get3A_18, %get3A_19] : memref<1000x64xf32, #tpu.memory_space<vmem>>, vector<1000x64xf32>
    %get3A_21 = arith.constant 0 : index
    %get3A_22 = arith.constant 0 : index
    %get3A_23 = vector.load %arg5[%get3A_21, %get3A_22] : memref<128x64xf32, #tpu.memory_space<vmem>>, vector<128x64xf32>
    %dot_general3A = arith.constant dense<0.000000e+00> : vector<1000x64xf32>
    %dot_general3A_24 = tpu.matmul %sub3A, %get3A_23, %dot_general3A {dimension_numbers = #tpu.dot_dimension_numbers<[1], [0], [0], [1], [0, 0, 1, 1], [], []>, transpose_lhs_hint = false} : vector<1000x128xf32>, vector<128x64xf32>, vector<1000x64xf32> -> vector<1000x64xf32>
    %add3A_25 = arith.addf %get3A_20, %dot_general3A_24 : vector<1000x64xf32>
    %get3A_26 = arith.constant 0 : index
    %get3A_27 = arith.constant 0 : index
    %get3A_28 = vector.load %arg6[%get3A_26, %get3A_27] : memref<1x64xf32, #tpu.memory_space<vmem>>, vector<1x64xf32>
    %add3A_29 = vector.broadcast %get3A_28 : vector<1x64xf32> to vector<1000x64xf32>
    %add3A_30 = arith.addf %add3A_25, %add3A_29 : vector<1000x64xf32>
    %max3A = arith.constant 0.000000e+00 : f32
    %max3A_31 = vector.broadcast %max3A : f32 to vector<1000x64xf32>
    %max3A_32 = arith.maximumf %add3A_30, %max3A_31 : vector<1000x64xf32>
    %swap3A = arith.constant 0 : index
    %swap3A_33 = arith.constant 0 : index
    %swap3A_34 = vector.load %arg8[%swap3A, %swap3A_33] : memref<1000x64xf32, #tpu.memory_space<vmem>>, vector<1000x64xf32>
    tpu.vector_store %arg8[%swap3A, %swap3A_33], %max3A_32 {strides = array<i32>} : memref<1000x64xf32, #tpu.memory_space<vmem>>, vector<1000x64xf32>,
    return
  }
  func.func @transform_0(%arg0: i32) -> (i32, i32, i32) {
    %c0_i32 = arith.constant 0 : i32
    %c0_i32_0 = arith.constant 0 : i32
    %c0_i32_1 = arith.constant 0 : i32
    return %c0_i32, %arg0, %c0_i32_0 : i32, i32, i32
  }
  func.func @transform_1(%arg0: i32) -> (i32, i32, i32) {
    %c1_i32 = arith.constant 1 : i32
    %c0_i32 = arith.constant 0 : i32
    %c0_i32_0 = arith.constant 0 : i32
    return %c1_i32, %arg0, %c0_i32 : i32, i32, i32
  }
  func.func @transform_2(%arg0: i32) -> (i32, i32) {
    %c0_i32 = arith.constant 0 : i32
    %c0_i32_0 = arith.constant 0 : i32
    return %arg0, %c0_i32 : i32, i32
  }
  func.func @transform_3(%arg0: i32) -> (i32, i32) {
    %c0_i32 = arith.constant 0 : i32
    %c0_i32_0 = arith.constant 0 : i32
    return %arg0, %c0_i32 : i32, i32
  }
  func.func @transform_4(%arg0: i32) -> (i32, i32) {
    %c0_i32 = arith.constant 0 : i32
    %c0_i32_0 = arith.constant 0 : i32
    %c0_i32_1 = arith.constant 0 : i32
    return %c0_i32, %c0_i32_0 : i32, i32
  }
  func.func @transform_5(%arg0: i32) -> (i32, i32) {
    %c0_i32 = arith.constant 0 : i32
    %c0_i32_0 = arith.constant 0 : i32
    %c0_i32_1 = arith.constant 0 : i32
    return %c0_i32, %c0_i32_0 : i32, i32
  }
  func.func @transform_6(%arg0: i32) -> (i32, i32) {
    %c0_i32 = arith.constant 0 : i32
    %c0_i32_0 = arith.constant 0 : i32
    return %arg0, %c0_i32 : i32, i32
  }
  func.func @transform_7(%arg0: i32) -> (i32, i32) {
    %c0_i32 = arith.constant 0 : i32
    %c0_i32_0 = arith.constant 0 : i32
    return %arg0, %c0_i32 : i32, i32
  }
}

</mosaic_0001>

<sc_bundles>
// kernel: kernel.15.cloned.1.call-start
scs
__scs_entry_jumppad:
0x0: {  	(pc) =	sbr.rel $0x88, $3  }
0x1: {  	(tag) =	ssettag $0x0;
	lr =	simm.s32 $0x1  }
0x2: {  	[smem:$0x3F9D] =	sst lr;
	_ =	strace $0xD0000000  }
0x3: {  	_ = 	snop  }
0x4: {  	_ = 	snop  }
0x5: {  	_ = 	snop  }
0x6: {  	_ = 	snop  }
0x7: {  	_ = 	snop  }
__scs_overlays_trampoline_lowered:
0x8: {  	[smem:$0x3FAC] =	sst s0  }
0x9: {  	[smem:$0x3FAD] =	sst s1  }
0xa: {  	[smem:$0x3FAE] =	sst s2  }
0xb: {  	[smem:$0x3FAF] =	sst s3  }
0xc: {  	[smem:$0x3FB0] =	sst s4  }
0xd: {  	[smem:$0x3FB1] =	sst s5  }
0xe: {  	[smem:$0x3FB2] =	sst s6  }
0xf: {  	[smem:$0x3FB3] =	sst s7  }
0x10: {  	[smem:$0x3FB4] =	sst s8  }
0x11: {  	[smem:$0x3FB5] =	sst s9;
	s0 =	simm.s32 @!p0 $0x0  }
0x12: {  	s1 =	sld [smem:$0x3F9B];
	s0 =	simm.s32 @p0 $0x1  }
0x13: {  	[smem:$0x3FB6] =	sst s0;
	s0 =	simm.s32 @!p1 $0x0  }
0x14: {  	s2 =	sld [smem:$0x3F9A];
	s0 =	simm.s32 @p1 $0x1  }
0x15: {  	[smem:$0x3FB7] =	sst s0;
	s0 =	simm.s32 @!p2 $0x0  }
0x16: {  	s3 =	sld [smem:$0x3FDB];
	s0 =	simm.s32 @p2 $0x1  }
0x17: {  	s4 =	simm.s32 $0x1BF5;
	[smem:$0x3FB9] =	sst s0  }
0x18: {  	s0 =	sld [smem:$0x3F9C];
	_ =	swait.ge [sflag:s4], $0x0  }
0x19: {  	s7 =	sld [smem:$0x3F9D]  }
0x1a: {  	s8 =	sadd.s32 $0xFFFFE003, lr  }
0x1b: {  	s9 =	sadd.s32 $0xFFFFFEF7, lr;
	s5 =	simm.s32 $0xFFFFFFFF;
	p2 =	slt.u32 s8, $0xFFFFF086  }
0x1c: {  	p1 =	slt.u32 s9, $0xF7A;
	s5 =	simm.s32 @!p2 $0x0  }
0x1d: {  	s5 =	simm.s32 @p1 $0x1;
	p0 =	seq.s32 s7, s2  }
0x1e: {  	s7 =	smul.u32 @!p0 $0xF7A, s2;
	p2 =	seq.s32 @!p0 s5, $0x0  }
0x1f: {  	s9 =	smul.u32 $0xF7A, s1;
	s8 =	simm.s32 @!p0 $0x1BF5;
	p2 =	por !p2, p0  }
0x20: {  	[sflag:s8] =	ssyncset.s32 @!p0 $0xFFFFF086;
	s6 =	sadd.s32 @!p0 s3, s7;
	s7 =	simm.s32 @!p0 $0x108  }
0x21: {  	s3 =	sadd.s32 s3, s9;
	s6 =	sadd.s32 @!p0 $0x88, s6;
	s7 =	simm.s32 @p2 $0x1082  }
0x22: {  	[simem:s7], [sflag:s8] =	dma.local @!p0 [hbm:s6], $0xF7A  }
0x23: {  	s9 =	sor.u32 $0xD0000000, s2;
	s6 =	simm.s32 $0x108;
	_ =	swait.ge @!p0 [sflag:s8], $0x0  }
0x24: {  	s3 =	sadd.s32 $0x88, s3;
	s6 =	simm.s32 @!p1 $0x1082;
	[sflag:s4] =	ssyncset.s32 $0xFFFFF086  }
0x25: {  	[simem:s6], [sflag:s4] =	dma.local [hbm:s3], $0xF7A  }
0x26: {  	[smem:$0x3F9D] =	sst s1;
	(tag) =	ssettag s2;
	_ =	strace s9  }
0x27: {  	s1 =	sld [smem:$0x3FAD]  }
0x28: {  	s2 =	sld [smem:$0x3FAE]  }
0x29: {  	s4 =	sld [smem:$0x3FB0]  }
0x2a: {  	p0 =	seq.s32 s5, $0x0;
	s5 =	sld [smem:$0x3FB1]  }
0x2b: {  	s6 =	sld [smem:$0x3FB2]  }
0x2c: {  	s7 =	sld [smem:$0x3FB3]  }
0x2d: {  	s3 =	simm.s32 $0x108;
	s8 =	sld [smem:$0x3FB4]  }
0x2e: {  	s3 =	simm.s32 @!p0 $0x1082;
	s9 =	sld [smem:$0x3FB5]  }
0x2f: {  	lr =	sadd.s32 s0, s3;
	s0 =	sld [smem:$0x3FAC]  }
0x30: {  	s3 =	sld [smem:$0x3FAF]  }
0x31: {  	[smem:$0x3FB8] =	sst s10  }
0x32: {  	s10 =	sld [smem:$0x3FB6];
	_ =	sdelay $0x3  }
0x33: {  	p0 =	seq.s32 s10, $0x1;
	s10 =	sld [smem:$0x3FB8];
	_ =	sdelay $0x3  }
0x34: {  	[smem:$0x3FB8] =	sst s10  }
0x35: {  	s10 =	sld [smem:$0x3FB7];
	_ =	sdelay $0x3  }
0x36: {  	p1 =	seq.s32 s10, $0x1;
	s10 =	sld [smem:$0x3FB8];
	_ =	sdelay $0x3  }
0x37: {  	[smem:$0x3FB8] =	sst s10  }
0x38: {  	s10 =	sld [smem:$0x3FB9]  }
0x39: {  	_ = 	snop;
	(pc) =	sbr.ind lr, $3  }
0x3a: {  	_ = 	snop  }
0x3b: {  	_ = 	snop  }
0x3c: {  	p2 =	seq.s32 s10, $0x1;
	s10 =	sld [smem:$0x3FB8]  }
0x3d: {  	_ =	shalt  }
0x3e: {  	_ =	shalt  }
0x3f: {  	_ =	shalt  }
0x40: {  	_ =	shalt  }
0x41: {  	_ =	shalt  }
0x42: {  	_ =	shalt  }
0x43: {  	_ =	shalt  }
0x44: {  	_ =	shalt  }
0x45: {  	_ =	shalt  }
0x46: {  	_ =	shalt  }
0x47: {  	_ =	shalt  }
0x48: {  	_ =	shalt  }
0x49: {  	_ =	shalt  }
0x4a: {  	_ =	shalt  }
0x4b: {  	_ =	shalt  }
0x4c: {  	_ =	shalt  }
0x4d: {  	_ =	shalt  }
0x4e: {  	_ =	shalt  }
0x4f: {  	_ =	shalt  }
0x50: {  	_ =	shalt  }
0x51: {  	_ =	shalt  }
0x52: {  	_ =	shalt  }
0x53: {  	_ =	shalt  }
0x54: {  	_ =	shalt  }
0x55: {  	_ =	shalt  }
0x56: {  	_ =	shalt  }
0x57: {  	_ =	shalt  }
0x58: {  	_ =	shalt  }
0x59: {  	_ =	shalt  }
0x5a: {  	_ =	shalt  }
0x5b: {  	_ =	shalt  }
0x5c: {  	_ =	shalt  }
0x5d: {  	_ =	shalt  }
0x5e: {  	_ =	shalt  }
0x5f: {  	_ =	shalt  }
0x60: {  	_ =	shalt  }
0x61: {  	_ =	shalt  }
0x62: {  	_ =	shalt  }
0x63: {  	_ =	shalt  }
0x64: {  	_ =	shalt  }
0x65: {  	_ =	shalt  }
0x66: {  	_ =	shalt  }
0x67: {  	_ =	shalt  }
0x68: {  	_ =	shalt  }
0x69: {  	_ =	shalt  }
0x6a: {  	_ =	shalt  }
0x6b: {  	_ =	shalt  }
0x6c: {  	_ =	shalt  }
0x6d: {  	_ =	shalt  }
0x6e: {  	_ =	shalt  }
0x6f: {  	_ =	shalt  }
0x70: {  	_ =	shalt  }
0x71: {  	_ =	shalt  }
0x72: {  	_ =	shalt  }
0x73: {  	_ =	shalt  }
0x74: {  	_ =	shalt  }
0x75: {  	_ =	shalt  }
0x76: {  	_ =	shalt  }
0x77: {  	_ =	shalt  }
0x78: {  	_ =	shalt  }
0x79: {  	_ =	shalt  }
0x7a: {  	_ =	shalt  }
0x7b: {  	_ =	shalt  }
0x7c: {  	_ =	shalt  }
0x7d: {  	_ =	shalt  }
0x7e: {  	_ =	shalt  }
0x7f: {  	_ =	shalt  }
0x80: {  	_ =	shalt  }
0x81: {  	_ =	shalt  }
0x82: {  	_ =	shalt  }
0x83: {  	_ =	shalt  }
0x84: {  	_ =	shalt  }
0x85: {  	_ =	shalt  }
0x86: {  	_ =	shalt  }
0x87: {  	_ =	shalt  }
.Lfunc_end0:
.L_simem_size_0:
called_computation_lowered:
.L_overlay_start_0:
0x88: {  	s2 =	sld [smem:$0x3FD9]  }
0x89: {  	s3 =	sld [smem:$0x3FFE];
	_ =	sdelay $0x1  }
0x8a: {  	s1 =	srdreg.scid  }
0x8b: {  	s0 =	sand.u32 $0x1, s1  }
0x8c: {  	s17 =	sshll.u32 s0, $0xA;
	s2 =	sadd.s32 s3, s2  }
0x8d: {  	s2 =	sadd.s32 s2, s17  }
0x8e: {  	[smem:$0x3FC4] =	sst s2  }
0x8f: {  	_ = 	snop  }
0x90: {  	s2 =	sld [smem:$0x3FD0];
	(tm) =	ssettm $0x1  }
0x91: {  	s18 =	sld [smem:$0x3FFB];
	_ =	sdelay $0x3  }
0x92: {  	_ =	strace s18  }
0x93: {  	s3 =	sld [smem:$0x3FFC];
	_ =	sdelay $0x3  }
0x94: {  	_ =	strace s3  }
0x95: {  	s3 =	sld [smem:$0x3FFD];
	_ =	sdelay $0x3  }
0x96: {  	_ =	strace s3  }
0x97: {  	_ =	strace $0x8FFFFFFF  }
0x98: {  	s19 =	sld [smem:$0x3FDB];
	_ =	sdelay $0x1  }
0x99: {  	s4 =	simm.s32 $_scs_section_size  }
0x9a: {  	s5 =	simm.s32 $_size__tile_overlayer_lowered;
	s6 =	simm.s32 $_tile_overlayer_lowered  }
0x9b: {  	s22 =	simm.s32 $0x1BFF;
	s21 =	sshll.u32 s6, $0x1;
	s3 =	sadd.s32 s4, s19  }
0x9c: {  	s7 =	simm.s32 $0x0;
	s20 =	sshll.u32 s5, $0x1;
	s5 =	sadd.s32 s21, s3  }
0x9d: {  	[timem:s7], [sflag:s22] =	dma.local [hbm:s5], s20  }
0x9e: {  	_ =	swait.ge [sflag:s22], s20  }
0x9f: {  	s4 =	ssub.s32 $0x0, s20;
	[sflag:s22] =	ssyncset.done $0x0  }
0xa0: {  	[sflag:s22] =	ssyncadd.s32 s4;
	_ =	sdelay $0x1  }
0xa1: {  	s23 =	simm.s32 $0x1B8B  }
0xa2: {  	_ =	swait.ge [sflag:s23], $0x1  }
0xa3: {  	[sflag:s23] =	ssyncset.done $0x0  }
0xa4: {  	s25 =	simm.s32 $0x1B8E;
	s24 =	sld [smem:$0x3FFE];
	[sflag:s23] =	ssyncadd.s32 $0xFFFFFFFF  }
0xa5: {  	s26 =	simm.s32 $execute0_lowered;
	[smem:$0x3FD2] =	sst s25  }
0xa6: {  	s5 =	sshll.u32 s26, $0x1;
	_ =	strace $0x80000046;
	[dreg:$0x1] =	wrdreg $0xFFFFFFFF  }
0xa7: {  	s28 =	simm.s32 $_size_execute0_lowered;
	s3 =	sadd.s32 s3, s5;
	[dreg:$0x0] =	wrdreg $0x0  }
0xa8: {  	s5 =	sshll.u32 s28, $0x1;
	[dreg:$0x2] =	wrdreg s3  }
0xa9: {  	[dreg:$0x3] =	wrdreg s5  }
0xaa: {  	[dreg:$0x4] =	wrdreg $0xC0  }
0xab: {  	_ =	task [dreg:s7], $0x5FFFF  }
0xac: {  	[dreg:$0x1] =	wrdreg $0xFFFFFFFF  }
0xad: {  	[dreg:$0x0] =	wrdreg $0x60  }
0xae: {  	[dreg:$0x2] =	wrdreg s2  }
0xaf: {  	[dreg:$0x3] =	wrdreg s24  }
0xb0: {  	[dreg:$0x4] =	wrdreg $0x0  }
0xb1: {  	[dreg:$0x5] =	wrdreg $0x9  }
0xb2: {  	_ =	task.clear_ibuf [dreg:s7], $0x6FFFF;
	_ =	strace $0x90000046  }
0xb3: {  	s29 =	simm.s32 $0x9;
	_ =	strace $0x80000048  }
0xb4: {  	_ =	swait.ge [sflag:s29], $0x1  }
0xb5: {  	[sflag:s29] =	ssyncadd.s32 $0xFFFFFFFF  }
0xb6: {  	_ =	strace $0x90000048  }
0xb7: {  	_ =	sfence  }
0xb8: {  	s30 =	sld [smem:$0x0];
	_ =	sdelay $0x2  }
0xb9: {  	s31 =	sshll.u32 s1, $0xD;
	s1 =	sshrl.u32 s1, $0x2  }
0xba: {  	s3 =	sand.u32 $0x4000, s31;
	s1 =	sadd.s32 s1, s30  }
0xbb: {  	s0 =	sor.u32 s3, s0;
	s1 =	sshll.u32 s1, $0x11  }
0xbc: {  	s0 =	sor.u32 s1, s0  }
0xbd: {  	s0 =	sadd.s32 $0x8F2B, s0  }
0xbe: {  	[sflag:s0] =	ssyncadd.remote.s32 $0x1  }
0xbf: {  	_ =	sfence.sel $0xFFFF  }
0xc0: {  	[dreg:$0x0] =	wrdreg $0xFFFFFFFF;
	(pc) =	sbr.abs _section_cstart, $3  }
0xc1: {  	[dreg:$0x1] =	wrdreg $0xFFFFFFFF  }
0xc2: {  	_ =	task.clear_ibuf [dreg:s7], $0x2FFFF;
	_ =	strace $0x9FFFFFFF  }
0xc3: {  	(tm) =	ssettm $0x7FFFFFFF  }
tec
execute0_lowered:
.L_overlay_start_1:
0x0: {  	(tag) =	ssettag $0x1  }
0x1: {  	s10 =	rddreg [dreg:$0x0]  }
0x2: {  	s5 =	rddreg [dreg:$0x1]  }
0x3: {  	s2 =	rddreg [dreg:$0x2]  }
0x4: {  	s0 =	rddreg [dreg:$0x3];
	s1 =	stileid.u32  }
0x5: {  	s4 =	srdreg.scid;
	s3 =	simm.s32 $0x0;
	s17 =	simm.s32 $0x18080  }
0x6: {  	s18 =	simm.s32 $0x1;
	s19 =	simm.s32 $0x80;
	s20 =	simm.s32 $0x2  }
0x7: {  	s21 =	simm.s32 $0x0;
	s6 =	smul.u32 $0x14000, s1;
	s7 =	sand.u32 $0x1, s4  }
0x8: {  	[smem:$0x7FF] =	sst s3;
	s4 =	sadd.s32 $0x40200, s5;
	s11 =	smul.u32 $0x50000, s1  }
0x9: {  	s23 =	sshll.u32 s1, $0x1;
	s14 =	smul.u32 $0xA0, s1;
	s26 =	sshll.u32 s1, $0x6  }
0xa: {  	s8 =	smul.u32 $0x140000, s7;
	_ =	strace $0x80000047;
	s24 =	ssub.s32 $0x2, s7  }
0xb: {  	s9 =	sshrl.u32 s6, $0x3;
	s25 =	sshrl.u32 s24, $0x1;
	s11 =	sshrl.u32 s11, $0x2  }
0xc: {  	s6 =	sadd.s32 s6, s8;
	s8 =	sor.u32 s7, s23;
	s7 =	smul.u32 $0x50, s7  }
0xd: {  	s9 =	sadd.s32 s9, s5;
	s15 =	ssub.s32 s24, s25;
	s13 =	smul.u32 $0x2800, s8  }
0xe: {  	s16 =	sadd.s32 s11, s2;
	s6 =	sshrl.u32 s6, $0x3;
	s8 =	smul.u32 $0x500, s8  }
0xf: {  	s12 =	sadd.s32 s6, s5;
	s5 =	sadd.s32 $0x18200, s9;
	s6 =	sor.u32 $0x1C03, s26  }
0x10: {  	s29 =	sadd.s32 s7, s14;
	s14 =	simm.s32 $0x3;
	s28 =	sshrl.u32 s13, $0x3  }
0x11: {  	s7 =	sadd.s32 s10, s8;
	s11 =	sshll.u32 s29, $0x4;
	s9 =	sadd.s32 $0x40A00, s12  }
0x12: {  	s13 =	sshrl.u32 s16, $0x3;
	s16 =	simm.s32 $0x18000;
	s30 =	sadd.s32 s10, s28  }
0x13: {  	s31 =	sadd.s32 s11, s10;
	s10 =	smax.u32 s15, $0x1;
	s15 =	simm.s32 $0x14000  }
0x14: {  	s8 =	sadd.s32 $0x4F0, s30;
	s11 =	sadd.s32 $0x20, s31;
	s12 =	sadd.s32 $0x10, s31  }
.LBB2_1:
0x15: {  	[spmem:s13], [sflag:s6] =	dma.local [hbm:s5], $0x2800  }
0x16: {  	_ =	swait.ge [sflag:s14], $0x2800  }
0x17: {  	[sflag:s14] =	ssyncset.done $0x0  }
0x18: {  	[sflag:s14] =	ssyncadd.s32 $0xFFFFD800  }
0x19: {  	[tilespmem:s15], [sflag:$0x3] =	stream.linear.gather [hbm4b:s4+s3], $0x4000, $0x38;
	[tilespmem:$0x18100] =	vst v63  }
0x1a: {  	_ =	swait.ge [sflag:s14], $0x4000  }
0x1b: {  	[sflag:s14] =	ssyncset.done $0x0  }
0x1c: {  	[sflag:s14] =	ssyncadd.s32 $0xFFFFC000  }
0x1d: {  	[bflag:$0x0] =	sbarrier.arrive $0xFFFF  }
0x1e: {  	[tilespmem:s16], [sflag:$0x1] =	stream.linear.gather [hbm4b:s7+s3], $0x80, $0x38;
	[tilespmem:$0x18100] =	vst v63  }
0x1f: {  	s22 =	sadd.s32 $0x0, s12  }
0x20: {  	[tilespmem:s17], [sflag:$0x2] =	stream.linear.gather [hbm4b:s22+s3], $0x80, $0x38;
	[tilespmem:$0x18100] =	vst v63  }
0x21: {  	_ =	swait.ge [sflag:s18], $0x80  }
0x22: {  	[sflag:s18] =	ssyncset.done $0x0  }
0x23: {  	[sflag:s18] =	ssyncadd.s32 $0xFFFFFF80  }
0x24: {  	[spmem:s2] =	stream.indirect.scatter.add.f32 [tilespmem:s15], [sflag:$0x3], $0x80, s16, s19, $0xb8;
	[tilespmem:$0x18100] =	vst v63  }
0x25: {  	_ =	swait.ge [sflag:s14], $0x4000  }
0x26: {  	[sflag:s14] =	ssyncset.done $0x0  }
0x27: {  	s31 =	sadd.s32 $0x0, s11;
	[sflag:s14] =	ssyncadd.s32 $0xFFFFC000  }
0x28: {  	[tilespmem:s16], [sflag:$0x1] =	stream.linear.gather [hbm4b:s31+s3], $0x80, $0x38;
	[tilespmem:$0x18100] =	vst v63  }
0x29: {  	_ =	swait.ge [sflag:s20], $0x80  }
0x2a: {  	[sflag:s20] =	ssyncset.done $0x0  }
0x2b: {  	[sflag:s20] =	ssyncadd.s32 $0xFFFFFF80  }
0x2c: {  	[spmem:s2] =	stream.indirect.scatter.add.f32 [tilespmem:s15], [sflag:$0x3], $0x80, s17, s19, $0xb8;
	[tilespmem:$0x18100] =	vst v63  }
0x2d: {  	_ =	swait.ge [sflag:s14], $0x4000  }
0x2e: {  	s23 =	simm.s32 $0x40;
	s22 =	simm.s32 $0x20;
	[sflag:s14] =	ssyncset.done $0x0  }
.LBB2_2:
0x2f: {  	s24 =	sadd.s32 s22, s12  }
0x30: {  	[sflag:s14] =	ssyncadd.s32 $0xFFFFC000;
	s25 =	smov.u32 s23;
	s26 =	sadd.s32 $0x20, s23  }
0x31: {  	[tilespmem:s17], [sflag:$0x2] =	stream.linear.gather [hbm4b:s24+s3], $0x80, $0x38;
	[tilespmem:$0x18100] =	vst v63  }
0x32: {  	p0 =	sne.s32 s23, $0x4C0;
	_ =	swait.ge [sflag:s18], $0x80  }
0x33: {  	[sflag:s18] =	ssyncset.done $0x0  }
0x34: {  	[sflag:s18] =	ssyncadd.s32 $0xFFFFFF80  }
0x35: {  	[spmem:s2] =	stream.indirect.scatter.add.f32 [tilespmem:s15], [sflag:$0x3], $0x80, s16, s19, $0xb8;
	[tilespmem:$0x18100] =	vst v63  }
0x36: {  	_ =	swait.ge [sflag:s14], $0x4000  }
0x37: {  	[sflag:s14] =	ssyncset.done $0x0  }
0x38: {  	s23 =	sadd.s32 s22, s11;
	s22 =	smov.u32 s25;
	[sflag:s14] =	ssyncadd.s32 $0xFFFFC000  }
0x39: {  	[tilespmem:s16], [sflag:$0x1] =	stream.linear.gather [hbm4b:s23+s3], $0x80, $0x38;
	[tilespmem:$0x18100] =	vst v63  }
0x3a: {  	_ =	swait.ge [sflag:s20], $0x80  }
.Ltmp0:
0x3b: {  	[sflag:s20] =	ssyncset.done $0x0;
	(pc) =	sbr.rel @p0 .LBB2_2-.Ltmp0, $4  }
0x3c: {  	[sflag:s20] =	ssyncadd.s32 $0xFFFFFF80  }
0x3d: {  	[spmem:s2] =	stream.indirect.scatter.add.f32 [tilespmem:s15], [sflag:$0x3], $0x80, s17, s19, $0xb8;
	[tilespmem:$0x18100] =	vst v63  }
0x3e: {  	_ =	swait.ge [sflag:s14], $0x4000  }
0x3f: {  	s23 =	smov.u32 s26;
	[sflag:s14] =	ssyncset.done $0x0  }
0x40: {  	s23 =	sadd.s32 s22, s12;
	[sflag:s14] =	ssyncadd.s32 $0xFFFFC000  }
0x41: {  	[tilespmem:s17], [sflag:$0x2] =	stream.linear.gather [hbm4b:s23+s3], $0x80, $0x38;
	[tilespmem:$0x18100] =	vst v63  }
0x42: {  	_ =	swait.ge [sflag:s18], $0x80  }
0x43: {  	[sflag:s18] =	ssyncset.done $0x0  }
0x44: {  	[sflag:s18] =	ssyncadd.s32 $0xFFFFFF80  }
0x45: {  	[spmem:s2] =	stream.indirect.scatter.add.f32 [tilespmem:s15], [sflag:$0x3], $0x80, s16, s19, $0xb8;
	[tilespmem:$0x18100] =	vst v63  }
0x46: {  	_ =	swait.ge [sflag:s14], $0x4000  }
0x47: {  	[sflag:s14] =	ssyncset.done $0x0  }
0x48: {  	s31 =	sadd.s32 s22, s11;
	[sflag:s14] =	ssyncadd.s32 $0xFFFFC000  }
0x49: {  	[tilespmem:s16], [sflag:$0x1] =	stream.linear.gather [hbm4b:s31+s3], $0x80, $0x38;
	[tilespmem:$0x18100] =	vst v63  }
0x4a: {  	_ =	swait.ge [sflag:s20], $0x80  }
0x4b: {  	[sflag:s20] =	ssyncset.done $0x0  }
0x4c: {  	[sflag:s20] =	ssyncadd.s32 $0xFFFFFF80  }
0x4d: {  	[spmem:s2] =	stream.indirect.scatter.add.f32 [tilespmem:s15], [sflag:$0x3], $0x80, s17, s19, $0xb8;
	[tilespmem:$0x18100] =	vst v63  }
0x4e: {  	_ =	swait.ge [sflag:s14], $0x4000  }
0x4f: {  	[sflag:s14] =	ssyncset.done $0x0  }
0x50: {  	[sflag:s14] =	ssyncadd.s32 $0xFFFFC000  }
0x51: {  	[tilespmem:s17], [sflag:$0x2] =	stream.linear.gather [hbm4b:s8+s3], $0x80, $0x38;
	[tilespmem:$0x18100] =	vst v63  }
0x52: {  	_ =	swait.ge [sflag:s18], $0x80  }
0x53: {  	[sflag:s18] =	ssyncset.done $0x0  }
0x54: {  	[sflag:s18] =	ssyncadd.s32 $0xFFFFFF80  }
0x55: {  	[spmem:s2] =	stream.indirect.scatter.add.f32 [tilespmem:s15], [sflag:$0x3], $0x80, s16, s19, $0xb8;
	[tilespmem:$0x18100] =	vst v63  }
0x56: {  	_ =	swait.ge [sflag:s14], $0x4000  }
0x57: {  	[sflag:s14] =	ssyncset.done $0x0  }
0x58: {  	[sflag:s14] =	ssyncadd.s32 $0xFFFFC000  }
0x59: {  	_ =	swait.ge [sflag:s20], $0x80  }
0x5a: {  	[sflag:s20] =	ssyncset.done $0x0  }
0x5b: {  	[sflag:s20] =	ssyncadd.s32 $0xFFFFFF80  }
0x5c: {  	[spmem:s2] =	stream.indirect.scatter.add.f32 [tilespmem:s15], [sflag:$0x3], $0x80, s17, s19, $0xb8;
	[tilespmem:$0x18100] =	vst v63  }
0x5d: {  	_ =	swait.ge [sflag:s14], $0x4000  }
0x5e: {  	s21 =	sadd.s32 $0x1, s21;
	[sflag:s14] =	ssyncset.done $0x0  }
0x5f: {  	p0 =	sne.s32 s21, s10;
	[sflag:s14] =	ssyncadd.s32 $0xFFFFC000  }
.Ltmp1:
0x60: {  	[bflag:$0x0] =	sbarrier.arrive $0xFFFF;
	(pc) =	sbr.rel @p0 .LBB2_1-.Ltmp1, $4  }
0x61: {  	[hbm:s9], [sflag:s6] =	dma.local [spmem:s13], $0x2800  }
0x62: {  	_ =	swait.ge [sflag:s14], $0x2800  }
0x63: {  	[sflag:s14] =	ssyncset.done $0x0  }
0x64: {  	[sflag:s14] =	ssyncadd.s32 $0xFFFFD800  }
0x65: {  	_ =	sfence.sel $0x180000  }
0x66: {  	[bflag:$0x0] =	sbarrier.arrive $0xFFFF  }
0x67: {  	p0 =	sne.s32 s1, $0x0;
	_ =	strace $0x90000047  }
0x68: {  	s0 =	sadd.s32 @!p0 $0x100000, s0;
	[bflag:$0x2] =	sbarrier.arrive $0xFFFF  }
0x69: {  	[sflag:s0] =	ssyncadd.tile.s32 @!p0 $0x1;
	_ =	shalt  }
.Lfunc_end2:
_tile_overlayer_lowered:
.L_overlay_start_2:
0x6a: {  	(tag) =	ssettag $0x2  }
0x6b: {  	s0 =	rddreg [dreg:$0x0];
	s2 =	stileid.u32  }
0x6c: {  	s1 =	rddreg [dreg:$0x1];
	p0 =	sne.s32 s2, $0x0  }
0x6d: {  	s3 =	rddreg [dreg:$0x2];
	[bflag:$0x3] =	sbarrier.arrive $0xFFFF;
	s2 =	simm.s32 @!p0 $0x1C03  }
0x6e: {  	[timem:s3], [sflag:s2] =	dma.local @!p0 [hbm:s0], s1  }
0x6f: {  	s0 =	simm.s32 @!p0 $0x3  }
0x70: {  	_ =	swait.ge @!p0 [sflag:s0], s1  }
0x71: {  	s1 =	ssub.s32 @!p0 $0x0, s1;
	[sflag:s0] =	ssyncset.done @!p0 $0x0  }
0x72: {  	[sflag:s0] =	ssyncadd.s32 @!p0 s1  }
0x73: {  	[bflag:$0x3] =	sbarrier.arrive $0xFFFF  }
0x74: {  	_ =	shalt  }

// kernel: kernel.18.cloned.1.call-start
scs
__scs_entry_jumppad:
0x0: {  	(pc) =	sbr.rel $0x88, $3  }
0x1: {  	(tag) =	ssettag $0x0;
	lr =	simm.s32 $0x1  }
0x2: {  	[smem:$0x3F9D] =	sst lr;
	_ =	strace $0xD0000000  }
0x3: {  	_ = 	snop  }
0x4: {  	_ = 	snop  }
0x5: {  	_ = 	snop  }
0x6: {  	_ = 	snop  }
0x7: {  	_ = 	snop  }
__scs_overlays_trampoline_lowered:
0x8: {  	[smem:$0x3FAC] =	sst s0  }
0x9: {  	[smem:$0x3FAD] =	sst s1  }
0xa: {  	[smem:$0x3FAE] =	sst s2  }
0xb: {  	[smem:$0x3FAF] =	sst s3  }
0xc: {  	[smem:$0x3FB0] =	sst s4  }
0xd: {  	[smem:$0x3FB1] =	sst s5  }
0xe: {  	[smem:$0x3FB2] =	sst s6  }
0xf: {  	[smem:$0x3FB3] =	sst s7  }
0x10: {  	[smem:$0x3FB4] =	sst s8  }
0x11: {  	[smem:$0x3FB5] =	sst s9;
	s0 =	simm.s32 @!p0 $0x0  }
0x12: {  	s1 =	sld [smem:$0x3F9B];
	s0 =	simm.s32 @p0 $0x1  }
0x13: {  	[smem:$0x3FB6] =	sst s0;
	s0 =	simm.s32 @!p1 $0x0  }
0x14: {  	s2 =	sld [smem:$0x3F9A];
	s0 =	simm.s32 @p1 $0x1  }
0x15: {  	[smem:$0x3FB7] =	sst s0;
	s0 =	simm.s32 @!p2 $0x0  }
0x16: {  	s3 =	sld [smem:$0x3FDB];
	s0 =	simm.s32 @p2 $0x1  }
0x17: {  	s4 =	simm.s32 $0x1BF5;
	[smem:$0x3FB9] =	sst s0  }
0x18: {  	s0 =	sld [smem:$0x3F9C];
	_ =	swait.ge [sflag:s4], $0x0  }
0x19: {  	s7 =	sld [smem:$0x3F9D]  }
0x1a: {  	s8 =	sadd.s32 $0xFFFFE003, lr  }
0x1b: {  	s9 =	sadd.s32 $0xFFFFFEF7, lr;
	s5 =	simm.s32 $0xFFFFFFFF;
	p2 =	slt.u32 s8, $0xFFFFF086  }
0x1c: {  	p1 =	slt.u32 s9, $0xF7A;
	s5 =	simm.s32 @!p2 $0x0  }
0x1d: {  	s5 =	simm.s32 @p1 $0x1;
	p0 =	seq.s32 s7, s2  }
0x1e: {  	s7 =	smul.u32 @!p0 $0xF7A, s2;
	p2 =	seq.s32 @!p0 s5, $0x0  }
0x1f: {  	s9 =	smul.u32 $0xF7A, s1;
	s8 =	simm.s32 @!p0 $0x1BF5;
	p2 =	por !p2, p0  }
0x20: {  	[sflag:s8] =	ssyncset.s32 @!p0 $0xFFFFF086;
	s6 =	sadd.s32 @!p0 s3, s7;
	s7 =	simm.s32 @!p0 $0x108  }
0x21: {  	s3 =	sadd.s32 s3, s9;
	s6 =	sadd.s32 @!p0 $0x88, s6;
	s7 =	simm.s32 @p2 $0x1082  }
0x22: {  	[simem:s7], [sflag:s8] =	dma.local @!p0 [hbm:s6], $0xF7A  }
0x23: {  	s9 =	sor.u32 $0xD0000000, s2;
	s6 =	simm.s32 $0x108;
	_ =	swait.ge @!p0 [sflag:s8], $0x0  }
0x24: {  	s3 =	sadd.s32 $0x88, s3;
	s6 =	simm.s32 @!p1 $0x1082;
	[sflag:s4] =	ssyncset.s32 $0xFFFFF086  }
0x25: {  	[simem:s6], [sflag:s4] =	dma.local [hbm:s3], $0xF7A  }
0x26: {  	[smem:$0x3F9D] =	sst s1;
	(tag) =	ssettag s2;
	_ =	strace s9  }
0x27: {  	s1 =	sld [smem:$0x3FAD]  }
0x28: {  	s2 =	sld [smem:$0x3FAE]  }
0x29: {  	s4 =	sld [smem:$0x3FB0]  }
0x2a: {  	p0 =	seq.s32 s5, $0x0;
	s5 =	sld [smem:$0x3FB1]  }
0x2b: {  	s6 =	sld [smem:$0x3FB2]  }
0x2c: {  	s7 =	sld [smem:$0x3FB3]  }
0x2d: {  	s3 =	simm.s32 $0x108;
	s8 =	sld [smem:$0x3FB4]  }
0x2e: {  	s3 =	simm.s32 @!p0 $0x1082;
	s9 =	sld [smem:$0x3FB5]  }
0x2f: {  	lr =	sadd.s32 s0, s3;
	s0 =	sld [smem:$0x3FAC]  }
0x30: {  	s3 =	sld [smem:$0x3FAF]  }
0x31: {  	[smem:$0x3FB8] =	sst s10  }
0x32: {  	s10 =	sld [smem:$0x3FB6];
	_ =	sdelay $0x3  }
0x33: {  	p0 =	seq.s32 s10, $0x1;
	s10 =	sld [smem:$0x3FB8];
	_ =	sdelay $0x3  }
0x34: {  	[smem:$0x3FB8] =	sst s10  }
0x35: {  	s10 =	sld [smem:$0x3FB7];
	_ =	sdelay $0x3  }
0x36: {  	p1 =	seq.s32 s10, $0x1;
	s10 =	sld [smem:$0x3FB8];
	_ =	sdelay $0x3  }
0x37: {  	[smem:$0x3FB8] =	sst s10  }
0x38: {  	s10 =	sld [smem:$0x3FB9]  }
0x39: {  	_ = 	snop;
	(pc) =	sbr.ind lr, $3  }
0x3a: {  	_ = 	snop  }
0x3b: {  	_ = 	snop  }
0x3c: {  	p2 =	seq.s32 s10, $0x1;
	s10 =	sld [smem:$0x3FB8]  }
0x3d: {  	_ =	shalt  }
0x3e: {  	_ =	shalt  }
0x3f: {  	_ =	shalt  }
0x40: {  	_ =	shalt  }
0x41: {  	_ =	shalt  }
0x42: {  	_ =	shalt  }
0x43: {  	_ =	shalt  }
0x44: {  	_ =	shalt  }
0x45: {  	_ =	shalt  }
0x46: {  	_ =	shalt  }
0x47: {  	_ =	shalt  }
0x48: {  	_ =	shalt  }
0x49: {  	_ =	shalt  }
0x4a: {  	_ =	shalt  }
0x4b: {  	_ =	shalt  }
0x4c: {  	_ =	shalt  }
0x4d: {  	_ =	shalt  }
0x4e: {  	_ =	shalt  }
0x4f: {  	_ =	shalt  }
0x50: {  	_ =	shalt  }
0x51: {  	_ =	shalt  }
0x52: {  	_ =	shalt  }
0x53: {  	_ =	shalt  }
0x54: {  	_ =	shalt  }
0x55: {  	_ =	shalt  }
0x56: {  	_ =	shalt  }
0x57: {  	_ =	shalt  }
0x58: {  	_ =	shalt  }
0x59: {  	_ =	shalt  }
0x5a: {  	_ =	shalt  }
0x5b: {  	_ =	shalt  }
0x5c: {  	_ =	shalt  }
0x5d: {  	_ =	shalt  }
0x5e: {  	_ =	shalt  }
0x5f: {  	_ =	shalt  }
0x60: {  	_ =	shalt  }
0x61: {  	_ =	shalt  }
0x62: {  	_ =	shalt  }
0x63: {  	_ =	shalt  }
0x64: {  	_ =	shalt  }
0x65: {  	_ =	shalt  }
0x66: {  	_ =	shalt  }
0x67: {  	_ =	shalt  }
0x68: {  	_ =	shalt  }
0x69: {  	_ =	shalt  }
0x6a: {  	_ =	shalt  }
0x6b: {  	_ =	shalt  }
0x6c: {  	_ =	shalt  }
0x6d: {  	_ =	shalt  }
0x6e: {  	_ =	shalt  }
0x6f: {  	_ =	shalt  }
0x70: {  	_ =	shalt  }
0x71: {  	_ =	shalt  }
0x72: {  	_ =	shalt  }
0x73: {  	_ =	shalt  }
0x74: {  	_ =	shalt  }
0x75: {  	_ =	shalt  }
0x76: {  	_ =	shalt  }
0x77: {  	_ =	shalt  }
0x78: {  	_ =	shalt  }
0x79: {  	_ =	shalt  }
0x7a: {  	_ =	shalt  }
0x7b: {  	_ =	shalt  }
0x7c: {  	_ =	shalt  }
0x7d: {  	_ =	shalt  }
0x7e: {  	_ =	shalt  }
0x7f: {  	_ =	shalt  }
0x80: {  	_ =	shalt  }
0x81: {  	_ =	shalt  }
0x82: {  	_ =	shalt  }
0x83: {  	_ =	shalt  }
0x84: {  	_ =	shalt  }
0x85: {  	_ =	shalt  }
0x86: {  	_ =	shalt  }
0x87: {  	_ =	shalt  }
.Lfunc_end0:
.L_simem_size_0:
called_computation.1_lowered:
.L_overlay_start_0:
0x88: {  	s2 =	sld [smem:$0x3FD9]  }
0x89: {  	s3 =	sld [smem:$0x3FFE];
	_ =	sdelay $0x1  }
0x8a: {  	s1 =	srdreg.scid  }
0x8b: {  	s0 =	sand.u32 $0x1, s1  }
0x8c: {  	s16 =	sshll.u32 s0, $0xA;
	s2 =	sadd.s32 s3, s2  }
0x8d: {  	s2 =	sadd.s32 s2, s16  }
0x8e: {  	[smem:$0x3FC4] =	sst s2  }
0x8f: {  	_ = 	snop  }
0x90: {  	(tm) =	ssettm $0x1  }
0x91: {  	s17 =	sld [smem:$0x3FFB];
	_ =	sdelay $0x3  }
0x92: {  	_ =	strace s17  }
0x93: {  	s2 =	sld [smem:$0x3FFC];
	_ =	sdelay $0x3  }
0x94: {  	_ =	strace s2  }
0x95: {  	s2 =	sld [smem:$0x3FFD];
	_ =	sdelay $0x3  }
0x96: {  	_ =	strace s2  }
0x97: {  	_ =	strace $0x8FFFFFFF  }
0x98: {  	s18 =	sld [smem:$0x3FDB];
	_ =	sdelay $0x1  }
0x99: {  	s19 =	simm.s32 $_scs_section_size  }
0x9a: {  	s4 =	simm.s32 $_size__tile_overlayer_lowered;
	s5 =	simm.s32 $_tile_overlayer_lowered  }
0x9b: {  	s22 =	simm.s32 $0x1BFF;
	s21 =	sshll.u32 s5, $0x1;
	s2 =	sadd.s32 s19, s18  }
0x9c: {  	s6 =	simm.s32 $0x0;
	s20 =	sshll.u32 s4, $0x1;
	s4 =	sadd.s32 s21, s2  }
0x9d: {  	[timem:s6], [sflag:s22] =	dma.local [hbm:s4], s20  }
0x9e: {  	_ =	swait.ge [sflag:s22], s20  }
0x9f: {  	s3 =	ssub.s32 $0x0, s20;
	[sflag:s22] =	ssyncset.done $0x0  }
0xa0: {  	[sflag:s22] =	ssyncadd.s32 s3;
	_ =	sdelay $0x1  }
0xa1: {  	s23 =	simm.s32 $0x1B8B  }
0xa2: {  	_ =	swait.ge [sflag:s23], $0x1  }
0xa3: {  	[sflag:s23] =	ssyncset.done $0x0  }
0xa4: {  	s25 =	simm.s32 $0x1B8E;
	s24 =	sld [smem:$0x3FFE];
	[sflag:s23] =	ssyncadd.s32 $0xFFFFFFFF  }
0xa5: {  	s26 =	simm.s32 $execute0_lowered;
	[smem:$0x3FD2] =	sst s25  }
0xa6: {  	s4 =	sshll.u32 s26, $0x1;
	_ =	strace $0x80000049;
	[dreg:$0x1] =	wrdreg $0xFFFFFFFF  }
0xa7: {  	s28 =	simm.s32 $_size_execute0_lowered;
	s2 =	sadd.s32 s2, s4;
	[dreg:$0x0] =	wrdreg $0x0  }
0xa8: {  	s4 =	sshll.u32 s28, $0x1;
	[dreg:$0x2] =	wrdreg s2  }
0xa9: {  	[dreg:$0x3] =	wrdreg s4  }
0xaa: {  	[dreg:$0x4] =	wrdreg $0xC0  }
0xab: {  	_ =	task [dreg:s6], $0x5FFFF  }
0xac: {  	[dreg:$0x1] =	wrdreg $0xFFFFFFFF  }
0xad: {  	[dreg:$0x0] =	wrdreg $0x60  }
0xae: {  	[dreg:$0x2] =	wrdreg s24  }
0xaf: {  	[dreg:$0x3] =	wrdreg $0x0  }
0xb0: {  	[dreg:$0x4] =	wrdreg $0x9  }
0xb1: {  	_ =	task.clear_ibuf [dreg:s6], $0x5FFFF;
	_ =	strace $0x90000049  }
0xb2: {  	s29 =	simm.s32 $0x9;
	_ =	strace $0x8000004B  }
0xb3: {  	_ =	swait.ge [sflag:s29], $0x1  }
0xb4: {  	[sflag:s29] =	ssyncadd.s32 $0xFFFFFFFF  }
0xb5: {  	_ =	strace $0x9000004B  }
0xb6: {  	_ =	sfence  }
0xb7: {  	s30 =	sld [smem:$0x0];
	_ =	sdelay $0x2  }
0xb8: {  	s31 =	sshll.u32 s1, $0xD;
	s1 =	sshrl.u32 s1, $0x2  }
0xb9: {  	s3 =	sand.u32 $0x4000, s31;
	s1 =	sadd.s32 s1, s30  }
0xba: {  	s0 =	sor.u32 s3, s0;
	s1 =	sshll.u32 s1, $0x11  }
0xbb: {  	s0 =	sor.u32 s1, s0  }
0xbc: {  	s0 =	sadd.s32 $0x8F2B, s0  }
0xbd: {  	[sflag:s0] =	ssyncadd.remote.s32 $0x1  }
0xbe: {  	_ =	sfence.sel $0xFFFF  }
0xbf: {  	[dreg:$0x0] =	wrdreg $0xFFFFFFFF;
	(pc) =	sbr.abs _section_cstart, $3  }
0xc0: {  	[dreg:$0x1] =	wrdreg $0xFFFFFFFF  }
0xc1: {  	_ =	task.clear_ibuf [dreg:s6], $0x2FFFF;
	_ =	strace $0x9FFFFFFF  }
0xc2: {  	(tm) =	ssettm $0x7FFFFFFF  }
0xc3: {  	_ =	shalt  }
tec
execute0_lowered:
.L_overlay_start_1:
0x0: {  	(tag) =	ssettag $0x1  }
0x1: {  	s1 =	srdreg.scid;
	s5 =	rddreg [dreg:$0x0]  }
0x2: {  	s0 =	stileid.u32;
	s2 =	rddreg [dreg:$0x1]  }
0x3: {  	s3 =	simm.s32 $0x0;
	s17 =	simm.s32 $0x16800;
	s18 =	simm.s32 $0x80  }
0x4: {  	s28 =	simm.s32 $0x0;
	s6 =	sand.u32 $0x1, s1;
	s9 =	smul.u32 $0x14000, s0  }
0x5: {  	s19 =	sshll.u32 s0, $0x1;
	[smem:$0x7FF] =	sst s3;
	s20 =	smul.u32 $0x50000, s0  }
0x6: {  	s4 =	sadd.s32 $0x40200, s5;
	s12 =	sadd.s32 $0xE200, s5;
	s22 =	smul.u32 $0xA0, s0  }
0x7: {  	s25 =	sshll.u32 s0, $0x6;
	s7 =	sor.u32 s6, s19;
	s10 =	smul.u32 $0x140000, s6  }
0x8: {  	_ =	strace $0x8000004A;
	s14 =	ssub.s32 $0x2, s6;
	s24 =	smul.u32 $0x50, s6  }
0x9: {  	s6 =	sor.u32 $0x1C05, s25;
	s19 =	simm.s32 $0x16900;
	s8 =	smul.u32 $0x500, s7  }
0xa: {  	s25 =	simm.s32 $0x4;
	s13 =	sshrl.u32 s9, $0x3;
	s7 =	smul.u32 $0x2800, s7  }
0xb: {  	s21 =	sshrl.u32 s14, $0x1;
	s23 =	sshrl.u32 s20, $0x2;
	s20 =	simm.s32 $0x16880  }
0xc: {  	s13 =	sadd.s32 s13, s5;
	s9 =	sadd.s32 s9, s10;
	s14 =	ssub.s32 s14, s21  }
0xd: {  	s16 =	sadd.s32 s23, s2;
	s21 =	simm.s32 $0x1A900;
	s23 =	simm.s32 $0x3  }
0xe: {  	s11 =	sadd.s32 s8, s5;
	s9 =	sshrl.u32 s9, $0x3;
	s26 =	sshrl.u32 s7, $0x3  }
0xf: {  	s8 =	sadd.s32 s12, s8;
	s15 =	sadd.s32 s9, s5;
	s5 =	sadd.s32 $0x18200, s13  }
0x10: {  	s9 =	sadd.s32 s24, s22;
	s7 =	sadd.s32 $0x4200, s11;
	s29 =	sadd.s32 s12, s26  }
0x11: {  	s11 =	smax.u32 s14, $0x1;
	s14 =	sshrl.u32 s16, $0x3;
	s16 =	simm.s32 $0x14000  }
0x12: {  	s22 =	simm.s32 $0x1;
	s24 =	simm.s32 $0x2;
	s30 =	sshll.u32 s9, $0x4  }
0x13: {  	s9 =	sadd.s32 $0x4F0, s29;
	s10 =	sadd.s32 $0x90E00, s15;
	s31 =	sadd.s32 s30, s12  }
0x14: {  	s15 =	simm.s32 $0x5;
	s12 =	sadd.s32 $0x10, s31;
	s13 =	sadd.s32 $0x20, s31  }
.LBB2_1:
0x15: {  	[spmem:s14], [sflag:s6] =	dma.local [hbm:s5], $0x2800  }
0x16: {  	_ =	swait.ge [sflag:s15], $0x2800  }
0x17: {  	[sflag:s15] =	ssyncset.done $0x0  }
0x18: {  	[sflag:s15] =	ssyncadd.s32 $0xFFFFD800  }
0x19: {  	[tilespmem:s16], [sflag:$0x5] =	stream.linear.gather [hbm4b:s7+s3], $0x2800, $0x38;
	[tilespmem:$0x1E900] =	vst v63  }
0x1a: {  	_ =	swait.ge [sflag:s15], $0x2800  }
0x1b: {  	[sflag:s15] =	ssyncset.done $0x0  }
0x1c: {  	[sflag:s15] =	ssyncadd.s32 $0xFFFFD800  }
0x1d: {  	[bflag:$0x0] =	sbarrier.arrive $0xFFFF  }
0x1e: {  	[tilespmem:s17], [sflag:$0x3] =	stream.linear.gather [hbm4b:s8+s3], $0x80, $0x38;
	[tilespmem:$0x1E900] =	vst v63  }
0x1f: {  	_ = 	snop  }
0x20: {  	[tilespmem:s19], [sflag:$0x1] =	stream.indirect.gather [hbm4b:s4+s18], $0x80, s16, s18, $0xb8;
	[tilespmem:$0x1E900] =	vst v63  }
0x21: {  	s29 =	sadd.s32 $0x0, s12  }
0x22: {  	[tilespmem:s20], [sflag:$0x4] =	stream.linear.gather [hbm4b:s29+s3], $0x80, $0x38;
	[tilespmem:$0x1E900] =	vst v63  }
0x23: {  	s29 =	simm.s32 $0x14080  }
0x24: {  	[tilespmem:s21], [sflag:$0x2] =	stream.indirect.gather [hbm4b:s4+s18], $0x80, s29, s18, $0xb8;
	[tilespmem:$0x1E900] =	vst v63  }
0x25: {  	_ =	swait.ge [sflag:s22], $0x4000  }
0x26: {  	[sflag:s22] =	ssyncset.done $0x0  }
0x27: {  	[sflag:s22] =	ssyncadd.s32 $0xFFFFC000  }
0x28: {  	_ =	swait.ge [sflag:s23], $0x80  }
0x29: {  	[sflag:s23] =	ssyncset.done $0x0  }
0x2a: {  	[sflag:s23] =	ssyncadd.s32 $0xFFFFFF80  }
0x2b: {  	[spmem:s2] =	stream.indirect.scatter.add.f32 [tilespmem:s19], [sflag:$0x5], $0x80, s17, s18, $0xb8;
	[tilespmem:$0x1E900] =	vst v63  }
0x2c: {  	_ =	swait.ge [sflag:s15], $0x4000  }
0x2d: {  	[sflag:s15] =	ssyncset.done $0x0  }
0x2e: {  	s29 =	sadd.s32 $0x0, s13;
	[sflag:s15] =	ssyncadd.s32 $0xFFFFC000  }
0x2f: {  	[tilespmem:s17], [sflag:$0x3] =	stream.linear.gather [hbm4b:s29+s3], $0x80, $0x38;
	[tilespmem:$0x1E900] =	vst v63  }
0x30: {  	s29 =	simm.s32 $0x14100  }
0x31: {  	[tilespmem:s19], [sflag:$0x1] =	stream.indirect.gather [hbm4b:s4+s18], $0x80, s29, s18, $0xb8;
	[tilespmem:$0x1E900] =	vst v63  }
0x32: {  	_ =	swait.ge [sflag:s24], $0x4000  }
0x33: {  	[sflag:s24] =	ssyncset.done $0x0  }
0x34: {  	[sflag:s24] =	ssyncadd.s32 $0xFFFFC000  }
0x35: {  	_ =	swait.ge [sflag:s25], $0x80  }
0x36: {  	[sflag:s25] =	ssyncset.done $0x0  }
0x37: {  	[sflag:s25] =	ssyncadd.s32 $0xFFFFFF80  }
0x38: {  	[spmem:s2] =	stream.indirect.scatter.add.f32 [tilespmem:s21], [sflag:$0x5], $0x80, s20, s18, $0xb8;
	[tilespmem:$0x1E900] =	vst v63  }
0x39: {  	s31 =	simm.s32 $0x40;
	_ =	swait.ge [sflag:s15], $0x4000  }
0x3a: {  	s30 =	simm.s32 $0x14180;
	s29 =	simm.s32 $0x20;
	[sflag:s15] =	ssyncset.done $0x0  }
.LBB2_2:
0x3b: {  	s1 =	sadd.s32 s29, s12  }
0x3c: {  	[sflag:s15] =	ssyncadd.s32 $0xFFFFC000;
	s0 =	smov.u32 s31;
	s26 =	sadd.s32 $0x20, s31  }
0x3d: {  	[tilespmem:s20], [sflag:$0x4] =	stream.linear.gather [hbm4b:s1+s3], $0x80, $0x38;
	[tilespmem:$0x1E900] =	vst v63  }
0x3e: {  	p0 =	sne.s32 s31, $0x4C0  }
0x3f: {  	[tilespmem:s21], [sflag:$0x2] =	stream.indirect.gather [hbm4b:s4+s18], $0x80, s30, s18, $0xb8;
	[tilespmem:$0x1E900] =	vst v63  }
0x40: {  	_ =	swait.ge [sflag:s22], $0x4000  }
0x41: {  	[sflag:s22] =	ssyncset.done $0x0  }
0x42: {  	[sflag:s22] =	ssyncadd.s32 $0xFFFFC000  }
0x43: {  	_ =	swait.ge [sflag:s23], $0x80  }
0x44: {  	[sflag:s23] =	ssyncset.done $0x0  }
0x45: {  	[sflag:s23] =	ssyncadd.s32 $0xFFFFFF80  }
0x46: {  	[spmem:s2] =	stream.indirect.scatter.add.f32 [tilespmem:s19], [sflag:$0x5], $0x80, s17, s18, $0xb8;
	[tilespmem:$0x1E900] =	vst v63  }
0x47: {  	_ =	swait.ge [sflag:s15], $0x4000  }
0x48: {  	[sflag:s15] =	ssyncset.done $0x0  }
0x49: {  	s1 =	sadd.s32 s29, s13;
	s29 =	smov.u32 s0;
	[sflag:s15] =	ssyncadd.s32 $0xFFFFC000  }
0x4a: {  	[tilespmem:s17], [sflag:$0x3] =	stream.linear.gather [hbm4b:s1+s3], $0x80, $0x38;
	[tilespmem:$0x1E900] =	vst v63  }
0x4b: {  	s0 =	sadd.s32 $0x80, s30  }
0x4c: {  	[tilespmem:s19], [sflag:$0x1] =	stream.indirect.gather [hbm4b:s4+s18], $0x80, s0, s18, $0xb8;
	[tilespmem:$0x1E900] =	vst v63  }
0x4d: {  	_ =	swait.ge [sflag:s24], $0x4000  }
0x4e: {  	[sflag:s24] =	ssyncset.done $0x0  }
0x4f: {  	[sflag:s24] =	ssyncadd.s32 $0xFFFFC000  }
0x50: {  	_ =	swait.ge [sflag:s25], $0x80  }
.Ltmp0:
0x51: {  	[sflag:s25] =	ssyncset.done $0x0;
	(pc) =	sbr.rel @p0 .LBB2_2-.Ltmp0, $4  }
0x52: {  	[sflag:s25] =	ssyncadd.s32 $0xFFFFFF80  }
0x53: {  	[spmem:s2] =	stream.indirect.scatter.add.f32 [tilespmem:s21], [sflag:$0x5], $0x80, s20, s18, $0xb8;
	[tilespmem:$0x1E900] =	vst v63  }
0x54: {  	_ =	swait.ge [sflag:s15], $0x4000  }
0x55: {  	s31 =	smov.u32 s26;
	s30 =	sadd.s32 $0x100, s30;
	[sflag:s15] =	ssyncset.done $0x0  }
0x56: {  	s0 =	sadd.s32 s29, s12;
	[sflag:s15] =	ssyncadd.s32 $0xFFFFC000  }
0x57: {  	[tilespmem:s20], [sflag:$0x4] =	stream.linear.gather [hbm4b:s0+s3], $0x80, $0x38;
	[tilespmem:$0x1E900] =	vst v63  }
0x58: {  	_ = 	snop  }
0x59: {  	[tilespmem:s21], [sflag:$0x2] =	stream.indirect.gather [hbm4b:s4+s18], $0x80, s30, s18, $0xb8;
	[tilespmem:$0x1E900] =	vst v63  }
0x5a: {  	_ =	swait.ge [sflag:s22], $0x4000  }
0x5b: {  	[sflag:s22] =	ssyncset.done $0x0  }
0x5c: {  	[sflag:s22] =	ssyncadd.s32 $0xFFFFC000  }
0x5d: {  	_ =	swait.ge [sflag:s23], $0x80  }
0x5e: {  	[sflag:s23] =	ssyncset.done $0x0  }
0x5f: {  	[sflag:s23] =	ssyncadd.s32 $0xFFFFFF80  }
0x60: {  	[spmem:s2] =	stream.indirect.scatter.add.f32 [tilespmem:s19], [sflag:$0x5], $0x80, s17, s18, $0xb8;
	[tilespmem:$0x1E900] =	vst v63  }
0x61: {  	_ =	swait.ge [sflag:s15], $0x4000  }
0x62: {  	[sflag:s15] =	ssyncset.done $0x0  }
0x63: {  	s29 =	sadd.s32 s29, s13;
	[sflag:s15] =	ssyncadd.s32 $0xFFFFC000  }
0x64: {  	[tilespmem:s17], [sflag:$0x3] =	stream.linear.gather [hbm4b:s29+s3], $0x80, $0x38;
	[tilespmem:$0x1E900] =	vst v63  }
0x65: {  	s30 =	sadd.s32 $0x80, s30  }
0x66: {  	[tilespmem:s19], [sflag:$0x1] =	stream.indirect.gather [hbm4b:s4+s18], $0x80, s30, s18, $0xb8;
	[tilespmem:$0x1E900] =	vst v63  }
0x67: {  	_ =	swait.ge [sflag:s24], $0x4000  }
0x68: {  	[sflag:s24] =	ssyncset.done $0x0  }
0x69: {  	[sflag:s24] =	ssyncadd.s32 $0xFFFFC000  }
0x6a: {  	_ =	swait.ge [sflag:s25], $0x80  }
0x6b: {  	[sflag:s25] =	ssyncset.done $0x0  }
0x6c: {  	[sflag:s25] =	ssyncadd.s32 $0xFFFFFF80  }
0x6d: {  	[spmem:s2] =	stream.indirect.scatter.add.f32 [tilespmem:s21], [sflag:$0x5], $0x80, s20, s18, $0xb8;
	[tilespmem:$0x1E900] =	vst v63  }
0x6e: {  	_ =	swait.ge [sflag:s15], $0x4000  }
0x6f: {  	[sflag:s15] =	ssyncset.done $0x0  }
0x70: {  	[sflag:s15] =	ssyncadd.s32 $0xFFFFC000  }
0x71: {  	[tilespmem:s20], [sflag:$0x4] =	stream.linear.gather [hbm4b:s9+s3], $0x80, $0x38;
	[tilespmem:$0x1E900] =	vst v63  }
0x72: {  	s31 =	simm.s32 $0x16780  }
0x73: {  	[tilespmem:s21], [sflag:$0x2] =	stream.indirect.gather [hbm4b:s4+s18], $0x80, s31, s18, $0xb8;
	[tilespmem:$0x1E900] =	vst v63  }
0x74: {  	_ =	swait.ge [sflag:s22], $0x4000  }
0x75: {  	[sflag:s22] =	ssyncset.done $0x0  }
0x76: {  	[sflag:s22] =	ssyncadd.s32 $0xFFFFC000  }
0x77: {  	_ =	swait.ge [sflag:s23], $0x80  }
0x78: {  	[sflag:s23] =	ssyncset.done $0x0  }
0x79: {  	[sflag:s23] =	ssyncadd.s32 $0xFFFFFF80  }
0x7a: {  	[spmem:s2] =	stream.indirect.scatter.add.f32 [tilespmem:s19], [sflag:$0x5], $0x80, s17, s18, $0xb8;
	[tilespmem:$0x1E900] =	vst v63  }
0x7b: {  	_ =	swait.ge [sflag:s15], $0x4000  }
0x7c: {  	[sflag:s15] =	ssyncset.done $0x0  }
0x7d: {  	[sflag:s15] =	ssyncadd.s32 $0xFFFFC000  }
0x7e: {  	_ =	swait.ge [sflag:s24], $0x4000  }
0x7f: {  	[sflag:s24] =	ssyncset.done $0x0  }
0x80: {  	[sflag:s24] =	ssyncadd.s32 $0xFFFFC000  }
0x81: {  	_ =	swait.ge [sflag:s25], $0x80  }
0x82: {  	[sflag:s25] =	ssyncset.done $0x0  }
0x83: {  	[sflag:s25] =	ssyncadd.s32 $0xFFFFFF80  }
0x84: {  	[spmem:s2] =	stream.indirect.scatter.add.f32 [tilespmem:s21], [sflag:$0x5], $0x80, s20, s18, $0xb8;
	[tilespmem:$0x1E900] =	vst v63  }
0x85: {  	_ =	swait.ge [sflag:s15], $0x4000  }
0x86: {  	s28 =	sadd.s32 $0x1, s28;
	[sflag:s15] =	ssyncset.done $0x0  }
0x87: {  	p0 =	sne.s32 s28, s11;
	[sflag:s15] =	ssyncadd.s32 $0xFFFFC000  }
.Ltmp1:
0x88: {  	[bflag:$0x0] =	sbarrier.arrive $0xFFFF;
	(pc) =	sbr.rel @p0 .LBB2_1-.Ltmp1, $4  }
0x89: {  	[hbm:s10], [sflag:s6] =	dma.local [spmem:s14], $0x2800  }
0x8a: {  	_ =	swait.ge [sflag:s15], $0x2800  }
0x8b: {  	[sflag:s15] =	ssyncset.done $0x0  }
0x8c: {  	[sflag:s15] =	ssyncadd.s32 $0xFFFFD800  }
0x8d: {  	_ =	sfence.sel $0x180000  }
0x8e: {  	[bflag:$0x0] =	sbarrier.arrive $0xFFFF  }
0x8f: {  	_ =	strace $0x9000004A  }
0x90: {  	s0 =	stileid.u32;
	[bflag:$0x2] =	sbarrier.arrive $0xFFFF  }
0x91: {  	p0 =	sne.s32 s0, $0x0;
	s0 =	rddreg [dreg:$0x2]  }
0x92: {  	s0 =	sadd.s32 @!p0 $0x100000, s0  }
0x93: {  	[sflag:s0] =	ssyncadd.tile.s32 @!p0 $0x1;
	_ =	shalt  }
.Lfunc_end2:
_tile_overlayer_lowered:
.L_overlay_start_2:
0x94: {  	(tag) =	ssettag $0x2  }
0x95: {  	s0 =	rddreg [dreg:$0x0];
	s2 =	stileid.u32  }
0x96: {  	s1 =	rddreg [dreg:$0x1];
	p0 =	sne.s32 s2, $0x0  }
0x97: {  	s3 =	rddreg [dreg:$0x2];
	[bflag:$0x3] =	sbarrier.arrive $0xFFFF;
	s2 =	simm.s32 @!p0 $0x1C05  }
0x98: {  	[timem:s3], [sflag:s2] =	dma.local @!p0 [hbm:s0], s1  }
0x99: {  	s0 =	simm.s32 @!p0 $0x5  }
0x9a: {  	_ =	swait.ge @!p0 [sflag:s0], s1  }
0x9b: {  	s1 =	ssub.s32 @!p0 $0x0, s1;
	[sflag:s0] =	ssyncset.done @!p0 $0x0  }
0x9c: {  	[sflag:s0] =	ssyncadd.s32 @!p0 s1  }
0x9d: {  	[bflag:$0x3] =	sbarrier.arrive $0xFFFF  }
0x9e: {  	_ =	shalt  }

// kernel: kernel.21.cloned.1.call-start
scs
__scs_entry_jumppad:
0x0: {  	(pc) =	sbr.rel $0x88, $3  }
0x1: {  	(tag) =	ssettag $0x0;
	lr =	simm.s32 $0x1  }
0x2: {  	[smem:$0x3F9D] =	sst lr;
	_ =	strace $0xD0000000  }
0x3: {  	_ = 	snop  }
0x4: {  	_ = 	snop  }
0x5: {  	_ = 	snop  }
0x6: {  	_ = 	snop  }
0x7: {  	_ = 	snop  }
__scs_overlays_trampoline_lowered:
0x8: {  	[smem:$0x3FAC] =	sst s0  }
0x9: {  	[smem:$0x3FAD] =	sst s1  }
0xa: {  	[smem:$0x3FAE] =	sst s2  }
0xb: {  	[smem:$0x3FAF] =	sst s3  }
0xc: {  	[smem:$0x3FB0] =	sst s4  }
0xd: {  	[smem:$0x3FB1] =	sst s5  }
0xe: {  	[smem:$0x3FB2] =	sst s6  }
0xf: {  	[smem:$0x3FB3] =	sst s7  }
0x10: {  	[smem:$0x3FB4] =	sst s8  }
0x11: {  	[smem:$0x3FB5] =	sst s9;
	s0 =	simm.s32 @!p0 $0x0  }
0x12: {  	s1 =	sld [smem:$0x3F9B];
	s0 =	simm.s32 @p0 $0x1  }
0x13: {  	[smem:$0x3FB6] =	sst s0;
	s0 =	simm.s32 @!p1 $0x0  }
0x14: {  	s2 =	sld [smem:$0x3F9A];
	s0 =	simm.s32 @p1 $0x1  }
0x15: {  	[smem:$0x3FB7] =	sst s0;
	s0 =	simm.s32 @!p2 $0x0  }
0x16: {  	s3 =	sld [smem:$0x3FDB];
	s0 =	simm.s32 @p2 $0x1  }
0x17: {  	s4 =	simm.s32 $0x1BF5;
	[smem:$0x3FB9] =	sst s0  }
0x18: {  	s0 =	sld [smem:$0x3F9C];
	_ =	swait.ge [sflag:s4], $0x0  }
0x19: {  	s7 =	sld [smem:$0x3F9D]  }
0x1a: {  	s8 =	sadd.s32 $0xFFFFE003, lr  }
0x1b: {  	s9 =	sadd.s32 $0xFFFFFEF7, lr;
	s5 =	simm.s32 $0xFFFFFFFF;
	p2 =	slt.u32 s8, $0xFFFFF086  }
0x1c: {  	p1 =	slt.u32 s9, $0xF7A;
	s5 =	simm.s32 @!p2 $0x0  }
0x1d: {  	s5 =	simm.s32 @p1 $0x1;
	p0 =	seq.s32 s7, s2  }
0x1e: {  	s7 =	smul.u32 @!p0 $0xF7A, s2;
	p2 =	seq.s32 @!p0 s5, $0x0  }
0x1f: {  	s9 =	smul.u32 $0xF7A, s1;
	s8 =	simm.s32 @!p0 $0x1BF5;
	p2 =	por !p2, p0  }
0x20: {  	[sflag:s8] =	ssyncset.s32 @!p0 $0xFFFFF086;
	s6 =	sadd.s32 @!p0 s3, s7;
	s7 =	simm.s32 @!p0 $0x108  }
0x21: {  	s3 =	sadd.s32 s3, s9;
	s6 =	sadd.s32 @!p0 $0x88, s6;
	s7 =	simm.s32 @p2 $0x1082  }
0x22: {  	[simem:s7], [sflag:s8] =	dma.local @!p0 [hbm:s6], $0xF7A  }
0x23: {  	s9 =	sor.u32 $0xD0000000, s2;
	s6 =	simm.s32 $0x108;
	_ =	swait.ge @!p0 [sflag:s8], $0x0  }
0x24: {  	s3 =	sadd.s32 $0x88, s3;
	s6 =	simm.s32 @!p1 $0x1082;
	[sflag:s4] =	ssyncset.s32 $0xFFFFF086  }
0x25: {  	[simem:s6], [sflag:s4] =	dma.local [hbm:s3], $0xF7A  }
0x26: {  	[smem:$0x3F9D] =	sst s1;
	(tag) =	ssettag s2;
	_ =	strace s9  }
0x27: {  	s1 =	sld [smem:$0x3FAD]  }
0x28: {  	s2 =	sld [smem:$0x3FAE]  }
0x29: {  	s4 =	sld [smem:$0x3FB0]  }
0x2a: {  	p0 =	seq.s32 s5, $0x0;
	s5 =	sld [smem:$0x3FB1]  }
0x2b: {  	s6 =	sld [smem:$0x3FB2]  }
0x2c: {  	s7 =	sld [smem:$0x3FB3]  }
0x2d: {  	s3 =	simm.s32 $0x108;
	s8 =	sld [smem:$0x3FB4]  }
0x2e: {  	s3 =	simm.s32 @!p0 $0x1082;
	s9 =	sld [smem:$0x3FB5]  }
0x2f: {  	lr =	sadd.s32 s0, s3;
	s0 =	sld [smem:$0x3FAC]  }
0x30: {  	s3 =	sld [smem:$0x3FAF]  }
0x31: {  	[smem:$0x3FB8] =	sst s10  }
0x32: {  	s10 =	sld [smem:$0x3FB6];
	_ =	sdelay $0x3  }
0x33: {  	p0 =	seq.s32 s10, $0x1;
	s10 =	sld [smem:$0x3FB8];
	_ =	sdelay $0x3  }
0x34: {  	[smem:$0x3FB8] =	sst s10  }
0x35: {  	s10 =	sld [smem:$0x3FB7];
	_ =	sdelay $0x3  }
0x36: {  	p1 =	seq.s32 s10, $0x1;
	s10 =	sld [smem:$0x3FB8];
	_ =	sdelay $0x3  }
0x37: {  	[smem:$0x3FB8] =	sst s10  }
0x38: {  	s10 =	sld [smem:$0x3FB9]  }
0x39: {  	_ = 	snop;
	(pc) =	sbr.ind lr, $3  }
0x3a: {  	_ = 	snop  }
0x3b: {  	_ = 	snop  }
0x3c: {  	p2 =	seq.s32 s10, $0x1;
	s10 =	sld [smem:$0x3FB8]  }
0x3d: {  	_ =	shalt  }
0x3e: {  	_ =	shalt  }
0x3f: {  	_ =	shalt  }
0x40: {  	_ =	shalt  }
0x41: {  	_ =	shalt  }
0x42: {  	_ =	shalt  }
0x43: {  	_ =	shalt  }
0x44: {  	_ =	shalt  }
0x45: {  	_ =	shalt  }
0x46: {  	_ =	shalt  }
0x47: {  	_ =	shalt  }
0x48: {  	_ =	shalt  }
0x49: {  	_ =	shalt  }
0x4a: {  	_ =	shalt  }
0x4b: {  	_ =	shalt  }
0x4c: {  	_ =	shalt  }
0x4d: {  	_ =	shalt  }
0x4e: {  	_ =	shalt  }
0x4f: {  	_ =	shalt  }
0x50: {  	_ =	shalt  }
0x51: {  	_ =	shalt  }
0x52: {  	_ =	shalt  }
0x53: {  	_ =	shalt  }
0x54: {  	_ =	shalt  }
0x55: {  	_ =	shalt  }
0x56: {  	_ =	shalt  }
0x57: {  	_ =	shalt  }
0x58: {  	_ =	shalt  }
0x59: {  	_ =	shalt  }
0x5a: {  	_ =	shalt  }
0x5b: {  	_ =	shalt  }
0x5c: {  	_ =	shalt  }
0x5d: {  	_ =	shalt  }
0x5e: {  	_ =	shalt  }
0x5f: {  	_ =	shalt  }
0x60: {  	_ =	shalt  }
0x61: {  	_ =	shalt  }
0x62: {  	_ =	shalt  }
0x63: {  	_ =	shalt  }
0x64: {  	_ =	shalt  }
0x65: {  	_ =	shalt  }
0x66: {  	_ =	shalt  }
0x67: {  	_ =	shalt  }
0x68: {  	_ =	shalt  }
0x69: {  	_ =	shalt  }
0x6a: {  	_ =	shalt  }
0x6b: {  	_ =	shalt  }
0x6c: {  	_ =	shalt  }
0x6d: {  	_ =	shalt  }
0x6e: {  	_ =	shalt  }
0x6f: {  	_ =	shalt  }
0x70: {  	_ =	shalt  }
0x71: {  	_ =	shalt  }
0x72: {  	_ =	shalt  }
0x73: {  	_ =	shalt  }
0x74: {  	_ =	shalt  }
0x75: {  	_ =	shalt  }
0x76: {  	_ =	shalt  }
0x77: {  	_ =	shalt  }
0x78: {  	_ =	shalt  }
0x79: {  	_ =	shalt  }
0x7a: {  	_ =	shalt  }
0x7b: {  	_ =	shalt  }
0x7c: {  	_ =	shalt  }
0x7d: {  	_ =	shalt  }
0x7e: {  	_ =	shalt  }
0x7f: {  	_ =	shalt  }
0x80: {  	_ =	shalt  }
0x81: {  	_ =	shalt  }
0x82: {  	_ =	shalt  }
0x83: {  	_ =	shalt  }
0x84: {  	_ =	shalt  }
0x85: {  	_ =	shalt  }
0x86: {  	_ =	shalt  }
0x87: {  	_ =	shalt  }
.Lfunc_end0:
.L_simem_size_0:
called_computation.2_lowered:
.L_overlay_start_0:
0x88: {  	s2 =	sld [smem:$0x3FD9]  }
0x89: {  	s3 =	sld [smem:$0x3FFE];
	_ =	sdelay $0x1  }
0x8a: {  	s1 =	srdreg.scid  }
0x8b: {  	s0 =	sand.u32 $0x1, s1  }
0x8c: {  	s16 =	sshll.u32 s0, $0xA;
	s2 =	sadd.s32 s3, s2  }
0x8d: {  	s2 =	sadd.s32 s2, s16  }
0x8e: {  	[smem:$0x3FC4] =	sst s2  }
0x8f: {  	_ = 	snop  }
0x90: {  	(tm) =	ssettm $0x1  }
0x91: {  	s17 =	sld [smem:$0x3FFB];
	_ =	sdelay $0x3  }
0x92: {  	_ =	strace s17  }
0x93: {  	s2 =	sld [smem:$0x3FFC];
	_ =	sdelay $0x3  }
0x94: {  	_ =	strace s2  }
0x95: {  	s2 =	sld [smem:$0x3FFD];
	_ =	sdelay $0x3  }
0x96: {  	_ =	strace s2  }
0x97: {  	_ =	strace $0x8FFFFFFF  }
0x98: {  	s18 =	sld [smem:$0x3FDB];
	_ =	sdelay $0x1  }
0x99: {  	s19 =	simm.s32 $_scs_section_size  }
0x9a: {  	s4 =	simm.s32 $_size__tile_overlayer_lowered;
	s5 =	simm.s32 $_tile_overlayer_lowered  }
0x9b: {  	s22 =	simm.s32 $0x1BFF;
	s21 =	sshll.u32 s5, $0x1;
	s2 =	sadd.s32 s19, s18  }
0x9c: {  	s6 =	simm.s32 $0x0;
	s20 =	sshll.u32 s4, $0x1;
	s4 =	sadd.s32 s21, s2  }
0x9d: {  	[timem:s6], [sflag:s22] =	dma.local [hbm:s4], s20  }
0x9e: {  	_ =	swait.ge [sflag:s22], s20  }
0x9f: {  	s3 =	ssub.s32 $0x0, s20;
	[sflag:s22] =	ssyncset.done $0x0  }
0xa0: {  	[sflag:s22] =	ssyncadd.s32 s3;
	_ =	sdelay $0x1  }
0xa1: {  	s23 =	simm.s32 $0x1B8B  }
0xa2: {  	_ =	swait.ge [sflag:s23], $0x1  }
0xa3: {  	[sflag:s23] =	ssyncset.done $0x0  }
0xa4: {  	s25 =	simm.s32 $0x1B8E;
	s24 =	sld [smem:$0x3FFE];
	[sflag:s23] =	ssyncadd.s32 $0xFFFFFFFF  }
0xa5: {  	s26 =	simm.s32 $execute0_lowered;
	[smem:$0x3FD2] =	sst s25  }
0xa6: {  	s4 =	sshll.u32 s26, $0x1;
	_ =	strace $0x8000004C;
	[dreg:$0x1] =	wrdreg $0xFFFFFFFF  }
0xa7: {  	s28 =	simm.s32 $_size_execute0_lowered;
	s2 =	sadd.s32 s2, s4;
	[dreg:$0x0] =	wrdreg $0x0  }
0xa8: {  	s4 =	sshll.u32 s28, $0x1;
	[dreg:$0x2] =	wrdreg s2  }
0xa9: {  	[dreg:$0x3] =	wrdreg s4  }
0xaa: {  	[dreg:$0x4] =	wrdreg $0xC0  }
0xab: {  	_ =	task [dreg:s6], $0x5FFFF  }
0xac: {  	[dreg:$0x1] =	wrdreg $0xFFFFFFFF  }
0xad: {  	[dreg:$0x0] =	wrdreg $0x60  }
0xae: {  	[dreg:$0x2] =	wrdreg s24  }
0xaf: {  	[dreg:$0x3] =	wrdreg $0x0  }
0xb0: {  	[dreg:$0x4] =	wrdreg $0x9  }
0xb1: {  	_ =	task.clear_ibuf [dreg:s6], $0x5FFFF;
	_ =	strace $0x9000004C  }
0xb2: {  	s29 =	simm.s32 $0x9;
	_ =	strace $0x8000004E  }
0xb3: {  	_ =	swait.ge [sflag:s29], $0x1  }
0xb4: {  	[sflag:s29] =	ssyncadd.s32 $0xFFFFFFFF  }
0xb5: {  	_ =	strace $0x9000004E  }
0xb6: {  	_ =	sfence  }
0xb7: {  	s30 =	sld [smem:$0x0];
	_ =	sdelay $0x2  }
0xb8: {  	s31 =	sshll.u32 s1, $0xD;
	s1 =	sshrl.u32 s1, $0x2  }
0xb9: {  	s3 =	sand.u32 $0x4000, s31;
	s1 =	sadd.s32 s1, s30  }
0xba: {  	s0 =	sor.u32 s3, s0;
	s1 =	sshll.u32 s1, $0x11  }
0xbb: {  	s0 =	sor.u32 s1, s0  }
0xbc: {  	s0 =	sadd.s32 $0x8F2B, s0  }
0xbd: {  	[sflag:s0] =	ssyncadd.remote.s32 $0x1  }
0xbe: {  	_ =	sfence.sel $0xFFFF  }
0xbf: {  	[dreg:$0x0] =	wrdreg $0xFFFFFFFF;
	(pc) =	sbr.abs _section_cstart, $3  }
0xc0: {  	[dreg:$0x1] =	wrdreg $0xFFFFFFFF  }
0xc1: {  	_ =	task.clear_ibuf [dreg:s6], $0x2FFFF;
	_ =	strace $0x9FFFFFFF  }
0xc2: {  	(tm) =	ssettm $0x7FFFFFFF  }
0xc3: {  	_ =	shalt  }
tec
execute0_lowered:
.L_overlay_start_1:
0x0: {  	(tag) =	ssettag $0x1  }
0x1: {  	s1 =	srdreg.scid;
	s5 =	rddreg [dreg:$0x0]  }
0x2: {  	s0 =	stileid.u32;
	s2 =	rddreg [dreg:$0x1]  }
0x3: {  	s3 =	simm.s32 $0x0;
	s17 =	simm.s32 $0x16800;
	s18 =	simm.s32 $0x80  }
0x4: {  	s28 =	simm.s32 $0x0;
	s6 =	sand.u32 $0x1, s1;
	s9 =	smul.u32 $0x14000, s0  }
0x5: {  	s19 =	sshll.u32 s0, $0x1;
	[smem:$0x7FF] =	sst s3;
	s20 =	smul.u32 $0x50000, s0  }
0x6: {  	s4 =	sadd.s32 $0x40200, s5;
	s12 =	sadd.s32 $0xE200, s5;
	s22 =	smul.u32 $0xA0, s0  }
0x7: {  	s25 =	sshll.u32 s0, $0x6;
	s7 =	sor.u32 s6, s19;
	s10 =	smul.u32 $0x140000, s6  }
0x8: {  	_ =	strace $0x8000004D;
	s14 =	ssub.s32 $0x2, s6;
	s24 =	smul.u32 $0x50, s6  }
0x9: {  	s6 =	sor.u32 $0x1C05, s25;
	s19 =	simm.s32 $0x16900;
	s8 =	smul.u32 $0x500, s7  }
0xa: {  	s25 =	simm.s32 $0x4;
	s13 =	sshrl.u32 s9, $0x3;
	s7 =	smul.u32 $0x2800, s7  }
0xb: {  	s21 =	sshrl.u32 s14, $0x1;
	s23 =	sshrl.u32 s20, $0x2;
	s20 =	simm.s32 $0x16880  }
0xc: {  	s13 =	sadd.s32 s13, s5;
	s9 =	sadd.s32 s9, s10;
	s14 =	ssub.s32 s14, s21  }
0xd: {  	s16 =	sadd.s32 s23, s2;
	s21 =	simm.s32 $0x1A900;
	s23 =	simm.s32 $0x3  }
0xe: {  	s11 =	sadd.s32 s8, s5;
	s9 =	sshrl.u32 s9, $0x3;
	s26 =	sshrl.u32 s7, $0x3  }
0xf: {  	s8 =	sadd.s32 s12, s8;
	s15 =	sadd.s32 s9, s5;
	s5 =	sadd.s32 $0x18200, s13  }
0x10: {  	s9 =	sadd.s32 s24, s22;
	s7 =	sadd.s32 $0x4200, s11;
	s29 =	sadd.s32 s12, s26  }
0x11: {  	s11 =	smax.u32 s14, $0x1;
	s14 =	sshrl.u32 s16, $0x3;
	s16 =	simm.s32 $0x14000  }
0x12: {  	s22 =	simm.s32 $0x1;
	s24 =	simm.s32 $0x2;
	s30 =	sshll.u32 s9, $0x4  }
0x13: {  	s9 =	sadd.s32 $0x4F0, s29;
	s10 =	sadd.s32 $0x90E00, s15;
	s31 =	sadd.s32 s30, s12  }
0x14: {  	s15 =	simm.s32 $0x5;
	s12 =	sadd.s32 $0x10, s31;
	s13 =	sadd.s32 $0x20, s31  }
.LBB2_1:
0x15: {  	[spmem:s14], [sflag:s6] =	dma.local [hbm:s5], $0x2800  }
0x16: {  	_ =	swait.ge [sflag:s15], $0x2800  }
0x17: {  	[sflag:s15] =	ssyncset.done $0x0  }
0x18: {  	[sflag:s15] =	ssyncadd.s32 $0xFFFFD800  }
0x19: {  	[tilespmem:s16], [sflag:$0x5] =	stream.linear.gather [hbm4b:s7+s3], $0x2800, $0x38;
	[tilespmem:$0x1E900] =	vst v63  }
0x1a: {  	_ =	swait.ge [sflag:s15], $0x2800  }
0x1b: {  	[sflag:s15] =	ssyncset.done $0x0  }
0x1c: {  	[sflag:s15] =	ssyncadd.s32 $0xFFFFD800  }
0x1d: {  	[bflag:$0x0] =	sbarrier.arrive $0xFFFF  }
0x1e: {  	[tilespmem:s17], [sflag:$0x3] =	stream.linear.gather [hbm4b:s8+s3], $0x80, $0x38;
	[tilespmem:$0x1E900] =	vst v63  }
0x1f: {  	_ = 	snop  }
0x20: {  	[tilespmem:s19], [sflag:$0x1] =	stream.indirect.gather [hbm4b:s4+s18], $0x80, s16, s18, $0xb8;
	[tilespmem:$0x1E900] =	vst v63  }
0x21: {  	s29 =	sadd.s32 $0x0, s12  }
0x22: {  	[tilespmem:s20], [sflag:$0x4] =	stream.linear.gather [hbm4b:s29+s3], $0x80, $0x38;
	[tilespmem:$0x1E900] =	vst v63  }
0x23: {  	s29 =	simm.s32 $0x14080  }
0x24: {  	[tilespmem:s21], [sflag:$0x2] =	stream.indirect.gather [hbm4b:s4+s18], $0x80, s29, s18, $0xb8;
	[tilespmem:$0x1E900] =	vst v63  }
0x25: {  	_ =	swait.ge [sflag:s22], $0x4000  }
0x26: {  	[sflag:s22] =	ssyncset.done $0x0  }
0x27: {  	[sflag:s22] =	ssyncadd.s32 $0xFFFFC000  }
0x28: {  	_ =	swait.ge [sflag:s23], $0x80  }
0x29: {  	[sflag:s23] =	ssyncset.done $0x0  }
0x2a: {  	[sflag:s23] =	ssyncadd.s32 $0xFFFFFF80  }
0x2b: {  	[spmem:s2] =	stream.indirect.scatter.add.f32 [tilespmem:s19], [sflag:$0x5], $0x80, s17, s18, $0xb8;
	[tilespmem:$0x1E900] =	vst v63  }
0x2c: {  	_ =	swait.ge [sflag:s15], $0x4000  }
0x2d: {  	[sflag:s15] =	ssyncset.done $0x0  }
0x2e: {  	s29 =	sadd.s32 $0x0, s13;
	[sflag:s15] =	ssyncadd.s32 $0xFFFFC000  }
0x2f: {  	[tilespmem:s17], [sflag:$0x3] =	stream.linear.gather [hbm4b:s29+s3], $0x80, $0x38;
	[tilespmem:$0x1E900] =	vst v63  }
0x30: {  	s29 =	simm.s32 $0x14100  }
0x31: {  	[tilespmem:s19], [sflag:$0x1] =	stream.indirect.gather [hbm4b:s4+s18], $0x80, s29, s18, $0xb8;
	[tilespmem:$0x1E900] =	vst v63  }
0x32: {  	_ =	swait.ge [sflag:s24], $0x4000  }
0x33: {  	[sflag:s24] =	ssyncset.done $0x0  }
0x34: {  	[sflag:s24] =	ssyncadd.s32 $0xFFFFC000  }
0x35: {  	_ =	swait.ge [sflag:s25], $0x80  }
0x36: {  	[sflag:s25] =	ssyncset.done $0x0  }
0x37: {  	[sflag:s25] =	ssyncadd.s32 $0xFFFFFF80  }
0x38: {  	[spmem:s2] =	stream.indirect.scatter.add.f32 [tilespmem:s21], [sflag:$0x5], $0x80, s20, s18, $0xb8;
	[tilespmem:$0x1E900] =	vst v63  }
0x39: {  	s31 =	simm.s32 $0x40;
	_ =	swait.ge [sflag:s15], $0x4000  }
0x3a: {  	s30 =	simm.s32 $0x14180;
	s29 =	simm.s32 $0x20;
	[sflag:s15] =	ssyncset.done $0x0  }
.LBB2_2:
0x3b: {  	s1 =	sadd.s32 s29, s12  }
0x3c: {  	[sflag:s15] =	ssyncadd.s32 $0xFFFFC000;
	s0 =	smov.u32 s31;
	s26 =	sadd.s32 $0x20, s31  }
0x3d: {  	[tilespmem:s20], [sflag:$0x4] =	stream.linear.gather [hbm4b:s1+s3], $0x80, $0x38;
	[tilespmem:$0x1E900] =	vst v63  }
0x3e: {  	p0 =	sne.s32 s31, $0x4C0  }
0x3f: {  	[tilespmem:s21], [sflag:$0x2] =	stream.indirect.gather [hbm4b:s4+s18], $0x80, s30, s18, $0xb8;
	[tilespmem:$0x1E900] =	vst v63  }
0x40: {  	_ =	swait.ge [sflag:s22], $0x4000  }
0x41: {  	[sflag:s22] =	ssyncset.done $0x0  }
0x42: {  	[sflag:s22] =	ssyncadd.s32 $0xFFFFC000  }
0x43: {  	_ =	swait.ge [sflag:s23], $0x80  }
0x44: {  	[sflag:s23] =	ssyncset.done $0x0  }
0x45: {  	[sflag:s23] =	ssyncadd.s32 $0xFFFFFF80  }
0x46: {  	[spmem:s2] =	stream.indirect.scatter.add.f32 [tilespmem:s19], [sflag:$0x5], $0x80, s17, s18, $0xb8;
	[tilespmem:$0x1E900] =	vst v63  }
0x47: {  	_ =	swait.ge [sflag:s15], $0x4000  }
0x48: {  	[sflag:s15] =	ssyncset.done $0x0  }
0x49: {  	s1 =	sadd.s32 s29, s13;
	s29 =	smov.u32 s0;
	[sflag:s15] =	ssyncadd.s32 $0xFFFFC000  }
0x4a: {  	[tilespmem:s17], [sflag:$0x3] =	stream.linear.gather [hbm4b:s1+s3], $0x80, $0x38;
	[tilespmem:$0x1E900] =	vst v63  }
0x4b: {  	s0 =	sadd.s32 $0x80, s30  }
0x4c: {  	[tilespmem:s19], [sflag:$0x1] =	stream.indirect.gather [hbm4b:s4+s18], $0x80, s0, s18, $0xb8;
	[tilespmem:$0x1E900] =	vst v63  }
0x4d: {  	_ =	swait.ge [sflag:s24], $0x4000  }
0x4e: {  	[sflag:s24] =	ssyncset.done $0x0  }
0x4f: {  	[sflag:s24] =	ssyncadd.s32 $0xFFFFC000  }
0x50: {  	_ =	swait.ge [sflag:s25], $0x80  }
.Ltmp0:
0x51: {  	[sflag:s25] =	ssyncset.done $0x0;
	(pc) =	sbr.rel @p0 .LBB2_2-.Ltmp0, $4  }
0x52: {  	[sflag:s25] =	ssyncadd.s32 $0xFFFFFF80  }
0x53: {  	[spmem:s2] =	stream.indirect.scatter.add.f32 [tilespmem:s21], [sflag:$0x5], $0x80, s20, s18, $0xb8;
	[tilespmem:$0x1E900] =	vst v63  }
0x54: {  	_ =	swait.ge [sflag:s15], $0x4000  }
0x55: {  	s31 =	smov.u32 s26;
	s30 =	sadd.s32 $0x100, s30;
	[sflag:s15] =	ssyncset.done $0x0  }
0x56: {  	s0 =	sadd.s32 s29, s12;
	[sflag:s15] =	ssyncadd.s32 $0xFFFFC000  }
0x57: {  	[tilespmem:s20], [sflag:$0x4] =	stream.linear.gather [hbm4b:s0+s3], $0x80, $0x38;
	[tilespmem:$0x1E900] =	vst v63  }
0x58: {  	_ = 	snop  }
0x59: {  	[tilespmem:s21], [sflag:$0x2] =	stream.indirect.gather [hbm4b:s4+s18], $0x80, s30, s18, $0xb8;
	[tilespmem:$0x1E900] =	vst v63  }
0x5a: {  	_ =	swait.ge [sflag:s22], $0x4000  }
0x5b: {  	[sflag:s22] =	ssyncset.done $0x0  }
0x5c: {  	[sflag:s22] =	ssyncadd.s32 $0xFFFFC000  }
0x5d: {  	_ =	swait.ge [sflag:s23], $0x80  }
0x5e: {  	[sflag:s23] =	ssyncset.done $0x0  }
0x5f: {  	[sflag:s23] =	ssyncadd.s32 $0xFFFFFF80  }
0x60: {  	[spmem:s2] =	stream.indirect.scatter.add.f32 [tilespmem:s19], [sflag:$0x5], $0x80, s17, s18, $0xb8;
	[tilespmem:$0x1E900] =	vst v63  }
0x61: {  	_ =	swait.ge [sflag:s15], $0x4000  }
0x62: {  	[sflag:s15] =	ssyncset.done $0x0  }
0x63: {  	s29 =	sadd.s32 s29, s13;
	[sflag:s15] =	ssyncadd.s32 $0xFFFFC000  }
0x64: {  	[tilespmem:s17], [sflag:$0x3] =	stream.linear.gather [hbm4b:s29+s3], $0x80, $0x38;
	[tilespmem:$0x1E900] =	vst v63  }
0x65: {  	s30 =	sadd.s32 $0x80, s30  }
0x66: {  	[tilespmem:s19], [sflag:$0x1] =	stream.indirect.gather [hbm4b:s4+s18], $0x80, s30, s18, $0xb8;
	[tilespmem:$0x1E900] =	vst v63  }
0x67: {  	_ =	swait.ge [sflag:s24], $0x4000  }
0x68: {  	[sflag:s24] =	ssyncset.done $0x0  }
0x69: {  	[sflag:s24] =	ssyncadd.s32 $0xFFFFC000  }
0x6a: {  	_ =	swait.ge [sflag:s25], $0x80  }
0x6b: {  	[sflag:s25] =	ssyncset.done $0x0  }
0x6c: {  	[sflag:s25] =	ssyncadd.s32 $0xFFFFFF80  }
0x6d: {  	[spmem:s2] =	stream.indirect.scatter.add.f32 [tilespmem:s21], [sflag:$0x5], $0x80, s20, s18, $0xb8;
	[tilespmem:$0x1E900] =	vst v63  }
0x6e: {  	_ =	swait.ge [sflag:s15], $0x4000  }
0x6f: {  	[sflag:s15] =	ssyncset.done $0x0  }
0x70: {  	[sflag:s15] =	ssyncadd.s32 $0xFFFFC000  }
0x71: {  	[tilespmem:s20], [sflag:$0x4] =	stream.linear.gather [hbm4b:s9+s3], $0x80, $0x38;
	[tilespmem:$0x1E900] =	vst v63  }
0x72: {  	s31 =	simm.s32 $0x16780  }
0x73: {  	[tilespmem:s21], [sflag:$0x2] =	stream.indirect.gather [hbm4b:s4+s18], $0x80, s31, s18, $0xb8;
	[tilespmem:$0x1E900] =	vst v63  }
0x74: {  	_ =	swait.ge [sflag:s22], $0x4000  }
0x75: {  	[sflag:s22] =	ssyncset.done $0x0  }
0x76: {  	[sflag:s22] =	ssyncadd.s32 $0xFFFFC000  }
0x77: {  	_ =	swait.ge [sflag:s23], $0x80  }
0x78: {  	[sflag:s23] =	ssyncset.done $0x0  }
0x79: {  	[sflag:s23] =	ssyncadd.s32 $0xFFFFFF80  }
0x7a: {  	[spmem:s2] =	stream.indirect.scatter.add.f32 [tilespmem:s19], [sflag:$0x5], $0x80, s17, s18, $0xb8;
	[tilespmem:$0x1E900] =	vst v63  }
0x7b: {  	_ =	swait.ge [sflag:s15], $0x4000  }
0x7c: {  	[sflag:s15] =	ssyncset.done $0x0  }
0x7d: {  	[sflag:s15] =	ssyncadd.s32 $0xFFFFC000  }
0x7e: {  	_ =	swait.ge [sflag:s24], $0x4000  }
0x7f: {  	[sflag:s24] =	ssyncset.done $0x0  }
0x80: {  	[sflag:s24] =	ssyncadd.s32 $0xFFFFC000  }
0x81: {  	_ =	swait.ge [sflag:s25], $0x80  }
0x82: {  	[sflag:s25] =	ssyncset.done $0x0  }
0x83: {  	[sflag:s25] =	ssyncadd.s32 $0xFFFFFF80  }
0x84: {  	[spmem:s2] =	stream.indirect.scatter.add.f32 [tilespmem:s21], [sflag:$0x5], $0x80, s20, s18, $0xb8;
	[tilespmem:$0x1E900] =	vst v63  }
0x85: {  	_ =	swait.ge [sflag:s15], $0x4000  }
0x86: {  	s28 =	sadd.s32 $0x1, s28;
	[sflag:s15] =	ssyncset.done $0x0  }
0x87: {  	p0 =	sne.s32 s28, s11;
	[sflag:s15] =	ssyncadd.s32 $0xFFFFC000  }
.Ltmp1:
0x88: {  	[bflag:$0x0] =	sbarrier.arrive $0xFFFF;
	(pc) =	sbr.rel @p0 .LBB2_1-.Ltmp1, $4  }
0x89: {  	[hbm:s10], [sflag:s6] =	dma.local [spmem:s14], $0x2800  }
0x8a: {  	_ =	swait.ge [sflag:s15], $0x2800  }
0x8b: {  	[sflag:s15] =	ssyncset.done $0x0  }
0x8c: {  	[sflag:s15] =	ssyncadd.s32 $0xFFFFD800  }
0x8d: {  	_ =	sfence.sel $0x180000  }
0x8e: {  	[bflag:$0x0] =	sbarrier.arrive $0xFFFF  }
0x8f: {  	_ =	strace $0x9000004D  }
0x90: {  	s0 =	stileid.u32;
	[bflag:$0x2] =	sbarrier.arrive $0xFFFF  }
0x91: {  	p0 =	sne.s32 s0, $0x0;
	s0 =	rddreg [dreg:$0x2]  }
0x92: {  	s0 =	sadd.s32 @!p0 $0x100000, s0  }
0x93: {  	[sflag:s0] =	ssyncadd.tile.s32 @!p0 $0x1;
	_ =	shalt  }
.Lfunc_end2:
_tile_overlayer_lowered:
.L_overlay_start_2:
0x94: {  	(tag) =	ssettag $0x2  }
0x95: {  	s0 =	rddreg [dreg:$0x0];
	s2 =	stileid.u32  }
0x96: {  	s1 =	rddreg [dreg:$0x1];
	p0 =	sne.s32 s2, $0x0  }
0x97: {  	s3 =	rddreg [dreg:$0x2];
	[bflag:$0x3] =	sbarrier.arrive $0xFFFF;
	s2 =	simm.s32 @!p0 $0x1C05  }
0x98: {  	[timem:s3], [sflag:s2] =	dma.local @!p0 [hbm:s0], s1  }
0x99: {  	s0 =	simm.s32 @!p0 $0x5  }
0x9a: {  	_ =	swait.ge @!p0 [sflag:s0], s1  }
0x9b: {  	s1 =	ssub.s32 @!p0 $0x0, s1;
	[sflag:s0] =	ssyncset.done @!p0 $0x0  }
0x9c: {  	[sflag:s0] =	ssyncadd.s32 @!p0 s1  }
0x9d: {  	[bflag:$0x3] =	sbarrier.arrive $0xFFFF  }
0x9e: {  	_ =	shalt  }

// kernel: kernel.24.cloned.1.call-start
scs
__scs_entry_jumppad:
0x0: {  	(pc) =	sbr.rel $0x88, $3  }
0x1: {  	(tag) =	ssettag $0x0;
	lr =	simm.s32 $0x1  }
0x2: {  	[smem:$0x3F9D] =	sst lr;
	_ =	strace $0xD0000000  }
0x3: {  	_ = 	snop  }
0x4: {  	_ = 	snop  }
0x5: {  	_ = 	snop  }
0x6: {  	_ = 	snop  }
0x7: {  	_ = 	snop  }
__scs_overlays_trampoline_lowered:
0x8: {  	[smem:$0x3FAC] =	sst s0  }
0x9: {  	[smem:$0x3FAD] =	sst s1  }
0xa: {  	[smem:$0x3FAE] =	sst s2  }
0xb: {  	[smem:$0x3FAF] =	sst s3  }
0xc: {  	[smem:$0x3FB0] =	sst s4  }
0xd: {  	[smem:$0x3FB1] =	sst s5  }
0xe: {  	[smem:$0x3FB2] =	sst s6  }
0xf: {  	[smem:$0x3FB3] =	sst s7  }
0x10: {  	[smem:$0x3FB4] =	sst s8  }
0x11: {  	[smem:$0x3FB5] =	sst s9;
	s0 =	simm.s32 @!p0 $0x0  }
0x12: {  	s1 =	sld [smem:$0x3F9B];
	s0 =	simm.s32 @p0 $0x1  }
0x13: {  	[smem:$0x3FB6] =	sst s0;
	s0 =	simm.s32 @!p1 $0x0  }
0x14: {  	s2 =	sld [smem:$0x3F9A];
	s0 =	simm.s32 @p1 $0x1  }
0x15: {  	[smem:$0x3FB7] =	sst s0;
	s0 =	simm.s32 @!p2 $0x0  }
0x16: {  	s3 =	sld [smem:$0x3FDB];
	s0 =	simm.s32 @p2 $0x1  }
0x17: {  	s4 =	simm.s32 $0x1BF5;
	[smem:$0x3FB9] =	sst s0  }
0x18: {  	s0 =	sld [smem:$0x3F9C];
	_ =	swait.ge [sflag:s4], $0x0  }
0x19: {  	s7 =	sld [smem:$0x3F9D]  }
0x1a: {  	s8 =	sadd.s32 $0xFFFFE003, lr  }
0x1b: {  	s9 =	sadd.s32 $0xFFFFFEF7, lr;
	s5 =	simm.s32 $0xFFFFFFFF;
	p2 =	slt.u32 s8, $0xFFFFF086  }
0x1c: {  	p1 =	slt.u32 s9, $0xF7A;
	s5 =	simm.s32 @!p2 $0x0  }
0x1d: {  	s5 =	simm.s32 @p1 $0x1;
	p0 =	seq.s32 s7, s2  }
0x1e: {  	s7 =	smul.u32 @!p0 $0xF7A, s2;
	p2 =	seq.s32 @!p0 s5, $0x0  }
0x1f: {  	s9 =	smul.u32 $0xF7A, s1;
	s8 =	simm.s32 @!p0 $0x1BF5;
	p2 =	por !p2, p0  }
0x20: {  	[sflag:s8] =	ssyncset.s32 @!p0 $0xFFFFF086;
	s6 =	sadd.s32 @!p0 s3, s7;
	s7 =	simm.s32 @!p0 $0x108  }
0x21: {  	s3 =	sadd.s32 s3, s9;
	s6 =	sadd.s32 @!p0 $0x88, s6;
	s7 =	simm.s32 @p2 $0x1082  }
0x22: {  	[simem:s7], [sflag:s8] =	dma.local @!p0 [hbm:s6], $0xF7A  }
0x23: {  	s9 =	sor.u32 $0xD0000000, s2;
	s6 =	simm.s32 $0x108;
	_ =	swait.ge @!p0 [sflag:s8], $0x0  }
0x24: {  	s3 =	sadd.s32 $0x88, s3;
	s6 =	simm.s32 @!p1 $0x1082;
	[sflag:s4] =	ssyncset.s32 $0xFFFFF086  }
0x25: {  	[simem:s6], [sflag:s4] =	dma.local [hbm:s3], $0xF7A  }
0x26: {  	[smem:$0x3F9D] =	sst s1;
	(tag) =	ssettag s2;
	_ =	strace s9  }
0x27: {  	s1 =	sld [smem:$0x3FAD]  }
0x28: {  	s2 =	sld [smem:$0x3FAE]  }
0x29: {  	s4 =	sld [smem:$0x3FB0]  }
0x2a: {  	p0 =	seq.s32 s5, $0x0;
	s5 =	sld [smem:$0x3FB1]  }
0x2b: {  	s6 =	sld [smem:$0x3FB2]  }
0x2c: {  	s7 =	sld [smem:$0x3FB3]  }
0x2d: {  	s3 =	simm.s32 $0x108;
	s8 =	sld [smem:$0x3FB4]  }
0x2e: {  	s3 =	simm.s32 @!p0 $0x1082;
	s9 =	sld [smem:$0x3FB5]  }
0x2f: {  	lr =	sadd.s32 s0, s3;
	s0 =	sld [smem:$0x3FAC]  }
0x30: {  	s3 =	sld [smem:$0x3FAF]  }
0x31: {  	[smem:$0x3FB8] =	sst s10  }
0x32: {  	s10 =	sld [smem:$0x3FB6];
	_ =	sdelay $0x3  }
0x33: {  	p0 =	seq.s32 s10, $0x1;
	s10 =	sld [smem:$0x3FB8];
	_ =	sdelay $0x3  }
0x34: {  	[smem:$0x3FB8] =	sst s10  }
0x35: {  	s10 =	sld [smem:$0x3FB7];
	_ =	sdelay $0x3  }
0x36: {  	p1 =	seq.s32 s10, $0x1;
	s10 =	sld [smem:$0x3FB8];
	_ =	sdelay $0x3  }
0x37: {  	[smem:$0x3FB8] =	sst s10  }
0x38: {  	s10 =	sld [smem:$0x3FB9]  }
0x39: {  	_ = 	snop;
	(pc) =	sbr.ind lr, $3  }
0x3a: {  	_ = 	snop  }
0x3b: {  	_ = 	snop  }
0x3c: {  	p2 =	seq.s32 s10, $0x1;
	s10 =	sld [smem:$0x3FB8]  }
0x3d: {  	_ =	shalt  }
0x3e: {  	_ =	shalt  }
0x3f: {  	_ =	shalt  }
0x40: {  	_ =	shalt  }
0x41: {  	_ =	shalt  }
0x42: {  	_ =	shalt  }
0x43: {  	_ =	shalt  }
0x44: {  	_ =	shalt  }
0x45: {  	_ =	shalt  }
0x46: {  	_ =	shalt  }
0x47: {  	_ =	shalt  }
0x48: {  	_ =	shalt  }
0x49: {  	_ =	shalt  }
0x4a: {  	_ =	shalt  }
0x4b: {  	_ =	shalt  }
0x4c: {  	_ =	shalt  }
0x4d: {  	_ =	shalt  }
0x4e: {  	_ =	shalt  }
0x4f: {  	_ =	shalt  }
0x50: {  	_ =	shalt  }
0x51: {  	_ =	shalt  }
0x52: {  	_ =	shalt  }
0x53: {  	_ =	shalt  }
0x54: {  	_ =	shalt  }
0x55: {  	_ =	shalt  }
0x56: {  	_ =	shalt  }
0x57: {  	_ =	shalt  }
0x58: {  	_ =	shalt  }
0x59: {  	_ =	shalt  }
0x5a: {  	_ =	shalt  }
0x5b: {  	_ =	shalt  }
0x5c: {  	_ =	shalt  }
0x5d: {  	_ =	shalt  }
0x5e: {  	_ =	shalt  }
0x5f: {  	_ =	shalt  }
0x60: {  	_ =	shalt  }
0x61: {  	_ =	shalt  }
0x62: {  	_ =	shalt  }
0x63: {  	_ =	shalt  }
0x64: {  	_ =	shalt  }
0x65: {  	_ =	shalt  }
0x66: {  	_ =	shalt  }
0x67: {  	_ =	shalt  }
0x68: {  	_ =	shalt  }
0x69: {  	_ =	shalt  }
0x6a: {  	_ =	shalt  }
0x6b: {  	_ =	shalt  }
0x6c: {  	_ =	shalt  }
0x6d: {  	_ =	shalt  }
0x6e: {  	_ =	shalt  }
0x6f: {  	_ =	shalt  }
0x70: {  	_ =	shalt  }
0x71: {  	_ =	shalt  }
0x72: {  	_ =	shalt  }
0x73: {  	_ =	shalt  }
0x74: {  	_ =	shalt  }
0x75: {  	_ =	shalt  }
0x76: {  	_ =	shalt  }
0x77: {  	_ =	shalt  }
0x78: {  	_ =	shalt  }
0x79: {  	_ =	shalt  }
0x7a: {  	_ =	shalt  }
0x7b: {  	_ =	shalt  }
0x7c: {  	_ =	shalt  }
0x7d: {  	_ =	shalt  }
0x7e: {  	_ =	shalt  }
0x7f: {  	_ =	shalt  }
0x80: {  	_ =	shalt  }
0x81: {  	_ =	shalt  }
0x82: {  	_ =	shalt  }
0x83: {  	_ =	shalt  }
0x84: {  	_ =	shalt  }
0x85: {  	_ =	shalt  }
0x86: {  	_ =	shalt  }
0x87: {  	_ =	shalt  }
.Lfunc_end0:
.L_simem_size_0:
called_computation.3_lowered:
.L_overlay_start_0:
0x88: {  	s2 =	sld [smem:$0x3FD9]  }
0x89: {  	s3 =	sld [smem:$0x3FFE];
	_ =	sdelay $0x1  }
0x8a: {  	s1 =	srdreg.scid  }
0x8b: {  	s0 =	sand.u32 $0x1, s1  }
0x8c: {  	s16 =	sshll.u32 s0, $0xA;
	s2 =	sadd.s32 s3, s2  }
0x8d: {  	s2 =	sadd.s32 s2, s16  }
0x8e: {  	[smem:$0x3FC4] =	sst s2  }
0x8f: {  	_ = 	snop  }
0x90: {  	(tm) =	ssettm $0x1  }
0x91: {  	s17 =	sld [smem:$0x3FFB];
	_ =	sdelay $0x3  }
0x92: {  	_ =	strace s17  }
0x93: {  	s2 =	sld [smem:$0x3FFC];
	_ =	sdelay $0x3  }
0x94: {  	_ =	strace s2  }
0x95: {  	s2 =	sld [smem:$0x3FFD];
	_ =	sdelay $0x3  }
0x96: {  	_ =	strace s2  }
0x97: {  	_ =	strace $0x8FFFFFFF  }
0x98: {  	s18 =	sld [smem:$0x3FDB];
	_ =	sdelay $0x1  }
0x99: {  	s19 =	simm.s32 $_scs_section_size  }
0x9a: {  	s4 =	simm.s32 $_size__tile_overlayer_lowered;
	s5 =	simm.s32 $_tile_overlayer_lowered  }
0x9b: {  	s22 =	simm.s32 $0x1BFF;
	s21 =	sshll.u32 s5, $0x1;
	s2 =	sadd.s32 s19, s18  }
0x9c: {  	s6 =	simm.s32 $0x0;
	s20 =	sshll.u32 s4, $0x1;
	s4 =	sadd.s32 s21, s2  }
0x9d: {  	[timem:s6], [sflag:s22] =	dma.local [hbm:s4], s20  }
0x9e: {  	_ =	swait.ge [sflag:s22], s20  }
0x9f: {  	s3 =	ssub.s32 $0x0, s20;
	[sflag:s22] =	ssyncset.done $0x0  }
0xa0: {  	[sflag:s22] =	ssyncadd.s32 s3;
	_ =	sdelay $0x1  }
0xa1: {  	s23 =	simm.s32 $0x1B8B  }
0xa2: {  	_ =	swait.ge [sflag:s23], $0x1  }
0xa3: {  	[sflag:s23] =	ssyncset.done $0x0  }
0xa4: {  	s25 =	simm.s32 $0x1B8E;
	s24 =	sld [smem:$0x3FFE];
	[sflag:s23] =	ssyncadd.s32 $0xFFFFFFFF  }
0xa5: {  	s26 =	simm.s32 $execute0_lowered;
	[smem:$0x3FD2] =	sst s25  }
0xa6: {  	s4 =	sshll.u32 s26, $0x1;
	_ =	strace $0x8000004F;
	[dreg:$0x1] =	wrdreg $0xFFFFFFFF  }
0xa7: {  	s28 =	simm.s32 $_size_execute0_lowered;
	s2 =	sadd.s32 s2, s4;
	[dreg:$0x0] =	wrdreg $0x0  }
0xa8: {  	s4 =	sshll.u32 s28, $0x1;
	[dreg:$0x2] =	wrdreg s2  }
0xa9: {  	[dreg:$0x3] =	wrdreg s4  }
0xaa: {  	[dreg:$0x4] =	wrdreg $0xC0  }
0xab: {  	_ =	task [dreg:s6], $0x5FFFF  }
0xac: {  	[dreg:$0x1] =	wrdreg $0xFFFFFFFF  }
0xad: {  	[dreg:$0x0] =	wrdreg $0x60  }
0xae: {  	[dreg:$0x2] =	wrdreg s24  }
0xaf: {  	[dreg:$0x3] =	wrdreg $0x0  }
0xb0: {  	[dreg:$0x4] =	wrdreg $0x9  }
0xb1: {  	_ =	task.clear_ibuf [dreg:s6], $0x5FFFF;
	_ =	strace $0x9000004F  }
0xb2: {  	s29 =	simm.s32 $0x9;
	_ =	strace $0x80000051  }
0xb3: {  	_ =	swait.ge [sflag:s29], $0x1  }
0xb4: {  	[sflag:s29] =	ssyncadd.s32 $0xFFFFFFFF  }
0xb5: {  	_ =	strace $0x90000051  }
0xb6: {  	_ =	sfence  }
0xb7: {  	s30 =	sld [smem:$0x0];
	_ =	sdelay $0x2  }
0xb8: {  	s31 =	sshll.u32 s1, $0xD;
	s1 =	sshrl.u32 s1, $0x2  }
0xb9: {  	s3 =	sand.u32 $0x4000, s31;
	s1 =	sadd.s32 s1, s30  }
0xba: {  	s0 =	sor.u32 s3, s0;
	s1 =	sshll.u32 s1, $0x11  }
0xbb: {  	s0 =	sor.u32 s1, s0  }
0xbc: {  	s0 =	sadd.s32 $0x8F2B, s0  }
0xbd: {  	[sflag:s0] =	ssyncadd.remote.s32 $0x1  }
0xbe: {  	_ =	sfence.sel $0xFFFF  }
0xbf: {  	[dreg:$0x0] =	wrdreg $0xFFFFFFFF;
	(pc) =	sbr.abs _section_cstart, $3  }
0xc0: {  	[dreg:$0x1] =	wrdreg $0xFFFFFFFF  }
0xc1: {  	_ =	task.clear_ibuf [dreg:s6], $0x2FFFF;
	_ =	strace $0x9FFFFFFF  }
0xc2: {  	(tm) =	ssettm $0x7FFFFFFF  }
0xc3: {  	_ =	shalt  }
tec
execute0_lowered:
.L_overlay_start_1:
0x0: {  	(tag) =	ssettag $0x1  }
0x1: {  	s1 =	srdreg.scid;
	s5 =	rddreg [dreg:$0x0]  }
0x2: {  	s0 =	stileid.u32;
	s2 =	rddreg [dreg:$0x1]  }
0x3: {  	s3 =	simm.s32 $0x0;
	s17 =	simm.s32 $0x16800;
	s18 =	simm.s32 $0x80  }
0x4: {  	s28 =	simm.s32 $0x0;
	s6 =	sand.u32 $0x1, s1;
	s9 =	smul.u32 $0x14000, s0  }
0x5: {  	s19 =	sshll.u32 s0, $0x1;
	[smem:$0x7FF] =	sst s3;
	s20 =	smul.u32 $0x50000, s0  }
0x6: {  	s4 =	sadd.s32 $0x40200, s5;
	s12 =	sadd.s32 $0xE200, s5;
	s22 =	smul.u32 $0xA0, s0  }
0x7: {  	s25 =	sshll.u32 s0, $0x6;
	s7 =	sor.u32 s6, s19;
	s10 =	smul.u32 $0x140000, s6  }
0x8: {  	_ =	strace $0x80000050;
	s14 =	ssub.s32 $0x2, s6;
	s24 =	smul.u32 $0x50, s6  }
0x9: {  	s6 =	sor.u32 $0x1C05, s25;
	s19 =	simm.s32 $0x16900;
	s8 =	smul.u32 $0x500, s7  }
0xa: {  	s25 =	simm.s32 $0x4;
	s13 =	sshrl.u32 s9, $0x3;
	s7 =	smul.u32 $0x2800, s7  }
0xb: {  	s21 =	sshrl.u32 s14, $0x1;
	s23 =	sshrl.u32 s20, $0x2;
	s20 =	simm.s32 $0x16880  }
0xc: {  	s13 =	sadd.s32 s13, s5;
	s9 =	sadd.s32 s9, s10;
	s14 =	ssub.s32 s14, s21  }
0xd: {  	s16 =	sadd.s32 s23, s2;
	s21 =	simm.s32 $0x1A900;
	s23 =	simm.s32 $0x3  }
0xe: {  	s11 =	sadd.s32 s8, s5;
	s9 =	sshrl.u32 s9, $0x3;
	s26 =	sshrl.u32 s7, $0x3  }
0xf: {  	s8 =	sadd.s32 s12, s8;
	s15 =	sadd.s32 s9, s5;
	s5 =	sadd.s32 $0x18200, s13  }
0x10: {  	s9 =	sadd.s32 s24, s22;
	s7 =	sadd.s32 $0x4200, s11;
	s29 =	sadd.s32 s12, s26  }
0x11: {  	s11 =	smax.u32 s14, $0x1;
	s14 =	sshrl.u32 s16, $0x3;
	s16 =	simm.s32 $0x14000  }
0x12: {  	s22 =	simm.s32 $0x1;
	s24 =	simm.s32 $0x2;
	s30 =	sshll.u32 s9, $0x4  }
0x13: {  	s9 =	sadd.s32 $0x4F0, s29;
	s10 =	sadd.s32 $0xB8000, s15;
	s31 =	sadd.s32 s30, s12  }
0x14: {  	s15 =	simm.s32 $0x5;
	s12 =	sadd.s32 $0x10, s31;
	s13 =	sadd.s32 $0x20, s31  }
.LBB2_1:
0x15: {  	[spmem:s14], [sflag:s6] =	dma.local [hbm:s5], $0x2800  }
0x16: {  	_ =	swait.ge [sflag:s15], $0x2800  }
0x17: {  	[sflag:s15] =	ssyncset.done $0x0  }
0x18: {  	[sflag:s15] =	ssyncadd.s32 $0xFFFFD800  }
0x19: {  	[tilespmem:s16], [sflag:$0x5] =	stream.linear.gather [hbm4b:s7+s3], $0x2800, $0x38;
	[tilespmem:$0x1E900] =	vst v63  }
0x1a: {  	_ =	swait.ge [sflag:s15], $0x2800  }
0x1b: {  	[sflag:s15] =	ssyncset.done $0x0  }
0x1c: {  	[sflag:s15] =	ssyncadd.s32 $0xFFFFD800  }
0x1d: {  	[bflag:$0x0] =	sbarrier.arrive $0xFFFF  }
0x1e: {  	[tilespmem:s17], [sflag:$0x3] =	stream.linear.gather [hbm4b:s8+s3], $0x80, $0x38;
	[tilespmem:$0x1E900] =	vst v63  }
0x1f: {  	_ = 	snop  }
0x20: {  	[tilespmem:s19], [sflag:$0x1] =	stream.indirect.gather [hbm4b:s4+s18], $0x80, s16, s18, $0xb8;
	[tilespmem:$0x1E900] =	vst v63  }
0x21: {  	s29 =	sadd.s32 $0x0, s12  }
0x22: {  	[tilespmem:s20], [sflag:$0x4] =	stream.linear.gather [hbm4b:s29+s3], $0x80, $0x38;
	[tilespmem:$0x1E900] =	vst v63  }
0x23: {  	s29 =	simm.s32 $0x14080  }
0x24: {  	[tilespmem:s21], [sflag:$0x2] =	stream.indirect.gather [hbm4b:s4+s18], $0x80, s29, s18, $0xb8;
	[tilespmem:$0x1E900] =	vst v63  }
0x25: {  	_ =	swait.ge [sflag:s22], $0x4000  }
0x26: {  	[sflag:s22] =	ssyncset.done $0x0  }
0x27: {  	[sflag:s22] =	ssyncadd.s32 $0xFFFFC000  }
0x28: {  	_ =	swait.ge [sflag:s23], $0x80  }
0x29: {  	[sflag:s23] =	ssyncset.done $0x0  }
0x2a: {  	[sflag:s23] =	ssyncadd.s32 $0xFFFFFF80  }
0x2b: {  	[spmem:s2] =	stream.indirect.scatter.add.f32 [tilespmem:s19], [sflag:$0x5], $0x80, s17, s18, $0xb8;
	[tilespmem:$0x1E900] =	vst v63  }
0x2c: {  	_ =	swait.ge [sflag:s15], $0x4000  }
0x2d: {  	[sflag:s15] =	ssyncset.done $0x0  }
0x2e: {  	s29 =	sadd.s32 $0x0, s13;
	[sflag:s15] =	ssyncadd.s32 $0xFFFFC000  }
0x2f: {  	[tilespmem:s17], [sflag:$0x3] =	stream.linear.gather [hbm4b:s29+s3], $0x80, $0x38;
	[tilespmem:$0x1E900] =	vst v63  }
0x30: {  	s29 =	simm.s32 $0x14100  }
0x31: {  	[tilespmem:s19], [sflag:$0x1] =	stream.indirect.gather [hbm4b:s4+s18], $0x80, s29, s18, $0xb8;
	[tilespmem:$0x1E900] =	vst v63  }
0x32: {  	_ =	swait.ge [sflag:s24], $0x4000  }
0x33: {  	[sflag:s24] =	ssyncset.done $0x0  }
0x34: {  	[sflag:s24] =	ssyncadd.s32 $0xFFFFC000  }
0x35: {  	_ =	swait.ge [sflag:s25], $0x80  }
0x36: {  	[sflag:s25] =	ssyncset.done $0x0  }
0x37: {  	[sflag:s25] =	ssyncadd.s32 $0xFFFFFF80  }
0x38: {  	[spmem:s2] =	stream.indirect.scatter.add.f32 [tilespmem:s21], [sflag:$0x5], $0x80, s20, s18, $0xb8;
	[tilespmem:$0x1E900] =	vst v63  }
0x39: {  	s31 =	simm.s32 $0x40;
	_ =	swait.ge [sflag:s15], $0x4000  }
0x3a: {  	s30 =	simm.s32 $0x14180;
	s29 =	simm.s32 $0x20;
	[sflag:s15] =	ssyncset.done $0x0  }
.LBB2_2:
0x3b: {  	s1 =	sadd.s32 s29, s12  }
0x3c: {  	[sflag:s15] =	ssyncadd.s32 $0xFFFFC000;
	s0 =	smov.u32 s31;
	s26 =	sadd.s32 $0x20, s31  }
0x3d: {  	[tilespmem:s20], [sflag:$0x4] =	stream.linear.gather [hbm4b:s1+s3], $0x80, $0x38;
	[tilespmem:$0x1E900] =	vst v63  }
0x3e: {  	p0 =	sne.s32 s31, $0x4C0  }
0x3f: {  	[tilespmem:s21], [sflag:$0x2] =	stream.indirect.gather [hbm4b:s4+s18], $0x80, s30, s18, $0xb8;
	[tilespmem:$0x1E900] =	vst v63  }
0x40: {  	_ =	swait.ge [sflag:s22], $0x4000  }
0x41: {  	[sflag:s22] =	ssyncset.done $0x0  }
0x42: {  	[sflag:s22] =	ssyncadd.s32 $0xFFFFC000  }
0x43: {  	_ =	swait.ge [sflag:s23], $0x80  }
0x44: {  	[sflag:s23] =	ssyncset.done $0x0  }
0x45: {  	[sflag:s23] =	ssyncadd.s32 $0xFFFFFF80  }
0x46: {  	[spmem:s2] =	stream.indirect.scatter.add.f32 [tilespmem:s19], [sflag:$0x5], $0x80, s17, s18, $0xb8;
	[tilespmem:$0x1E900] =	vst v63  }
0x47: {  	_ =	swait.ge [sflag:s15], $0x4000  }
0x48: {  	[sflag:s15] =	ssyncset.done $0x0  }
0x49: {  	s1 =	sadd.s32 s29, s13;
	s29 =	smov.u32 s0;
	[sflag:s15] =	ssyncadd.s32 $0xFFFFC000  }
0x4a: {  	[tilespmem:s17], [sflag:$0x3] =	stream.linear.gather [hbm4b:s1+s3], $0x80, $0x38;
	[tilespmem:$0x1E900] =	vst v63  }
0x4b: {  	s0 =	sadd.s32 $0x80, s30  }
0x4c: {  	[tilespmem:s19], [sflag:$0x1] =	stream.indirect.gather [hbm4b:s4+s18], $0x80, s0, s18, $0xb8;
	[tilespmem:$0x1E900] =	vst v63  }
0x4d: {  	_ =	swait.ge [sflag:s24], $0x4000  }
0x4e: {  	[sflag:s24] =	ssyncset.done $0x0  }
0x4f: {  	[sflag:s24] =	ssyncadd.s32 $0xFFFFC000  }
0x50: {  	_ =	swait.ge [sflag:s25], $0x80  }
.Ltmp0:
0x51: {  	[sflag:s25] =	ssyncset.done $0x0;
	(pc) =	sbr.rel @p0 .LBB2_2-.Ltmp0, $4  }
0x52: {  	[sflag:s25] =	ssyncadd.s32 $0xFFFFFF80  }
0x53: {  	[spmem:s2] =	stream.indirect.scatter.add.f32 [tilespmem:s21], [sflag:$0x5], $0x80, s20, s18, $0xb8;
	[tilespmem:$0x1E900] =	vst v63  }
0x54: {  	_ =	swait.ge [sflag:s15], $0x4000  }
0x55: {  	s31 =	smov.u32 s26;
	s30 =	sadd.s32 $0x100, s30;
	[sflag:s15] =	ssyncset.done $0x0  }
0x56: {  	s0 =	sadd.s32 s29, s12;
	[sflag:s15] =	ssyncadd.s32 $0xFFFFC000  }
0x57: {  	[tilespmem:s20], [sflag:$0x4] =	stream.linear.gather [hbm4b:s0+s3], $0x80, $0x38;
	[tilespmem:$0x1E900] =	vst v63  }
0x58: {  	_ = 	snop  }
0x59: {  	[tilespmem:s21], [sflag:$0x2] =	stream.indirect.gather [hbm4b:s4+s18], $0x80, s30, s18, $0xb8;
	[tilespmem:$0x1E900] =	vst v63  }
0x5a: {  	_ =	swait.ge [sflag:s22], $0x4000  }
0x5b: {  	[sflag:s22] =	ssyncset.done $0x0  }
0x5c: {  	[sflag:s22] =	ssyncadd.s32 $0xFFFFC000  }
0x5d: {  	_ =	swait.ge [sflag:s23], $0x80  }
0x5e: {  	[sflag:s23] =	ssyncset.done $0x0  }
0x5f: {  	[sflag:s23] =	ssyncadd.s32 $0xFFFFFF80  }
0x60: {  	[spmem:s2] =	stream.indirect.scatter.add.f32 [tilespmem:s19], [sflag:$0x5], $0x80, s17, s18, $0xb8;
	[tilespmem:$0x1E900] =	vst v63  }
0x61: {  	_ =	swait.ge [sflag:s15], $0x4000  }
0x62: {  	[sflag:s15] =	ssyncset.done $0x0  }
0x63: {  	s29 =	sadd.s32 s29, s13;
	[sflag:s15] =	ssyncadd.s32 $0xFFFFC000  }
0x64: {  	[tilespmem:s17], [sflag:$0x3] =	stream.linear.gather [hbm4b:s29+s3], $0x80, $0x38;
	[tilespmem:$0x1E900] =	vst v63  }
0x65: {  	s30 =	sadd.s32 $0x80, s30  }
0x66: {  	[tilespmem:s19], [sflag:$0x1] =	stream.indirect.gather [hbm4b:s4+s18], $0x80, s30, s18, $0xb8;
	[tilespmem:$0x1E900] =	vst v63  }
0x67: {  	_ =	swait.ge [sflag:s24], $0x4000  }
0x68: {  	[sflag:s24] =	ssyncset.done $0x0  }
0x69: {  	[sflag:s24] =	ssyncadd.s32 $0xFFFFC000  }
0x6a: {  	_ =	swait.ge [sflag:s25], $0x80  }
0x6b: {  	[sflag:s25] =	ssyncset.done $0x0  }
0x6c: {  	[sflag:s25] =	ssyncadd.s32 $0xFFFFFF80  }
0x6d: {  	[spmem:s2] =	stream.indirect.scatter.add.f32 [tilespmem:s21], [sflag:$0x5], $0x80, s20, s18, $0xb8;
	[tilespmem:$0x1E900] =	vst v63  }
0x6e: {  	_ =	swait.ge [sflag:s15], $0x4000  }
0x6f: {  	[sflag:s15] =	ssyncset.done $0x0  }
0x70: {  	[sflag:s15] =	ssyncadd.s32 $0xFFFFC000  }
0x71: {  	[tilespmem:s20], [sflag:$0x4] =	stream.linear.gather [hbm4b:s9+s3], $0x80, $0x38;
	[tilespmem:$0x1E900] =	vst v63  }
0x72: {  	s31 =	simm.s32 $0x16780  }
0x73: {  	[tilespmem:s21], [sflag:$0x2] =	stream.indirect.gather [hbm4b:s4+s18], $0x80, s31, s18, $0xb8;
	[tilespmem:$0x1E900] =	vst v63  }
0x74: {  	_ =	swait.ge [sflag:s22], $0x4000  }
0x75: {  	[sflag:s22] =	ssyncset.done $0x0  }
0x76: {  	[sflag:s22] =	ssyncadd.s32 $0xFFFFC000  }
0x77: {  	_ =	swait.ge [sflag:s23], $0x80  }
0x78: {  	[sflag:s23] =	ssyncset.done $0x0  }
0x79: {  	[sflag:s23] =	ssyncadd.s32 $0xFFFFFF80  }
0x7a: {  	[spmem:s2] =	stream.indirect.scatter.add.f32 [tilespmem:s19], [sflag:$0x5], $0x80, s17, s18, $0xb8;
	[tilespmem:$0x1E900] =	vst v63  }
0x7b: {  	_ =	swait.ge [sflag:s15], $0x4000  }
0x7c: {  	[sflag:s15] =	ssyncset.done $0x0  }
0x7d: {  	[sflag:s15] =	ssyncadd.s32 $0xFFFFC000  }
0x7e: {  	_ =	swait.ge [sflag:s24], $0x4000  }
0x7f: {  	[sflag:s24] =	ssyncset.done $0x0  }
0x80: {  	[sflag:s24] =	ssyncadd.s32 $0xFFFFC000  }
0x81: {  	_ =	swait.ge [sflag:s25], $0x80  }
0x82: {  	[sflag:s25] =	ssyncset.done $0x0  }
0x83: {  	[sflag:s25] =	ssyncadd.s32 $0xFFFFFF80  }
0x84: {  	[spmem:s2] =	stream.indirect.scatter.add.f32 [tilespmem:s21], [sflag:$0x5], $0x80, s20, s18, $0xb8;
	[tilespmem:$0x1E900] =	vst v63  }
0x85: {  	_ =	swait.ge [sflag:s15], $0x4000  }
0x86: {  	s28 =	sadd.s32 $0x1, s28;
	[sflag:s15] =	ssyncset.done $0x0  }
0x87: {  	p0 =	sne.s32 s28, s11;
	[sflag:s15] =	ssyncadd.s32 $0xFFFFC000  }
.Ltmp1:
0x88: {  	[bflag:$0x0] =	sbarrier.arrive $0xFFFF;
	(pc) =	sbr.rel @p0 .LBB2_1-.Ltmp1, $4  }
0x89: {  	[hbm:s10], [sflag:s6] =	dma.local [spmem:s14], $0x2800  }
0x8a: {  	_ =	swait.ge [sflag:s15], $0x2800  }
0x8b: {  	[sflag:s15] =	ssyncset.done $0x0  }
0x8c: {  	[sflag:s15] =	ssyncadd.s32 $0xFFFFD800  }
0x8d: {  	_ =	sfence.sel $0x180000  }
0x8e: {  	[bflag:$0x0] =	sbarrier.arrive $0xFFFF  }
0x8f: {  	_ =	strace $0x90000050  }
0x90: {  	s0 =	stileid.u32;
	[bflag:$0x2] =	sbarrier.arrive $0xFFFF  }
0x91: {  	p0 =	sne.s32 s0, $0x0;
	s0 =	rddreg [dreg:$0x2]  }
0x92: {  	s0 =	sadd.s32 @!p0 $0x100000, s0  }
0x93: {  	[sflag:s0] =	ssyncadd.tile.s32 @!p0 $0x1;
	_ =	shalt  }
.Lfunc_end2:
_tile_overlayer_lowered:
.L_overlay_start_2:
0x94: {  	(tag) =	ssettag $0x2  }
0x95: {  	s0 =	rddreg [dreg:$0x0];
	s2 =	stileid.u32  }
0x96: {  	s1 =	rddreg [dreg:$0x1];
	p0 =	sne.s32 s2, $0x0  }
0x97: {  	s3 =	rddreg [dreg:$0x2];
	[bflag:$0x3] =	sbarrier.arrive $0xFFFF;
	s2 =	simm.s32 @!p0 $0x1C05  }
0x98: {  	[timem:s3], [sflag:s2] =	dma.local @!p0 [hbm:s0], s1  }
0x99: {  	s0 =	simm.s32 @!p0 $0x5  }
0x9a: {  	_ =	swait.ge @!p0 [sflag:s0], s1  }
0x9b: {  	s1 =	ssub.s32 @!p0 $0x0, s1;
	[sflag:s0] =	ssyncset.done @!p0 $0x0  }
0x9c: {  	[sflag:s0] =	ssyncadd.s32 @!p0 s1  }
0x9d: {  	[bflag:$0x3] =	sbarrier.arrive $0xFFFF  }
0x9e: {  	_ =	shalt  }

// kernel: kernel.27.cloned.1.call-start
scs
__scs_entry_jumppad:
0x0: {  	(pc) =	sbr.rel $0x88, $3  }
0x1: {  	(tag) =	ssettag $0x0;
	lr =	simm.s32 $0x1  }
0x2: {  	[smem:$0x3F9D] =	sst lr;
	_ =	strace $0xD0000000  }
0x3: {  	_ = 	snop  }
0x4: {  	_ = 	snop  }
0x5: {  	_ = 	snop  }
0x6: {  	_ = 	snop  }
0x7: {  	_ = 	snop  }
__scs_overlays_trampoline_lowered:
0x8: {  	[smem:$0x3FAC] =	sst s0  }
0x9: {  	[smem:$0x3FAD] =	sst s1  }
0xa: {  	[smem:$0x3FAE] =	sst s2  }
0xb: {  	[smem:$0x3FAF] =	sst s3  }
0xc: {  	[smem:$0x3FB0] =	sst s4  }
0xd: {  	[smem:$0x3FB1] =	sst s5  }
0xe: {  	[smem:$0x3FB2] =	sst s6  }
0xf: {  	[smem:$0x3FB3] =	sst s7  }
0x10: {  	[smem:$0x3FB4] =	sst s8  }
0x11: {  	[smem:$0x3FB5] =	sst s9;
	s0 =	simm.s32 @!p0 $0x0  }
0x12: {  	s1 =	sld [smem:$0x3F9B];
	s0 =	simm.s32 @p0 $0x1  }
0x13: {  	[smem:$0x3FB6] =	sst s0;
	s0 =	simm.s32 @!p1 $0x0  }
0x14: {  	s2 =	sld [smem:$0x3F9A];
	s0 =	simm.s32 @p1 $0x1  }
0x15: {  	[smem:$0x3FB7] =	sst s0;
	s0 =	simm.s32 @!p2 $0x0  }
0x16: {  	s3 =	sld [smem:$0x3FDB];
	s0 =	simm.s32 @p2 $0x1  }
0x17: {  	s4 =	simm.s32 $0x1BF5;
	[smem:$0x3FB9] =	sst s0  }
0x18: {  	s0 =	sld [smem:$0x3F9C];
	_ =	swait.ge [sflag:s4], $0x0  }
0x19: {  	s7 =	sld [smem:$0x3F9D]  }
0x1a: {  	s8 =	sadd.s32 $0xFFFFE003, lr  }
0x1b: {  	s9 =	sadd.s32 $0xFFFFFEF7, lr;
	s5 =	simm.s32 $0xFFFFFFFF;
	p2 =	slt.u32 s8, $0xFFFFF086  }
0x1c: {  	p1 =	slt.u32 s9, $0xF7A;
	s5 =	simm.s32 @!p2 $0x0  }
0x1d: {  	s5 =	simm.s32 @p1 $0x1;
	p0 =	seq.s32 s7, s2  }
0x1e: {  	s7 =	smul.u32 @!p0 $0xF7A, s2;
	p2 =	seq.s32 @!p0 s5, $0x0  }
0x1f: {  	s9 =	smul.u32 $0xF7A, s1;
	s8 =	simm.s32 @!p0 $0x1BF5;
	p2 =	por !p2, p0  }
0x20: {  	[sflag:s8] =	ssyncset.s32 @!p0 $0xFFFFF086;
	s6 =	sadd.s32 @!p0 s3, s7;
	s7 =	simm.s32 @!p0 $0x108  }
0x21: {  	s3 =	sadd.s32 s3, s9;
	s6 =	sadd.s32 @!p0 $0x88, s6;
	s7 =	simm.s32 @p2 $0x1082  }
0x22: {  	[simem:s7], [sflag:s8] =	dma.local @!p0 [hbm:s6], $0xF7A  }
0x23: {  	s9 =	sor.u32 $0xD0000000, s2;
	s6 =	simm.s32 $0x108;
	_ =	swait.ge @!p0 [sflag:s8], $0x0  }
0x24: {  	s3 =	sadd.s32 $0x88, s3;
	s6 =	simm.s32 @!p1 $0x1082;
	[sflag:s4] =	ssyncset.s32 $0xFFFFF086  }
0x25: {  	[simem:s6], [sflag:s4] =	dma.local [hbm:s3], $0xF7A  }
0x26: {  	[smem:$0x3F9D] =	sst s1;
	(tag) =	ssettag s2;
	_ =	strace s9  }
0x27: {  	s1 =	sld [smem:$0x3FAD]  }
0x28: {  	s2 =	sld [smem:$0x3FAE]  }
0x29: {  	s4 =	sld [smem:$0x3FB0]  }
0x2a: {  	p0 =	seq.s32 s5, $0x0;
	s5 =	sld [smem:$0x3FB1]  }
0x2b: {  	s6 =	sld [smem:$0x3FB2]  }
0x2c: {  	s7 =	sld [smem:$0x3FB3]  }
0x2d: {  	s3 =	simm.s32 $0x108;
	s8 =	sld [smem:$0x3FB4]  }
0x2e: {  	s3 =	simm.s32 @!p0 $0x1082;
	s9 =	sld [smem:$0x3FB5]  }
0x2f: {  	lr =	sadd.s32 s0, s3;
	s0 =	sld [smem:$0x3FAC]  }
0x30: {  	s3 =	sld [smem:$0x3FAF]  }
0x31: {  	[smem:$0x3FB8] =	sst s10  }
0x32: {  	s10 =	sld [smem:$0x3FB6];
	_ =	sdelay $0x3  }
0x33: {  	p0 =	seq.s32 s10, $0x1;
	s10 =	sld [smem:$0x3FB8];
	_ =	sdelay $0x3  }
0x34: {  	[smem:$0x3FB8] =	sst s10  }
0x35: {  	s10 =	sld [smem:$0x3FB7];
	_ =	sdelay $0x3  }
0x36: {  	p1 =	seq.s32 s10, $0x1;
	s10 =	sld [smem:$0x3FB8];
	_ =	sdelay $0x3  }
0x37: {  	[smem:$0x3FB8] =	sst s10  }
0x38: {  	s10 =	sld [smem:$0x3FB9]  }
0x39: {  	_ = 	snop;
	(pc) =	sbr.ind lr, $3  }
0x3a: {  	_ = 	snop  }
0x3b: {  	_ = 	snop  }
0x3c: {  	p2 =	seq.s32 s10, $0x1;
	s10 =	sld [smem:$0x3FB8]  }
0x3d: {  	_ =	shalt  }
0x3e: {  	_ =	shalt  }
0x3f: {  	_ =	shalt  }
0x40: {  	_ =	shalt  }
0x41: {  	_ =	shalt  }
0x42: {  	_ =	shalt  }
0x43: {  	_ =	shalt  }
0x44: {  	_ =	shalt  }
0x45: {  	_ =	shalt  }
0x46: {  	_ =	shalt  }
0x47: {  	_ =	shalt  }
0x48: {  	_ =	shalt  }
0x49: {  	_ =	shalt  }
0x4a: {  	_ =	shalt  }
0x4b: {  	_ =	shalt  }
0x4c: {  	_ =	shalt  }
0x4d: {  	_ =	shalt  }
0x4e: {  	_ =	shalt  }
0x4f: {  	_ =	shalt  }
0x50: {  	_ =	shalt  }
0x51: {  	_ =	shalt  }
0x52: {  	_ =	shalt  }
0x53: {  	_ =	shalt  }
0x54: {  	_ =	shalt  }
0x55: {  	_ =	shalt  }
0x56: {  	_ =	shalt  }
0x57: {  	_ =	shalt  }
0x58: {  	_ =	shalt  }
0x59: {  	_ =	shalt  }
0x5a: {  	_ =	shalt  }
0x5b: {  	_ =	shalt  }
0x5c: {  	_ =	shalt  }
0x5d: {  	_ =	shalt  }
0x5e: {  	_ =	shalt  }
0x5f: {  	_ =	shalt  }
0x60: {  	_ =	shalt  }
0x61: {  	_ =	shalt  }
0x62: {  	_ =	shalt  }
0x63: {  	_ =	shalt  }
0x64: {  	_ =	shalt  }
0x65: {  	_ =	shalt  }
0x66: {  	_ =	shalt  }
0x67: {  	_ =	shalt  }
0x68: {  	_ =	shalt  }
0x69: {  	_ =	shalt  }
0x6a: {  	_ =	shalt  }
0x6b: {  	_ =	shalt  }
0x6c: {  	_ =	shalt  }
0x6d: {  	_ =	shalt  }
0x6e: {  	_ =	shalt  }
0x6f: {  	_ =	shalt  }
0x70: {  	_ =	shalt  }
0x71: {  	_ =	shalt  }
0x72: {  	_ =	shalt  }
0x73: {  	_ =	shalt  }
0x74: {  	_ =	shalt  }
0x75: {  	_ =	shalt  }
0x76: {  	_ =	shalt  }
0x77: {  	_ =	shalt  }
0x78: {  	_ =	shalt  }
0x79: {  	_ =	shalt  }
0x7a: {  	_ =	shalt  }
0x7b: {  	_ =	shalt  }
0x7c: {  	_ =	shalt  }
0x7d: {  	_ =	shalt  }
0x7e: {  	_ =	shalt  }
0x7f: {  	_ =	shalt  }
0x80: {  	_ =	shalt  }
0x81: {  	_ =	shalt  }
0x82: {  	_ =	shalt  }
0x83: {  	_ =	shalt  }
0x84: {  	_ =	shalt  }
0x85: {  	_ =	shalt  }
0x86: {  	_ =	shalt  }
0x87: {  	_ =	shalt  }
.Lfunc_end0:
.L_simem_size_0:
called_computation.4_lowered:
.L_overlay_start_0:
0x88: {  	s2 =	sld [smem:$0x3FD9]  }
0x89: {  	s3 =	sld [smem:$0x3FFE];
	_ =	sdelay $0x1  }
0x8a: {  	s1 =	srdreg.scid  }
0x8b: {  	s0 =	sand.u32 $0x1, s1  }
0x8c: {  	s16 =	sshll.u32 s0, $0xA;
	s2 =	sadd.s32 s3, s2  }
0x8d: {  	s2 =	sadd.s32 s2, s16  }
0x8e: {  	[smem:$0x3FC4] =	sst s2  }
0x8f: {  	_ = 	snop  }
0x90: {  	(tm) =	ssettm $0x1  }
0x91: {  	s17 =	sld [smem:$0x3FFB];
	_ =	sdelay $0x3  }
0x92: {  	_ =	strace s17  }
0x93: {  	s2 =	sld [smem:$0x3FFC];
	_ =	sdelay $0x3  }
0x94: {  	_ =	strace s2  }
0x95: {  	s2 =	sld [smem:$0x3FFD];
	_ =	sdelay $0x3  }
0x96: {  	_ =	strace s2  }
0x97: {  	_ =	strace $0x8FFFFFFF  }
0x98: {  	s18 =	sld [smem:$0x3FDB];
	_ =	sdelay $0x1  }
0x99: {  	s19 =	simm.s32 $_scs_section_size  }
0x9a: {  	s4 =	simm.s32 $_size__tile_overlayer_lowered;
	s5 =	simm.s32 $_tile_overlayer_lowered  }
0x9b: {  	s22 =	simm.s32 $0x1BFF;
	s21 =	sshll.u32 s5, $0x1;
	s2 =	sadd.s32 s19, s18  }
0x9c: {  	s6 =	simm.s32 $0x0;
	s20 =	sshll.u32 s4, $0x1;
	s4 =	sadd.s32 s21, s2  }
0x9d: {  	[timem:s6], [sflag:s22] =	dma.local [hbm:s4], s20  }
0x9e: {  	_ =	swait.ge [sflag:s22], s20  }
0x9f: {  	s3 =	ssub.s32 $0x0, s20;
	[sflag:s22] =	ssyncset.done $0x0  }
0xa0: {  	[sflag:s22] =	ssyncadd.s32 s3;
	_ =	sdelay $0x1  }
0xa1: {  	s23 =	simm.s32 $0x1B8B  }
0xa2: {  	_ =	swait.ge [sflag:s23], $0x1  }
0xa3: {  	[sflag:s23] =	ssyncset.done $0x0  }
0xa4: {  	s25 =	simm.s32 $0x1B8E;
	s24 =	sld [smem:$0x3FFE];
	[sflag:s23] =	ssyncadd.s32 $0xFFFFFFFF  }
0xa5: {  	s26 =	simm.s32 $execute0_lowered;
	[smem:$0x3FD2] =	sst s25  }
0xa6: {  	s4 =	sshll.u32 s26, $0x1;
	_ =	strace $0x80000052;
	[dreg:$0x1] =	wrdreg $0xFFFFFFFF  }
0xa7: {  	s28 =	simm.s32 $_size_execute0_lowered;
	s2 =	sadd.s32 s2, s4;
	[dreg:$0x0] =	wrdreg $0x0  }
0xa8: {  	s4 =	sshll.u32 s28, $0x1;
	[dreg:$0x2] =	wrdreg s2  }
0xa9: {  	[dreg:$0x3] =	wrdreg s4  }
0xaa: {  	[dreg:$0x4] =	wrdreg $0xC0  }
0xab: {  	_ =	task [dreg:s6], $0x5FFFF  }
0xac: {  	[dreg:$0x1] =	wrdreg $0xFFFFFFFF  }
0xad: {  	[dreg:$0x0] =	wrdreg $0x60  }
0xae: {  	[dreg:$0x2] =	wrdreg s24  }
0xaf: {  	[dreg:$0x3] =	wrdreg $0x0  }
0xb0: {  	[dreg:$0x4] =	wrdreg $0x9  }
0xb1: {  	_ =	task.clear_ibuf [dreg:s6], $0x5FFFF;
	_ =	strace $0x90000052  }
0xb2: {  	s29 =	simm.s32 $0x9;
	_ =	strace $0x80000054  }
0xb3: {  	_ =	swait.ge [sflag:s29], $0x1  }
0xb4: {  	[sflag:s29] =	ssyncadd.s32 $0xFFFFFFFF  }
0xb5: {  	_ =	strace $0x90000054  }
0xb6: {  	_ =	sfence  }
0xb7: {  	s30 =	sld [smem:$0x0];
	_ =	sdelay $0x2  }
0xb8: {  	s31 =	sshll.u32 s1, $0xD;
	s1 =	sshrl.u32 s1, $0x2  }
0xb9: {  	s3 =	sand.u32 $0x4000, s31;
	s1 =	sadd.s32 s1, s30  }
0xba: {  	s0 =	sor.u32 s3, s0;
	s1 =	sshll.u32 s1, $0x11  }
0xbb: {  	s0 =	sor.u32 s1, s0  }
0xbc: {  	s0 =	sadd.s32 $0x8F2B, s0  }
0xbd: {  	[sflag:s0] =	ssyncadd.remote.s32 $0x1  }
0xbe: {  	_ =	sfence.sel $0xFFFF  }
0xbf: {  	[dreg:$0x0] =	wrdreg $0xFFFFFFFF;
	(pc) =	sbr.abs _section_cstart, $3  }
0xc0: {  	[dreg:$0x1] =	wrdreg $0xFFFFFFFF  }
0xc1: {  	_ =	task.clear_ibuf [dreg:s6], $0x2FFFF;
	_ =	strace $0x9FFFFFFF  }
0xc2: {  	(tm) =	ssettm $0x7FFFFFFF  }
0xc3: {  	_ =	shalt  }
tec
execute0_lowered:
.L_overlay_start_1:
0x0: {  	(tag) =	ssettag $0x1  }
0x1: {  	s1 =	srdreg.scid;
	s5 =	rddreg [dreg:$0x0]  }
0x2: {  	s0 =	stileid.u32;
	s2 =	rddreg [dreg:$0x1]  }
0x3: {  	s3 =	simm.s32 $0x0;
	s17 =	simm.s32 $0x16800;
	s18 =	simm.s32 $0x80  }
0x4: {  	s28 =	simm.s32 $0x0;
	s6 =	sand.u32 $0x1, s1;
	s9 =	smul.u32 $0x14000, s0  }
0x5: {  	s19 =	sshll.u32 s0, $0x1;
	[smem:$0x7FF] =	sst s3;
	s20 =	smul.u32 $0x50000, s0  }
0x6: {  	s4 =	sadd.s32 $0x40200, s5;
	s12 =	sadd.s32 $0xE200, s5;
	s22 =	smul.u32 $0xA0, s0  }
0x7: {  	s25 =	sshll.u32 s0, $0x6;
	s7 =	sor.u32 s6, s19;
	s10 =	smul.u32 $0x140000, s6  }
0x8: {  	_ =	strace $0x80000053;
	s14 =	ssub.s32 $0x2, s6;
	s24 =	smul.u32 $0x50, s6  }
0x9: {  	s6 =	sor.u32 $0x1C05, s25;
	s19 =	simm.s32 $0x16900;
	s8 =	smul.u32 $0x500, s7  }
0xa: {  	s25 =	simm.s32 $0x4;
	s13 =	sshrl.u32 s9, $0x3;
	s7 =	smul.u32 $0x2800, s7  }
0xb: {  	s21 =	sshrl.u32 s14, $0x1;
	s23 =	sshrl.u32 s20, $0x2;
	s20 =	simm.s32 $0x16880  }
0xc: {  	s13 =	sadd.s32 s13, s5;
	s9 =	sadd.s32 s9, s10;
	s14 =	ssub.s32 s14, s21  }
0xd: {  	s16 =	sadd.s32 s23, s2;
	s21 =	simm.s32 $0x1A900;
	s23 =	simm.s32 $0x3  }
0xe: {  	s11 =	sadd.s32 s8, s5;
	s9 =	sshrl.u32 s9, $0x3;
	s26 =	sshrl.u32 s7, $0x3  }
0xf: {  	s8 =	sadd.s32 s12, s8;
	s15 =	sadd.s32 s9, s5;
	s5 =	sadd.s32 $0x18200, s13  }
0x10: {  	s9 =	sadd.s32 s24, s22;
	s7 =	sadd.s32 $0x4200, s11;
	s29 =	sadd.s32 s12, s26  }
0x11: {  	s11 =	smax.u32 s14, $0x1;
	s14 =	sshrl.u32 s16, $0x3;
	s16 =	simm.s32 $0x14000  }
0x12: {  	s22 =	simm.s32 $0x1;
	s24 =	simm.s32 $0x2;
	s30 =	sshll.u32 s9, $0x4  }
0x13: {  	s9 =	sadd.s32 $0x4F0, s29;
	s10 =	sadd.s32 $0xB8000, s15;
	s31 =	sadd.s32 s30, s12  }
0x14: {  	s15 =	simm.s32 $0x5;
	s12 =	sadd.s32 $0x10, s31;
	s13 =	sadd.s32 $0x20, s31  }
.LBB2_1:
0x15: {  	[spmem:s14], [sflag:s6] =	dma.local [hbm:s5], $0x2800  }
0x16: {  	_ =	swait.ge [sflag:s15], $0x2800  }
0x17: {  	[sflag:s15] =	ssyncset.done $0x0  }
0x18: {  	[sflag:s15] =	ssyncadd.s32 $0xFFFFD800  }
0x19: {  	[tilespmem:s16], [sflag:$0x5] =	stream.linear.gather [hbm4b:s7+s3], $0x2800, $0x38;
	[tilespmem:$0x1E900] =	vst v63  }
0x1a: {  	_ =	swait.ge [sflag:s15], $0x2800  }
0x1b: {  	[sflag:s15] =	ssyncset.done $0x0  }
0x1c: {  	[sflag:s15] =	ssyncadd.s32 $0xFFFFD800  }
0x1d: {  	[bflag:$0x0] =	sbarrier.arrive $0xFFFF  }
0x1e: {  	[tilespmem:s17], [sflag:$0x3] =	stream.linear.gather [hbm4b:s8+s3], $0x80, $0x38;
	[tilespmem:$0x1E900] =	vst v63  }
0x1f: {  	_ = 	snop  }
0x20: {  	[tilespmem:s19], [sflag:$0x1] =	stream.indirect.gather [hbm4b:s4+s18], $0x80, s16, s18, $0xb8;
	[tilespmem:$0x1E900] =	vst v63  }
0x21: {  	s29 =	sadd.s32 $0x0, s12  }
0x22: {  	[tilespmem:s20], [sflag:$0x4] =	stream.linear.gather [hbm4b:s29+s3], $0x80, $0x38;
	[tilespmem:$0x1E900] =	vst v63  }
0x23: {  	s29 =	simm.s32 $0x14080  }
0x24: {  	[tilespmem:s21], [sflag:$0x2] =	stream.indirect.gather [hbm4b:s4+s18], $0x80, s29, s18, $0xb8;
	[tilespmem:$0x1E900] =	vst v63  }
0x25: {  	_ =	swait.ge [sflag:s22], $0x4000  }
0x26: {  	[sflag:s22] =	ssyncset.done $0x0  }
0x27: {  	[sflag:s22] =	ssyncadd.s32 $0xFFFFC000  }
0x28: {  	_ =	swait.ge [sflag:s23], $0x80  }
0x29: {  	[sflag:s23] =	ssyncset.done $0x0  }
0x2a: {  	[sflag:s23] =	ssyncadd.s32 $0xFFFFFF80  }
0x2b: {  	[spmem:s2] =	stream.indirect.scatter.add.f32 [tilespmem:s19], [sflag:$0x5], $0x80, s17, s18, $0xb8;
	[tilespmem:$0x1E900] =	vst v63  }
0x2c: {  	_ =	swait.ge [sflag:s15], $0x4000  }
0x2d: {  	[sflag:s15] =	ssyncset.done $0x0  }
0x2e: {  	s29 =	sadd.s32 $0x0, s13;
	[sflag:s15] =	ssyncadd.s32 $0xFFFFC000  }
0x2f: {  	[tilespmem:s17], [sflag:$0x3] =	stream.linear.gather [hbm4b:s29+s3], $0x80, $0x38;
	[tilespmem:$0x1E900] =	vst v63  }
0x30: {  	s29 =	simm.s32 $0x14100  }
0x31: {  	[tilespmem:s19], [sflag:$0x1] =	stream.indirect.gather [hbm4b:s4+s18], $0x80, s29, s18, $0xb8;
	[tilespmem:$0x1E900] =	vst v63  }
0x32: {  	_ =	swait.ge [sflag:s24], $0x4000  }
0x33: {  	[sflag:s24] =	ssyncset.done $0x0  }
0x34: {  	[sflag:s24] =	ssyncadd.s32 $0xFFFFC000  }
0x35: {  	_ =	swait.ge [sflag:s25], $0x80  }
0x36: {  	[sflag:s25] =	ssyncset.done $0x0  }
0x37: {  	[sflag:s25] =	ssyncadd.s32 $0xFFFFFF80  }
0x38: {  	[spmem:s2] =	stream.indirect.scatter.add.f32 [tilespmem:s21], [sflag:$0x5], $0x80, s20, s18, $0xb8;
	[tilespmem:$0x1E900] =	vst v63  }
0x39: {  	s31 =	simm.s32 $0x40;
	_ =	swait.ge [sflag:s15], $0x4000  }
0x3a: {  	s30 =	simm.s32 $0x14180;
	s29 =	simm.s32 $0x20;
	[sflag:s15] =	ssyncset.done $0x0  }
.LBB2_2:
0x3b: {  	s1 =	sadd.s32 s29, s12  }
0x3c: {  	[sflag:s15] =	ssyncadd.s32 $0xFFFFC000;
	s0 =	smov.u32 s31;
	s26 =	sadd.s32 $0x20, s31  }
0x3d: {  	[tilespmem:s20], [sflag:$0x4] =	stream.linear.gather [hbm4b:s1+s3], $0x80, $0x38;
	[tilespmem:$0x1E900] =	vst v63  }
0x3e: {  	p0 =	sne.s32 s31, $0x4C0  }
0x3f: {  	[tilespmem:s21], [sflag:$0x2] =	stream.indirect.gather [hbm4b:s4+s18], $0x80, s30, s18, $0xb8;
	[tilespmem:$0x1E900] =	vst v63  }
0x40: {  	_ =	swait.ge [sflag:s22], $0x4000  }
0x41: {  	[sflag:s22] =	ssyncset.done $0x0  }
0x42: {  	[sflag:s22] =	ssyncadd.s32 $0xFFFFC000  }
0x43: {  	_ =	swait.ge [sflag:s23], $0x80  }
0x44: {  	[sflag:s23] =	ssyncset.done $0x0  }
0x45: {  	[sflag:s23] =	ssyncadd.s32 $0xFFFFFF80  }
0x46: {  	[spmem:s2] =	stream.indirect.scatter.add.f32 [tilespmem:s19], [sflag:$0x5], $0x80, s17, s18, $0xb8;
	[tilespmem:$0x1E900] =	vst v63  }
0x47: {  	_ =	swait.ge [sflag:s15], $0x4000  }
0x48: {  	[sflag:s15] =	ssyncset.done $0x0  }
0x49: {  	s1 =	sadd.s32 s29, s13;
	s29 =	smov.u32 s0;
	[sflag:s15] =	ssyncadd.s32 $0xFFFFC000  }
0x4a: {  	[tilespmem:s17], [sflag:$0x3] =	stream.linear.gather [hbm4b:s1+s3], $0x80, $0x38;
	[tilespmem:$0x1E900] =	vst v63  }
0x4b: {  	s0 =	sadd.s32 $0x80, s30  }
0x4c: {  	[tilespmem:s19], [sflag:$0x1] =	stream.indirect.gather [hbm4b:s4+s18], $0x80, s0, s18, $0xb8;
	[tilespmem:$0x1E900] =	vst v63  }
0x4d: {  	_ =	swait.ge [sflag:s24], $0x4000  }
0x4e: {  	[sflag:s24] =	ssyncset.done $0x0  }
0x4f: {  	[sflag:s24] =	ssyncadd.s32 $0xFFFFC000  }
0x50: {  	_ =	swait.ge [sflag:s25], $0x80  }
.Ltmp0:
0x51: {  	[sflag:s25] =	ssyncset.done $0x0;
	(pc) =	sbr.rel @p0 .LBB2_2-.Ltmp0, $4  }
0x52: {  	[sflag:s25] =	ssyncadd.s32 $0xFFFFFF80  }
0x53: {  	[spmem:s2] =	stream.indirect.scatter.add.f32 [tilespmem:s21], [sflag:$0x5], $0x80, s20, s18, $0xb8;
	[tilespmem:$0x1E900] =	vst v63  }
0x54: {  	_ =	swait.ge [sflag:s15], $0x4000  }
0x55: {  	s31 =	smov.u32 s26;
	s30 =	sadd.s32 $0x100, s30;
	[sflag:s15] =	ssyncset.done $0x0  }
0x56: {  	s0 =	sadd.s32 s29, s12;
	[sflag:s15] =	ssyncadd.s32 $0xFFFFC000  }
0x57: {  	[tilespmem:s20], [sflag:$0x4] =	stream.linear.gather [hbm4b:s0+s3], $0x80, $0x38;
	[tilespmem:$0x1E900] =	vst v63  }
0x58: {  	_ = 	snop  }
0x59: {  	[tilespmem:s21], [sflag:$0x2] =	stream.indirect.gather [hbm4b:s4+s18], $0x80, s30, s18, $0xb8;
	[tilespmem:$0x1E900] =	vst v63  }
0x5a: {  	_ =	swait.ge [sflag:s22], $0x4000  }
0x5b: {  	[sflag:s22] =	ssyncset.done $0x0  }
0x5c: {  	[sflag:s22] =	ssyncadd.s32 $0xFFFFC000  }
0x5d: {  	_ =	swait.ge [sflag:s23], $0x80  }
0x5e: {  	[sflag:s23] =	ssyncset.done $0x0  }
0x5f: {  	[sflag:s23] =	ssyncadd.s32 $0xFFFFFF80  }
0x60: {  	[spmem:s2] =	stream.indirect.scatter.add.f32 [tilespmem:s19], [sflag:$0x5], $0x80, s17, s18, $0xb8;
	[tilespmem:$0x1E900] =	vst v63  }
0x61: {  	_ =	swait.ge [sflag:s15], $0x4000  }
0x62: {  	[sflag:s15] =	ssyncset.done $0x0  }
0x63: {  	s29 =	sadd.s32 s29, s13;
	[sflag:s15] =	ssyncadd.s32 $0xFFFFC000  }
0x64: {  	[tilespmem:s17], [sflag:$0x3] =	stream.linear.gather [hbm4b:s29+s3], $0x80, $0x38;
	[tilespmem:$0x1E900] =	vst v63  }
0x65: {  	s30 =	sadd.s32 $0x80, s30  }
0x66: {  	[tilespmem:s19], [sflag:$0x1] =	stream.indirect.gather [hbm4b:s4+s18], $0x80, s30, s18, $0xb8;
	[tilespmem:$0x1E900] =	vst v63  }
0x67: {  	_ =	swait.ge [sflag:s24], $0x4000  }
0x68: {  	[sflag:s24] =	ssyncset.done $0x0  }
0x69: {  	[sflag:s24] =	ssyncadd.s32 $0xFFFFC000  }
0x6a: {  	_ =	swait.ge [sflag:s25], $0x80  }
0x6b: {  	[sflag:s25] =	ssyncset.done $0x0  }
0x6c: {  	[sflag:s25] =	ssyncadd.s32 $0xFFFFFF80  }
0x6d: {  	[spmem:s2] =	stream.indirect.scatter.add.f32 [tilespmem:s21], [sflag:$0x5], $0x80, s20, s18, $0xb8;
	[tilespmem:$0x1E900] =	vst v63  }
0x6e: {  	_ =	swait.ge [sflag:s15], $0x4000  }
0x6f: {  	[sflag:s15] =	ssyncset.done $0x0  }
0x70: {  	[sflag:s15] =	ssyncadd.s32 $0xFFFFC000  }
0x71: {  	[tilespmem:s20], [sflag:$0x4] =	stream.linear.gather [hbm4b:s9+s3], $0x80, $0x38;
	[tilespmem:$0x1E900] =	vst v63  }
0x72: {  	s31 =	simm.s32 $0x16780  }
0x73: {  	[tilespmem:s21], [sflag:$0x2] =	stream.indirect.gather [hbm4b:s4+s18], $0x80, s31, s18, $0xb8;
	[tilespmem:$0x1E900] =	vst v63  }
0x74: {  	_ =	swait.ge [sflag:s22], $0x4000  }
0x75: {  	[sflag:s22] =	ssyncset.done $0x0  }
0x76: {  	[sflag:s22] =	ssyncadd.s32 $0xFFFFC000  }
0x77: {  	_ =	swait.ge [sflag:s23], $0x80  }
0x78: {  	[sflag:s23] =	ssyncset.done $0x0  }
0x79: {  	[sflag:s23] =	ssyncadd.s32 $0xFFFFFF80  }
0x7a: {  	[spmem:s2] =	stream.indirect.scatter.add.f32 [tilespmem:s19], [sflag:$0x5], $0x80, s17, s18, $0xb8;
	[tilespmem:$0x1E900] =	vst v63  }
0x7b: {  	_ =	swait.ge [sflag:s15], $0x4000  }
0x7c: {  	[sflag:s15] =	ssyncset.done $0x0  }
0x7d: {  	[sflag:s15] =	ssyncadd.s32 $0xFFFFC000  }
0x7e: {  	_ =	swait.ge [sflag:s24], $0x4000  }
0x7f: {  	[sflag:s24] =	ssyncset.done $0x0  }
0x80: {  	[sflag:s24] =	ssyncadd.s32 $0xFFFFC000  }
0x81: {  	_ =	swait.ge [sflag:s25], $0x80  }
0x82: {  	[sflag:s25] =	ssyncset.done $0x0  }
0x83: {  	[sflag:s25] =	ssyncadd.s32 $0xFFFFFF80  }
0x84: {  	[spmem:s2] =	stream.indirect.scatter.add.f32 [tilespmem:s21], [sflag:$0x5], $0x80, s20, s18, $0xb8;
	[tilespmem:$0x1E900] =	vst v63  }
0x85: {  	_ =	swait.ge [sflag:s15], $0x4000  }
0x86: {  	s28 =	sadd.s32 $0x1, s28;
	[sflag:s15] =	ssyncset.done $0x0  }
0x87: {  	p0 =	sne.s32 s28, s11;
	[sflag:s15] =	ssyncadd.s32 $0xFFFFC000  }
.Ltmp1:
0x88: {  	[bflag:$0x0] =	sbarrier.arrive $0xFFFF;
	(pc) =	sbr.rel @p0 .LBB2_1-.Ltmp1, $4  }
0x89: {  	[hbm:s10], [sflag:s6] =	dma.local [spmem:s14], $0x2800  }
0x8a: {  	_ =	swait.ge [sflag:s15], $0x2800  }
0x8b: {  	[sflag:s15] =	ssyncset.done $0x0  }
0x8c: {  	[sflag:s15] =	ssyncadd.s32 $0xFFFFD800  }
0x8d: {  	_ =	sfence.sel $0x180000  }
0x8e: {  	[bflag:$0x0] =	sbarrier.arrive $0xFFFF  }
0x8f: {  	_ =	strace $0x90000053  }
0x90: {  	s0 =	stileid.u32;
	[bflag:$0x2] =	sbarrier.arrive $0xFFFF  }
0x91: {  	p0 =	sne.s32 s0, $0x0;
	s0 =	rddreg [dreg:$0x2]  }
0x92: {  	s0 =	sadd.s32 @!p0 $0x100000, s0  }
0x93: {  	[sflag:s0] =	ssyncadd.tile.s32 @!p0 $0x1;
	_ =	shalt  }
.Lfunc_end2:
_tile_overlayer_lowered:
.L_overlay_start_2:
0x94: {  	(tag) =	ssettag $0x2  }
0x95: {  	s0 =	rddreg [dreg:$0x0];
	s2 =	stileid.u32  }
0x96: {  	s1 =	rddreg [dreg:$0x1];
	p0 =	sne.s32 s2, $0x0  }
0x97: {  	s3 =	rddreg [dreg:$0x2];
	[bflag:$0x3] =	sbarrier.arrive $0xFFFF;
	s2 =	simm.s32 @!p0 $0x1C05  }
0x98: {  	[timem:s3], [sflag:s2] =	dma.local @!p0 [hbm:s0], s1  }
0x99: {  	s0 =	simm.s32 @!p0 $0x5  }
0x9a: {  	_ =	swait.ge @!p0 [sflag:s0], s1  }
0x9b: {  	s1 =	ssub.s32 @!p0 $0x0, s1;
	[sflag:s0] =	ssyncset.done @!p0 $0x0  }
0x9c: {  	[sflag:s0] =	ssyncadd.s32 @!p0 s1  }
0x9d: {  	[bflag:$0x3] =	sbarrier.arrive $0xFFFF  }
0x9e: {  	_ =	shalt  }

// kernel: kernel.30.cloned.1.call-start
scs
__scs_entry_jumppad:
0x0: {  	(pc) =	sbr.rel $0x88, $3  }
0x1: {  	(tag) =	ssettag $0x0;
	lr =	simm.s32 $0x1  }
0x2: {  	[smem:$0x3F9D] =	sst lr;
	_ =	strace $0xD0000000  }
0x3: {  	_ = 	snop  }
0x4: {  	_ = 	snop  }
0x5: {  	_ = 	snop  }
0x6: {  	_ = 	snop  }
0x7: {  	_ = 	snop  }
__scs_overlays_trampoline_lowered:
0x8: {  	[smem:$0x3FAC] =	sst s0  }
0x9: {  	[smem:$0x3FAD] =	sst s1  }
0xa: {  	[smem:$0x3FAE] =	sst s2  }
0xb: {  	[smem:$0x3FAF] =	sst s3  }
0xc: {  	[smem:$0x3FB0] =	sst s4  }
0xd: {  	[smem:$0x3FB1] =	sst s5  }
0xe: {  	[smem:$0x3FB2] =	sst s6  }
0xf: {  	[smem:$0x3FB3] =	sst s7  }
0x10: {  	[smem:$0x3FB4] =	sst s8  }
0x11: {  	[smem:$0x3FB5] =	sst s9;
	s0 =	simm.s32 @!p0 $0x0  }
0x12: {  	s1 =	sld [smem:$0x3F9B];
	s0 =	simm.s32 @p0 $0x1  }
0x13: {  	[smem:$0x3FB6] =	sst s0;
	s0 =	simm.s32 @!p1 $0x0  }
0x14: {  	s2 =	sld [smem:$0x3F9A];
	s0 =	simm.s32 @p1 $0x1  }
0x15: {  	[smem:$0x3FB7] =	sst s0;
	s0 =	simm.s32 @!p2 $0x0  }
0x16: {  	s3 =	sld [smem:$0x3FDB];
	s0 =	simm.s32 @p2 $0x1  }
0x17: {  	s4 =	simm.s32 $0x1BF5;
	[smem:$0x3FB9] =	sst s0  }
0x18: {  	s0 =	sld [smem:$0x3F9C];
	_ =	swait.ge [sflag:s4], $0x0  }
0x19: {  	s7 =	sld [smem:$0x3F9D]  }
0x1a: {  	s8 =	sadd.s32 $0xFFFFE003, lr  }
0x1b: {  	s9 =	sadd.s32 $0xFFFFFEF7, lr;
	s5 =	simm.s32 $0xFFFFFFFF;
	p2 =	slt.u32 s8, $0xFFFFF086  }
0x1c: {  	p1 =	slt.u32 s9, $0xF7A;
	s5 =	simm.s32 @!p2 $0x0  }
0x1d: {  	s5 =	simm.s32 @p1 $0x1;
	p0 =	seq.s32 s7, s2  }
0x1e: {  	s7 =	smul.u32 @!p0 $0xF7A, s2;
	p2 =	seq.s32 @!p0 s5, $0x0  }
0x1f: {  	s9 =	smul.u32 $0xF7A, s1;
	s8 =	simm.s32 @!p0 $0x1BF5;
	p2 =	por !p2, p0  }
0x20: {  	[sflag:s8] =	ssyncset.s32 @!p0 $0xFFFFF086;
	s6 =	sadd.s32 @!p0 s3, s7;
	s7 =	simm.s32 @!p0 $0x108  }
0x21: {  	s3 =	sadd.s32 s3, s9;
	s6 =	sadd.s32 @!p0 $0x88, s6;
	s7 =	simm.s32 @p2 $0x1082  }
0x22: {  	[simem:s7], [sflag:s8] =	dma.local @!p0 [hbm:s6], $0xF7A  }
0x23: {  	s9 =	sor.u32 $0xD0000000, s2;
	s6 =	simm.s32 $0x108;
	_ =	swait.ge @!p0 [sflag:s8], $0x0  }
0x24: {  	s3 =	sadd.s32 $0x88, s3;
	s6 =	simm.s32 @!p1 $0x1082;
	[sflag:s4] =	ssyncset.s32 $0xFFFFF086  }
0x25: {  	[simem:s6], [sflag:s4] =	dma.local [hbm:s3], $0xF7A  }
0x26: {  	[smem:$0x3F9D] =	sst s1;
	(tag) =	ssettag s2;
	_ =	strace s9  }
0x27: {  	s1 =	sld [smem:$0x3FAD]  }
0x28: {  	s2 =	sld [smem:$0x3FAE]  }
0x29: {  	s4 =	sld [smem:$0x3FB0]  }
0x2a: {  	p0 =	seq.s32 s5, $0x0;
	s5 =	sld [smem:$0x3FB1]  }
0x2b: {  	s6 =	sld [smem:$0x3FB2]  }
0x2c: {  	s7 =	sld [smem:$0x3FB3]  }
0x2d: {  	s3 =	simm.s32 $0x108;
	s8 =	sld [smem:$0x3FB4]  }
0x2e: {  	s3 =	simm.s32 @!p0 $0x1082;
	s9 =	sld [smem:$0x3FB5]  }
0x2f: {  	lr =	sadd.s32 s0, s3;
	s0 =	sld [smem:$0x3FAC]  }
0x30: {  	s3 =	sld [smem:$0x3FAF]  }
0x31: {  	[smem:$0x3FB8] =	sst s10  }
0x32: {  	s10 =	sld [smem:$0x3FB6];
	_ =	sdelay $0x3  }
0x33: {  	p0 =	seq.s32 s10, $0x1;
	s10 =	sld [smem:$0x3FB8];
	_ =	sdelay $0x3  }
0x34: {  	[smem:$0x3FB8] =	sst s10  }
0x35: {  	s10 =	sld [smem:$0x3FB7];
	_ =	sdelay $0x3  }
0x36: {  	p1 =	seq.s32 s10, $0x1;
	s10 =	sld [smem:$0x3FB8];
	_ =	sdelay $0x3  }
0x37: {  	[smem:$0x3FB8] =	sst s10  }
0x38: {  	s10 =	sld [smem:$0x3FB9]  }
0x39: {  	_ = 	snop;
	(pc) =	sbr.ind lr, $3  }
0x3a: {  	_ = 	snop  }
0x3b: {  	_ = 	snop  }
0x3c: {  	p2 =	seq.s32 s10, $0x1;
	s10 =	sld [smem:$0x3FB8]  }
0x3d: {  	_ =	shalt  }
0x3e: {  	_ =	shalt  }
0x3f: {  	_ =	shalt  }
0x40: {  	_ =	shalt  }
0x41: {  	_ =	shalt  }
0x42: {  	_ =	shalt  }
0x43: {  	_ =	shalt  }
0x44: {  	_ =	shalt  }
0x45: {  	_ =	shalt  }
0x46: {  	_ =	shalt  }
0x47: {  	_ =	shalt  }
0x48: {  	_ =	shalt  }
0x49: {  	_ =	shalt  }
0x4a: {  	_ =	shalt  }
0x4b: {  	_ =	shalt  }
0x4c: {  	_ =	shalt  }
0x4d: {  	_ =	shalt  }
0x4e: {  	_ =	shalt  }
0x4f: {  	_ =	shalt  }
0x50: {  	_ =	shalt  }
0x51: {  	_ =	shalt  }
0x52: {  	_ =	shalt  }
0x53: {  	_ =	shalt  }
0x54: {  	_ =	shalt  }
0x55: {  	_ =	shalt  }
0x56: {  	_ =	shalt  }
0x57: {  	_ =	shalt  }
0x58: {  	_ =	shalt  }
0x59: {  	_ =	shalt  }
0x5a: {  	_ =	shalt  }
0x5b: {  	_ =	shalt  }
0x5c: {  	_ =	shalt  }
0x5d: {  	_ =	shalt  }
0x5e: {  	_ =	shalt  }
0x5f: {  	_ =	shalt  }
0x60: {  	_ =	shalt  }
0x61: {  	_ =	shalt  }
0x62: {  	_ =	shalt  }
0x63: {  	_ =	shalt  }
0x64: {  	_ =	shalt  }
0x65: {  	_ =	shalt  }
0x66: {  	_ =	shalt  }
0x67: {  	_ =	shalt  }
0x68: {  	_ =	shalt  }
0x69: {  	_ =	shalt  }
0x6a: {  	_ =	shalt  }
0x6b: {  	_ =	shalt  }
0x6c: {  	_ =	shalt  }
0x6d: {  	_ =	shalt  }
0x6e: {  	_ =	shalt  }
0x6f: {  	_ =	shalt  }
0x70: {  	_ =	shalt  }
0x71: {  	_ =	shalt  }
0x72: {  	_ =	shalt  }
0x73: {  	_ =	shalt  }
0x74: {  	_ =	shalt  }
0x75: {  	_ =	shalt  }
0x76: {  	_ =	shalt  }
0x77: {  	_ =	shalt  }
0x78: {  	_ =	shalt  }
0x79: {  	_ =	shalt  }
0x7a: {  	_ =	shalt  }
0x7b: {  	_ =	shalt  }
0x7c: {  	_ =	shalt  }
0x7d: {  	_ =	shalt  }
0x7e: {  	_ =	shalt  }
0x7f: {  	_ =	shalt  }
0x80: {  	_ =	shalt  }
0x81: {  	_ =	shalt  }
0x82: {  	_ =	shalt  }
0x83: {  	_ =	shalt  }
0x84: {  	_ =	shalt  }
0x85: {  	_ =	shalt  }
0x86: {  	_ =	shalt  }
0x87: {  	_ =	shalt  }
.Lfunc_end0:
.L_simem_size_0:
called_computation.5_lowered:
.L_overlay_start_0:
0x88: {  	s2 =	sld [smem:$0x3FD9]  }
0x89: {  	s3 =	sld [smem:$0x3FFE];
	_ =	sdelay $0x1  }
0x8a: {  	s1 =	srdreg.scid  }
0x8b: {  	s0 =	sand.u32 $0x1, s1  }
0x8c: {  	s16 =	sshll.u32 s0, $0xA;
	s2 =	sadd.s32 s3, s2  }
0x8d: {  	s2 =	sadd.s32 s2, s16  }
0x8e: {  	[smem:$0x3FC4] =	sst s2  }
0x8f: {  	_ = 	snop  }
0x90: {  	(tm) =	ssettm $0x1  }
0x91: {  	s17 =	sld [smem:$0x3FFB];
	_ =	sdelay $0x3  }
0x92: {  	_ =	strace s17  }
0x93: {  	s2 =	sld [smem:$0x3FFC];
	_ =	sdelay $0x3  }
0x94: {  	_ =	strace s2  }
0x95: {  	s2 =	sld [smem:$0x3FFD];
	_ =	sdelay $0x3  }
0x96: {  	_ =	strace s2  }
0x97: {  	_ =	strace $0x8FFFFFFF  }
0x98: {  	s18 =	sld [smem:$0x3FDB];
	_ =	sdelay $0x1  }
0x99: {  	s19 =	simm.s32 $_scs_section_size  }
0x9a: {  	s4 =	simm.s32 $_size__tile_overlayer_lowered;
	s5 =	simm.s32 $_tile_overlayer_lowered  }
0x9b: {  	s22 =	simm.s32 $0x1BFF;
	s21 =	sshll.u32 s5, $0x1;
	s2 =	sadd.s32 s19, s18  }
0x9c: {  	s6 =	simm.s32 $0x0;
	s20 =	sshll.u32 s4, $0x1;
	s4 =	sadd.s32 s21, s2  }
0x9d: {  	[timem:s6], [sflag:s22] =	dma.local [hbm:s4], s20  }
0x9e: {  	_ =	swait.ge [sflag:s22], s20  }
0x9f: {  	s3 =	ssub.s32 $0x0, s20;
	[sflag:s22] =	ssyncset.done $0x0  }
0xa0: {  	[sflag:s22] =	ssyncadd.s32 s3;
	_ =	sdelay $0x1  }
0xa1: {  	s23 =	simm.s32 $0x1B8B  }
0xa2: {  	_ =	swait.ge [sflag:s23], $0x1  }
0xa3: {  	[sflag:s23] =	ssyncset.done $0x0  }
0xa4: {  	s25 =	simm.s32 $0x1B8E;
	s24 =	sld [smem:$0x3FFE];
	[sflag:s23] =	ssyncadd.s32 $0xFFFFFFFF  }
0xa5: {  	s26 =	simm.s32 $execute0_lowered;
	[smem:$0x3FD2] =	sst s25  }
0xa6: {  	s4 =	sshll.u32 s26, $0x1;
	_ =	strace $0x80000055;
	[dreg:$0x1] =	wrdreg $0xFFFFFFFF  }
0xa7: {  	s28 =	simm.s32 $_size_execute0_lowered;
	s2 =	sadd.s32 s2, s4;
	[dreg:$0x0] =	wrdreg $0x0  }
0xa8: {  	s4 =	sshll.u32 s28, $0x1;
	[dreg:$0x2] =	wrdreg s2  }
0xa9: {  	[dreg:$0x3] =	wrdreg s4  }
0xaa: {  	[dreg:$0x4] =	wrdreg $0xC0  }
0xab: {  	_ =	task [dreg:s6], $0x5FFFF  }
0xac: {  	[dreg:$0x1] =	wrdreg $0xFFFFFFFF  }
0xad: {  	[dreg:$0x0] =	wrdreg $0x60  }
0xae: {  	[dreg:$0x2] =	wrdreg s24  }
0xaf: {  	[dreg:$0x3] =	wrdreg $0x0  }
0xb0: {  	[dreg:$0x4] =	wrdreg $0x9  }
0xb1: {  	_ =	task.clear_ibuf [dreg:s6], $0x5FFFF;
	_ =	strace $0x90000055  }
0xb2: {  	s29 =	simm.s32 $0x9;
	_ =	strace $0x80000057  }
0xb3: {  	_ =	swait.ge [sflag:s29], $0x1  }
0xb4: {  	[sflag:s29] =	ssyncadd.s32 $0xFFFFFFFF  }
0xb5: {  	_ =	strace $0x90000057  }
0xb6: {  	_ =	sfence  }
0xb7: {  	s30 =	sld [smem:$0x0];
	_ =	sdelay $0x2  }
0xb8: {  	s31 =	sshll.u32 s1, $0xD;
	s1 =	sshrl.u32 s1, $0x2  }
0xb9: {  	s3 =	sand.u32 $0x4000, s31;
	s1 =	sadd.s32 s1, s30  }
0xba: {  	s0 =	sor.u32 s3, s0;
	s1 =	sshll.u32 s1, $0x11  }
0xbb: {  	s0 =	sor.u32 s1, s0  }
0xbc: {  	s0 =	sadd.s32 $0x8F2B, s0  }
0xbd: {  	[sflag:s0] =	ssyncadd.remote.s32 $0x1  }
0xbe: {  	_ =	sfence.sel $0xFFFF  }
0xbf: {  	[dreg:$0x0] =	wrdreg $0xFFFFFFFF;
	(pc) =	sbr.abs _section_cstart, $3  }
0xc0: {  	[dreg:$0x1] =	wrdreg $0xFFFFFFFF  }
0xc1: {  	_ =	task.clear_ibuf [dreg:s6], $0x2FFFF;
	_ =	strace $0x9FFFFFFF  }
0xc2: {  	(tm) =	ssettm $0x7FFFFFFF  }
0xc3: {  	_ =	shalt  }
tec
execute0_lowered:
.L_overlay_start_1:
0x0: {  	(tag) =	ssettag $0x1  }
0x1: {  	s1 =	srdreg.scid;
	s5 =	rddreg [dreg:$0x0]  }
0x2: {  	s0 =	stileid.u32;
	s2 =	rddreg [dreg:$0x1]  }
0x3: {  	s3 =	simm.s32 $0x0;
	s17 =	simm.s32 $0x16800;
	s18 =	simm.s32 $0x80  }
0x4: {  	s28 =	simm.s32 $0x0;
	s6 =	sand.u32 $0x1, s1;
	s9 =	smul.u32 $0x14000, s0  }
0x5: {  	s19 =	sshll.u32 s0, $0x1;
	[smem:$0x7FF] =	sst s3;
	s20 =	smul.u32 $0x50000, s0  }
0x6: {  	s4 =	sadd.s32 $0x40200, s5;
	s12 =	sadd.s32 $0xE200, s5;
	s22 =	smul.u32 $0xA0, s0  }
0x7: {  	s25 =	sshll.u32 s0, $0x6;
	s7 =	sor.u32 s6, s19;
	s10 =	smul.u32 $0x140000, s6  }
0x8: {  	_ =	strace $0x80000056;
	s14 =	ssub.s32 $0x2, s6;
	s24 =	smul.u32 $0x50, s6  }
0x9: {  	s6 =	sor.u32 $0x1C05, s25;
	s19 =	simm.s32 $0x16900;
	s8 =	smul.u32 $0x500, s7  }
0xa: {  	s25 =	simm.s32 $0x4;
	s13 =	sshrl.u32 s9, $0x3;
	s7 =	smul.u32 $0x2800, s7  }
0xb: {  	s21 =	sshrl.u32 s14, $0x1;
	s23 =	sshrl.u32 s20, $0x2;
	s20 =	simm.s32 $0x16880  }
0xc: {  	s13 =	sadd.s32 s13, s5;
	s9 =	sadd.s32 s9, s10;
	s14 =	ssub.s32 s14, s21  }
0xd: {  	s16 =	sadd.s32 s23, s2;
	s21 =	simm.s32 $0x1A900;
	s23 =	simm.s32 $0x3  }
0xe: {  	s11 =	sadd.s32 s8, s5;
	s9 =	sshrl.u32 s9, $0x3;
	s26 =	sshrl.u32 s7, $0x3  }
0xf: {  	s8 =	sadd.s32 s12, s8;
	s15 =	sadd.s32 s9, s5;
	s5 =	sadd.s32 $0x18200, s13  }
0x10: {  	s9 =	sadd.s32 s24, s22;
	s7 =	sadd.s32 $0x4200, s11;
	s29 =	sadd.s32 s12, s26  }
0x11: {  	s11 =	smax.u32 s14, $0x1;
	s14 =	sshrl.u32 s16, $0x3;
	s16 =	simm.s32 $0x14000  }
0x12: {  	s22 =	simm.s32 $0x1;
	s24 =	simm.s32 $0x2;
	s30 =	sshll.u32 s9, $0x4  }
0x13: {  	s9 =	sadd.s32 $0x4F0, s29;
	s10 =	sadd.s32 $0x90E00, s15;
	s31 =	sadd.s32 s30, s12  }
0x14: {  	s15 =	simm.s32 $0x5;
	s12 =	sadd.s32 $0x10, s31;
	s13 =	sadd.s32 $0x20, s31  }
.LBB2_1:
0x15: {  	[spmem:s14], [sflag:s6] =	dma.local [hbm:s5], $0x2800  }
0x16: {  	_ =	swait.ge [sflag:s15], $0x2800  }
0x17: {  	[sflag:s15] =	ssyncset.done $0x0  }
0x18: {  	[sflag:s15] =	ssyncadd.s32 $0xFFFFD800  }
0x19: {  	[tilespmem:s16], [sflag:$0x5] =	stream.linear.gather [hbm4b:s7+s3], $0x2800, $0x38;
	[tilespmem:$0x1E900] =	vst v63  }
0x1a: {  	_ =	swait.ge [sflag:s15], $0x2800  }
0x1b: {  	[sflag:s15] =	ssyncset.done $0x0  }
0x1c: {  	[sflag:s15] =	ssyncadd.s32 $0xFFFFD800  }
0x1d: {  	[bflag:$0x0] =	sbarrier.arrive $0xFFFF  }
0x1e: {  	[tilespmem:s17], [sflag:$0x3] =	stream.linear.gather [hbm4b:s8+s3], $0x80, $0x38;
	[tilespmem:$0x1E900] =	vst v63  }
0x1f: {  	_ = 	snop  }
0x20: {  	[tilespmem:s19], [sflag:$0x1] =	stream.indirect.gather [hbm4b:s4+s18], $0x80, s16, s18, $0xb8;
	[tilespmem:$0x1E900] =	vst v63  }
0x21: {  	s29 =	sadd.s32 $0x0, s12  }
0x22: {  	[tilespmem:s20], [sflag:$0x4] =	stream.linear.gather [hbm4b:s29+s3], $0x80, $0x38;
	[tilespmem:$0x1E900] =	vst v63  }
0x23: {  	s29 =	simm.s32 $0x14080  }
0x24: {  	[tilespmem:s21], [sflag:$0x2] =	stream.indirect.gather [hbm4b:s4+s18], $0x80, s29, s18, $0xb8;
	[tilespmem:$0x1E900] =	vst v63  }
0x25: {  	_ =	swait.ge [sflag:s22], $0x4000  }
0x26: {  	[sflag:s22] =	ssyncset.done $0x0  }
0x27: {  	[sflag:s22] =	ssyncadd.s32 $0xFFFFC000  }
0x28: {  	_ =	swait.ge [sflag:s23], $0x80  }
0x29: {  	[sflag:s23] =	ssyncset.done $0x0  }
0x2a: {  	[sflag:s23] =	ssyncadd.s32 $0xFFFFFF80  }
0x2b: {  	[spmem:s2] =	stream.indirect.scatter.add.f32 [tilespmem:s19], [sflag:$0x5], $0x80, s17, s18, $0xb8;
	[tilespmem:$0x1E900] =	vst v63  }
0x2c: {  	_ =	swait.ge [sflag:s15], $0x4000  }
0x2d: {  	[sflag:s15] =	ssyncset.done $0x0  }
0x2e: {  	s29 =	sadd.s32 $0x0, s13;
	[sflag:s15] =	ssyncadd.s32 $0xFFFFC000  }
0x2f: {  	[tilespmem:s17], [sflag:$0x3] =	stream.linear.gather [hbm4b:s29+s3], $0x80, $0x38;
	[tilespmem:$0x1E900] =	vst v63  }
0x30: {  	s29 =	simm.s32 $0x14100  }
0x31: {  	[tilespmem:s19], [sflag:$0x1] =	stream.indirect.gather [hbm4b:s4+s18], $0x80, s29, s18, $0xb8;
	[tilespmem:$0x1E900] =	vst v63  }
0x32: {  	_ =	swait.ge [sflag:s24], $0x4000  }
0x33: {  	[sflag:s24] =	ssyncset.done $0x0  }
0x34: {  	[sflag:s24] =	ssyncadd.s32 $0xFFFFC000  }
0x35: {  	_ =	swait.ge [sflag:s25], $0x80  }
0x36: {  	[sflag:s25] =	ssyncset.done $0x0  }
0x37: {  	[sflag:s25] =	ssyncadd.s32 $0xFFFFFF80  }
0x38: {  	[spmem:s2] =	stream.indirect.scatter.add.f32 [tilespmem:s21], [sflag:$0x5], $0x80, s20, s18, $0xb8;
	[tilespmem:$0x1E900] =	vst v63  }
0x39: {  	s31 =	simm.s32 $0x40;
	_ =	swait.ge [sflag:s15], $0x4000  }
0x3a: {  	s30 =	simm.s32 $0x14180;
	s29 =	simm.s32 $0x20;
	[sflag:s15] =	ssyncset.done $0x0  }
.LBB2_2:
0x3b: {  	s1 =	sadd.s32 s29, s12  }
0x3c: {  	[sflag:s15] =	ssyncadd.s32 $0xFFFFC000;
	s0 =	smov.u32 s31;
	s26 =	sadd.s32 $0x20, s31  }
0x3d: {  	[tilespmem:s20], [sflag:$0x4] =	stream.linear.gather [hbm4b:s1+s3], $0x80, $0x38;
	[tilespmem:$0x1E900] =	vst v63  }
0x3e: {  	p0 =	sne.s32 s31, $0x4C0  }
0x3f: {  	[tilespmem:s21], [sflag:$0x2] =	stream.indirect.gather [hbm4b:s4+s18], $0x80, s30, s18, $0xb8;
	[tilespmem:$0x1E900] =	vst v63  }
0x40: {  	_ =	swait.ge [sflag:s22], $0x4000  }
0x41: {  	[sflag:s22] =	ssyncset.done $0x0  }
0x42: {  	[sflag:s22] =	ssyncadd.s32 $0xFFFFC000  }
0x43: {  	_ =	swait.ge [sflag:s23], $0x80  }
0x44: {  	[sflag:s23] =	ssyncset.done $0x0  }
0x45: {  	[sflag:s23] =	ssyncadd.s32 $0xFFFFFF80  }
0x46: {  	[spmem:s2] =	stream.indirect.scatter.add.f32 [tilespmem:s19], [sflag:$0x5], $0x80, s17, s18, $0xb8;
	[tilespmem:$0x1E900] =	vst v63  }
0x47: {  	_ =	swait.ge [sflag:s15], $0x4000  }
0x48: {  	[sflag:s15] =	ssyncset.done $0x0  }
0x49: {  	s1 =	sadd.s32 s29, s13;
	s29 =	smov.u32 s0;
	[sflag:s15] =	ssyncadd.s32 $0xFFFFC000  }
0x4a: {  	[tilespmem:s17], [sflag:$0x3] =	stream.linear.gather [hbm4b:s1+s3], $0x80, $0x38;
	[tilespmem:$0x1E900] =	vst v63  }
0x4b: {  	s0 =	sadd.s32 $0x80, s30  }
0x4c: {  	[tilespmem:s19], [sflag:$0x1] =	stream.indirect.gather [hbm4b:s4+s18], $0x80, s0, s18, $0xb8;
	[tilespmem:$0x1E900] =	vst v63  }
0x4d: {  	_ =	swait.ge [sflag:s24], $0x4000  }
0x4e: {  	[sflag:s24] =	ssyncset.done $0x0  }
0x4f: {  	[sflag:s24] =	ssyncadd.s32 $0xFFFFC000  }
0x50: {  	_ =	swait.ge [sflag:s25], $0x80  }
.Ltmp0:
0x51: {  	[sflag:s25] =	ssyncset.done $0x0;
	(pc) =	sbr.rel @p0 .LBB2_2-.Ltmp0, $4  }
0x52: {  	[sflag:s25] =	ssyncadd.s32 $0xFFFFFF80  }
0x53: {  	[spmem:s2] =	stream.indirect.scatter.add.f32 [tilespmem:s21], [sflag:$0x5], $0x80, s20, s18, $0xb8;
	[tilespmem:$0x1E900] =	vst v63  }
0x54: {  	_ =	swait.ge [sflag:s15], $0x4000  }
0x55: {  	s31 =	smov.u32 s26;
	s30 =	sadd.s32 $0x100, s30;
	[sflag:s15] =	ssyncset.done $0x0  }
0x56: {  	s0 =	sadd.s32 s29, s12;
	[sflag:s15] =	ssyncadd.s32 $0xFFFFC000  }
0x57: {  	[tilespmem:s20], [sflag:$0x4] =	stream.linear.gather [hbm4b:s0+s3], $0x80, $0x38;
	[tilespmem:$0x1E900] =	vst v63  }
0x58: {  	_ = 	snop  }
0x59: {  	[tilespmem:s21], [sflag:$0x2] =	stream.indirect.gather [hbm4b:s4+s18], $0x80, s30, s18, $0xb8;
	[tilespmem:$0x1E900] =	vst v63  }
0x5a: {  	_ =	swait.ge [sflag:s22], $0x4000  }
0x5b: {  	[sflag:s22] =	ssyncset.done $0x0  }
0x5c: {  	[sflag:s22] =	ssyncadd.s32 $0xFFFFC000  }
0x5d: {  	_ =	swait.ge [sflag:s23], $0x80  }
0x5e: {  	[sflag:s23] =	ssyncset.done $0x0  }
0x5f: {  	[sflag:s23] =	ssyncadd.s32 $0xFFFFFF80  }
0x60: {  	[spmem:s2] =	stream.indirect.scatter.add.f32 [tilespmem:s19], [sflag:$0x5], $0x80, s17, s18, $0xb8;
	[tilespmem:$0x1E900] =	vst v63  }
0x61: {  	_ =	swait.ge [sflag:s15], $0x4000  }
0x62: {  	[sflag:s15] =	ssyncset.done $0x0  }
0x63: {  	s29 =	sadd.s32 s29, s13;
	[sflag:s15] =	ssyncadd.s32 $0xFFFFC000  }
0x64: {  	[tilespmem:s17], [sflag:$0x3] =	stream.linear.gather [hbm4b:s29+s3], $0x80, $0x38;
	[tilespmem:$0x1E900] =	vst v63  }
0x65: {  	s30 =	sadd.s32 $0x80, s30  }
0x66: {  	[tilespmem:s19], [sflag:$0x1] =	stream.indirect.gather [hbm4b:s4+s18], $0x80, s30, s18, $0xb8;
	[tilespmem:$0x1E900] =	vst v63  }
0x67: {  	_ =	swait.ge [sflag:s24], $0x4000  }
0x68: {  	[sflag:s24] =	ssyncset.done $0x0  }
0x69: {  	[sflag:s24] =	ssyncadd.s32 $0xFFFFC000  }
0x6a: {  	_ =	swait.ge [sflag:s25], $0x80  }
0x6b: {  	[sflag:s25] =	ssyncset.done $0x0  }
0x6c: {  	[sflag:s25] =	ssyncadd.s32 $0xFFFFFF80  }
0x6d: {  	[spmem:s2] =	stream.indirect.scatter.add.f32 [tilespmem:s21], [sflag:$0x5], $0x80, s20, s18, $0xb8;
	[tilespmem:$0x1E900] =	vst v63  }
0x6e: {  	_ =	swait.ge [sflag:s15], $0x4000  }
0x6f: {  	[sflag:s15] =	ssyncset.done $0x0  }
0x70: {  	[sflag:s15] =	ssyncadd.s32 $0xFFFFC000  }
0x71: {  	[tilespmem:s20], [sflag:$0x4] =	stream.linear.gather [hbm4b:s9+s3], $0x80, $0x38;
	[tilespmem:$0x1E900] =	vst v63  }
0x72: {  	s31 =	simm.s32 $0x16780  }
0x73: {  	[tilespmem:s21], [sflag:$0x2] =	stream.indirect.gather [hbm4b:s4+s18], $0x80, s31, s18, $0xb8;
	[tilespmem:$0x1E900] =	vst v63  }
0x74: {  	_ =	swait.ge [sflag:s22], $0x4000  }
0x75: {  	[sflag:s22] =	ssyncset.done $0x0  }
0x76: {  	[sflag:s22] =	ssyncadd.s32 $0xFFFFC000  }
0x77: {  	_ =	swait.ge [sflag:s23], $0x80  }
0x78: {  	[sflag:s23] =	ssyncset.done $0x0  }
0x79: {  	[sflag:s23] =	ssyncadd.s32 $0xFFFFFF80  }
0x7a: {  	[spmem:s2] =	stream.indirect.scatter.add.f32 [tilespmem:s19], [sflag:$0x5], $0x80, s17, s18, $0xb8;
	[tilespmem:$0x1E900] =	vst v63  }
0x7b: {  	_ =	swait.ge [sflag:s15], $0x4000  }
0x7c: {  	[sflag:s15] =	ssyncset.done $0x0  }
0x7d: {  	[sflag:s15] =	ssyncadd.s32 $0xFFFFC000  }
0x7e: {  	_ =	swait.ge [sflag:s24], $0x4000  }
0x7f: {  	[sflag:s24] =	ssyncset.done $0x0  }
0x80: {  	[sflag:s24] =	ssyncadd.s32 $0xFFFFC000  }
0x81: {  	_ =	swait.ge [sflag:s25], $0x80  }
0x82: {  	[sflag:s25] =	ssyncset.done $0x0  }
0x83: {  	[sflag:s25] =	ssyncadd.s32 $0xFFFFFF80  }
0x84: {  	[spmem:s2] =	stream.indirect.scatter.add.f32 [tilespmem:s21], [sflag:$0x5], $0x80, s20, s18, $0xb8;
	[tilespmem:$0x1E900] =	vst v63  }
0x85: {  	_ =	swait.ge [sflag:s15], $0x4000  }
0x86: {  	s28 =	sadd.s32 $0x1, s28;
	[sflag:s15] =	ssyncset.done $0x0  }
0x87: {  	p0 =	sne.s32 s28, s11;
	[sflag:s15] =	ssyncadd.s32 $0xFFFFC000  }
.Ltmp1:
0x88: {  	[bflag:$0x0] =	sbarrier.arrive $0xFFFF;
	(pc) =	sbr.rel @p0 .LBB2_1-.Ltmp1, $4  }
0x89: {  	[hbm:s10], [sflag:s6] =	dma.local [spmem:s14], $0x2800  }
0x8a: {  	_ =	swait.ge [sflag:s15], $0x2800  }
0x8b: {  	[sflag:s15] =	ssyncset.done $0x0  }
0x8c: {  	[sflag:s15] =	ssyncadd.s32 $0xFFFFD800  }
0x8d: {  	_ =	sfence.sel $0x180000  }
0x8e: {  	[bflag:$0x0] =	sbarrier.arrive $0xFFFF  }
0x8f: {  	_ =	strace $0x90000056  }
0x90: {  	s0 =	stileid.u32;
	[bflag:$0x2] =	sbarrier.arrive $0xFFFF  }
0x91: {  	p0 =	sne.s32 s0, $0x0;
	s0 =	rddreg [dreg:$0x2]  }
0x92: {  	s0 =	sadd.s32 @!p0 $0x100000, s0  }
0x93: {  	[sflag:s0] =	ssyncadd.tile.s32 @!p0 $0x1;
	_ =	shalt  }
.Lfunc_end2:
_tile_overlayer_lowered:
.L_overlay_start_2:
0x94: {  	(tag) =	ssettag $0x2  }
0x95: {  	s0 =	rddreg [dreg:$0x0];
	s2 =	stileid.u32  }
0x96: {  	s1 =	rddreg [dreg:$0x1];
	p0 =	sne.s32 s2, $0x0  }
0x97: {  	s3 =	rddreg [dreg:$0x2];
	[bflag:$0x3] =	sbarrier.arrive $0xFFFF;
	s2 =	simm.s32 @!p0 $0x1C05  }
0x98: {  	[timem:s3], [sflag:s2] =	dma.local @!p0 [hbm:s0], s1  }
0x99: {  	s0 =	simm.s32 @!p0 $0x5  }
0x9a: {  	_ =	swait.ge @!p0 [sflag:s0], s1  }
0x9b: {  	s1 =	ssub.s32 @!p0 $0x0, s1;
	[sflag:s0] =	ssyncset.done @!p0 $0x0  }
0x9c: {  	[sflag:s0] =	ssyncadd.s32 @!p0 s1  }
0x9d: {  	[bflag:$0x3] =	sbarrier.arrive $0xFFFF  }
0x9e: {  	_ =	shalt  }

</sc_bundles>
